<compile_context>
chip_gen: v7x
topology: tpu7x:2x2x1
jax: 0.10.2.dev20260603
libtpu: 0.0.44.dev20260713+nightly
codegen_flags: <defaults>
</compile_context>

<pallas_src>
import functools

import jax
import jax.numpy as jnp
from jax import lax
from jax.experimental import pallas as pl
from jax.experimental.pallas import tpu as pltpu
from jax.experimental.pallas import tpu_sc as plsc

Z_OFFS = (0, 13, 21, 27, 33, 41)
Z_COLS = (0, 2, 3, 4, 5, 6)
Z_TOT = 43
EF_DIM = 16
RBOUND_UPPER = 10.0
N_CENTERS = 16
NCODE = 6 * 3 * 3 * 8


def _emb1_tc(z_flat, wz):
    R = z_flat.shape[0]
    BLK = 2000
    assert R % BLK == 0

    def body(z_ref, w_ref, o_ref):
        lane = lax.broadcasted_iota(jnp.int32, (BLK, 128), 1)
        oh = jnp.zeros((BLK, 128), jnp.float32)
        z = z_ref[...]
        for off, col in zip(Z_OFFS, Z_COLS):
            oh = oh + (lane == z[:, col:col + 1] + off).astype(jnp.float32)
        o_ref[...] = jnp.dot(oh, w_ref[...], preferred_element_type=jnp.float32)

    return pl.pallas_call(
        body,
        grid=(R // BLK,),
        in_specs=[
            pl.BlockSpec((BLK, 8), lambda i: (i, 0)),
            pl.BlockSpec((128, 128), lambda i: (0, 0)),
        ],
        out_specs=pl.BlockSpec((BLK, 128), lambda i: (i, 0)),
        out_shape=jax.ShapeDtypeStruct((R, 128), jnp.float32),
    )(z_flat, wz)


def _prep_edges_tc(ei, B, E):
    BLKE = 3200

    def body(ei_ref, iu_ref, iv_ref):
        j = pl.program_id(0)
        for b in range(B):
            iu_ref[pl.ds(b * E + j * BLKE, BLKE)] = ei_ref[b, 0, :]
            iv_ref[pl.ds(b * E + j * BLKE, BLKE)] = ei_ref[b, 1, :]

    return pl.pallas_call(
        body, grid=(E // BLKE,),
        in_specs=[pl.BlockSpec((B, 2, BLKE), lambda j: (0, 0, j))],
        out_specs=[pl.BlockSpec((B * E,), lambda j: (0,)),
                   pl.BlockSpec((B * E,), lambda j: (0,))],
        out_shape=[jax.ShapeDtypeStruct((B * E,), jnp.int32)] * 2,
    )(ei)


def _prep_codes_tc(featT, B, E):
    BLKE = 3200

    def body(f_ref, c_ref):
        j = pl.program_id(0)
        for b in range(B):
            f = f_ref[b]
            c_ref[pl.ds(b * E + j * BLKE, BLKE)] = (
                f[0, :] + 6 * f[1, :] + 18 * f[2, :] + 54 * f[3, :])

    return pl.pallas_call(
        body, grid=(E // BLKE,),
        in_specs=[pl.BlockSpec((B, 4, BLKE), lambda j: (0, 0, j))],
        out_specs=pl.BlockSpec((B * E,), lambda j: (0,)),
        out_shape=jax.ShapeDtypeStruct((B * E,), jnp.int32),
    )(featT)


def _make_sc_ef(B, N, E):
    CHUNK = 1280
    NW = 32
    SLOTS = NW // B
    CPB = E // CHUNK
    assert E % CHUNK == 0 and CHUNK % 128 == 0
    EXTRA = CPB - (CPB // SLOTS) * SLOTS
    BASEC = CPB // SLOTS
    MAXC = BASEC + (1 if EXTRA else 0)
    NSTEP = CHUNK // 16

    means = [RBOUND_UPPER * c / (N_CENTERS - 1) for c in range(N_CENTERS)]
    beta = ((N_CENTERS - 1) / RBOUND_UPPER) ** 2

    mesh = plsc.VectorSubcoreMesh(core_axis_name="c", subcore_axis_name="s")

    @functools.partial(
        pl.kernel,
        mesh=mesh,
        out_type=jax.ShapeDtypeStruct((B, N_CENTERS, E), jnp.float32),
        scratch_types=[
            pltpu.VMEM((N * 3,), jnp.float32),
            pltpu.VMEM((20 * EF_DIM,), jnp.float32),
            pltpu.VMEM((NCODE * EF_DIM,), jnp.float32),
            pltpu.VMEM((CHUNK,), jnp.int32),
            pltpu.VMEM((CHUNK,), jnp.int32),
            pltpu.VMEM((CHUNK,), jnp.int32),
            pltpu.VMEM((CHUNK,), jnp.int32),
            pltpu.VMEM((CHUNK,), jnp.int32),
            pltpu.VMEM((CHUNK,), jnp.int32),
            pltpu.VMEM((N_CENTERS, CHUNK), jnp.float32),
            pltpu.VMEM((N_CENTERS, CHUNK), jnp.float32),
            pltpu.SemaphoreType.DMA,
            pltpu.SemaphoreType.DMA,
            pltpu.SemaphoreType.DMA,
            pltpu.SemaphoreType.DMA,
        ],
        compiler_params=pltpu.CompilerParams(needs_layout_passes=False),
    )
    def sc_ef(pos_hbm, iu_hbm, iv_hbm, code_hbm, wef_hbm, out_hbm,
              pos_v, wef_v, comb_v, iu_v0, iu_v1, iv_v0, iv_v1,
              code_v0, code_v1, out_v0, out_v1,
              sem_in0, sem_in1, sem_out0, sem_out1):
        wid = lax.axis_index("s") * 2 + lax.axis_index("c")
        b = wid // SLOTS
        s = wid % SLOTS
        startc = BASEC * s + jnp.minimum(s, EXTRA)
        cnt = jnp.where(s < EXTRA, BASEC + 1, BASEC)

        for d in range(3):
            pltpu.sync_copy(pos_hbm.at[pl.ds(d * B * N + b * N, N)],
                            pos_v.at[pl.ds(d * N, N)])
        pltpu.sync_copy(wef_hbm, wef_v)

        def build(g, carry):
            codes = lax.iota(jnp.int32, 16) + g * 16
            f0 = codes % 6
            r = codes // 6
            f1 = r % 3
            r = r // 3
            f2 = r % 3
            f3 = r // 3
            r0 = f0 * EF_DIM
            r1 = (f1 + 6) * EF_DIM
            r2 = (f2 + 9) * EF_DIM
            r3 = (f3 + 12) * EF_DIM
            for c in range(EF_DIM):
                v = (plsc.load_gather(wef_v, [r0 + c])
                     + plsc.load_gather(wef_v, [r1 + c])
                     + plsc.load_gather(wef_v, [r2 + c])
                     + plsc.load_gather(wef_v, [r3 + c]))
                plsc.store_scatter(comb_v, [codes + c * NCODE], v)
            return carry

        lax.fori_loop(0, NCODE // 16, build, 0)

        in_bufs = ((iu_v0, iv_v0, code_v0), (iu_v1, iv_v1, code_v1))
        out_bufs = (out_v0, out_v1)
        sems_in = (sem_in0, sem_in1)
        sems_out = (sem_out0, sem_out1)

        def start_in(gc, p):
            g0 = b * E + (startc + gc) * CHUNK
            pltpu.async_copy(iu_hbm.at[pl.ds(g0, CHUNK)], in_bufs[p][0], sems_in[p])
            pltpu.async_copy(iv_hbm.at[pl.ds(g0, CHUNK)], in_bufs[p][1], sems_in[p])
            pltpu.async_copy(code_hbm.at[pl.ds(g0, CHUNK)], in_bufs[p][2], sems_in[p])

        def wait_in(p):
            for r in in_bufs[p]:
                pltpu.make_async_copy(iu_hbm.at[pl.ds(0, CHUNK)], r, sems_in[p]).wait()

        def wait_out(p):
            pltpu.make_async_copy(
                out_hbm.at[0, :, pl.ds(0, CHUNK)], out_bufs[p], sems_out[p]).wait()

        start_in(0, 0)

        def chunk_pair(ci2, carry):
            for p in (0, 1):
                gc = ci2 * 2 + p

                @pl.when(gc < cnt)
                def _(gc=gc, p=p):
                    iu_v, iv_v, code_v = in_bufs[p]
                    out_v = out_bufs[p]
                    e0 = (startc + gc) * CHUNK

                    @pl.when(gc + 1 < cnt)
                    def _():
                        start_in(gc + 1, 1 - p)

                    wait_in(p)

                    @pl.when(gc >= 2)
                    def _():
                        wait_out(p)

                    @plsc.parallel_loop(0, CHUNK, 16, unroll=4)
                    def step(base):
                        iu = iu_v[pl.ds(base, 16)]
                        iv = iv_v[pl.ds(base, 16)]
                        px = pos_v.at[pl.ds(0, N)]
                        py = pos_v.at[pl.ds(N, N)]
                        pz = pos_v.at[pl.ds(2 * N, N)]
                        dx = plsc.load_gather(px, [iu]) - plsc.load_gather(px, [iv])
                        dy = plsc.load_gather(py, [iu]) - plsc.load_gather(py, [iv])
                        dz = plsc.load_gather(pz, [iu]) - plsc.load_gather(pz, [iv])
                        d2 = dx * dx + dy * dy + dz * dz + 1e-12
                        bits = plsc.bitcast(d2, jnp.int32)
                        bits = jnp.int32(0x5F3759DF) - (bits >> 1)
                        y = plsc.bitcast(bits, jnp.float32)
                        for _ in range(2):
                            y = y * (1.5 - 0.5 * d2 * y * y)
                        el = d2 * y

                        code = code_v[pl.ds(base, 16)]

                        for c in range(N_CENTERS):
                            t = el - means[c]
                            acc = jnp.exp(t * t * (-beta)) + plsc.load_gather(
                                comb_v.at[pl.ds(c * NCODE, NCODE)], [code])
                            out_v[c, pl.ds(base, 16)] = acc

                    pltpu.async_copy(out_v, out_hbm.at[b, :, pl.ds(e0, CHUNK)],
                                     sems_out[p])
            return carry

        lax.fori_loop(0, (MAXC + 1) // 2, chunk_pair, 0)
        wait_out(0)
        wait_out(1)

    return sc_ef


def kernel(z, pos, edge_index, edge_features,
           z_emb0, z_emb1, z_emb2, z_emb3, z_emb4, z_emb5, z_emb6, z_emb7,
           ef_emb0, ef_emb1, ef_emb2, ef_emb3):
    B, N, _ = pos.shape
    E = edge_index.shape[2]

    z_flat = z.reshape(B * N, 8).astype(jnp.int32)
    wz = jnp.concatenate(
        [z_emb0, z_emb2, z_emb3, z_emb4, z_emb5, z_emb6,
         jnp.zeros((128 - Z_TOT, 128), jnp.float32)], axis=0)
    emb1 = _emb1_tc(z_flat, wz).reshape(B, N, 128)

    wef = jnp.concatenate([ef_emb0, ef_emb1, ef_emb2, ef_emb3],
                          axis=0).reshape(20 * EF_DIM)
    iu, iv = _prep_edges_tc(edge_index.astype(jnp.int32), B, E)
    featT = jnp.transpose(edge_features.astype(jnp.int32), (0, 2, 1))
    code = _prep_codes_tc(featT, B, E)
    posP = jnp.transpose(pos, (2, 0, 1)).reshape(3 * B * N)
    sc_ef = _make_sc_ef(B, N, E)
    ef_t = sc_ef(posP, iu, iv, code, wef)
    ef = jnp.transpose(ef_t, (0, 2, 1))

    return (emb1, ef)

# --- scband reference (transcript-rebuilt; emitter-appended) ---
"""Pipeline reference for scband-sparse-mol2-graph-67534065762908 (READ-ONLY COPY).

The authoritative reference and input builder live on the scoring server;
editing this copy changes nothing except your own understanding.
"""

import jax, jax.numpy as jnp
import numpy as np

Z_VOCABS = [13, 4, 8, 6, 6, 8, 2, 4]
EF_VOCABS = [6, 3, 3, 8]
Z_HIDDEN = 128
EF_DIM = 16
RBOUND_UPPER = 10.0
B, N, E = 4, 10000, 320000


def setup_inputs(seed: int = 0) -> dict:
    key = jax.random.key(seed)
    ks = [jax.random.fold_in(key, i) for i in range(32)]
    inp = {}
    inp['z'] = jax.random.randint(ks[0], (B, N, 8), 0, 2, dtype=jnp.int64) if jax.config.jax_enable_x64 else jax.random.randint(ks[0], (B, N, 8), 0, 2, dtype=jnp.int32)
    inp['pos'] = jax.random.normal(ks[1], (B, N, 3), dtype=jnp.float32)
    inp['edge_index'] = jax.random.randint(ks[2], (B, 2, E), 0, N, dtype=jnp.int32)
    inp['edge_features'] = jax.random.randint(ks[3], (B, E, 4), 0, 3, dtype=jnp.int32)
    for i, v in enumerate(Z_VOCABS):
        inp[f'z_emb{i}'] = jax.random.normal(ks[4 + i], (v, Z_HIDDEN), dtype=jnp.float32) * 0.02
    for i, v in enumerate(EF_VOCABS):
        inp[f'ef_emb{i}'] = jax.random.normal(ks[12 + i], (v, EF_DIM), dtype=jnp.float32) * 0.02
    return inp


def _gaussian_rbf(el):
    # el: (..., 1); non-trainable Gaussian RBF with EF_DIM centers in [0, RBOUND_UPPER]
    means = jnp.linspace(0.0, RBOUND_UPPER, EF_DIM)
    beta = 1.0 / (means[1] - means[0]) ** 2
    return jnp.exp(-beta * (el - means) ** 2)  # (..., EF_DIM)


def reference(z, pos, edge_index, edge_features,
              z_emb0, z_emb1, z_emb2, z_emb3, z_emb4, z_emb5, z_emb6, z_emb7,
              ef_emb0, ef_emb1, ef_emb2, ef_emb3):
    z_tabs = [z_emb0, z_emb1, z_emb2, z_emb3, z_emb4, z_emb5, z_emb6, z_emb7]
    ef_tabs = [ef_emb0, ef_emb1, ef_emb2, ef_emb3]
    # node embedding: emb1 = z_emb[0](z[...,0]) + sum_{i=2..6} z_emb[i](z[...,i])
    emb1 = jnp.take(z_tabs[0], z[..., 0], axis=0)
    for i in range(2, 7):
        emb1 = emb1 + jnp.take(z_tabs[i], z[..., i], axis=0)
    # per-batch gather of endpoint positions
    gather = jax.vmap(lambda p, idx: p[idx])
    posu = gather(pos, edge_index[:, 0, :])  # (B, E, 3)
    posv = gather(pos, edge_index[:, 1, :])  # (B, E, 3)
    ev = posu - posv
    el = jnp.sqrt(jnp.sum(ev * ev, axis=-1, keepdims=True) + 1e-12)  # (B, E, 1)
    ef = _gaussian_rbf(el)  # (B, E, EF_DIM)
    for i in range(4):
        ef = ef + jnp.take(ef_tabs[i], edge_features[..., i], axis=0)
    return (emb1, ef)

if __name__ == "__main__":
    import jax
    _d = setup_inputs()
    print(jax.jit(kernel)(*tuple(_d.values())))

</pallas_src>

<mosaic_0001>
#map = affine_map<(d0, d1) -> (0)>
#map1 = affine_map<(d0, d1) -> (0, 0, 0)>
module attributes {stable_mosaic.version = 14 : i64} {
  func.func @sc_ef(%arg0: i32, %arg1: i32, %arg2: memref<120000xf32, #tpu.memory_space<hbm>>, %arg3: memref<1280000xi32, #tpu.memory_space<hbm>>, %arg4: memref<1280000xi32, #tpu.memory_space<hbm>>, %arg5: memref<1280000xi32, #tpu.memory_space<hbm>>, %arg6: memref<320xf32, #tpu.memory_space<hbm>>, %arg7: memref<4x16x320000xf32, #tpu.memory_space<hbm>>, %arg8: memref<30000xf32, #tpu.memory_space<vmem>>, %arg9: memref<320xf32, #tpu.memory_space<vmem>>, %arg10: memref<6912xf32, #tpu.memory_space<vmem>>, %arg11: memref<1280xi32, #tpu.memory_space<vmem>>, %arg12: memref<1280xi32, #tpu.memory_space<vmem>>, %arg13: memref<1280xi32, #tpu.memory_space<vmem>>, %arg14: memref<1280xi32, #tpu.memory_space<vmem>>, %arg15: memref<1280xi32, #tpu.memory_space<vmem>>, %arg16: memref<1280xi32, #tpu.memory_space<vmem>>, %arg17: memref<16x1280xf32, #tpu.memory_space<vmem>>, %arg18: memref<16x1280xf32, #tpu.memory_space<vmem>>, %arg19: memref<!tpu.dma_semaphore, #tpu.memory_space<semaphore_mem>>, %arg20: memref<!tpu.dma_semaphore, #tpu.memory_space<semaphore_mem>>, %arg21: memref<!tpu.dma_semaphore, #tpu.memory_space<semaphore_mem>>, %arg22: memref<!tpu.dma_semaphore, #tpu.memory_space<semaphore_mem>>) attributes {dimension_semantics = [#tpu.dimension_semantics<core_parallel>, #tpu.dimension_semantics<subcore_parallel>], iteration_bounds = array<i64: 2, 16>, scalar_prefetch = 0 : i64, scratch_operands = 15 : i64, tpu.core_type = #tpu.core_type<sc_vector_subcore>, window_params = [{transform_indices = #map}, {transform_indices = #map}, {transform_indices = #map}, {transform_indices = #map}, {transform_indices = #map}, {transform_indices = #map1}]} {
    %mul3A = arith.constant 2 : i32
    %mul3A_0 = arith.muli %arg1, %mul3A : i32
    %add3A = arith.addi %mul3A_0, %arg0 : i32
    %jit3A = arith.constant 8 : i32
    %div3A = arith.divsi %add3A, %jit3A : i32
    %sign3A = arith.constant 0 : i32
    %sign3A_1 = arith.cmpi sgt, %add3A, %sign3A : i32
    %sign3A_2 = arith.extui %sign3A_1 : i1 to i32
    %sign3A_3 = arith.constant 0 : i32
    %sign3A_4 = arith.cmpi slt, %add3A, %sign3A_3 : i32
    %sign3A_5 = arith.extui %sign3A_4 : i1 to i32
    %sign3A_6 = arith.subi %sign3A_2, %sign3A_5 : i32
    %sign3A_7 = arith.constant 0 : i32
    %sign3A_8 = arith.cmpi sgt, %jit3A, %sign3A_7 : i32
    %sign3A_9 = arith.extui %sign3A_8 : i1 to i32
    %sign3A_10 = arith.constant 0 : i32
    %sign3A_11 = arith.cmpi slt, %jit3A, %sign3A_10 : i32
    %sign3A_12 = arith.extui %sign3A_11 : i1 to i32
    %sign3A_13 = arith.subi %sign3A_9, %sign3A_12 : i32
    %ne3A = arith.cmpi ne, %sign3A_6, %sign3A_13 : i32
    %rem3A = arith.remsi %add3A, %jit3A : i32
    %ne3A_14 = arith.constant 0 : i32
    %ne3A_15 = arith.cmpi ne, %rem3A, %ne3A_14 : i32
    %and3A = arith.andi %ne3A, %ne3A_15 : i1
    %sub3A = arith.constant 1 : i32
    %sub3A_16 = arith.subi %div3A, %sub3A : i32
    %select_n3A = arith.select %and3A, %sub3A_16, %div3A : i32
    %jit3A_17 = arith.constant 8 : i32
    %eq3A = arith.constant 0 : i32
    %eq3A_18 = arith.cmpi eq, %jit3A_17, %eq3A : i32
    %jit3A_19 = arith.constant 1 : i32
    %select_n3A_20 = arith.select %eq3A_18, %jit3A_19, %jit3A_17 : i32
    %rem3A_21 = arith.remsi %add3A, %select_n3A_20 : i32
    %ne3A_22 = arith.constant 0 : i32
    %ne3A_23 = arith.cmpi ne, %rem3A_21, %ne3A_22 : i32
    %lt3A = arith.constant 0 : i32
    %lt3A_24 = arith.cmpi slt, %rem3A_21, %lt3A : i32
    %lt3A_25 = arith.constant 0 : i32
    %lt3A_26 = arith.cmpi slt, %select_n3A_20, %lt3A_25 : i32
    %ne3A_27 = arith.xori %lt3A_24, %lt3A_26 : i1
    %and3A_28 = arith.andi %ne3A_27, %ne3A_23 : i1
    %add3A_29 = arith.addi %rem3A_21, %select_n3A_20 : i32
    %select_n3A_30 = arith.select %and3A_28, %add3A_29, %rem3A_21 : i32
    %mul3A_31 = arith.constant 31 : i32
    %mul3A_32 = arith.muli %mul3A_31, %select_n3A_30 : i32
    %min3A = arith.constant 2 : i32
    %min3A_33 = arith.minsi %select_n3A_30, %min3A : i32
    %add3A_34 = arith.addi %mul3A_32, %min3A_33 : i32
    %lt3A_35 = arith.constant 2 : i32
    %lt3A_36 = arith.cmpi slt, %select_n3A_30, %lt3A_35 : i32
    %jit3A_37 = arith.constant 32 : i32
    %jit3A_38 = arith.constant 31 : i32
    %select_n3A_39 = arith.select %lt3A_36, %jit3A_37, %jit3A_38 : i32
    %mul3A_40 = arith.constant 10000 : i32
    %mul3A_41 = arith.muli %select_n3A, %mul3A_40 : i32
    %add3A_42 = arith.constant 0 : i32
    %add3A_43 = arith.addi %add3A_42, %mul3A_41 : i32
    "tpu.region"() ({
      %run_scoped3A = tpu.sem_alloc : memref<!tpu.dma_semaphore, #tpu.memory_space<semaphore_mem>>
      %dma_start3A_92 = arith.constant 0 : i32
      %dma_start3A_93 = tpu.memref_slice %arg8[%dma_start3A_92] : memref<30000xf32, #tpu.memory_space<vmem>> -> memref<10000xf32, #tpu.memory_space<vmem>>
      %dma_start3A_94 = tpu.memref_slice %arg2[%add3A_43] : memref<120000xf32, #tpu.memory_space<hbm>> -> memref<10000xf32, #tpu.memory_space<hbm>>
      %dma_start3A_95 = arith.constant 0 : i32
      %dma_start3A_96 = tpu.memref_slice %arg8[%dma_start3A_95] : memref<30000xf32, #tpu.memory_space<vmem>> -> memref<10000xf32, #tpu.memory_space<vmem>>
      %dma_start3A_97 = tpu.memref_slice %arg2[%add3A_43] : memref<120000xf32, #tpu.memory_space<hbm>> -> memref<10000xf32, #tpu.memory_space<hbm>>
      tpu.enqueue_dma source(%dma_start3A_97 : memref<10000xf32, #tpu.memory_space<hbm>>) target(%dma_start3A_96 : memref<10000xf32, #tpu.memory_space<vmem>>) target_semaphore(%run_scoped3A : memref<!tpu.dma_semaphore, #tpu.memory_space<semaphore_mem>>)
      %dma_wait3A_98 = arith.constant 0 : i32
      %dma_wait3A_99 = tpu.memref_slice %arg8[%dma_wait3A_98] : memref<30000xf32, #tpu.memory_space<vmem>> -> memref<10000xf32, #tpu.memory_space<vmem>>
      %dma_wait3A_100 = tpu.memref_slice %arg2[%add3A_43] : memref<120000xf32, #tpu.memory_space<hbm>> -> memref<10000xf32, #tpu.memory_space<hbm>>
      %dma_wait3A_101 = arith.constant 0 : i32
      %dma_wait3A_102 = tpu.memref_slice %arg8[%dma_wait3A_101] : memref<30000xf32, #tpu.memory_space<vmem>> -> memref<10000xf32, #tpu.memory_space<vmem>>
      %dma_wait3A_103 = tpu.memref_slice %arg2[%add3A_43] : memref<120000xf32, #tpu.memory_space<hbm>> -> memref<10000xf32, #tpu.memory_space<hbm>>
      tpu.wait_dma2 semaphore(%run_scoped3A : memref<!tpu.dma_semaphore, #tpu.memory_space<semaphore_mem>>) src(%dma_wait3A_103 : memref<10000xf32, #tpu.memory_space<hbm>>) dst(%dma_wait3A_102 : memref<10000xf32, #tpu.memory_space<vmem>>)
      tpu.yield
    }) : () -> ()
    %mul3A_44 = arith.constant 10000 : i32
    %mul3A_45 = arith.muli %select_n3A, %mul3A_44 : i32
    %add3A_46 = arith.constant 40000 : i32
    %add3A_47 = arith.addi %add3A_46, %mul3A_45 : i32
    "tpu.region"() ({
      %run_scoped3A = tpu.sem_alloc : memref<!tpu.dma_semaphore, #tpu.memory_space<semaphore_mem>>
      %dma_start3A_92 = arith.constant 10000 : i32
      %dma_start3A_93 = tpu.memref_slice %arg8[%dma_start3A_92] : memref<30000xf32, #tpu.memory_space<vmem>> -> memref<10000xf32, #tpu.memory_space<vmem>>
      %dma_start3A_94 = tpu.memref_slice %arg2[%add3A_47] : memref<120000xf32, #tpu.memory_space<hbm>> -> memref<10000xf32, #tpu.memory_space<hbm>>
      %dma_start3A_95 = arith.constant 10000 : i32
      %dma_start3A_96 = tpu.memref_slice %arg8[%dma_start3A_95] : memref<30000xf32, #tpu.memory_space<vmem>> -> memref<10000xf32, #tpu.memory_space<vmem>>
      %dma_start3A_97 = tpu.memref_slice %arg2[%add3A_47] : memref<120000xf32, #tpu.memory_space<hbm>> -> memref<10000xf32, #tpu.memory_space<hbm>>
      tpu.enqueue_dma source(%dma_start3A_97 : memref<10000xf32, #tpu.memory_space<hbm>>) target(%dma_start3A_96 : memref<10000xf32, #tpu.memory_space<vmem>>) target_semaphore(%run_scoped3A : memref<!tpu.dma_semaphore, #tpu.memory_space<semaphore_mem>>)
      %dma_wait3A_98 = arith.constant 10000 : i32
      %dma_wait3A_99 = tpu.memref_slice %arg8[%dma_wait3A_98] : memref<30000xf32, #tpu.memory_space<vmem>> -> memref<10000xf32, #tpu.memory_space<vmem>>
      %dma_wait3A_100 = tpu.memref_slice %arg2[%add3A_47] : memref<120000xf32, #tpu.memory_space<hbm>> -> memref<10000xf32, #tpu.memory_space<hbm>>
      %dma_wait3A_101 = arith.constant 10000 : i32
      %dma_wait3A_102 = tpu.memref_slice %arg8[%dma_wait3A_101] : memref<30000xf32, #tpu.memory_space<vmem>> -> memref<10000xf32, #tpu.memory_space<vmem>>
      %dma_wait3A_103 = tpu.memref_slice %arg2[%add3A_47] : memref<120000xf32, #tpu.memory_space<hbm>> -> memref<10000xf32, #tpu.memory_space<hbm>>
      tpu.wait_dma2 semaphore(%run_scoped3A : memref<!tpu.dma_semaphore, #tpu.memory_space<semaphore_mem>>) src(%dma_wait3A_103 : memref<10000xf32, #tpu.memory_space<hbm>>) dst(%dma_wait3A_102 : memref<10000xf32, #tpu.memory_space<vmem>>)
      tpu.yield
    }) : () -> ()
    %mul3A_48 = arith.constant 10000 : i32
    %mul3A_49 = arith.muli %select_n3A, %mul3A_48 : i32
    %add3A_50 = arith.constant 80000 : i32
    %add3A_51 = arith.addi %add3A_50, %mul3A_49 : i32
    "tpu.region"() ({
      %run_scoped3A = tpu.sem_alloc : memref<!tpu.dma_semaphore, #tpu.memory_space<semaphore_mem>>
      %dma_start3A_92 = arith.constant 20000 : i32
      %dma_start3A_93 = tpu.memref_slice %arg8[%dma_start3A_92] : memref<30000xf32, #tpu.memory_space<vmem>> -> memref<10000xf32, #tpu.memory_space<vmem>>
      %dma_start3A_94 = tpu.memref_slice %arg2[%add3A_51] : memref<120000xf32, #tpu.memory_space<hbm>> -> memref<10000xf32, #tpu.memory_space<hbm>>
      %dma_start3A_95 = arith.constant 20000 : i32
      %dma_start3A_96 = tpu.memref_slice %arg8[%dma_start3A_95] : memref<30000xf32, #tpu.memory_space<vmem>> -> memref<10000xf32, #tpu.memory_space<vmem>>
      %dma_start3A_97 = tpu.memref_slice %arg2[%add3A_51] : memref<120000xf32, #tpu.memory_space<hbm>> -> memref<10000xf32, #tpu.memory_space<hbm>>
      tpu.enqueue_dma source(%dma_start3A_97 : memref<10000xf32, #tpu.memory_space<hbm>>) target(%dma_start3A_96 : memref<10000xf32, #tpu.memory_space<vmem>>) target_semaphore(%run_scoped3A : memref<!tpu.dma_semaphore, #tpu.memory_space<semaphore_mem>>)
      %dma_wait3A_98 = arith.constant 20000 : i32
      %dma_wait3A_99 = tpu.memref_slice %arg8[%dma_wait3A_98] : memref<30000xf32, #tpu.memory_space<vmem>> -> memref<10000xf32, #tpu.memory_space<vmem>>
      %dma_wait3A_100 = tpu.memref_slice %arg2[%add3A_51] : memref<120000xf32, #tpu.memory_space<hbm>> -> memref<10000xf32, #tpu.memory_space<hbm>>
      %dma_wait3A_101 = arith.constant 20000 : i32
      %dma_wait3A_102 = tpu.memref_slice %arg8[%dma_wait3A_101] : memref<30000xf32, #tpu.memory_space<vmem>> -> memref<10000xf32, #tpu.memory_space<vmem>>
      %dma_wait3A_103 = tpu.memref_slice %arg2[%add3A_51] : memref<120000xf32, #tpu.memory_space<hbm>> -> memref<10000xf32, #tpu.memory_space<hbm>>
      tpu.wait_dma2 semaphore(%run_scoped3A : memref<!tpu.dma_semaphore, #tpu.memory_space<semaphore_mem>>) src(%dma_wait3A_103 : memref<10000xf32, #tpu.memory_space<hbm>>) dst(%dma_wait3A_102 : memref<10000xf32, #tpu.memory_space<vmem>>)
      tpu.yield
    }) : () -> ()
    "tpu.region"() ({
      %run_scoped3A = tpu.sem_alloc : memref<!tpu.dma_semaphore, #tpu.memory_space<semaphore_mem>>
      tpu.enqueue_dma source(%arg6 : memref<320xf32, #tpu.memory_space<hbm>>) target(%arg9 : memref<320xf32, #tpu.memory_space<vmem>>) target_semaphore(%run_scoped3A : memref<!tpu.dma_semaphore, #tpu.memory_space<semaphore_mem>>)
      tpu.wait_dma2 semaphore(%run_scoped3A : memref<!tpu.dma_semaphore, #tpu.memory_space<semaphore_mem>>) src(%arg6 : memref<320xf32, #tpu.memory_space<hbm>>) dst(%arg9 : memref<320xf32, #tpu.memory_space<vmem>>)
      tpu.yield
    }) : () -> ()
    %scan3A = arith.constant 0 : i32
    %scan3A_52 = arith.constant 0 : i32
    %scan3A_53 = arith.constant 27 : i32
    %scan3A_54 = arith.addi %scan3A_52, %scan3A_53 : i32
    %scan3A_55 = arith.constant 1 : i32
    scf.for %scan3A_92 = %scan3A_52 to %scan3A_54 step %scan3A_55  : i32 {
      %iota3A = tpu.iota {dimensions = array<i32: 0>} : vector<16xi32>
      %mul3A_93 = arith.constant 16 : i32
      %mul3A_94 = arith.muli %scan3A_92, %mul3A_93 : i32
      %add3A_95 = vector.broadcast %mul3A_94 : i32 to vector<16xi32>
      %add3A_96 = arith.addi %iota3A, %add3A_95 : vector<16xi32>
      %jit3A_97 = arith.constant 6 : i32
      %eq3A_98 = arith.constant 0 : i32
      %eq3A_99 = arith.cmpi eq, %jit3A_97, %eq3A_98 : i32
      %jit3A_100 = arith.constant 1 : i32
      %select_n3A_101 = arith.select %eq3A_99, %jit3A_100, %jit3A_97 : i32
      %rem3A_102 = vector.broadcast %select_n3A_101 : i32 to vector<16xi32>
      %rem3A_103 = arith.remsi %add3A_96, %rem3A_102 : vector<16xi32>
      %ne3A_104 = arith.constant 0 : i32
      %ne3A_105 = vector.broadcast %ne3A_104 : i32 to vector<16xi32>
      %ne3A_106 = arith.cmpi ne, %rem3A_103, %ne3A_105 : vector<16xi32>
      %lt3A_107 = arith.constant 0 : i32
      %lt3A_108 = vector.broadcast %lt3A_107 : i32 to vector<16xi32>
      %lt3A_109 = arith.cmpi slt, %rem3A_103, %lt3A_108 : vector<16xi32>
      %lt3A_110 = arith.constant 0 : i32
      %lt3A_111 = arith.cmpi slt, %select_n3A_101, %lt3A_110 : i32
      %ne3A_112 = vector.broadcast %lt3A_111 : i1 to vector<16xi1>
      %ne3A_113 = vector.broadcast %ne3A_112 : vector<16xi1> to vector<16xi1>
      %ne3A_114 = arith.xori %lt3A_109, %ne3A_113 : vector<16xi1>
      %and3A_115 = arith.andi %ne3A_114, %ne3A_106 : vector<16xi1>
      %add3A_116 = vector.broadcast %select_n3A_101 : i32 to vector<16xi32>
      %add3A_117 = arith.addi %rem3A_103, %add3A_116 : vector<16xi32>
      %select_n3A_118 = arith.select %and3A_115, %add3A_117, %rem3A_103 : vector<16xi1>, vector<16xi32>
      %jit3A_119 = arith.constant 6 : i32
      %div3A_120 = vector.broadcast %jit3A_119 : i32 to vector<16xi32>
      %div3A_121 = arith.divsi %add3A_96, %div3A_120 : vector<16xi32>
      %sign3A_122 = arith.constant 0 : i32
      %sign3A_123 = vector.broadcast %sign3A_122 : i32 to vector<16xi32>
      %sign3A_124 = arith.cmpi sgt, %add3A_96, %sign3A_123 : vector<16xi32>
      %sign3A_125 = arith.extui %sign3A_124 : vector<16xi1> to vector<16xi32>
      %sign3A_126 = arith.constant 0 : i32
      %sign3A_127 = vector.broadcast %sign3A_126 : i32 to vector<16xi32>
      %sign3A_128 = arith.cmpi slt, %add3A_96, %sign3A_127 : vector<16xi32>
      %sign3A_129 = arith.extui %sign3A_128 : vector<16xi1> to vector<16xi32>
      %sign3A_130 = arith.subi %sign3A_125, %sign3A_129 : vector<16xi32>
      %sign3A_131 = arith.constant 0 : i32
      %sign3A_132 = arith.cmpi sgt, %jit3A_119, %sign3A_131 : i32
      %sign3A_133 = arith.extui %sign3A_132 : i1 to i32
      %sign3A_134 = arith.constant 0 : i32
      %sign3A_135 = arith.cmpi slt, %jit3A_119, %sign3A_134 : i32
      %sign3A_136 = arith.extui %sign3A_135 : i1 to i32
      %sign3A_137 = arith.subi %sign3A_133, %sign3A_136 : i32
      %ne3A_138 = vector.broadcast %sign3A_137 : i32 to vector<16xi32>
      %ne3A_139 = arith.cmpi ne, %sign3A_130, %ne3A_138 : vector<16xi32>
      %rem3A_140 = vector.broadcast %jit3A_119 : i32 to vector<16xi32>
      %rem3A_141 = arith.remsi %add3A_96, %rem3A_140 : vector<16xi32>
      %ne3A_142 = arith.constant 0 : i32
      %ne3A_143 = vector.broadcast %ne3A_142 : i32 to vector<16xi32>
      %ne3A_144 = arith.cmpi ne, %rem3A_141, %ne3A_143 : vector<16xi32>
      %and3A_145 = arith.andi %ne3A_139, %ne3A_144 : vector<16xi1>
      %sub3A_146 = arith.constant 1 : i32
      %sub3A_147 = vector.broadcast %sub3A_146 : i32 to vector<16xi32>
      %sub3A_148 = arith.subi %div3A_121, %sub3A_147 : vector<16xi32>
      %select_n3A_149 = arith.select %and3A_145, %sub3A_148, %div3A_121 : vector<16xi1>, vector<16xi32>
      %jit3A_150 = arith.constant 3 : i32
      %eq3A_151 = arith.constant 0 : i32
      %eq3A_152 = arith.cmpi eq, %jit3A_150, %eq3A_151 : i32
      %jit3A_153 = arith.constant 1 : i32
      %select_n3A_154 = arith.select %eq3A_152, %jit3A_153, %jit3A_150 : i32
      %rem3A_155 = vector.broadcast %select_n3A_154 : i32 to vector<16xi32>
      %rem3A_156 = arith.remsi %select_n3A_149, %rem3A_155 : vector<16xi32>
      %ne3A_157 = arith.constant 0 : i32
      %ne3A_158 = vector.broadcast %ne3A_157 : i32 to vector<16xi32>
      %ne3A_159 = arith.cmpi ne, %rem3A_156, %ne3A_158 : vector<16xi32>
      %lt3A_160 = arith.constant 0 : i32
      %lt3A_161 = vector.broadcast %lt3A_160 : i32 to vector<16xi32>
      %lt3A_162 = arith.cmpi slt, %rem3A_156, %lt3A_161 : vector<16xi32>
      %lt3A_163 = arith.constant 0 : i32
      %lt3A_164 = arith.cmpi slt, %select_n3A_154, %lt3A_163 : i32
      %ne3A_165 = vector.broadcast %lt3A_164 : i1 to vector<16xi1>
      %ne3A_166 = vector.broadcast %ne3A_165 : vector<16xi1> to vector<16xi1>
      %ne3A_167 = arith.xori %lt3A_162, %ne3A_166 : vector<16xi1>
      %and3A_168 = arith.andi %ne3A_167, %ne3A_159 : vector<16xi1>
      %add3A_169 = vector.broadcast %select_n3A_154 : i32 to vector<16xi32>
      %add3A_170 = arith.addi %rem3A_156, %add3A_169 : vector<16xi32>
      %select_n3A_171 = arith.select %and3A_168, %add3A_170, %rem3A_156 : vector<16xi1>, vector<16xi32>
      %jit3A_172 = arith.constant 3 : i32
      %div3A_173 = vector.broadcast %jit3A_172 : i32 to vector<16xi32>
      %div3A_174 = arith.divsi %select_n3A_149, %div3A_173 : vector<16xi32>
      %sign3A_175 = arith.constant 0 : i32
      %sign3A_176 = vector.broadcast %sign3A_175 : i32 to vector<16xi32>
      %sign3A_177 = arith.cmpi sgt, %select_n3A_149, %sign3A_176 : vector<16xi32>
      %sign3A_178 = arith.extui %sign3A_177 : vector<16xi1> to vector<16xi32>
      %sign3A_179 = arith.constant 0 : i32
      %sign3A_180 = vector.broadcast %sign3A_179 : i32 to vector<16xi32>
      %sign3A_181 = arith.cmpi slt, %select_n3A_149, %sign3A_180 : vector<16xi32>
      %sign3A_182 = arith.extui %sign3A_181 : vector<16xi1> to vector<16xi32>
      %sign3A_183 = arith.subi %sign3A_178, %sign3A_182 : vector<16xi32>
      %sign3A_184 = arith.constant 0 : i32
      %sign3A_185 = arith.cmpi sgt, %jit3A_172, %sign3A_184 : i32
      %sign3A_186 = arith.extui %sign3A_185 : i1 to i32
      %sign3A_187 = arith.constant 0 : i32
      %sign3A_188 = arith.cmpi slt, %jit3A_172, %sign3A_187 : i32
      %sign3A_189 = arith.extui %sign3A_188 : i1 to i32
      %sign3A_190 = arith.subi %sign3A_186, %sign3A_189 : i32
      %ne3A_191 = vector.broadcast %sign3A_190 : i32 to vector<16xi32>
      %ne3A_192 = arith.cmpi ne, %sign3A_183, %ne3A_191 : vector<16xi32>
      %rem3A_193 = vector.broadcast %jit3A_172 : i32 to vector<16xi32>
      %rem3A_194 = arith.remsi %select_n3A_149, %rem3A_193 : vector<16xi32>
      %ne3A_195 = arith.constant 0 : i32
      %ne3A_196 = vector.broadcast %ne3A_195 : i32 to vector<16xi32>
      %ne3A_197 = arith.cmpi ne, %rem3A_194, %ne3A_196 : vector<16xi32>
      %and3A_198 = arith.andi %ne3A_192, %ne3A_197 : vector<16xi1>
      %sub3A_199 = arith.constant 1 : i32
      %sub3A_200 = vector.broadcast %sub3A_199 : i32 to vector<16xi32>
      %sub3A_201 = arith.subi %div3A_174, %sub3A_200 : vector<16xi32>
      %select_n3A_202 = arith.select %and3A_198, %sub3A_201, %div3A_174 : vector<16xi1>, vector<16xi32>
      %jit3A_203 = arith.constant 3 : i32
      %eq3A_204 = arith.constant 0 : i32
      %eq3A_205 = arith.cmpi eq, %jit3A_203, %eq3A_204 : i32
      %jit3A_206 = arith.constant 1 : i32
      %select_n3A_207 = arith.select %eq3A_205, %jit3A_206, %jit3A_203 : i32
      %rem3A_208 = vector.broadcast %select_n3A_207 : i32 to vector<16xi32>
      %rem3A_209 = arith.remsi %select_n3A_202, %rem3A_208 : vector<16xi32>
      %ne3A_210 = arith.constant 0 : i32
      %ne3A_211 = vector.broadcast %ne3A_210 : i32 to vector<16xi32>
      %ne3A_212 = arith.cmpi ne, %rem3A_209, %ne3A_211 : vector<16xi32>
      %lt3A_213 = arith.constant 0 : i32
      %lt3A_214 = vector.broadcast %lt3A_213 : i32 to vector<16xi32>
      %lt3A_215 = arith.cmpi slt, %rem3A_209, %lt3A_214 : vector<16xi32>
      %lt3A_216 = arith.constant 0 : i32
      %lt3A_217 = arith.cmpi slt, %select_n3A_207, %lt3A_216 : i32
      %ne3A_218 = vector.broadcast %lt3A_217 : i1 to vector<16xi1>
      %ne3A_219 = vector.broadcast %ne3A_218 : vector<16xi1> to vector<16xi1>
      %ne3A_220 = arith.xori %lt3A_215, %ne3A_219 : vector<16xi1>
      %and3A_221 = arith.andi %ne3A_220, %ne3A_212 : vector<16xi1>
      %add3A_222 = vector.broadcast %select_n3A_207 : i32 to vector<16xi32>
      %add3A_223 = arith.addi %rem3A_209, %add3A_222 : vector<16xi32>
      %select_n3A_224 = arith.select %and3A_221, %add3A_223, %rem3A_209 : vector<16xi1>, vector<16xi32>
      %jit3A_225 = arith.constant 3 : i32
      %div3A_226 = vector.broadcast %jit3A_225 : i32 to vector<16xi32>
      %div3A_227 = arith.divsi %select_n3A_202, %div3A_226 : vector<16xi32>
      %sign3A_228 = arith.constant 0 : i32
      %sign3A_229 = vector.broadcast %sign3A_228 : i32 to vector<16xi32>
      %sign3A_230 = arith.cmpi sgt, %select_n3A_202, %sign3A_229 : vector<16xi32>
      %sign3A_231 = arith.extui %sign3A_230 : vector<16xi1> to vector<16xi32>
      %sign3A_232 = arith.constant 0 : i32
      %sign3A_233 = vector.broadcast %sign3A_232 : i32 to vector<16xi32>
      %sign3A_234 = arith.cmpi slt, %select_n3A_202, %sign3A_233 : vector<16xi32>
      %sign3A_235 = arith.extui %sign3A_234 : vector<16xi1> to vector<16xi32>
      %sign3A_236 = arith.subi %sign3A_231, %sign3A_235 : vector<16xi32>
      %sign3A_237 = arith.constant 0 : i32
      %sign3A_238 = arith.cmpi sgt, %jit3A_225, %sign3A_237 : i32
      %sign3A_239 = arith.extui %sign3A_238 : i1 to i32
      %sign3A_240 = arith.constant 0 : i32
      %sign3A_241 = arith.cmpi slt, %jit3A_225, %sign3A_240 : i32
      %sign3A_242 = arith.extui %sign3A_241 : i1 to i32
      %sign3A_243 = arith.subi %sign3A_239, %sign3A_242 : i32
      %ne3A_244 = vector.broadcast %sign3A_243 : i32 to vector<16xi32>
      %ne3A_245 = arith.cmpi ne, %sign3A_236, %ne3A_244 : vector<16xi32>
      %rem3A_246 = vector.broadcast %jit3A_225 : i32 to vector<16xi32>
      %rem3A_247 = arith.remsi %select_n3A_202, %rem3A_246 : vector<16xi32>
      %ne3A_248 = arith.constant 0 : i32
      %ne3A_249 = vector.broadcast %ne3A_248 : i32 to vector<16xi32>
      %ne3A_250 = arith.cmpi ne, %rem3A_247, %ne3A_249 : vector<16xi32>
      %and3A_251 = arith.andi %ne3A_245, %ne3A_250 : vector<16xi1>
      %sub3A_252 = arith.constant 1 : i32
      %sub3A_253 = vector.broadcast %sub3A_252 : i32 to vector<16xi32>
      %sub3A_254 = arith.subi %div3A_227, %sub3A_253 : vector<16xi32>
      %select_n3A_255 = arith.select %and3A_251, %sub3A_254, %div3A_227 : vector<16xi1>, vector<16xi32>
      %mul3A_256 = arith.constant 16 : i32
      %mul3A_257 = vector.broadcast %mul3A_256 : i32 to vector<16xi32>
      %mul3A_258 = arith.muli %select_n3A_118, %mul3A_257 : vector<16xi32>
      %add3A_259 = arith.constant 6 : i32
      %add3A_260 = vector.broadcast %add3A_259 : i32 to vector<16xi32>
      %add3A_261 = arith.addi %select_n3A_171, %add3A_260 : vector<16xi32>
      %mul3A_262 = arith.constant 16 : i32
      %mul3A_263 = vector.broadcast %mul3A_262 : i32 to vector<16xi32>
      %mul3A_264 = arith.muli %add3A_261, %mul3A_263 : vector<16xi32>
      %add3A_265 = arith.constant 9 : i32
      %add3A_266 = vector.broadcast %add3A_265 : i32 to vector<16xi32>
      %add3A_267 = arith.addi %select_n3A_224, %add3A_266 : vector<16xi32>
      %mul3A_268 = arith.constant 16 : i32
      %mul3A_269 = vector.broadcast %mul3A_268 : i32 to vector<16xi32>
      %mul3A_270 = arith.muli %add3A_267, %mul3A_269 : vector<16xi32>
      %add3A_271 = arith.constant 12 : i32
      %add3A_272 = vector.broadcast %add3A_271 : i32 to vector<16xi32>
      %add3A_273 = arith.addi %select_n3A_255, %add3A_272 : vector<16xi32>
      %mul3A_274 = arith.constant 16 : i32
      %mul3A_275 = vector.broadcast %mul3A_274 : i32 to vector<16xi32>
      %mul3A_276 = arith.muli %add3A_273, %mul3A_275 : vector<16xi32>
      %add3A_277 = arith.constant 0 : i32
      %add3A_278 = vector.broadcast %add3A_277 : i32 to vector<16xi32>
      %add3A_279 = arith.addi %mul3A_258, %add3A_278 : vector<16xi32>
      %gather3A = tpu.vector_load_idx %arg9[%add3A_279] : memref<320xf32, #tpu.memory_space<vmem>>[vector<16xi32>], vector<16xf32>,
      %add3A_280 = arith.constant 0 : i32
      %add3A_281 = vector.broadcast %add3A_280 : i32 to vector<16xi32>
      %add3A_282 = arith.addi %mul3A_264, %add3A_281 : vector<16xi32>
      %gather3A_283 = tpu.vector_load_idx %arg9[%add3A_282] : memref<320xf32, #tpu.memory_space<vmem>>[vector<16xi32>], vector<16xf32>,
      %add3A_284 = arith.addf %gather3A, %gather3A_283 : vector<16xf32>
      %add3A_285 = arith.constant 0 : i32
      %add3A_286 = vector.broadcast %add3A_285 : i32 to vector<16xi32>
      %add3A_287 = arith.addi %mul3A_270, %add3A_286 : vector<16xi32>
      %gather3A_288 = tpu.vector_load_idx %arg9[%add3A_287] : memref<320xf32, #tpu.memory_space<vmem>>[vector<16xi32>], vector<16xf32>,
      %add3A_289 = arith.addf %add3A_284, %gather3A_288 : vector<16xf32>
      %add3A_290 = arith.constant 0 : i32
      %add3A_291 = vector.broadcast %add3A_290 : i32 to vector<16xi32>
      %add3A_292 = arith.addi %mul3A_276, %add3A_291 : vector<16xi32>
      %gather3A_293 = tpu.vector_load_idx %arg9[%add3A_292] : memref<320xf32, #tpu.memory_space<vmem>>[vector<16xi32>], vector<16xf32>,
      %add3A_294 = arith.addf %add3A_289, %gather3A_293 : vector<16xf32>
      %add3A_295 = arith.constant 0 : i32
      %add3A_296 = vector.broadcast %add3A_295 : i32 to vector<16xi32>
      %add3A_297 = arith.addi %add3A_96, %add3A_296 : vector<16xi32>
      tpu.vector_store_idx %arg10[%add3A_297], %add3A_294 : memref<6912xf32, #tpu.memory_space<vmem>>[vector<16xi32>], vector<16xf32>,
      %add3A_298 = arith.constant 1 : i32
      %add3A_299 = vector.broadcast %add3A_298 : i32 to vector<16xi32>
      %add3A_300 = arith.addi %mul3A_258, %add3A_299 : vector<16xi32>
      %gather3A_301 = tpu.vector_load_idx %arg9[%add3A_300] : memref<320xf32, #tpu.memory_space<vmem>>[vector<16xi32>], vector<16xf32>,
      %add3A_302 = arith.constant 1 : i32
      %add3A_303 = vector.broadcast %add3A_302 : i32 to vector<16xi32>
      %add3A_304 = arith.addi %mul3A_264, %add3A_303 : vector<16xi32>
      %gather3A_305 = tpu.vector_load_idx %arg9[%add3A_304] : memref<320xf32, #tpu.memory_space<vmem>>[vector<16xi32>], vector<16xf32>,
      %add3A_306 = arith.addf %gather3A_301, %gather3A_305 : vector<16xf32>
      %add3A_307 = arith.constant 1 : i32
      %add3A_308 = vector.broadcast %add3A_307 : i32 to vector<16xi32>
      %add3A_309 = arith.addi %mul3A_270, %add3A_308 : vector<16xi32>
      %gather3A_310 = tpu.vector_load_idx %arg9[%add3A_309] : memref<320xf32, #tpu.memory_space<vmem>>[vector<16xi32>], vector<16xf32>,
      %add3A_311 = arith.addf %add3A_306, %gather3A_310 : vector<16xf32>
      %add3A_312 = arith.constant 1 : i32
      %add3A_313 = vector.broadcast %add3A_312 : i32 to vector<16xi32>
      %add3A_314 = arith.addi %mul3A_276, %add3A_313 : vector<16xi32>
      %gather3A_315 = tpu.vector_load_idx %arg9[%add3A_314] : memref<320xf32, #tpu.memory_space<vmem>>[vector<16xi32>], vector<16xf32>,
      %add3A_316 = arith.addf %add3A_311, %gather3A_315 : vector<16xf32>
      %add3A_317 = arith.constant 432 : i32
      %add3A_318 = vector.broadcast %add3A_317 : i32 to vector<16xi32>
      %add3A_319 = arith.addi %add3A_96, %add3A_318 : vector<16xi32>
      tpu.vector_store_idx %arg10[%add3A_319], %add3A_316 : memref<6912xf32, #tpu.memory_space<vmem>>[vector<16xi32>], vector<16xf32>,
      %add3A_320 = arith.constant 2 : i32
      %add3A_321 = vector.broadcast %add3A_320 : i32 to vector<16xi32>
      %add3A_322 = arith.addi %mul3A_258, %add3A_321 : vector<16xi32>
      %gather3A_323 = tpu.vector_load_idx %arg9[%add3A_322] : memref<320xf32, #tpu.memory_space<vmem>>[vector<16xi32>], vector<16xf32>,
      %add3A_324 = arith.constant 2 : i32
      %add3A_325 = vector.broadcast %add3A_324 : i32 to vector<16xi32>
      %add3A_326 = arith.addi %mul3A_264, %add3A_325 : vector<16xi32>
      %gather3A_327 = tpu.vector_load_idx %arg9[%add3A_326] : memref<320xf32, #tpu.memory_space<vmem>>[vector<16xi32>], vector<16xf32>,
      %add3A_328 = arith.addf %gather3A_323, %gather3A_327 : vector<16xf32>
      %add3A_329 = arith.constant 2 : i32
      %add3A_330 = vector.broadcast %add3A_329 : i32 to vector<16xi32>
      %add3A_331 = arith.addi %mul3A_270, %add3A_330 : vector<16xi32>
      %gather3A_332 = tpu.vector_load_idx %arg9[%add3A_331] : memref<320xf32, #tpu.memory_space<vmem>>[vector<16xi32>], vector<16xf32>,
      %add3A_333 = arith.addf %add3A_328, %gather3A_332 : vector<16xf32>
      %add3A_334 = arith.constant 2 : i32
      %add3A_335 = vector.broadcast %add3A_334 : i32 to vector<16xi32>
      %add3A_336 = arith.addi %mul3A_276, %add3A_335 : vector<16xi32>
      %gather3A_337 = tpu.vector_load_idx %arg9[%add3A_336] : memref<320xf32, #tpu.memory_space<vmem>>[vector<16xi32>], vector<16xf32>,
      %add3A_338 = arith.addf %add3A_333, %gather3A_337 : vector<16xf32>
      %add3A_339 = arith.constant 864 : i32
      %add3A_340 = vector.broadcast %add3A_339 : i32 to vector<16xi32>
      %add3A_341 = arith.addi %add3A_96, %add3A_340 : vector<16xi32>
      tpu.vector_store_idx %arg10[%add3A_341], %add3A_338 : memref<6912xf32, #tpu.memory_space<vmem>>[vector<16xi32>], vector<16xf32>,
      %add3A_342 = arith.constant 3 : i32
      %add3A_343 = vector.broadcast %add3A_342 : i32 to vector<16xi32>
      %add3A_344 = arith.addi %mul3A_258, %add3A_343 : vector<16xi32>
      %gather3A_345 = tpu.vector_load_idx %arg9[%add3A_344] : memref<320xf32, #tpu.memory_space<vmem>>[vector<16xi32>], vector<16xf32>,
      %add3A_346 = arith.constant 3 : i32
      %add3A_347 = vector.broadcast %add3A_346 : i32 to vector<16xi32>
      %add3A_348 = arith.addi %mul3A_264, %add3A_347 : vector<16xi32>
      %gather3A_349 = tpu.vector_load_idx %arg9[%add3A_348] : memref<320xf32, #tpu.memory_space<vmem>>[vector<16xi32>], vector<16xf32>,
      %add3A_350 = arith.addf %gather3A_345, %gather3A_349 : vector<16xf32>
      %add3A_351 = arith.constant 3 : i32
      %add3A_352 = vector.broadcast %add3A_351 : i32 to vector<16xi32>
      %add3A_353 = arith.addi %mul3A_270, %add3A_352 : vector<16xi32>
      %gather3A_354 = tpu.vector_load_idx %arg9[%add3A_353] : memref<320xf32, #tpu.memory_space<vmem>>[vector<16xi32>], vector<16xf32>,
      %add3A_355 = arith.addf %add3A_350, %gather3A_354 : vector<16xf32>
      %add3A_356 = arith.constant 3 : i32
      %add3A_357 = vector.broadcast %add3A_356 : i32 to vector<16xi32>
      %add3A_358 = arith.addi %mul3A_276, %add3A_357 : vector<16xi32>
      %gather3A_359 = tpu.vector_load_idx %arg9[%add3A_358] : memref<320xf32, #tpu.memory_space<vmem>>[vector<16xi32>], vector<16xf32>,
      %add3A_360 = arith.addf %add3A_355, %gather3A_359 : vector<16xf32>
      %add3A_361 = arith.constant 1296 : i32
      %add3A_362 = vector.broadcast %add3A_361 : i32 to vector<16xi32>
      %add3A_363 = arith.addi %add3A_96, %add3A_362 : vector<16xi32>
      tpu.vector_store_idx %arg10[%add3A_363], %add3A_360 : memref<6912xf32, #tpu.memory_space<vmem>>[vector<16xi32>], vector<16xf32>,
      %add3A_364 = arith.constant 4 : i32
      %add3A_365 = vector.broadcast %add3A_364 : i32 to vector<16xi32>
      %add3A_366 = arith.addi %mul3A_258, %add3A_365 : vector<16xi32>
      %gather3A_367 = tpu.vector_load_idx %arg9[%add3A_366] : memref<320xf32, #tpu.memory_space<vmem>>[vector<16xi32>], vector<16xf32>,
      %add3A_368 = arith.constant 4 : i32
      %add3A_369 = vector.broadcast %add3A_368 : i32 to vector<16xi32>
      %add3A_370 = arith.addi %mul3A_264, %add3A_369 : vector<16xi32>
      %gather3A_371 = tpu.vector_load_idx %arg9[%add3A_370] : memref<320xf32, #tpu.memory_space<vmem>>[vector<16xi32>], vector<16xf32>,
      %add3A_372 = arith.addf %gather3A_367, %gather3A_371 : vector<16xf32>
      %add3A_373 = arith.constant 4 : i32
      %add3A_374 = vector.broadcast %add3A_373 : i32 to vector<16xi32>
      %add3A_375 = arith.addi %mul3A_270, %add3A_374 : vector<16xi32>
      %gather3A_376 = tpu.vector_load_idx %arg9[%add3A_375] : memref<320xf32, #tpu.memory_space<vmem>>[vector<16xi32>], vector<16xf32>,
      %add3A_377 = arith.addf %add3A_372, %gather3A_376 : vector<16xf32>
      %add3A_378 = arith.constant 4 : i32
      %add3A_379 = vector.broadcast %add3A_378 : i32 to vector<16xi32>
      %add3A_380 = arith.addi %mul3A_276, %add3A_379 : vector<16xi32>
      %gather3A_381 = tpu.vector_load_idx %arg9[%add3A_380] : memref<320xf32, #tpu.memory_space<vmem>>[vector<16xi32>], vector<16xf32>,
      %add3A_382 = arith.addf %add3A_377, %gather3A_381 : vector<16xf32>
      %add3A_383 = arith.constant 1728 : i32
      %add3A_384 = vector.broadcast %add3A_383 : i32 to vector<16xi32>
      %add3A_385 = arith.addi %add3A_96, %add3A_384 : vector<16xi32>
      tpu.vector_store_idx %arg10[%add3A_385], %add3A_382 : memref<6912xf32, #tpu.memory_space<vmem>>[vector<16xi32>], vector<16xf32>,
      %add3A_386 = arith.constant 5 : i32
      %add3A_387 = vector.broadcast %add3A_386 : i32 to vector<16xi32>
      %add3A_388 = arith.addi %mul3A_258, %add3A_387 : vector<16xi32>
      %gather3A_389 = tpu.vector_load_idx %arg9[%add3A_388] : memref<320xf32, #tpu.memory_space<vmem>>[vector<16xi32>], vector<16xf32>,
      %add3A_390 = arith.constant 5 : i32
      %add3A_391 = vector.broadcast %add3A_390 : i32 to vector<16xi32>
      %add3A_392 = arith.addi %mul3A_264, %add3A_391 : vector<16xi32>
      %gather3A_393 = tpu.vector_load_idx %arg9[%add3A_392] : memref<320xf32, #tpu.memory_space<vmem>>[vector<16xi32>], vector<16xf32>,
      %add3A_394 = arith.addf %gather3A_389, %gather3A_393 : vector<16xf32>
      %add3A_395 = arith.constant 5 : i32
      %add3A_396 = vector.broadcast %add3A_395 : i32 to vector<16xi32>
      %add3A_397 = arith.addi %mul3A_270, %add3A_396 : vector<16xi32>
      %gather3A_398 = tpu.vector_load_idx %arg9[%add3A_397] : memref<320xf32, #tpu.memory_space<vmem>>[vector<16xi32>], vector<16xf32>,
      %add3A_399 = arith.addf %add3A_394, %gather3A_398 : vector<16xf32>
      %add3A_400 = arith.constant 5 : i32
      %add3A_401 = vector.broadcast %add3A_400 : i32 to vector<16xi32>
      %add3A_402 = arith.addi %mul3A_276, %add3A_401 : vector<16xi32>
      %gather3A_403 = tpu.vector_load_idx %arg9[%add3A_402] : memref<320xf32, #tpu.memory_space<vmem>>[vector<16xi32>], vector<16xf32>,
      %add3A_404 = arith.addf %add3A_399, %gather3A_403 : vector<16xf32>
      %add3A_405 = arith.constant 2160 : i32
      %add3A_406 = vector.broadcast %add3A_405 : i32 to vector<16xi32>
      %add3A_407 = arith.addi %add3A_96, %add3A_406 : vector<16xi32>
      tpu.vector_store_idx %arg10[%add3A_407], %add3A_404 : memref<6912xf32, #tpu.memory_space<vmem>>[vector<16xi32>], vector<16xf32>,
      %add3A_408 = arith.constant 6 : i32
      %add3A_409 = vector.broadcast %add3A_408 : i32 to vector<16xi32>
      %add3A_410 = arith.addi %mul3A_258, %add3A_409 : vector<16xi32>
      %gather3A_411 = tpu.vector_load_idx %arg9[%add3A_410] : memref<320xf32, #tpu.memory_space<vmem>>[vector<16xi32>], vector<16xf32>,
      %add3A_412 = arith.constant 6 : i32
      %add3A_413 = vector.broadcast %add3A_412 : i32 to vector<16xi32>
      %add3A_414 = arith.addi %mul3A_264, %add3A_413 : vector<16xi32>
      %gather3A_415 = tpu.vector_load_idx %arg9[%add3A_414] : memref<320xf32, #tpu.memory_space<vmem>>[vector<16xi32>], vector<16xf32>,
      %add3A_416 = arith.addf %gather3A_411, %gather3A_415 : vector<16xf32>
      %add3A_417 = arith.constant 6 : i32
      %add3A_418 = vector.broadcast %add3A_417 : i32 to vector<16xi32>
      %add3A_419 = arith.addi %mul3A_270, %add3A_418 : vector<16xi32>
      %gather3A_420 = tpu.vector_load_idx %arg9[%add3A_419] : memref<320xf32, #tpu.memory_space<vmem>>[vector<16xi32>], vector<16xf32>,
      %add3A_421 = arith.addf %add3A_416, %gather3A_420 : vector<16xf32>
      %add3A_422 = arith.constant 6 : i32
      %add3A_423 = vector.broadcast %add3A_422 : i32 to vector<16xi32>
      %add3A_424 = arith.addi %mul3A_276, %add3A_423 : vector<16xi32>
      %gather3A_425 = tpu.vector_load_idx %arg9[%add3A_424] : memref<320xf32, #tpu.memory_space<vmem>>[vector<16xi32>], vector<16xf32>,
      %add3A_426 = arith.addf %add3A_421, %gather3A_425 : vector<16xf32>
      %add3A_427 = arith.constant 2592 : i32
      %add3A_428 = vector.broadcast %add3A_427 : i32 to vector<16xi32>
      %add3A_429 = arith.addi %add3A_96, %add3A_428 : vector<16xi32>
      tpu.vector_store_idx %arg10[%add3A_429], %add3A_426 : memref<6912xf32, #tpu.memory_space<vmem>>[vector<16xi32>], vector<16xf32>,
      %add3A_430 = arith.constant 7 : i32
      %add3A_431 = vector.broadcast %add3A_430 : i32 to vector<16xi32>
      %add3A_432 = arith.addi %mul3A_258, %add3A_431 : vector<16xi32>
      %gather3A_433 = tpu.vector_load_idx %arg9[%add3A_432] : memref<320xf32, #tpu.memory_space<vmem>>[vector<16xi32>], vector<16xf32>,
      %add3A_434 = arith.constant 7 : i32
      %add3A_435 = vector.broadcast %add3A_434 : i32 to vector<16xi32>
      %add3A_436 = arith.addi %mul3A_264, %add3A_435 : vector<16xi32>
      %gather3A_437 = tpu.vector_load_idx %arg9[%add3A_436] : memref<320xf32, #tpu.memory_space<vmem>>[vector<16xi32>], vector<16xf32>,
      %add3A_438 = arith.addf %gather3A_433, %gather3A_437 : vector<16xf32>
      %add3A_439 = arith.constant 7 : i32
      %add3A_440 = vector.broadcast %add3A_439 : i32 to vector<16xi32>
      %add3A_441 = arith.addi %mul3A_270, %add3A_440 : vector<16xi32>
      %gather3A_442 = tpu.vector_load_idx %arg9[%add3A_441] : memref<320xf32, #tpu.memory_space<vmem>>[vector<16xi32>], vector<16xf32>,
      %add3A_443 = arith.addf %add3A_438, %gather3A_442 : vector<16xf32>
      %add3A_444 = arith.constant 7 : i32
      %add3A_445 = vector.broadcast %add3A_444 : i32 to vector<16xi32>
      %add3A_446 = arith.addi %mul3A_276, %add3A_445 : vector<16xi32>
      %gather3A_447 = tpu.vector_load_idx %arg9[%add3A_446] : memref<320xf32, #tpu.memory_space<vmem>>[vector<16xi32>], vector<16xf32>,
      %add3A_448 = arith.addf %add3A_443, %gather3A_447 : vector<16xf32>
      %add3A_449 = arith.constant 3024 : i32
      %add3A_450 = vector.broadcast %add3A_449 : i32 to vector<16xi32>
      %add3A_451 = arith.addi %add3A_96, %add3A_450 : vector<16xi32>
      tpu.vector_store_idx %arg10[%add3A_451], %add3A_448 : memref<6912xf32, #tpu.memory_space<vmem>>[vector<16xi32>], vector<16xf32>,
      %add3A_452 = arith.constant 8 : i32
      %add3A_453 = vector.broadcast %add3A_452 : i32 to vector<16xi32>
      %add3A_454 = arith.addi %mul3A_258, %add3A_453 : vector<16xi32>
      %gather3A_455 = tpu.vector_load_idx %arg9[%add3A_454] : memref<320xf32, #tpu.memory_space<vmem>>[vector<16xi32>], vector<16xf32>,
      %add3A_456 = arith.constant 8 : i32
      %add3A_457 = vector.broadcast %add3A_456 : i32 to vector<16xi32>
      %add3A_458 = arith.addi %mul3A_264, %add3A_457 : vector<16xi32>
      %gather3A_459 = tpu.vector_load_idx %arg9[%add3A_458] : memref<320xf32, #tpu.memory_space<vmem>>[vector<16xi32>], vector<16xf32>,
      %add3A_460 = arith.addf %gather3A_455, %gather3A_459 : vector<16xf32>
      %add3A_461 = arith.constant 8 : i32
      %add3A_462 = vector.broadcast %add3A_461 : i32 to vector<16xi32>
      %add3A_463 = arith.addi %mul3A_270, %add3A_462 : vector<16xi32>
      %gather3A_464 = tpu.vector_load_idx %arg9[%add3A_463] : memref<320xf32, #tpu.memory_space<vmem>>[vector<16xi32>], vector<16xf32>,
      %add3A_465 = arith.addf %add3A_460, %gather3A_464 : vector<16xf32>
      %add3A_466 = arith.constant 8 : i32
      %add3A_467 = vector.broadcast %add3A_466 : i32 to vector<16xi32>
      %add3A_468 = arith.addi %mul3A_276, %add3A_467 : vector<16xi32>
      %gather3A_469 = tpu.vector_load_idx %arg9[%add3A_468] : memref<320xf32, #tpu.memory_space<vmem>>[vector<16xi32>], vector<16xf32>,
      %add3A_470 = arith.addf %add3A_465, %gather3A_469 : vector<16xf32>
      %add3A_471 = arith.constant 3456 : i32
      %add3A_472 = vector.broadcast %add3A_471 : i32 to vector<16xi32>
      %add3A_473 = arith.addi %add3A_96, %add3A_472 : vector<16xi32>
      tpu.vector_store_idx %arg10[%add3A_473], %add3A_470 : memref<6912xf32, #tpu.memory_space<vmem>>[vector<16xi32>], vector<16xf32>,
      %add3A_474 = arith.constant 9 : i32
      %add3A_475 = vector.broadcast %add3A_474 : i32 to vector<16xi32>
      %add3A_476 = arith.addi %mul3A_258, %add3A_475 : vector<16xi32>
      %gather3A_477 = tpu.vector_load_idx %arg9[%add3A_476] : memref<320xf32, #tpu.memory_space<vmem>>[vector<16xi32>], vector<16xf32>,
      %add3A_478 = arith.constant 9 : i32
      %add3A_479 = vector.broadcast %add3A_478 : i32 to vector<16xi32>
      %add3A_480 = arith.addi %mul3A_264, %add3A_479 : vector<16xi32>
      %gather3A_481 = tpu.vector_load_idx %arg9[%add3A_480] : memref<320xf32, #tpu.memory_space<vmem>>[vector<16xi32>], vector<16xf32>,
      %add3A_482 = arith.addf %gather3A_477, %gather3A_481 : vector<16xf32>
      %add3A_483 = arith.constant 9 : i32
      %add3A_484 = vector.broadcast %add3A_483 : i32 to vector<16xi32>
      %add3A_485 = arith.addi %mul3A_270, %add3A_484 : vector<16xi32>
      %gather3A_486 = tpu.vector_load_idx %arg9[%add3A_485] : memref<320xf32, #tpu.memory_space<vmem>>[vector<16xi32>], vector<16xf32>,
      %add3A_487 = arith.addf %add3A_482, %gather3A_486 : vector<16xf32>
      %add3A_488 = arith.constant 9 : i32
      %add3A_489 = vector.broadcast %add3A_488 : i32 to vector<16xi32>
      %add3A_490 = arith.addi %mul3A_276, %add3A_489 : vector<16xi32>
      %gather3A_491 = tpu.vector_load_idx %arg9[%add3A_490] : memref<320xf32, #tpu.memory_space<vmem>>[vector<16xi32>], vector<16xf32>,
      %add3A_492 = arith.addf %add3A_487, %gather3A_491 : vector<16xf32>
      %add3A_493 = arith.constant 3888 : i32
      %add3A_494 = vector.broadcast %add3A_493 : i32 to vector<16xi32>
      %add3A_495 = arith.addi %add3A_96, %add3A_494 : vector<16xi32>
      tpu.vector_store_idx %arg10[%add3A_495], %add3A_492 : memref<6912xf32, #tpu.memory_space<vmem>>[vector<16xi32>], vector<16xf32>,
      %add3A_496 = arith.constant 10 : i32
      %add3A_497 = vector.broadcast %add3A_496 : i32 to vector<16xi32>
      %add3A_498 = arith.addi %mul3A_258, %add3A_497 : vector<16xi32>
      %gather3A_499 = tpu.vector_load_idx %arg9[%add3A_498] : memref<320xf32, #tpu.memory_space<vmem>>[vector<16xi32>], vector<16xf32>,
      %add3A_500 = arith.constant 10 : i32
      %add3A_501 = vector.broadcast %add3A_500 : i32 to vector<16xi32>
      %add3A_502 = arith.addi %mul3A_264, %add3A_501 : vector<16xi32>
      %gather3A_503 = tpu.vector_load_idx %arg9[%add3A_502] : memref<320xf32, #tpu.memory_space<vmem>>[vector<16xi32>], vector<16xf32>,
      %add3A_504 = arith.addf %gather3A_499, %gather3A_503 : vector<16xf32>
      %add3A_505 = arith.constant 10 : i32
      %add3A_506 = vector.broadcast %add3A_505 : i32 to vector<16xi32>
      %add3A_507 = arith.addi %mul3A_270, %add3A_506 : vector<16xi32>
      %gather3A_508 = tpu.vector_load_idx %arg9[%add3A_507] : memref<320xf32, #tpu.memory_space<vmem>>[vector<16xi32>], vector<16xf32>,
      %add3A_509 = arith.addf %add3A_504, %gather3A_508 : vector<16xf32>
      %add3A_510 = arith.constant 10 : i32
      %add3A_511 = vector.broadcast %add3A_510 : i32 to vector<16xi32>
      %add3A_512 = arith.addi %mul3A_276, %add3A_511 : vector<16xi32>
      %gather3A_513 = tpu.vector_load_idx %arg9[%add3A_512] : memref<320xf32, #tpu.memory_space<vmem>>[vector<16xi32>], vector<16xf32>,
      %add3A_514 = arith.addf %add3A_509, %gather3A_513 : vector<16xf32>
      %add3A_515 = arith.constant 4320 : i32
      %add3A_516 = vector.broadcast %add3A_515 : i32 to vector<16xi32>
      %add3A_517 = arith.addi %add3A_96, %add3A_516 : vector<16xi32>
      tpu.vector_store_idx %arg10[%add3A_517], %add3A_514 : memref<6912xf32, #tpu.memory_space<vmem>>[vector<16xi32>], vector<16xf32>,
      %add3A_518 = arith.constant 11 : i32
      %add3A_519 = vector.broadcast %add3A_518 : i32 to vector<16xi32>
      %add3A_520 = arith.addi %mul3A_258, %add3A_519 : vector<16xi32>
      %gather3A_521 = tpu.vector_load_idx %arg9[%add3A_520] : memref<320xf32, #tpu.memory_space<vmem>>[vector<16xi32>], vector<16xf32>,
      %add3A_522 = arith.constant 11 : i32
      %add3A_523 = vector.broadcast %add3A_522 : i32 to vector<16xi32>
      %add3A_524 = arith.addi %mul3A_264, %add3A_523 : vector<16xi32>
      %gather3A_525 = tpu.vector_load_idx %arg9[%add3A_524] : memref<320xf32, #tpu.memory_space<vmem>>[vector<16xi32>], vector<16xf32>,
      %add3A_526 = arith.addf %gather3A_521, %gather3A_525 : vector<16xf32>
      %add3A_527 = arith.constant 11 : i32
      %add3A_528 = vector.broadcast %add3A_527 : i32 to vector<16xi32>
      %add3A_529 = arith.addi %mul3A_270, %add3A_528 : vector<16xi32>
      %gather3A_530 = tpu.vector_load_idx %arg9[%add3A_529] : memref<320xf32, #tpu.memory_space<vmem>>[vector<16xi32>], vector<16xf32>,
      %add3A_531 = arith.addf %add3A_526, %gather3A_530 : vector<16xf32>
      %add3A_532 = arith.constant 11 : i32
      %add3A_533 = vector.broadcast %add3A_532 : i32 to vector<16xi32>
      %add3A_534 = arith.addi %mul3A_276, %add3A_533 : vector<16xi32>
      %gather3A_535 = tpu.vector_load_idx %arg9[%add3A_534] : memref<320xf32, #tpu.memory_space<vmem>>[vector<16xi32>], vector<16xf32>,
      %add3A_536 = arith.addf %add3A_531, %gather3A_535 : vector<16xf32>
      %add3A_537 = arith.constant 4752 : i32
      %add3A_538 = vector.broadcast %add3A_537 : i32 to vector<16xi32>
      %add3A_539 = arith.addi %add3A_96, %add3A_538 : vector<16xi32>
      tpu.vector_store_idx %arg10[%add3A_539], %add3A_536 : memref<6912xf32, #tpu.memory_space<vmem>>[vector<16xi32>], vector<16xf32>,
      %add3A_540 = arith.constant 12 : i32
      %add3A_541 = vector.broadcast %add3A_540 : i32 to vector<16xi32>
      %add3A_542 = arith.addi %mul3A_258, %add3A_541 : vector<16xi32>
      %gather3A_543 = tpu.vector_load_idx %arg9[%add3A_542] : memref<320xf32, #tpu.memory_space<vmem>>[vector<16xi32>], vector<16xf32>,
      %add3A_544 = arith.constant 12 : i32
      %add3A_545 = vector.broadcast %add3A_544 : i32 to vector<16xi32>
      %add3A_546 = arith.addi %mul3A_264, %add3A_545 : vector<16xi32>
      %gather3A_547 = tpu.vector_load_idx %arg9[%add3A_546] : memref<320xf32, #tpu.memory_space<vmem>>[vector<16xi32>], vector<16xf32>,
      %add3A_548 = arith.addf %gather3A_543, %gather3A_547 : vector<16xf32>
      %add3A_549 = arith.constant 12 : i32
      %add3A_550 = vector.broadcast %add3A_549 : i32 to vector<16xi32>
      %add3A_551 = arith.addi %mul3A_270, %add3A_550 : vector<16xi32>
      %gather3A_552 = tpu.vector_load_idx %arg9[%add3A_551] : memref<320xf32, #tpu.memory_space<vmem>>[vector<16xi32>], vector<16xf32>,
      %add3A_553 = arith.addf %add3A_548, %gather3A_552 : vector<16xf32>
      %add3A_554 = arith.constant 12 : i32
      %add3A_555 = vector.broadcast %add3A_554 : i32 to vector<16xi32>
      %add3A_556 = arith.addi %mul3A_276, %add3A_555 : vector<16xi32>
      %gather3A_557 = tpu.vector_load_idx %arg9[%add3A_556] : memref<320xf32, #tpu.memory_space<vmem>>[vector<16xi32>], vector<16xf32>,
      %add3A_558 = arith.addf %add3A_553, %gather3A_557 : vector<16xf32>
      %add3A_559 = arith.constant 5184 : i32
      %add3A_560 = vector.broadcast %add3A_559 : i32 to vector<16xi32>
      %add3A_561 = arith.addi %add3A_96, %add3A_560 : vector<16xi32>
      tpu.vector_store_idx %arg10[%add3A_561], %add3A_558 : memref<6912xf32, #tpu.memory_space<vmem>>[vector<16xi32>], vector<16xf32>,
      %add3A_562 = arith.constant 13 : i32
      %add3A_563 = vector.broadcast %add3A_562 : i32 to vector<16xi32>
      %add3A_564 = arith.addi %mul3A_258, %add3A_563 : vector<16xi32>
      %gather3A_565 = tpu.vector_load_idx %arg9[%add3A_564] : memref<320xf32, #tpu.memory_space<vmem>>[vector<16xi32>], vector<16xf32>,
      %add3A_566 = arith.constant 13 : i32
      %add3A_567 = vector.broadcast %add3A_566 : i32 to vector<16xi32>
      %add3A_568 = arith.addi %mul3A_264, %add3A_567 : vector<16xi32>
      %gather3A_569 = tpu.vector_load_idx %arg9[%add3A_568] : memref<320xf32, #tpu.memory_space<vmem>>[vector<16xi32>], vector<16xf32>,
      %add3A_570 = arith.addf %gather3A_565, %gather3A_569 : vector<16xf32>
      %add3A_571 = arith.constant 13 : i32
      %add3A_572 = vector.broadcast %add3A_571 : i32 to vector<16xi32>
      %add3A_573 = arith.addi %mul3A_270, %add3A_572 : vector<16xi32>
      %gather3A_574 = tpu.vector_load_idx %arg9[%add3A_573] : memref<320xf32, #tpu.memory_space<vmem>>[vector<16xi32>], vector<16xf32>,
      %add3A_575 = arith.addf %add3A_570, %gather3A_574 : vector<16xf32>
      %add3A_576 = arith.constant 13 : i32
      %add3A_577 = vector.broadcast %add3A_576 : i32 to vector<16xi32>
      %add3A_578 = arith.addi %mul3A_276, %add3A_577 : vector<16xi32>
      %gather3A_579 = tpu.vector_load_idx %arg9[%add3A_578] : memref<320xf32, #tpu.memory_space<vmem>>[vector<16xi32>], vector<16xf32>,
      %add3A_580 = arith.addf %add3A_575, %gather3A_579 : vector<16xf32>
      %add3A_581 = arith.constant 5616 : i32
      %add3A_582 = vector.broadcast %add3A_581 : i32 to vector<16xi32>
      %add3A_583 = arith.addi %add3A_96, %add3A_582 : vector<16xi32>
      tpu.vector_store_idx %arg10[%add3A_583], %add3A_580 : memref<6912xf32, #tpu.memory_space<vmem>>[vector<16xi32>], vector<16xf32>,
      %add3A_584 = arith.constant 14 : i32
      %add3A_585 = vector.broadcast %add3A_584 : i32 to vector<16xi32>
      %add3A_586 = arith.addi %mul3A_258, %add3A_585 : vector<16xi32>
      %gather3A_587 = tpu.vector_load_idx %arg9[%add3A_586] : memref<320xf32, #tpu.memory_space<vmem>>[vector<16xi32>], vector<16xf32>,
      %add3A_588 = arith.constant 14 : i32
      %add3A_589 = vector.broadcast %add3A_588 : i32 to vector<16xi32>
      %add3A_590 = arith.addi %mul3A_264, %add3A_589 : vector<16xi32>
      %gather3A_591 = tpu.vector_load_idx %arg9[%add3A_590] : memref<320xf32, #tpu.memory_space<vmem>>[vector<16xi32>], vector<16xf32>,
      %add3A_592 = arith.addf %gather3A_587, %gather3A_591 : vector<16xf32>
      %add3A_593 = arith.constant 14 : i32
      %add3A_594 = vector.broadcast %add3A_593 : i32 to vector<16xi32>
      %add3A_595 = arith.addi %mul3A_270, %add3A_594 : vector<16xi32>
      %gather3A_596 = tpu.vector_load_idx %arg9[%add3A_595] : memref<320xf32, #tpu.memory_space<vmem>>[vector<16xi32>], vector<16xf32>,
      %add3A_597 = arith.addf %add3A_592, %gather3A_596 : vector<16xf32>
      %add3A_598 = arith.constant 14 : i32
      %add3A_599 = vector.broadcast %add3A_598 : i32 to vector<16xi32>
      %add3A_600 = arith.addi %mul3A_276, %add3A_599 : vector<16xi32>
      %gather3A_601 = tpu.vector_load_idx %arg9[%add3A_600] : memref<320xf32, #tpu.memory_space<vmem>>[vector<16xi32>], vector<16xf32>,
      %add3A_602 = arith.addf %add3A_597, %gather3A_601 : vector<16xf32>
      %add3A_603 = arith.constant 6048 : i32
      %add3A_604 = vector.broadcast %add3A_603 : i32 to vector<16xi32>
      %add3A_605 = arith.addi %add3A_96, %add3A_604 : vector<16xi32>
      tpu.vector_store_idx %arg10[%add3A_605], %add3A_602 : memref<6912xf32, #tpu.memory_space<vmem>>[vector<16xi32>], vector<16xf32>,
      %add3A_606 = arith.constant 15 : i32
      %add3A_607 = vector.broadcast %add3A_606 : i32 to vector<16xi32>
      %add3A_608 = arith.addi %mul3A_258, %add3A_607 : vector<16xi32>
      %gather3A_609 = tpu.vector_load_idx %arg9[%add3A_608] : memref<320xf32, #tpu.memory_space<vmem>>[vector<16xi32>], vector<16xf32>,
      %add3A_610 = arith.constant 15 : i32
      %add3A_611 = vector.broadcast %add3A_610 : i32 to vector<16xi32>
      %add3A_612 = arith.addi %mul3A_264, %add3A_611 : vector<16xi32>
      %gather3A_613 = tpu.vector_load_idx %arg9[%add3A_612] : memref<320xf32, #tpu.memory_space<vmem>>[vector<16xi32>], vector<16xf32>,
      %add3A_614 = arith.addf %gather3A_609, %gather3A_613 : vector<16xf32>
      %add3A_615 = arith.constant 15 : i32
      %add3A_616 = vector.broadcast %add3A_615 : i32 to vector<16xi32>
      %add3A_617 = arith.addi %mul3A_270, %add3A_616 : vector<16xi32>
      %gather3A_618 = tpu.vector_load_idx %arg9[%add3A_617] : memref<320xf32, #tpu.memory_space<vmem>>[vector<16xi32>], vector<16xf32>,
      %add3A_619 = arith.addf %add3A_614, %gather3A_618 : vector<16xf32>
      %add3A_620 = arith.constant 15 : i32
      %add3A_621 = vector.broadcast %add3A_620 : i32 to vector<16xi32>
      %add3A_622 = arith.addi %mul3A_276, %add3A_621 : vector<16xi32>
      %gather3A_623 = tpu.vector_load_idx %arg9[%add3A_622] : memref<320xf32, #tpu.memory_space<vmem>>[vector<16xi32>], vector<16xf32>,
      %add3A_624 = arith.addf %add3A_619, %gather3A_623 : vector<16xf32>
      %add3A_625 = arith.constant 6480 : i32
      %add3A_626 = vector.broadcast %add3A_625 : i32 to vector<16xi32>
      %add3A_627 = arith.addi %add3A_96, %add3A_626 : vector<16xi32>
      tpu.vector_store_idx %arg10[%add3A_627], %add3A_624 : memref<6912xf32, #tpu.memory_space<vmem>>[vector<16xi32>], vector<16xf32>,
    }
    %scan3A_56 = arith.constant 27 : i32
    %mul3A_57 = arith.constant 320000 : i32
    %mul3A_58 = arith.muli %select_n3A, %mul3A_57 : i32
    %add3A_59 = arith.constant 0 : i32
    %add3A_60 = arith.addi %add3A_34, %add3A_59 : i32
    %mul3A_61 = arith.constant 1280 : i32
    %mul3A_62 = arith.muli %add3A_60, %mul3A_61 : i32
    %add3A_63 = arith.addi %mul3A_58, %mul3A_62 : i32
    %dma_start3A = tpu.memref_slice %arg3[%add3A_63] : memref<1280000xi32, #tpu.memory_space<hbm>> -> memref<1280xi32, #tpu.memory_space<hbm>>
    %dma_start3A_64 = tpu.memref_slice %arg3[%add3A_63] : memref<1280000xi32, #tpu.memory_space<hbm>> -> memref<1280xi32, #tpu.memory_space<hbm>>
    tpu.enqueue_dma source(%dma_start3A_64 : memref<1280xi32, #tpu.memory_space<hbm>>) target(%arg11 : memref<1280xi32, #tpu.memory_space<vmem>>) target_semaphore(%arg19 : memref<!tpu.dma_semaphore, #tpu.memory_space<semaphore_mem>>)
    %dma_start3A_65 = tpu.memref_slice %arg4[%add3A_63] : memref<1280000xi32, #tpu.memory_space<hbm>> -> memref<1280xi32, #tpu.memory_space<hbm>>
    %dma_start3A_66 = tpu.memref_slice %arg4[%add3A_63] : memref<1280000xi32, #tpu.memory_space<hbm>> -> memref<1280xi32, #tpu.memory_space<hbm>>
    tpu.enqueue_dma source(%dma_start3A_66 : memref<1280xi32, #tpu.memory_space<hbm>>) target(%arg13 : memref<1280xi32, #tpu.memory_space<vmem>>) target_semaphore(%arg19 : memref<!tpu.dma_semaphore, #tpu.memory_space<semaphore_mem>>)
    %dma_start3A_67 = tpu.memref_slice %arg5[%add3A_63] : memref<1280000xi32, #tpu.memory_space<hbm>> -> memref<1280xi32, #tpu.memory_space<hbm>>
    %dma_start3A_68 = tpu.memref_slice %arg5[%add3A_63] : memref<1280000xi32, #tpu.memory_space<hbm>> -> memref<1280xi32, #tpu.memory_space<hbm>>
    tpu.enqueue_dma source(%dma_start3A_68 : memref<1280xi32, #tpu.memory_space<hbm>>) target(%arg15 : memref<1280xi32, #tpu.memory_space<vmem>>) target_semaphore(%arg19 : memref<!tpu.dma_semaphore, #tpu.memory_space<semaphore_mem>>)
    %scan3A_69 = arith.constant 0 : i32
    %scan3A_70 = arith.constant 0 : i32
    %scan3A_71 = arith.constant 16 : i32
    %scan3A_72 = arith.addi %scan3A_70, %scan3A_71 : i32
    %scan3A_73 = arith.constant 1 : i32
    scf.for %scan3A_92 = %scan3A_70 to %scan3A_72 step %scan3A_73  : i32 {
      %mul3A_93 = arith.constant 2 : i32
      %mul3A_94 = arith.muli %scan3A_92, %mul3A_93 : i32
      %add3A_95 = arith.constant 0 : i32
      %add3A_96 = arith.addi %mul3A_94, %add3A_95 : i32
      %lt3A_97 = arith.cmpi slt, %add3A_96, %select_n3A_39 : i32
      %convert_element_type3A = arith.extui %lt3A_97 : i1 to i32
      %cond3A = arith.constant 0 : i32
      %cond3A_98 = arith.cmpi ne, %convert_element_type3A, %cond3A : i32
      scf.if %cond3A_98 {
        %add3A_107 = arith.addi %add3A_34, %add3A_96 : i32
        %mul3A_108 = arith.constant 1280 : i32
        %mul3A_109 = arith.muli %add3A_107, %mul3A_108 : i32
        %add3A_110 = arith.constant 1 : i32
        %add3A_111 = arith.addi %add3A_96, %add3A_110 : i32
        %lt3A_112 = arith.cmpi slt, %add3A_111, %select_n3A_39 : i32
        %convert_element_type3A_113 = arith.extui %lt3A_112 : i1 to i32
        %cond3A_114 = arith.constant 0 : i32
        %cond3A_115 = arith.cmpi ne, %convert_element_type3A_113, %cond3A_114 : i32
        scf.if %cond3A_115 {
          %add3A_140 = arith.constant 1 : i32
          %add3A_141 = arith.addi %add3A_96, %add3A_140 : i32
          %mul3A_142 = arith.constant 320000 : i32
          %mul3A_143 = arith.muli %select_n3A, %mul3A_142 : i32
          %add3A_144 = arith.addi %add3A_34, %add3A_141 : i32
          %mul3A_145 = arith.constant 1280 : i32
          %mul3A_146 = arith.muli %add3A_144, %mul3A_145 : i32
          %add3A_147 = arith.addi %mul3A_143, %mul3A_146 : i32
          %dma_start3A_148 = tpu.memref_slice %arg3[%add3A_147] : memref<1280000xi32, #tpu.memory_space<hbm>> -> memref<1280xi32, #tpu.memory_space<hbm>>
          %dma_start3A_149 = tpu.memref_slice %arg3[%add3A_147] : memref<1280000xi32, #tpu.memory_space<hbm>> -> memref<1280xi32, #tpu.memory_space<hbm>>
          tpu.enqueue_dma source(%dma_start3A_149 : memref<1280xi32, #tpu.memory_space<hbm>>) target(%arg12 : memref<1280xi32, #tpu.memory_space<vmem>>) target_semaphore(%arg20 : memref<!tpu.dma_semaphore, #tpu.memory_space<semaphore_mem>>)
          %dma_start3A_150 = tpu.memref_slice %arg4[%add3A_147] : memref<1280000xi32, #tpu.memory_space<hbm>> -> memref<1280xi32, #tpu.memory_space<hbm>>
          %dma_start3A_151 = tpu.memref_slice %arg4[%add3A_147] : memref<1280000xi32, #tpu.memory_space<hbm>> -> memref<1280xi32, #tpu.memory_space<hbm>>
          tpu.enqueue_dma source(%dma_start3A_151 : memref<1280xi32, #tpu.memory_space<hbm>>) target(%arg14 : memref<1280xi32, #tpu.memory_space<vmem>>) target_semaphore(%arg20 : memref<!tpu.dma_semaphore, #tpu.memory_space<semaphore_mem>>)
          %dma_start3A_152 = tpu.memref_slice %arg5[%add3A_147] : memref<1280000xi32, #tpu.memory_space<hbm>> -> memref<1280xi32, #tpu.memory_space<hbm>>
          %dma_start3A_153 = tpu.memref_slice %arg5[%add3A_147] : memref<1280000xi32, #tpu.memory_space<hbm>> -> memref<1280xi32, #tpu.memory_space<hbm>>
          tpu.enqueue_dma source(%dma_start3A_153 : memref<1280xi32, #tpu.memory_space<hbm>>) target(%arg16 : memref<1280xi32, #tpu.memory_space<vmem>>) target_semaphore(%arg20 : memref<!tpu.dma_semaphore, #tpu.memory_space<semaphore_mem>>)
        } else {
        }
        %dma_wait3A_116 = arith.constant 0 : i32
        %dma_wait3A_117 = tpu.memref_slice %arg3[%dma_wait3A_116] : memref<1280000xi32, #tpu.memory_space<hbm>> -> memref<1280xi32, #tpu.memory_space<hbm>>
        %dma_wait3A_118 = arith.constant 0 : i32
        %dma_wait3A_119 = tpu.memref_slice %arg3[%dma_wait3A_118] : memref<1280000xi32, #tpu.memory_space<hbm>> -> memref<1280xi32, #tpu.memory_space<hbm>>
        tpu.wait_dma2 semaphore(%arg19 : memref<!tpu.dma_semaphore, #tpu.memory_space<semaphore_mem>>) src(%dma_wait3A_119 : memref<1280xi32, #tpu.memory_space<hbm>>) dst(%arg11 : memref<1280xi32, #tpu.memory_space<vmem>>)
        %dma_wait3A_120 = arith.constant 0 : i32
        %dma_wait3A_121 = tpu.memref_slice %arg3[%dma_wait3A_120] : memref<1280000xi32, #tpu.memory_space<hbm>> -> memref<1280xi32, #tpu.memory_space<hbm>>
        %dma_wait3A_122 = arith.constant 0 : i32
        %dma_wait3A_123 = tpu.memref_slice %arg3[%dma_wait3A_122] : memref<1280000xi32, #tpu.memory_space<hbm>> -> memref<1280xi32, #tpu.memory_space<hbm>>
        tpu.wait_dma2 semaphore(%arg19 : memref<!tpu.dma_semaphore, #tpu.memory_space<semaphore_mem>>) src(%dma_wait3A_123 : memref<1280xi32, #tpu.memory_space<hbm>>) dst(%arg13 : memref<1280xi32, #tpu.memory_space<vmem>>)
        %dma_wait3A_124 = arith.constant 0 : i32
        %dma_wait3A_125 = tpu.memref_slice %arg3[%dma_wait3A_124] : memref<1280000xi32, #tpu.memory_space<hbm>> -> memref<1280xi32, #tpu.memory_space<hbm>>
        %dma_wait3A_126 = arith.constant 0 : i32
        %dma_wait3A_127 = tpu.memref_slice %arg3[%dma_wait3A_126] : memref<1280000xi32, #tpu.memory_space<hbm>> -> memref<1280xi32, #tpu.memory_space<hbm>>
        tpu.wait_dma2 semaphore(%arg19 : memref<!tpu.dma_semaphore, #tpu.memory_space<semaphore_mem>>) src(%dma_wait3A_127 : memref<1280xi32, #tpu.memory_space<hbm>>) dst(%arg15 : memref<1280xi32, #tpu.memory_space<vmem>>)
        %ge3A = arith.constant 2 : i32
        %ge3A_128 = arith.cmpi sge, %add3A_96, %ge3A : i32
        %convert_element_type3A_129 = arith.extui %ge3A_128 : i1 to i32
        %cond3A_130 = arith.constant 0 : i32
        %cond3A_131 = arith.cmpi ne, %convert_element_type3A_129, %cond3A_130 : i32
        scf.if %cond3A_131 {
          %dma_wait3A_140 = arith.constant 0 : i32
          %dma_wait3A_141 = arith.constant 0 : i32
          %dma_wait3A_142 = arith.constant 0 : i32
          %dma_wait3A_143 = tpu.memref_slice %arg7[%dma_wait3A_140, %dma_wait3A_141, %dma_wait3A_142] : memref<4x16x320000xf32, #tpu.memory_space<hbm>> -> memref<1x16x1280xf32, #tpu.memory_space<hbm>>
          %dma_wait3A_144 = tpu.memref_squeeze %dma_wait3A_143 : memref<1x16x1280xf32, #tpu.memory_space<hbm>> -> memref<16x1280xf32, #tpu.memory_space<hbm>>
          %dma_wait3A_145 = arith.constant 0 : i32
          %dma_wait3A_146 = arith.constant 0 : i32
          %dma_wait3A_147 = tpu.memref_slice %arg7[%dma_wait3A_140, %dma_wait3A_145, %dma_wait3A_146] : memref<4x16x320000xf32, #tpu.memory_space<hbm>> -> memref<1x16x1280xf32, #tpu.memory_space<hbm>>
          %dma_wait3A_148 = tpu.memref_squeeze %dma_wait3A_147 : memref<1x16x1280xf32, #tpu.memory_space<hbm>> -> memref<16x1280xf32, #tpu.memory_space<hbm>>
          tpu.wait_dma2 semaphore(%arg21 : memref<!tpu.dma_semaphore, #tpu.memory_space<semaphore_mem>>) src(%dma_wait3A_148 : memref<16x1280xf32, #tpu.memory_space<hbm>>) dst(%arg17 : memref<16x1280xf32, #tpu.memory_space<vmem>>)
        } else {
        }
        %parallel_loop3A = arith.constant 0 : i32
        %parallel_loop3A_132 = arith.constant 1280 : i32
        %parallel_loop3A_133 = arith.constant 16 : i32
        scf.for %parallel_loop3A_140 = %parallel_loop3A to %parallel_loop3A_132 step %parallel_loop3A_133  : i32 {
          %parallel_loop3A_141 = arith.index_cast %parallel_loop3A_140 : i32 to index
          %parallel_loop3A_142 = tpu.vector_load %arg11[%parallel_loop3A_141] {strides = array<i32>} : memref<1280xi32, #tpu.memory_space<vmem>>, vector<16xi32>,
          %parallel_loop3A_143 = arith.index_cast %parallel_loop3A_140 : i32 to index
          %parallel_loop3A_144 = tpu.vector_load %arg13[%parallel_loop3A_143] {strides = array<i32>} : memref<1280xi32, #tpu.memory_space<vmem>>, vector<16xi32>,
          %parallel_loop3A_145 = arith.constant 0 : i32
          %parallel_loop3A_146 = tpu.memref_slice %arg8[%parallel_loop3A_145] : memref<30000xf32, #tpu.memory_space<vmem>> -> memref<10000xf32, #tpu.memory_space<vmem>>
          %parallel_loop3A_147 = tpu.vector_load_idx %parallel_loop3A_146[%parallel_loop3A_142] : memref<10000xf32, #tpu.memory_space<vmem>>[vector<16xi32>], vector<16xf32>,
          %parallel_loop3A_148 = arith.constant 0 : i32
          %parallel_loop3A_149 = tpu.memref_slice %arg8[%parallel_loop3A_148] : memref<30000xf32, #tpu.memory_space<vmem>> -> memref<10000xf32, #tpu.memory_space<vmem>>
          %parallel_loop3A_150 = tpu.vector_load_idx %parallel_loop3A_149[%parallel_loop3A_144] : memref<10000xf32, #tpu.memory_space<vmem>>[vector<16xi32>], vector<16xf32>,
          %parallel_loop3A_151 = arith.subf %parallel_loop3A_147, %parallel_loop3A_150 : vector<16xf32>
          %parallel_loop3A_152 = arith.constant 10000 : i32
          %parallel_loop3A_153 = tpu.memref_slice %arg8[%parallel_loop3A_152] : memref<30000xf32, #tpu.memory_space<vmem>> -> memref<10000xf32, #tpu.memory_space<vmem>>
          %parallel_loop3A_154 = tpu.vector_load_idx %parallel_loop3A_153[%parallel_loop3A_142] : memref<10000xf32, #tpu.memory_space<vmem>>[vector<16xi32>], vector<16xf32>,
          %parallel_loop3A_155 = arith.constant 10000 : i32
          %parallel_loop3A_156 = tpu.memref_slice %arg8[%parallel_loop3A_155] : memref<30000xf32, #tpu.memory_space<vmem>> -> memref<10000xf32, #tpu.memory_space<vmem>>
          %parallel_loop3A_157 = tpu.vector_load_idx %parallel_loop3A_156[%parallel_loop3A_144] : memref<10000xf32, #tpu.memory_space<vmem>>[vector<16xi32>], vector<16xf32>,
          %parallel_loop3A_158 = arith.subf %parallel_loop3A_154, %parallel_loop3A_157 : vector<16xf32>
          %parallel_loop3A_159 = arith.constant 20000 : i32
          %parallel_loop3A_160 = tpu.memref_slice %arg8[%parallel_loop3A_159] : memref<30000xf32, #tpu.memory_space<vmem>> -> memref<10000xf32, #tpu.memory_space<vmem>>
          %parallel_loop3A_161 = tpu.vector_load_idx %parallel_loop3A_160[%parallel_loop3A_142] : memref<10000xf32, #tpu.memory_space<vmem>>[vector<16xi32>], vector<16xf32>,
          %parallel_loop3A_162 = arith.constant 20000 : i32
          %parallel_loop3A_163 = tpu.memref_slice %arg8[%parallel_loop3A_162] : memref<30000xf32, #tpu.memory_space<vmem>> -> memref<10000xf32, #tpu.memory_space<vmem>>
          %parallel_loop3A_164 = tpu.vector_load_idx %parallel_loop3A_163[%parallel_loop3A_144] : memref<10000xf32, #tpu.memory_space<vmem>>[vector<16xi32>], vector<16xf32>,
          %parallel_loop3A_165 = arith.subf %parallel_loop3A_161, %parallel_loop3A_164 : vector<16xf32>
          %parallel_loop3A_166 = arith.mulf %parallel_loop3A_151, %parallel_loop3A_151 : vector<16xf32>
          %parallel_loop3A_167 = arith.mulf %parallel_loop3A_158, %parallel_loop3A_158 : vector<16xf32>
          %parallel_loop3A_168 = arith.addf %parallel_loop3A_166, %parallel_loop3A_167 : vector<16xf32>
          %parallel_loop3A_169 = arith.mulf %parallel_loop3A_165, %parallel_loop3A_165 : vector<16xf32>
          %parallel_loop3A_170 = arith.addf %parallel_loop3A_168, %parallel_loop3A_169 : vector<16xf32>
          %parallel_loop3A_171 = arith.constant 9.99999996E-13 : f32
          %parallel_loop3A_172 = vector.broadcast %parallel_loop3A_171 : f32 to vector<16xf32>
          %parallel_loop3A_173 = arith.addf %parallel_loop3A_170, %parallel_loop3A_172 : vector<16xf32>
          %parallel_loop3A_174 = vector.bitcast %parallel_loop3A_173 : vector<16xf32> to vector<16xi32>
          %parallel_loop3A_175 = arith.constant 1 : i32
          %parallel_loop3A_176 = vector.broadcast %parallel_loop3A_175 : i32 to vector<16xi32>
          %parallel_loop3A_177 = arith.shrsi %parallel_loop3A_174, %parallel_loop3A_176 : vector<16xi32>
          %parallel_loop3A_178 = arith.constant 1597463007 : i32
          %parallel_loop3A_179 = vector.broadcast %parallel_loop3A_178 : i32 to vector<16xi32>
          %parallel_loop3A_180 = arith.subi %parallel_loop3A_179, %parallel_loop3A_177 : vector<16xi32>
          %parallel_loop3A_181 = vector.bitcast %parallel_loop3A_180 : vector<16xi32> to vector<16xf32>
          %parallel_loop3A_182 = arith.constant 5.000000e-01 : f32
          %parallel_loop3A_183 = vector.broadcast %parallel_loop3A_182 : f32 to vector<16xf32>
          %parallel_loop3A_184 = arith.mulf %parallel_loop3A_183, %parallel_loop3A_173 : vector<16xf32>
          %parallel_loop3A_185 = arith.mulf %parallel_loop3A_184, %parallel_loop3A_181 : vector<16xf32>
          %parallel_loop3A_186 = arith.mulf %parallel_loop3A_185, %parallel_loop3A_181 : vector<16xf32>
          %parallel_loop3A_187 = arith.constant 1.500000e+00 : f32
          %parallel_loop3A_188 = vector.broadcast %parallel_loop3A_187 : f32 to vector<16xf32>
          %parallel_loop3A_189 = arith.subf %parallel_loop3A_188, %parallel_loop3A_186 : vector<16xf32>
          %parallel_loop3A_190 = arith.mulf %parallel_loop3A_181, %parallel_loop3A_189 : vector<16xf32>
          %parallel_loop3A_191 = arith.constant 5.000000e-01 : f32
          %parallel_loop3A_192 = vector.broadcast %parallel_loop3A_191 : f32 to vector<16xf32>
          %parallel_loop3A_193 = arith.mulf %parallel_loop3A_192, %parallel_loop3A_173 : vector<16xf32>
          %parallel_loop3A_194 = arith.mulf %parallel_loop3A_193, %parallel_loop3A_190 : vector<16xf32>
          %parallel_loop3A_195 = arith.mulf %parallel_loop3A_194, %parallel_loop3A_190 : vector<16xf32>
          %parallel_loop3A_196 = arith.constant 1.500000e+00 : f32
          %parallel_loop3A_197 = vector.broadcast %parallel_loop3A_196 : f32 to vector<16xf32>
          %parallel_loop3A_198 = arith.subf %parallel_loop3A_197, %parallel_loop3A_195 : vector<16xf32>
          %parallel_loop3A_199 = arith.mulf %parallel_loop3A_190, %parallel_loop3A_198 : vector<16xf32>
          %parallel_loop3A_200 = arith.mulf %parallel_loop3A_173, %parallel_loop3A_199 : vector<16xf32>
          %parallel_loop3A_201 = arith.index_cast %parallel_loop3A_140 : i32 to index
          %parallel_loop3A_202 = tpu.vector_load %arg15[%parallel_loop3A_201] {strides = array<i32>} : memref<1280xi32, #tpu.memory_space<vmem>>, vector<16xi32>,
          %parallel_loop3A_203 = arith.constant 0.000000e+00 : f32
          %parallel_loop3A_204 = vector.broadcast %parallel_loop3A_203 : f32 to vector<16xf32>
          %parallel_loop3A_205 = arith.subf %parallel_loop3A_200, %parallel_loop3A_204 : vector<16xf32>
          %parallel_loop3A_206 = arith.mulf %parallel_loop3A_205, %parallel_loop3A_205 : vector<16xf32>
          %parallel_loop3A_207 = arith.constant -2.250000e+00 : f32
          %parallel_loop3A_208 = vector.broadcast %parallel_loop3A_207 : f32 to vector<16xf32>
          %parallel_loop3A_209 = arith.mulf %parallel_loop3A_206, %parallel_loop3A_208 : vector<16xf32>
          %parallel_loop3A_210 = math.exp %parallel_loop3A_209 : vector<16xf32>
          %parallel_loop3A_211 = arith.constant 0 : i32
          %parallel_loop3A_212 = tpu.memref_slice %arg10[%parallel_loop3A_211] : memref<6912xf32, #tpu.memory_space<vmem>> -> memref<432xf32, #tpu.memory_space<vmem>>
          %parallel_loop3A_213 = tpu.vector_load_idx %parallel_loop3A_212[%parallel_loop3A_202] : memref<432xf32, #tpu.memory_space<vmem>>[vector<16xi32>], vector<16xf32>,
          %parallel_loop3A_214 = arith.addf %parallel_loop3A_210, %parallel_loop3A_213 : vector<16xf32>
          %parallel_loop3A_215 = arith.constant 0 : i32
          %parallel_loop3A_216 = arith.index_cast %parallel_loop3A_215 : i32 to index
          %parallel_loop3A_217 = arith.index_cast %parallel_loop3A_140 : i32 to index
          %parallel_loop3A_218 = tpu.vector_load %arg17[%parallel_loop3A_216, %parallel_loop3A_217] {strides = array<i32>} : memref<16x1280xf32, #tpu.memory_space<vmem>>, vector<16xf32>,
          tpu.vector_store %arg17[%parallel_loop3A_216, %parallel_loop3A_217], %parallel_loop3A_214 {strides = array<i32>} : memref<16x1280xf32, #tpu.memory_space<vmem>>, vector<16xf32>,
          %parallel_loop3A_219 = arith.constant 0.666666686 : f32
          %parallel_loop3A_220 = vector.broadcast %parallel_loop3A_219 : f32 to vector<16xf32>
          %parallel_loop3A_221 = arith.subf %parallel_loop3A_200, %parallel_loop3A_220 : vector<16xf32>
          %parallel_loop3A_222 = arith.mulf %parallel_loop3A_221, %parallel_loop3A_221 : vector<16xf32>
          %parallel_loop3A_223 = arith.constant -2.250000e+00 : f32
          %parallel_loop3A_224 = vector.broadcast %parallel_loop3A_223 : f32 to vector<16xf32>
          %parallel_loop3A_225 = arith.mulf %parallel_loop3A_222, %parallel_loop3A_224 : vector<16xf32>
          %parallel_loop3A_226 = math.exp %parallel_loop3A_225 : vector<16xf32>
          %parallel_loop3A_227 = arith.constant 432 : i32
          %parallel_loop3A_228 = tpu.memref_slice %arg10[%parallel_loop3A_227] : memref<6912xf32, #tpu.memory_space<vmem>> -> memref<432xf32, #tpu.memory_space<vmem>>
          %parallel_loop3A_229 = tpu.vector_load_idx %parallel_loop3A_228[%parallel_loop3A_202] : memref<432xf32, #tpu.memory_space<vmem>>[vector<16xi32>], vector<16xf32>,
          %parallel_loop3A_230 = arith.addf %parallel_loop3A_226, %parallel_loop3A_229 : vector<16xf32>
          %parallel_loop3A_231 = arith.constant 1 : i32
          %parallel_loop3A_232 = arith.index_cast %parallel_loop3A_231 : i32 to index
          %parallel_loop3A_233 = arith.index_cast %parallel_loop3A_140 : i32 to index
          %parallel_loop3A_234 = tpu.vector_load %arg17[%parallel_loop3A_232, %parallel_loop3A_233] {strides = array<i32>} : memref<16x1280xf32, #tpu.memory_space<vmem>>, vector<16xf32>,
          tpu.vector_store %arg17[%parallel_loop3A_232, %parallel_loop3A_233], %parallel_loop3A_230 {strides = array<i32>} : memref<16x1280xf32, #tpu.memory_space<vmem>>, vector<16xf32>,
          %parallel_loop3A_235 = arith.constant 1.33333337 : f32
          %parallel_loop3A_236 = vector.broadcast %parallel_loop3A_235 : f32 to vector<16xf32>
          %parallel_loop3A_237 = arith.subf %parallel_loop3A_200, %parallel_loop3A_236 : vector<16xf32>
          %parallel_loop3A_238 = arith.mulf %parallel_loop3A_237, %parallel_loop3A_237 : vector<16xf32>
          %parallel_loop3A_239 = arith.constant -2.250000e+00 : f32
          %parallel_loop3A_240 = vector.broadcast %parallel_loop3A_239 : f32 to vector<16xf32>
          %parallel_loop3A_241 = arith.mulf %parallel_loop3A_238, %parallel_loop3A_240 : vector<16xf32>
          %parallel_loop3A_242 = math.exp %parallel_loop3A_241 : vector<16xf32>
          %parallel_loop3A_243 = arith.constant 864 : i32
          %parallel_loop3A_244 = tpu.memref_slice %arg10[%parallel_loop3A_243] : memref<6912xf32, #tpu.memory_space<vmem>> -> memref<432xf32, #tpu.memory_space<vmem>>
          %parallel_loop3A_245 = tpu.vector_load_idx %parallel_loop3A_244[%parallel_loop3A_202] : memref<432xf32, #tpu.memory_space<vmem>>[vector<16xi32>], vector<16xf32>,
          %parallel_loop3A_246 = arith.addf %parallel_loop3A_242, %parallel_loop3A_245 : vector<16xf32>
          %parallel_loop3A_247 = arith.constant 2 : i32
          %parallel_loop3A_248 = arith.index_cast %parallel_loop3A_247 : i32 to index
          %parallel_loop3A_249 = arith.index_cast %parallel_loop3A_140 : i32 to index
          %parallel_loop3A_250 = tpu.vector_load %arg17[%parallel_loop3A_248, %parallel_loop3A_249] {strides = array<i32>} : memref<16x1280xf32, #tpu.memory_space<vmem>>, vector<16xf32>,
          tpu.vector_store %arg17[%parallel_loop3A_248, %parallel_loop3A_249], %parallel_loop3A_246 {strides = array<i32>} : memref<16x1280xf32, #tpu.memory_space<vmem>>, vector<16xf32>,
          %parallel_loop3A_251 = arith.constant 2.000000e+00 : f32
          %parallel_loop3A_252 = vector.broadcast %parallel_loop3A_251 : f32 to vector<16xf32>
          %parallel_loop3A_253 = arith.subf %parallel_loop3A_200, %parallel_loop3A_252 : vector<16xf32>
          %parallel_loop3A_254 = arith.mulf %parallel_loop3A_253, %parallel_loop3A_253 : vector<16xf32>
          %parallel_loop3A_255 = arith.constant -2.250000e+00 : f32
          %parallel_loop3A_256 = vector.broadcast %parallel_loop3A_255 : f32 to vector<16xf32>
          %parallel_loop3A_257 = arith.mulf %parallel_loop3A_254, %parallel_loop3A_256 : vector<16xf32>
          %parallel_loop3A_258 = math.exp %parallel_loop3A_257 : vector<16xf32>
          %parallel_loop3A_259 = arith.constant 1296 : i32
          %parallel_loop3A_260 = tpu.memref_slice %arg10[%parallel_loop3A_259] : memref<6912xf32, #tpu.memory_space<vmem>> -> memref<432xf32, #tpu.memory_space<vmem>>
          %parallel_loop3A_261 = tpu.vector_load_idx %parallel_loop3A_260[%parallel_loop3A_202] : memref<432xf32, #tpu.memory_space<vmem>>[vector<16xi32>], vector<16xf32>,
          %parallel_loop3A_262 = arith.addf %parallel_loop3A_258, %parallel_loop3A_261 : vector<16xf32>
          %parallel_loop3A_263 = arith.constant 3 : i32
          %parallel_loop3A_264 = arith.index_cast %parallel_loop3A_263 : i32 to index
          %parallel_loop3A_265 = arith.index_cast %parallel_loop3A_140 : i32 to index
          %parallel_loop3A_266 = tpu.vector_load %arg17[%parallel_loop3A_264, %parallel_loop3A_265] {strides = array<i32>} : memref<16x1280xf32, #tpu.memory_space<vmem>>, vector<16xf32>,
          tpu.vector_store %arg17[%parallel_loop3A_264, %parallel_loop3A_265], %parallel_loop3A_262 {strides = array<i32>} : memref<16x1280xf32, #tpu.memory_space<vmem>>, vector<16xf32>,
          %parallel_loop3A_267 = arith.constant 2.66666675 : f32
          %parallel_loop3A_268 = vector.broadcast %parallel_loop3A_267 : f32 to vector<16xf32>
          %parallel_loop3A_269 = arith.subf %parallel_loop3A_200, %parallel_loop3A_268 : vector<16xf32>
          %parallel_loop3A_270 = arith.mulf %parallel_loop3A_269, %parallel_loop3A_269 : vector<16xf32>
          %parallel_loop3A_271 = arith.constant -2.250000e+00 : f32
          %parallel_loop3A_272 = vector.broadcast %parallel_loop3A_271 : f32 to vector<16xf32>
          %parallel_loop3A_273 = arith.mulf %parallel_loop3A_270, %parallel_loop3A_272 : vector<16xf32>
          %parallel_loop3A_274 = math.exp %parallel_loop3A_273 : vector<16xf32>
          %parallel_loop3A_275 = arith.constant 1728 : i32
          %parallel_loop3A_276 = tpu.memref_slice %arg10[%parallel_loop3A_275] : memref<6912xf32, #tpu.memory_space<vmem>> -> memref<432xf32, #tpu.memory_space<vmem>>
          %parallel_loop3A_277 = tpu.vector_load_idx %parallel_loop3A_276[%parallel_loop3A_202] : memref<432xf32, #tpu.memory_space<vmem>>[vector<16xi32>], vector<16xf32>,
          %parallel_loop3A_278 = arith.addf %parallel_loop3A_274, %parallel_loop3A_277 : vector<16xf32>
          %parallel_loop3A_279 = arith.constant 4 : i32
          %parallel_loop3A_280 = arith.index_cast %parallel_loop3A_279 : i32 to index
          %parallel_loop3A_281 = arith.index_cast %parallel_loop3A_140 : i32 to index
          %parallel_loop3A_282 = tpu.vector_load %arg17[%parallel_loop3A_280, %parallel_loop3A_281] {strides = array<i32>} : memref<16x1280xf32, #tpu.memory_space<vmem>>, vector<16xf32>,
          tpu.vector_store %arg17[%parallel_loop3A_280, %parallel_loop3A_281], %parallel_loop3A_278 {strides = array<i32>} : memref<16x1280xf32, #tpu.memory_space<vmem>>, vector<16xf32>,
          %parallel_loop3A_283 = arith.constant 3.33333325 : f32
          %parallel_loop3A_284 = vector.broadcast %parallel_loop3A_283 : f32 to vector<16xf32>
          %parallel_loop3A_285 = arith.subf %parallel_loop3A_200, %parallel_loop3A_284 : vector<16xf32>
          %parallel_loop3A_286 = arith.mulf %parallel_loop3A_285, %parallel_loop3A_285 : vector<16xf32>
          %parallel_loop3A_287 = arith.constant -2.250000e+00 : f32
          %parallel_loop3A_288 = vector.broadcast %parallel_loop3A_287 : f32 to vector<16xf32>
          %parallel_loop3A_289 = arith.mulf %parallel_loop3A_286, %parallel_loop3A_288 : vector<16xf32>
          %parallel_loop3A_290 = math.exp %parallel_loop3A_289 : vector<16xf32>
          %parallel_loop3A_291 = arith.constant 2160 : i32
          %parallel_loop3A_292 = tpu.memref_slice %arg10[%parallel_loop3A_291] : memref<6912xf32, #tpu.memory_space<vmem>> -> memref<432xf32, #tpu.memory_space<vmem>>
          %parallel_loop3A_293 = tpu.vector_load_idx %parallel_loop3A_292[%parallel_loop3A_202] : memref<432xf32, #tpu.memory_space<vmem>>[vector<16xi32>], vector<16xf32>,
          %parallel_loop3A_294 = arith.addf %parallel_loop3A_290, %parallel_loop3A_293 : vector<16xf32>
          %parallel_loop3A_295 = arith.constant 5 : i32
          %parallel_loop3A_296 = arith.index_cast %parallel_loop3A_295 : i32 to index
          %parallel_loop3A_297 = arith.index_cast %parallel_loop3A_140 : i32 to index
          %parallel_loop3A_298 = tpu.vector_load %arg17[%parallel_loop3A_296, %parallel_loop3A_297] {strides = array<i32>} : memref<16x1280xf32, #tpu.memory_space<vmem>>, vector<16xf32>,
          tpu.vector_store %arg17[%parallel_loop3A_296, %parallel_loop3A_297], %parallel_loop3A_294 {strides = array<i32>} : memref<16x1280xf32, #tpu.memory_space<vmem>>, vector<16xf32>,
          %parallel_loop3A_299 = arith.constant 4.000000e+00 : f32
          %parallel_loop3A_300 = vector.broadcast %parallel_loop3A_299 : f32 to vector<16xf32>
          %parallel_loop3A_301 = arith.subf %parallel_loop3A_200, %parallel_loop3A_300 : vector<16xf32>
          %parallel_loop3A_302 = arith.mulf %parallel_loop3A_301, %parallel_loop3A_301 : vector<16xf32>
          %parallel_loop3A_303 = arith.constant -2.250000e+00 : f32
          %parallel_loop3A_304 = vector.broadcast %parallel_loop3A_303 : f32 to vector<16xf32>
          %parallel_loop3A_305 = arith.mulf %parallel_loop3A_302, %parallel_loop3A_304 : vector<16xf32>
          %parallel_loop3A_306 = math.exp %parallel_loop3A_305 : vector<16xf32>
          %parallel_loop3A_307 = arith.constant 2592 : i32
          %parallel_loop3A_308 = tpu.memref_slice %arg10[%parallel_loop3A_307] : memref<6912xf32, #tpu.memory_space<vmem>> -> memref<432xf32, #tpu.memory_space<vmem>>
          %parallel_loop3A_309 = tpu.vector_load_idx %parallel_loop3A_308[%parallel_loop3A_202] : memref<432xf32, #tpu.memory_space<vmem>>[vector<16xi32>], vector<16xf32>,
          %parallel_loop3A_310 = arith.addf %parallel_loop3A_306, %parallel_loop3A_309 : vector<16xf32>
          %parallel_loop3A_311 = arith.constant 6 : i32
          %parallel_loop3A_312 = arith.index_cast %parallel_loop3A_311 : i32 to index
          %parallel_loop3A_313 = arith.index_cast %parallel_loop3A_140 : i32 to index
          %parallel_loop3A_314 = tpu.vector_load %arg17[%parallel_loop3A_312, %parallel_loop3A_313] {strides = array<i32>} : memref<16x1280xf32, #tpu.memory_space<vmem>>, vector<16xf32>,
          tpu.vector_store %arg17[%parallel_loop3A_312, %parallel_loop3A_313], %parallel_loop3A_310 {strides = array<i32>} : memref<16x1280xf32, #tpu.memory_space<vmem>>, vector<16xf32>,
          %parallel_loop3A_315 = arith.constant 4.66666651 : f32
          %parallel_loop3A_316 = vector.broadcast %parallel_loop3A_315 : f32 to vector<16xf32>
          %parallel_loop3A_317 = arith.subf %parallel_loop3A_200, %parallel_loop3A_316 : vector<16xf32>
          %parallel_loop3A_318 = arith.mulf %parallel_loop3A_317, %parallel_loop3A_317 : vector<16xf32>
          %parallel_loop3A_319 = arith.constant -2.250000e+00 : f32
          %parallel_loop3A_320 = vector.broadcast %parallel_loop3A_319 : f32 to vector<16xf32>
          %parallel_loop3A_321 = arith.mulf %parallel_loop3A_318, %parallel_loop3A_320 : vector<16xf32>
          %parallel_loop3A_322 = math.exp %parallel_loop3A_321 : vector<16xf32>
          %parallel_loop3A_323 = arith.constant 3024 : i32
          %parallel_loop3A_324 = tpu.memref_slice %arg10[%parallel_loop3A_323] : memref<6912xf32, #tpu.memory_space<vmem>> -> memref<432xf32, #tpu.memory_space<vmem>>
          %parallel_loop3A_325 = tpu.vector_load_idx %parallel_loop3A_324[%parallel_loop3A_202] : memref<432xf32, #tpu.memory_space<vmem>>[vector<16xi32>], vector<16xf32>,
          %parallel_loop3A_326 = arith.addf %parallel_loop3A_322, %parallel_loop3A_325 : vector<16xf32>
          %parallel_loop3A_327 = arith.constant 7 : i32
          %parallel_loop3A_328 = arith.index_cast %parallel_loop3A_327 : i32 to index
          %parallel_loop3A_329 = arith.index_cast %parallel_loop3A_140 : i32 to index
          %parallel_loop3A_330 = tpu.vector_load %arg17[%parallel_loop3A_328, %parallel_loop3A_329] {strides = array<i32>} : memref<16x1280xf32, #tpu.memory_space<vmem>>, vector<16xf32>,
          tpu.vector_store %arg17[%parallel_loop3A_328, %parallel_loop3A_329], %parallel_loop3A_326 {strides = array<i32>} : memref<16x1280xf32, #tpu.memory_space<vmem>>, vector<16xf32>,
          %parallel_loop3A_331 = arith.constant 5.33333349 : f32
          %parallel_loop3A_332 = vector.broadcast %parallel_loop3A_331 : f32 to vector<16xf32>
          %parallel_loop3A_333 = arith.subf %parallel_loop3A_200, %parallel_loop3A_332 : vector<16xf32>
          %parallel_loop3A_334 = arith.mulf %parallel_loop3A_333, %parallel_loop3A_333 : vector<16xf32>
          %parallel_loop3A_335 = arith.constant -2.250000e+00 : f32
          %parallel_loop3A_336 = vector.broadcast %parallel_loop3A_335 : f32 to vector<16xf32>
          %parallel_loop3A_337 = arith.mulf %parallel_loop3A_334, %parallel_loop3A_336 : vector<16xf32>
          %parallel_loop3A_338 = math.exp %parallel_loop3A_337 : vector<16xf32>
          %parallel_loop3A_339 = arith.constant 3456 : i32
          %parallel_loop3A_340 = tpu.memref_slice %arg10[%parallel_loop3A_339] : memref<6912xf32, #tpu.memory_space<vmem>> -> memref<432xf32, #tpu.memory_space<vmem>>
          %parallel_loop3A_341 = tpu.vector_load_idx %parallel_loop3A_340[%parallel_loop3A_202] : memref<432xf32, #tpu.memory_space<vmem>>[vector<16xi32>], vector<16xf32>,
          %parallel_loop3A_342 = arith.addf %parallel_loop3A_338, %parallel_loop3A_341 : vector<16xf32>
          %parallel_loop3A_343 = arith.constant 8 : i32
          %parallel_loop3A_344 = arith.index_cast %parallel_loop3A_343 : i32 to index
          %parallel_loop3A_345 = arith.index_cast %parallel_loop3A_140 : i32 to index
          %parallel_loop3A_346 = tpu.vector_load %arg17[%parallel_loop3A_344, %parallel_loop3A_345] {strides = array<i32>} : memref<16x1280xf32, #tpu.memory_space<vmem>>, vector<16xf32>,
          tpu.vector_store %arg17[%parallel_loop3A_344, %parallel_loop3A_345], %parallel_loop3A_342 {strides = array<i32>} : memref<16x1280xf32, #tpu.memory_space<vmem>>, vector<16xf32>,
          %parallel_loop3A_347 = arith.constant 6.000000e+00 : f32
          %parallel_loop3A_348 = vector.broadcast %parallel_loop3A_347 : f32 to vector<16xf32>
          %parallel_loop3A_349 = arith.subf %parallel_loop3A_200, %parallel_loop3A_348 : vector<16xf32>
          %parallel_loop3A_350 = arith.mulf %parallel_loop3A_349, %parallel_loop3A_349 : vector<16xf32>
          %parallel_loop3A_351 = arith.constant -2.250000e+00 : f32
          %parallel_loop3A_352 = vector.broadcast %parallel_loop3A_351 : f32 to vector<16xf32>
          %parallel_loop3A_353 = arith.mulf %parallel_loop3A_350, %parallel_loop3A_352 : vector<16xf32>
          %parallel_loop3A_354 = math.exp %parallel_loop3A_353 : vector<16xf32>
          %parallel_loop3A_355 = arith.constant 3888 : i32
          %parallel_loop3A_356 = tpu.memref_slice %arg10[%parallel_loop3A_355] : memref<6912xf32, #tpu.memory_space<vmem>> -> memref<432xf32, #tpu.memory_space<vmem>>
          %parallel_loop3A_357 = tpu.vector_load_idx %parallel_loop3A_356[%parallel_loop3A_202] : memref<432xf32, #tpu.memory_space<vmem>>[vector<16xi32>], vector<16xf32>,
          %parallel_loop3A_358 = arith.addf %parallel_loop3A_354, %parallel_loop3A_357 : vector<16xf32>
          %parallel_loop3A_359 = arith.constant 9 : i32
          %parallel_loop3A_360 = arith.index_cast %parallel_loop3A_359 : i32 to index
          %parallel_loop3A_361 = arith.index_cast %parallel_loop3A_140 : i32 to index
          %parallel_loop3A_362 = tpu.vector_load %arg17[%parallel_loop3A_360, %parallel_loop3A_361] {strides = array<i32>} : memref<16x1280xf32, #tpu.memory_space<vmem>>, vector<16xf32>,
          tpu.vector_store %arg17[%parallel_loop3A_360, %parallel_loop3A_361], %parallel_loop3A_358 {strides = array<i32>} : memref<16x1280xf32, #tpu.memory_space<vmem>>, vector<16xf32>,
          %parallel_loop3A_363 = arith.constant 6.66666651 : f32
          %parallel_loop3A_364 = vector.broadcast %parallel_loop3A_363 : f32 to vector<16xf32>
          %parallel_loop3A_365 = arith.subf %parallel_loop3A_200, %parallel_loop3A_364 : vector<16xf32>
          %parallel_loop3A_366 = arith.mulf %parallel_loop3A_365, %parallel_loop3A_365 : vector<16xf32>
          %parallel_loop3A_367 = arith.constant -2.250000e+00 : f32
          %parallel_loop3A_368 = vector.broadcast %parallel_loop3A_367 : f32 to vector<16xf32>
          %parallel_loop3A_369 = arith.mulf %parallel_loop3A_366, %parallel_loop3A_368 : vector<16xf32>
          %parallel_loop3A_370 = math.exp %parallel_loop3A_369 : vector<16xf32>
          %parallel_loop3A_371 = arith.constant 4320 : i32
          %parallel_loop3A_372 = tpu.memref_slice %arg10[%parallel_loop3A_371] : memref<6912xf32, #tpu.memory_space<vmem>> -> memref<432xf32, #tpu.memory_space<vmem>>
          %parallel_loop3A_373 = tpu.vector_load_idx %parallel_loop3A_372[%parallel_loop3A_202] : memref<432xf32, #tpu.memory_space<vmem>>[vector<16xi32>], vector<16xf32>,
          %parallel_loop3A_374 = arith.addf %parallel_loop3A_370, %parallel_loop3A_373 : vector<16xf32>
          %parallel_loop3A_375 = arith.constant 10 : i32
          %parallel_loop3A_376 = arith.index_cast %parallel_loop3A_375 : i32 to index
          %parallel_loop3A_377 = arith.index_cast %parallel_loop3A_140 : i32 to index
          %parallel_loop3A_378 = tpu.vector_load %arg17[%parallel_loop3A_376, %parallel_loop3A_377] {strides = array<i32>} : memref<16x1280xf32, #tpu.memory_space<vmem>>, vector<16xf32>,
          tpu.vector_store %arg17[%parallel_loop3A_376, %parallel_loop3A_377], %parallel_loop3A_374 {strides = array<i32>} : memref<16x1280xf32, #tpu.memory_space<vmem>>, vector<16xf32>,
          %parallel_loop3A_379 = arith.constant 7.33333349 : f32
          %parallel_loop3A_380 = vector.broadcast %parallel_loop3A_379 : f32 to vector<16xf32>
          %parallel_loop3A_381 = arith.subf %parallel_loop3A_200, %parallel_loop3A_380 : vector<16xf32>
          %parallel_loop3A_382 = arith.mulf %parallel_loop3A_381, %parallel_loop3A_381 : vector<16xf32>
          %parallel_loop3A_383 = arith.constant -2.250000e+00 : f32
          %parallel_loop3A_384 = vector.broadcast %parallel_loop3A_383 : f32 to vector<16xf32>
          %parallel_loop3A_385 = arith.mulf %parallel_loop3A_382, %parallel_loop3A_384 : vector<16xf32>
          %parallel_loop3A_386 = math.exp %parallel_loop3A_385 : vector<16xf32>
          %parallel_loop3A_387 = arith.constant 4752 : i32
          %parallel_loop3A_388 = tpu.memref_slice %arg10[%parallel_loop3A_387] : memref<6912xf32, #tpu.memory_space<vmem>> -> memref<432xf32, #tpu.memory_space<vmem>>
          %parallel_loop3A_389 = tpu.vector_load_idx %parallel_loop3A_388[%parallel_loop3A_202] : memref<432xf32, #tpu.memory_space<vmem>>[vector<16xi32>], vector<16xf32>,
          %parallel_loop3A_390 = arith.addf %parallel_loop3A_386, %parallel_loop3A_389 : vector<16xf32>
          %parallel_loop3A_391 = arith.constant 11 : i32
          %parallel_loop3A_392 = arith.index_cast %parallel_loop3A_391 : i32 to index
          %parallel_loop3A_393 = arith.index_cast %parallel_loop3A_140 : i32 to index
          %parallel_loop3A_394 = tpu.vector_load %arg17[%parallel_loop3A_392, %parallel_loop3A_393] {strides = array<i32>} : memref<16x1280xf32, #tpu.memory_space<vmem>>, vector<16xf32>,
          tpu.vector_store %arg17[%parallel_loop3A_392, %parallel_loop3A_393], %parallel_loop3A_390 {strides = array<i32>} : memref<16x1280xf32, #tpu.memory_space<vmem>>, vector<16xf32>,
          %parallel_loop3A_395 = arith.constant 8.000000e+00 : f32
          %parallel_loop3A_396 = vector.broadcast %parallel_loop3A_395 : f32 to vector<16xf32>
          %parallel_loop3A_397 = arith.subf %parallel_loop3A_200, %parallel_loop3A_396 : vector<16xf32>
          %parallel_loop3A_398 = arith.mulf %parallel_loop3A_397, %parallel_loop3A_397 : vector<16xf32>
          %parallel_loop3A_399 = arith.constant -2.250000e+00 : f32
          %parallel_loop3A_400 = vector.broadcast %parallel_loop3A_399 : f32 to vector<16xf32>
          %parallel_loop3A_401 = arith.mulf %parallel_loop3A_398, %parallel_loop3A_400 : vector<16xf32>
          %parallel_loop3A_402 = math.exp %parallel_loop3A_401 : vector<16xf32>
          %parallel_loop3A_403 = arith.constant 5184 : i32
          %parallel_loop3A_404 = tpu.memref_slice %arg10[%parallel_loop3A_403] : memref<6912xf32, #tpu.memory_space<vmem>> -> memref<432xf32, #tpu.memory_space<vmem>>
          %parallel_loop3A_405 = tpu.vector_load_idx %parallel_loop3A_404[%parallel_loop3A_202] : memref<432xf32, #tpu.memory_space<vmem>>[vector<16xi32>], vector<16xf32>,
          %parallel_loop3A_406 = arith.addf %parallel_loop3A_402, %parallel_loop3A_405 : vector<16xf32>
          %parallel_loop3A_407 = arith.constant 12 : i32
          %parallel_loop3A_408 = arith.index_cast %parallel_loop3A_407 : i32 to index
          %parallel_loop3A_409 = arith.index_cast %parallel_loop3A_140 : i32 to index
          %parallel_loop3A_410 = tpu.vector_load %arg17[%parallel_loop3A_408, %parallel_loop3A_409] {strides = array<i32>} : memref<16x1280xf32, #tpu.memory_space<vmem>>, vector<16xf32>,
          tpu.vector_store %arg17[%parallel_loop3A_408, %parallel_loop3A_409], %parallel_loop3A_406 {strides = array<i32>} : memref<16x1280xf32, #tpu.memory_space<vmem>>, vector<16xf32>,
          %parallel_loop3A_411 = arith.constant 8.66666698 : f32
          %parallel_loop3A_412 = vector.broadcast %parallel_loop3A_411 : f32 to vector<16xf32>
          %parallel_loop3A_413 = arith.subf %parallel_loop3A_200, %parallel_loop3A_412 : vector<16xf32>
          %parallel_loop3A_414 = arith.mulf %parallel_loop3A_413, %parallel_loop3A_413 : vector<16xf32>
          %parallel_loop3A_415 = arith.constant -2.250000e+00 : f32
          %parallel_loop3A_416 = vector.broadcast %parallel_loop3A_415 : f32 to vector<16xf32>
          %parallel_loop3A_417 = arith.mulf %parallel_loop3A_414, %parallel_loop3A_416 : vector<16xf32>
          %parallel_loop3A_418 = math.exp %parallel_loop3A_417 : vector<16xf32>
          %parallel_loop3A_419 = arith.constant 5616 : i32
          %parallel_loop3A_420 = tpu.memref_slice %arg10[%parallel_loop3A_419] : memref<6912xf32, #tpu.memory_space<vmem>> -> memref<432xf32, #tpu.memory_space<vmem>>
          %parallel_loop3A_421 = tpu.vector_load_idx %parallel_loop3A_420[%parallel_loop3A_202] : memref<432xf32, #tpu.memory_space<vmem>>[vector<16xi32>], vector<16xf32>,
          %parallel_loop3A_422 = arith.addf %parallel_loop3A_418, %parallel_loop3A_421 : vector<16xf32>
          %parallel_loop3A_423 = arith.constant 13 : i32
          %parallel_loop3A_424 = arith.index_cast %parallel_loop3A_423 : i32 to index
          %parallel_loop3A_425 = arith.index_cast %parallel_loop3A_140 : i32 to index
          %parallel_loop3A_426 = tpu.vector_load %arg17[%parallel_loop3A_424, %parallel_loop3A_425] {strides = array<i32>} : memref<16x1280xf32, #tpu.memory_space<vmem>>, vector<16xf32>,
          tpu.vector_store %arg17[%parallel_loop3A_424, %parallel_loop3A_425], %parallel_loop3A_422 {strides = array<i32>} : memref<16x1280xf32, #tpu.memory_space<vmem>>, vector<16xf32>,
          %parallel_loop3A_427 = arith.constant 9.33333301 : f32
          %parallel_loop3A_428 = vector.broadcast %parallel_loop3A_427 : f32 to vector<16xf32>
          %parallel_loop3A_429 = arith.subf %parallel_loop3A_200, %parallel_loop3A_428 : vector<16xf32>
          %parallel_loop3A_430 = arith.mulf %parallel_loop3A_429, %parallel_loop3A_429 : vector<16xf32>
          %parallel_loop3A_431 = arith.constant -2.250000e+00 : f32
          %parallel_loop3A_432 = vector.broadcast %parallel_loop3A_431 : f32 to vector<16xf32>
          %parallel_loop3A_433 = arith.mulf %parallel_loop3A_430, %parallel_loop3A_432 : vector<16xf32>
          %parallel_loop3A_434 = math.exp %parallel_loop3A_433 : vector<16xf32>
          %parallel_loop3A_435 = arith.constant 6048 : i32
          %parallel_loop3A_436 = tpu.memref_slice %arg10[%parallel_loop3A_435] : memref<6912xf32, #tpu.memory_space<vmem>> -> memref<432xf32, #tpu.memory_space<vmem>>
          %parallel_loop3A_437 = tpu.vector_load_idx %parallel_loop3A_436[%parallel_loop3A_202] : memref<432xf32, #tpu.memory_space<vmem>>[vector<16xi32>], vector<16xf32>,
          %parallel_loop3A_438 = arith.addf %parallel_loop3A_434, %parallel_loop3A_437 : vector<16xf32>
          %parallel_loop3A_439 = arith.constant 14 : i32
          %parallel_loop3A_440 = arith.index_cast %parallel_loop3A_439 : i32 to index
          %parallel_loop3A_441 = arith.index_cast %parallel_loop3A_140 : i32 to index
          %parallel_loop3A_442 = tpu.vector_load %arg17[%parallel_loop3A_440, %parallel_loop3A_441] {strides = array<i32>} : memref<16x1280xf32, #tpu.memory_space<vmem>>, vector<16xf32>,
          tpu.vector_store %arg17[%parallel_loop3A_440, %parallel_loop3A_441], %parallel_loop3A_438 {strides = array<i32>} : memref<16x1280xf32, #tpu.memory_space<vmem>>, vector<16xf32>,
          %parallel_loop3A_443 = arith.constant 1.000000e+01 : f32
          %parallel_loop3A_444 = vector.broadcast %parallel_loop3A_443 : f32 to vector<16xf32>
          %parallel_loop3A_445 = arith.subf %parallel_loop3A_200, %parallel_loop3A_444 : vector<16xf32>
          %parallel_loop3A_446 = arith.mulf %parallel_loop3A_445, %parallel_loop3A_445 : vector<16xf32>
          %parallel_loop3A_447 = arith.constant -2.250000e+00 : f32
          %parallel_loop3A_448 = vector.broadcast %parallel_loop3A_447 : f32 to vector<16xf32>
          %parallel_loop3A_449 = arith.mulf %parallel_loop3A_446, %parallel_loop3A_448 : vector<16xf32>
          %parallel_loop3A_450 = math.exp %parallel_loop3A_449 : vector<16xf32>
          %parallel_loop3A_451 = arith.constant 6480 : i32
          %parallel_loop3A_452 = tpu.memref_slice %arg10[%parallel_loop3A_451] : memref<6912xf32, #tpu.memory_space<vmem>> -> memref<432xf32, #tpu.memory_space<vmem>>
          %parallel_loop3A_453 = tpu.vector_load_idx %parallel_loop3A_452[%parallel_loop3A_202] : memref<432xf32, #tpu.memory_space<vmem>>[vector<16xi32>], vector<16xf32>,
          %parallel_loop3A_454 = arith.addf %parallel_loop3A_450, %parallel_loop3A_453 : vector<16xf32>
          %parallel_loop3A_455 = arith.constant 15 : i32
          %parallel_loop3A_456 = arith.index_cast %parallel_loop3A_455 : i32 to index
          %parallel_loop3A_457 = arith.index_cast %parallel_loop3A_140 : i32 to index
          %parallel_loop3A_458 = tpu.vector_load %arg17[%parallel_loop3A_456, %parallel_loop3A_457] {strides = array<i32>} : memref<16x1280xf32, #tpu.memory_space<vmem>>, vector<16xf32>,
          tpu.vector_store %arg17[%parallel_loop3A_456, %parallel_loop3A_457], %parallel_loop3A_454 {strides = array<i32>} : memref<16x1280xf32, #tpu.memory_space<vmem>>, vector<16xf32>,
        } {sc.loop_unroll_factor = 4 : i64, sc.parallel_access}
        %dma_start3A_134 = arith.constant 0 : i32
        %dma_start3A_135 = tpu.memref_slice %arg7[%select_n3A, %dma_start3A_134, %mul3A_109] : memref<4x16x320000xf32, #tpu.memory_space<hbm>> -> memref<1x16x1280xf32, #tpu.memory_space<hbm>>
        %dma_start3A_136 = tpu.memref_squeeze %dma_start3A_135 : memref<1x16x1280xf32, #tpu.memory_space<hbm>> -> memref<16x1280xf32, #tpu.memory_space<hbm>>
        %dma_start3A_137 = arith.constant 0 : i32
        %dma_start3A_138 = tpu.memref_slice %arg7[%select_n3A, %dma_start3A_137, %mul3A_109] : memref<4x16x320000xf32, #tpu.memory_space<hbm>> -> memref<1x16x1280xf32, #tpu.memory_space<hbm>>
        %dma_start3A_139 = tpu.memref_squeeze %dma_start3A_138 : memref<1x16x1280xf32, #tpu.memory_space<hbm>> -> memref<16x1280xf32, #tpu.memory_space<hbm>>
        tpu.enqueue_dma source(%arg17 : memref<16x1280xf32, #tpu.memory_space<vmem>>) target(%dma_start3A_139 : memref<16x1280xf32, #tpu.memory_space<hbm>>) target_semaphore(%arg21 : memref<!tpu.dma_semaphore, #tpu.memory_space<semaphore_mem>>)
      } else {
      }
      %mul3A_99 = arith.constant 2 : i32
      %mul3A_100 = arith.muli %scan3A_92, %mul3A_99 : i32
      %add3A_101 = arith.constant 1 : i32
      %add3A_102 = arith.addi %mul3A_100, %add3A_101 : i32
      %lt3A_103 = arith.cmpi slt, %add3A_102, %select_n3A_39 : i32
      %convert_element_type3A_104 = arith.extui %lt3A_103 : i1 to i32
      %cond3A_105 = arith.constant 0 : i32
      %cond3A_106 = arith.cmpi ne, %convert_element_type3A_104, %cond3A_105 : i32
      scf.if %cond3A_106 {
        %add3A_107 = arith.addi %add3A_34, %add3A_102 : i32
        %mul3A_108 = arith.constant 1280 : i32
        %mul3A_109 = arith.muli %add3A_107, %mul3A_108 : i32
        %add3A_110 = arith.constant 1 : i32
        %add3A_111 = arith.addi %add3A_102, %add3A_110 : i32
        %lt3A_112 = arith.cmpi slt, %add3A_111, %select_n3A_39 : i32
        %convert_element_type3A_113 = arith.extui %lt3A_112 : i1 to i32
        %cond3A_114 = arith.constant 0 : i32
        %cond3A_115 = arith.cmpi ne, %convert_element_type3A_113, %cond3A_114 : i32
        scf.if %cond3A_115 {
          %add3A_140 = arith.constant 1 : i32
          %add3A_141 = arith.addi %add3A_102, %add3A_140 : i32
          %mul3A_142 = arith.constant 320000 : i32
          %mul3A_143 = arith.muli %select_n3A, %mul3A_142 : i32
          %add3A_144 = arith.addi %add3A_34, %add3A_141 : i32
          %mul3A_145 = arith.constant 1280 : i32
          %mul3A_146 = arith.muli %add3A_144, %mul3A_145 : i32
          %add3A_147 = arith.addi %mul3A_143, %mul3A_146 : i32
          %dma_start3A_148 = tpu.memref_slice %arg3[%add3A_147] : memref<1280000xi32, #tpu.memory_space<hbm>> -> memref<1280xi32, #tpu.memory_space<hbm>>
          %dma_start3A_149 = tpu.memref_slice %arg3[%add3A_147] : memref<1280000xi32, #tpu.memory_space<hbm>> -> memref<1280xi32, #tpu.memory_space<hbm>>
          tpu.enqueue_dma source(%dma_start3A_149 : memref<1280xi32, #tpu.memory_space<hbm>>) target(%arg11 : memref<1280xi32, #tpu.memory_space<vmem>>) target_semaphore(%arg19 : memref<!tpu.dma_semaphore, #tpu.memory_space<semaphore_mem>>)
          %dma_start3A_150 = tpu.memref_slice %arg4[%add3A_147] : memref<1280000xi32, #tpu.memory_space<hbm>> -> memref<1280xi32, #tpu.memory_space<hbm>>
          %dma_start3A_151 = tpu.memref_slice %arg4[%add3A_147] : memref<1280000xi32, #tpu.memory_space<hbm>> -> memref<1280xi32, #tpu.memory_space<hbm>>
          tpu.enqueue_dma source(%dma_start3A_151 : memref<1280xi32, #tpu.memory_space<hbm>>) target(%arg13 : memref<1280xi32, #tpu.memory_space<vmem>>) target_semaphore(%arg19 : memref<!tpu.dma_semaphore, #tpu.memory_space<semaphore_mem>>)
          %dma_start3A_152 = tpu.memref_slice %arg5[%add3A_147] : memref<1280000xi32, #tpu.memory_space<hbm>> -> memref<1280xi32, #tpu.memory_space<hbm>>
          %dma_start3A_153 = tpu.memref_slice %arg5[%add3A_147] : memref<1280000xi32, #tpu.memory_space<hbm>> -> memref<1280xi32, #tpu.memory_space<hbm>>
          tpu.enqueue_dma source(%dma_start3A_153 : memref<1280xi32, #tpu.memory_space<hbm>>) target(%arg15 : memref<1280xi32, #tpu.memory_space<vmem>>) target_semaphore(%arg19 : memref<!tpu.dma_semaphore, #tpu.memory_space<semaphore_mem>>)
        } else {
        }
        %dma_wait3A_116 = arith.constant 0 : i32
        %dma_wait3A_117 = tpu.memref_slice %arg3[%dma_wait3A_116] : memref<1280000xi32, #tpu.memory_space<hbm>> -> memref<1280xi32, #tpu.memory_space<hbm>>
        %dma_wait3A_118 = arith.constant 0 : i32
        %dma_wait3A_119 = tpu.memref_slice %arg3[%dma_wait3A_118] : memref<1280000xi32, #tpu.memory_space<hbm>> -> memref<1280xi32, #tpu.memory_space<hbm>>
        tpu.wait_dma2 semaphore(%arg20 : memref<!tpu.dma_semaphore, #tpu.memory_space<semaphore_mem>>) src(%dma_wait3A_119 : memref<1280xi32, #tpu.memory_space<hbm>>) dst(%arg12 : memref<1280xi32, #tpu.memory_space<vmem>>)
        %dma_wait3A_120 = arith.constant 0 : i32
        %dma_wait3A_121 = tpu.memref_slice %arg3[%dma_wait3A_120] : memref<1280000xi32, #tpu.memory_space<hbm>> -> memref<1280xi32, #tpu.memory_space<hbm>>
        %dma_wait3A_122 = arith.constant 0 : i32
        %dma_wait3A_123 = tpu.memref_slice %arg3[%dma_wait3A_122] : memref<1280000xi32, #tpu.memory_space<hbm>> -> memref<1280xi32, #tpu.memory_space<hbm>>
        tpu.wait_dma2 semaphore(%arg20 : memref<!tpu.dma_semaphore, #tpu.memory_space<semaphore_mem>>) src(%dma_wait3A_123 : memref<1280xi32, #tpu.memory_space<hbm>>) dst(%arg14 : memref<1280xi32, #tpu.memory_space<vmem>>)
        %dma_wait3A_124 = arith.constant 0 : i32
        %dma_wait3A_125 = tpu.memref_slice %arg3[%dma_wait3A_124] : memref<1280000xi32, #tpu.memory_space<hbm>> -> memref<1280xi32, #tpu.memory_space<hbm>>
        %dma_wait3A_126 = arith.constant 0 : i32
        %dma_wait3A_127 = tpu.memref_slice %arg3[%dma_wait3A_126] : memref<1280000xi32, #tpu.memory_space<hbm>> -> memref<1280xi32, #tpu.memory_space<hbm>>
        tpu.wait_dma2 semaphore(%arg20 : memref<!tpu.dma_semaphore, #tpu.memory_space<semaphore_mem>>) src(%dma_wait3A_127 : memref<1280xi32, #tpu.memory_space<hbm>>) dst(%arg16 : memref<1280xi32, #tpu.memory_space<vmem>>)
        %ge3A = arith.constant 2 : i32
        %ge3A_128 = arith.cmpi sge, %add3A_102, %ge3A : i32
        %convert_element_type3A_129 = arith.extui %ge3A_128 : i1 to i32
        %cond3A_130 = arith.constant 0 : i32
        %cond3A_131 = arith.cmpi ne, %convert_element_type3A_129, %cond3A_130 : i32
        scf.if %cond3A_131 {
          %dma_wait3A_140 = arith.constant 0 : i32
          %dma_wait3A_141 = arith.constant 0 : i32
          %dma_wait3A_142 = arith.constant 0 : i32
          %dma_wait3A_143 = tpu.memref_slice %arg7[%dma_wait3A_140, %dma_wait3A_141, %dma_wait3A_142] : memref<4x16x320000xf32, #tpu.memory_space<hbm>> -> memref<1x16x1280xf32, #tpu.memory_space<hbm>>
          %dma_wait3A_144 = tpu.memref_squeeze %dma_wait3A_143 : memref<1x16x1280xf32, #tpu.memory_space<hbm>> -> memref<16x1280xf32, #tpu.memory_space<hbm>>
          %dma_wait3A_145 = arith.constant 0 : i32
          %dma_wait3A_146 = arith.constant 0 : i32
          %dma_wait3A_147 = tpu.memref_slice %arg7[%dma_wait3A_140, %dma_wait3A_145, %dma_wait3A_146] : memref<4x16x320000xf32, #tpu.memory_space<hbm>> -> memref<1x16x1280xf32, #tpu.memory_space<hbm>>
          %dma_wait3A_148 = tpu.memref_squeeze %dma_wait3A_147 : memref<1x16x1280xf32, #tpu.memory_space<hbm>> -> memref<16x1280xf32, #tpu.memory_space<hbm>>
          tpu.wait_dma2 semaphore(%arg22 : memref<!tpu.dma_semaphore, #tpu.memory_space<semaphore_mem>>) src(%dma_wait3A_148 : memref<16x1280xf32, #tpu.memory_space<hbm>>) dst(%arg18 : memref<16x1280xf32, #tpu.memory_space<vmem>>)
        } else {
        }
        %parallel_loop3A = arith.constant 0 : i32
        %parallel_loop3A_132 = arith.constant 1280 : i32
        %parallel_loop3A_133 = arith.constant 16 : i32
        scf.for %parallel_loop3A_140 = %parallel_loop3A to %parallel_loop3A_132 step %parallel_loop3A_133  : i32 {
          %parallel_loop3A_141 = arith.index_cast %parallel_loop3A_140 : i32 to index
          %parallel_loop3A_142 = tpu.vector_load %arg12[%parallel_loop3A_141] {strides = array<i32>} : memref<1280xi32, #tpu.memory_space<vmem>>, vector<16xi32>,
          %parallel_loop3A_143 = arith.index_cast %parallel_loop3A_140 : i32 to index
          %parallel_loop3A_144 = tpu.vector_load %arg14[%parallel_loop3A_143] {strides = array<i32>} : memref<1280xi32, #tpu.memory_space<vmem>>, vector<16xi32>,
          %parallel_loop3A_145 = arith.constant 0 : i32
          %parallel_loop3A_146 = tpu.memref_slice %arg8[%parallel_loop3A_145] : memref<30000xf32, #tpu.memory_space<vmem>> -> memref<10000xf32, #tpu.memory_space<vmem>>
          %parallel_loop3A_147 = tpu.vector_load_idx %parallel_loop3A_146[%parallel_loop3A_142] : memref<10000xf32, #tpu.memory_space<vmem>>[vector<16xi32>], vector<16xf32>,
          %parallel_loop3A_148 = arith.constant 0 : i32
          %parallel_loop3A_149 = tpu.memref_slice %arg8[%parallel_loop3A_148] : memref<30000xf32, #tpu.memory_space<vmem>> -> memref<10000xf32, #tpu.memory_space<vmem>>
          %parallel_loop3A_150 = tpu.vector_load_idx %parallel_loop3A_149[%parallel_loop3A_144] : memref<10000xf32, #tpu.memory_space<vmem>>[vector<16xi32>], vector<16xf32>,
          %parallel_loop3A_151 = arith.subf %parallel_loop3A_147, %parallel_loop3A_150 : vector<16xf32>
          %parallel_loop3A_152 = arith.constant 10000 : i32
          %parallel_loop3A_153 = tpu.memref_slice %arg8[%parallel_loop3A_152] : memref<30000xf32, #tpu.memory_space<vmem>> -> memref<10000xf32, #tpu.memory_space<vmem>>
          %parallel_loop3A_154 = tpu.vector_load_idx %parallel_loop3A_153[%parallel_loop3A_142] : memref<10000xf32, #tpu.memory_space<vmem>>[vector<16xi32>], vector<16xf32>,
          %parallel_loop3A_155 = arith.constant 10000 : i32
          %parallel_loop3A_156 = tpu.memref_slice %arg8[%parallel_loop3A_155] : memref<30000xf32, #tpu.memory_space<vmem>> -> memref<10000xf32, #tpu.memory_space<vmem>>
          %parallel_loop3A_157 = tpu.vector_load_idx %parallel_loop3A_156[%parallel_loop3A_144] : memref<10000xf32, #tpu.memory_space<vmem>>[vector<16xi32>], vector<16xf32>,
          %parallel_loop3A_158 = arith.subf %parallel_loop3A_154, %parallel_loop3A_157 : vector<16xf32>
          %parallel_loop3A_159 = arith.constant 20000 : i32
          %parallel_loop3A_160 = tpu.memref_slice %arg8[%parallel_loop3A_159] : memref<30000xf32, #tpu.memory_space<vmem>> -> memref<10000xf32, #tpu.memory_space<vmem>>
          %parallel_loop3A_161 = tpu.vector_load_idx %parallel_loop3A_160[%parallel_loop3A_142] : memref<10000xf32, #tpu.memory_space<vmem>>[vector<16xi32>], vector<16xf32>,
          %parallel_loop3A_162 = arith.constant 20000 : i32
          %parallel_loop3A_163 = tpu.memref_slice %arg8[%parallel_loop3A_162] : memref<30000xf32, #tpu.memory_space<vmem>> -> memref<10000xf32, #tpu.memory_space<vmem>>
          %parallel_loop3A_164 = tpu.vector_load_idx %parallel_loop3A_163[%parallel_loop3A_144] : memref<10000xf32, #tpu.memory_space<vmem>>[vector<16xi32>], vector<16xf32>,
          %parallel_loop3A_165 = arith.subf %parallel_loop3A_161, %parallel_loop3A_164 : vector<16xf32>
          %parallel_loop3A_166 = arith.mulf %parallel_loop3A_151, %parallel_loop3A_151 : vector<16xf32>
          %parallel_loop3A_167 = arith.mulf %parallel_loop3A_158, %parallel_loop3A_158 : vector<16xf32>
          %parallel_loop3A_168 = arith.addf %parallel_loop3A_166, %parallel_loop3A_167 : vector<16xf32>
          %parallel_loop3A_169 = arith.mulf %parallel_loop3A_165, %parallel_loop3A_165 : vector<16xf32>
          %parallel_loop3A_170 = arith.addf %parallel_loop3A_168, %parallel_loop3A_169 : vector<16xf32>
          %parallel_loop3A_171 = arith.constant 9.99999996E-13 : f32
          %parallel_loop3A_172 = vector.broadcast %parallel_loop3A_171 : f32 to vector<16xf32>
          %parallel_loop3A_173 = arith.addf %parallel_loop3A_170, %parallel_loop3A_172 : vector<16xf32>
          %parallel_loop3A_174 = vector.bitcast %parallel_loop3A_173 : vector<16xf32> to vector<16xi32>
          %parallel_loop3A_175 = arith.constant 1 : i32
          %parallel_loop3A_176 = vector.broadcast %parallel_loop3A_175 : i32 to vector<16xi32>
          %parallel_loop3A_177 = arith.shrsi %parallel_loop3A_174, %parallel_loop3A_176 : vector<16xi32>
          %parallel_loop3A_178 = arith.constant 1597463007 : i32
          %parallel_loop3A_179 = vector.broadcast %parallel_loop3A_178 : i32 to vector<16xi32>
          %parallel_loop3A_180 = arith.subi %parallel_loop3A_179, %parallel_loop3A_177 : vector<16xi32>
          %parallel_loop3A_181 = vector.bitcast %parallel_loop3A_180 : vector<16xi32> to vector<16xf32>
          %parallel_loop3A_182 = arith.constant 5.000000e-01 : f32
          %parallel_loop3A_183 = vector.broadcast %parallel_loop3A_182 : f32 to vector<16xf32>
          %parallel_loop3A_184 = arith.mulf %parallel_loop3A_183, %parallel_loop3A_173 : vector<16xf32>
          %parallel_loop3A_185 = arith.mulf %parallel_loop3A_184, %parallel_loop3A_181 : vector<16xf32>
          %parallel_loop3A_186 = arith.mulf %parallel_loop3A_185, %parallel_loop3A_181 : vector<16xf32>
          %parallel_loop3A_187 = arith.constant 1.500000e+00 : f32
          %parallel_loop3A_188 = vector.broadcast %parallel_loop3A_187 : f32 to vector<16xf32>
          %parallel_loop3A_189 = arith.subf %parallel_loop3A_188, %parallel_loop3A_186 : vector<16xf32>
          %parallel_loop3A_190 = arith.mulf %parallel_loop3A_181, %parallel_loop3A_189 : vector<16xf32>
          %parallel_loop3A_191 = arith.constant 5.000000e-01 : f32
          %parallel_loop3A_192 = vector.broadcast %parallel_loop3A_191 : f32 to vector<16xf32>
          %parallel_loop3A_193 = arith.mulf %parallel_loop3A_192, %parallel_loop3A_173 : vector<16xf32>
          %parallel_loop3A_194 = arith.mulf %parallel_loop3A_193, %parallel_loop3A_190 : vector<16xf32>
          %parallel_loop3A_195 = arith.mulf %parallel_loop3A_194, %parallel_loop3A_190 : vector<16xf32>
          %parallel_loop3A_196 = arith.constant 1.500000e+00 : f32
          %parallel_loop3A_197 = vector.broadcast %parallel_loop3A_196 : f32 to vector<16xf32>
          %parallel_loop3A_198 = arith.subf %parallel_loop3A_197, %parallel_loop3A_195 : vector<16xf32>
          %parallel_loop3A_199 = arith.mulf %parallel_loop3A_190, %parallel_loop3A_198 : vector<16xf32>
          %parallel_loop3A_200 = arith.mulf %parallel_loop3A_173, %parallel_loop3A_199 : vector<16xf32>
          %parallel_loop3A_201 = arith.index_cast %parallel_loop3A_140 : i32 to index
          %parallel_loop3A_202 = tpu.vector_load %arg16[%parallel_loop3A_201] {strides = array<i32>} : memref<1280xi32, #tpu.memory_space<vmem>>, vector<16xi32>,
          %parallel_loop3A_203 = arith.constant 0.000000e+00 : f32
          %parallel_loop3A_204 = vector.broadcast %parallel_loop3A_203 : f32 to vector<16xf32>
          %parallel_loop3A_205 = arith.subf %parallel_loop3A_200, %parallel_loop3A_204 : vector<16xf32>
          %parallel_loop3A_206 = arith.mulf %parallel_loop3A_205, %parallel_loop3A_205 : vector<16xf32>
          %parallel_loop3A_207 = arith.constant -2.250000e+00 : f32
          %parallel_loop3A_208 = vector.broadcast %parallel_loop3A_207 : f32 to vector<16xf32>
          %parallel_loop3A_209 = arith.mulf %parallel_loop3A_206, %parallel_loop3A_208 : vector<16xf32>
          %parallel_loop3A_210 = math.exp %parallel_loop3A_209 : vector<16xf32>
          %parallel_loop3A_211 = arith.constant 0 : i32
          %parallel_loop3A_212 = tpu.memref_slice %arg10[%parallel_loop3A_211] : memref<6912xf32, #tpu.memory_space<vmem>> -> memref<432xf32, #tpu.memory_space<vmem>>
          %parallel_loop3A_213 = tpu.vector_load_idx %parallel_loop3A_212[%parallel_loop3A_202] : memref<432xf32, #tpu.memory_space<vmem>>[vector<16xi32>], vector<16xf32>,
          %parallel_loop3A_214 = arith.addf %parallel_loop3A_210, %parallel_loop3A_213 : vector<16xf32>
          %parallel_loop3A_215 = arith.constant 0 : i32
          %parallel_loop3A_216 = arith.index_cast %parallel_loop3A_215 : i32 to index
          %parallel_loop3A_217 = arith.index_cast %parallel_loop3A_140 : i32 to index
          %parallel_loop3A_218 = tpu.vector_load %arg18[%parallel_loop3A_216, %parallel_loop3A_217] {strides = array<i32>} : memref<16x1280xf32, #tpu.memory_space<vmem>>, vector<16xf32>,
          tpu.vector_store %arg18[%parallel_loop3A_216, %parallel_loop3A_217], %parallel_loop3A_214 {strides = array<i32>} : memref<16x1280xf32, #tpu.memory_space<vmem>>, vector<16xf32>,
          %parallel_loop3A_219 = arith.constant 0.666666686 : f32
          %parallel_loop3A_220 = vector.broadcast %parallel_loop3A_219 : f32 to vector<16xf32>
          %parallel_loop3A_221 = arith.subf %parallel_loop3A_200, %parallel_loop3A_220 : vector<16xf32>
          %parallel_loop3A_222 = arith.mulf %parallel_loop3A_221, %parallel_loop3A_221 : vector<16xf32>
          %parallel_loop3A_223 = arith.constant -2.250000e+00 : f32
          %parallel_loop3A_224 = vector.broadcast %parallel_loop3A_223 : f32 to vector<16xf32>
          %parallel_loop3A_225 = arith.mulf %parallel_loop3A_222, %parallel_loop3A_224 : vector<16xf32>
          %parallel_loop3A_226 = math.exp %parallel_loop3A_225 : vector<16xf32>
          %parallel_loop3A_227 = arith.constant 432 : i32
          %parallel_loop3A_228 = tpu.memref_slice %arg10[%parallel_loop3A_227] : memref<6912xf32, #tpu.memory_space<vmem>> -> memref<432xf32, #tpu.memory_space<vmem>>
          %parallel_loop3A_229 = tpu.vector_load_idx %parallel_loop3A_228[%parallel_loop3A_202] : memref<432xf32, #tpu.memory_space<vmem>>[vector<16xi32>], vector<16xf32>,
          %parallel_loop3A_230 = arith.addf %parallel_loop3A_226, %parallel_loop3A_229 : vector<16xf32>
          %parallel_loop3A_231 = arith.constant 1 : i32
          %parallel_loop3A_232 = arith.index_cast %parallel_loop3A_231 : i32 to index
          %parallel_loop3A_233 = arith.index_cast %parallel_loop3A_140 : i32 to index
          %parallel_loop3A_234 = tpu.vector_load %arg18[%parallel_loop3A_232, %parallel_loop3A_233] {strides = array<i32>} : memref<16x1280xf32, #tpu.memory_space<vmem>>, vector<16xf32>,
          tpu.vector_store %arg18[%parallel_loop3A_232, %parallel_loop3A_233], %parallel_loop3A_230 {strides = array<i32>} : memref<16x1280xf32, #tpu.memory_space<vmem>>, vector<16xf32>,
          %parallel_loop3A_235 = arith.constant 1.33333337 : f32
          %parallel_loop3A_236 = vector.broadcast %parallel_loop3A_235 : f32 to vector<16xf32>
          %parallel_loop3A_237 = arith.subf %parallel_loop3A_200, %parallel_loop3A_236 : vector<16xf32>
          %parallel_loop3A_238 = arith.mulf %parallel_loop3A_237, %parallel_loop3A_237 : vector<16xf32>
          %parallel_loop3A_239 = arith.constant -2.250000e+00 : f32
          %parallel_loop3A_240 = vector.broadcast %parallel_loop3A_239 : f32 to vector<16xf32>
          %parallel_loop3A_241 = arith.mulf %parallel_loop3A_238, %parallel_loop3A_240 : vector<16xf32>
          %parallel_loop3A_242 = math.exp %parallel_loop3A_241 : vector<16xf32>
          %parallel_loop3A_243 = arith.constant 864 : i32
          %parallel_loop3A_244 = tpu.memref_slice %arg10[%parallel_loop3A_243] : memref<6912xf32, #tpu.memory_space<vmem>> -> memref<432xf32, #tpu.memory_space<vmem>>
          %parallel_loop3A_245 = tpu.vector_load_idx %parallel_loop3A_244[%parallel_loop3A_202] : memref<432xf32, #tpu.memory_space<vmem>>[vector<16xi32>], vector<16xf32>,
          %parallel_loop3A_246 = arith.addf %parallel_loop3A_242, %parallel_loop3A_245 : vector<16xf32>
          %parallel_loop3A_247 = arith.constant 2 : i32
          %parallel_loop3A_248 = arith.index_cast %parallel_loop3A_247 : i32 to index
          %parallel_loop3A_249 = arith.index_cast %parallel_loop3A_140 : i32 to index
          %parallel_loop3A_250 = tpu.vector_load %arg18[%parallel_loop3A_248, %parallel_loop3A_249] {strides = array<i32>} : memref<16x1280xf32, #tpu.memory_space<vmem>>, vector<16xf32>,
          tpu.vector_store %arg18[%parallel_loop3A_248, %parallel_loop3A_249], %parallel_loop3A_246 {strides = array<i32>} : memref<16x1280xf32, #tpu.memory_space<vmem>>, vector<16xf32>,
          %parallel_loop3A_251 = arith.constant 2.000000e+00 : f32
          %parallel_loop3A_252 = vector.broadcast %parallel_loop3A_251 : f32 to vector<16xf32>
          %parallel_loop3A_253 = arith.subf %parallel_loop3A_200, %parallel_loop3A_252 : vector<16xf32>
          %parallel_loop3A_254 = arith.mulf %parallel_loop3A_253, %parallel_loop3A_253 : vector<16xf32>
          %parallel_loop3A_255 = arith.constant -2.250000e+00 : f32
          %parallel_loop3A_256 = vector.broadcast %parallel_loop3A_255 : f32 to vector<16xf32>
          %parallel_loop3A_257 = arith.mulf %parallel_loop3A_254, %parallel_loop3A_256 : vector<16xf32>
          %parallel_loop3A_258 = math.exp %parallel_loop3A_257 : vector<16xf32>
          %parallel_loop3A_259 = arith.constant 1296 : i32
          %parallel_loop3A_260 = tpu.memref_slice %arg10[%parallel_loop3A_259] : memref<6912xf32, #tpu.memory_space<vmem>> -> memref<432xf32, #tpu.memory_space<vmem>>
          %parallel_loop3A_261 = tpu.vector_load_idx %parallel_loop3A_260[%parallel_loop3A_202] : memref<432xf32, #tpu.memory_space<vmem>>[vector<16xi32>], vector<16xf32>,
          %parallel_loop3A_262 = arith.addf %parallel_loop3A_258, %parallel_loop3A_261 : vector<16xf32>
          %parallel_loop3A_263 = arith.constant 3 : i32
          %parallel_loop3A_264 = arith.index_cast %parallel_loop3A_263 : i32 to index
          %parallel_loop3A_265 = arith.index_cast %parallel_loop3A_140 : i32 to index
          %parallel_loop3A_266 = tpu.vector_load %arg18[%parallel_loop3A_264, %parallel_loop3A_265] {strides = array<i32>} : memref<16x1280xf32, #tpu.memory_space<vmem>>, vector<16xf32>,
          tpu.vector_store %arg18[%parallel_loop3A_264, %parallel_loop3A_265], %parallel_loop3A_262 {strides = array<i32>} : memref<16x1280xf32, #tpu.memory_space<vmem>>, vector<16xf32>,
          %parallel_loop3A_267 = arith.constant 2.66666675 : f32
          %parallel_loop3A_268 = vector.broadcast %parallel_loop3A_267 : f32 to vector<16xf32>
          %parallel_loop3A_269 = arith.subf %parallel_loop3A_200, %parallel_loop3A_268 : vector<16xf32>
          %parallel_loop3A_270 = arith.mulf %parallel_loop3A_269, %parallel_loop3A_269 : vector<16xf32>
          %parallel_loop3A_271 = arith.constant -2.250000e+00 : f32
          %parallel_loop3A_272 = vector.broadcast %parallel_loop3A_271 : f32 to vector<16xf32>
          %parallel_loop3A_273 = arith.mulf %parallel_loop3A_270, %parallel_loop3A_272 : vector<16xf32>
          %parallel_loop3A_274 = math.exp %parallel_loop3A_273 : vector<16xf32>
          %parallel_loop3A_275 = arith.constant 1728 : i32
          %parallel_loop3A_276 = tpu.memref_slice %arg10[%parallel_loop3A_275] : memref<6912xf32, #tpu.memory_space<vmem>> -> memref<432xf32, #tpu.memory_space<vmem>>
          %parallel_loop3A_277 = tpu.vector_load_idx %parallel_loop3A_276[%parallel_loop3A_202] : memref<432xf32, #tpu.memory_space<vmem>>[vector<16xi32>], vector<16xf32>,
          %parallel_loop3A_278 = arith.addf %parallel_loop3A_274, %parallel_loop3A_277 : vector<16xf32>
          %parallel_loop3A_279 = arith.constant 4 : i32
          %parallel_loop3A_280 = arith.index_cast %parallel_loop3A_279 : i32 to index
          %parallel_loop3A_281 = arith.index_cast %parallel_loop3A_140 : i32 to index
          %parallel_loop3A_282 = tpu.vector_load %arg18[%parallel_loop3A_280, %parallel_loop3A_281] {strides = array<i32>} : memref<16x1280xf32, #tpu.memory_space<vmem>>, vector<16xf32>,
          tpu.vector_store %arg18[%parallel_loop3A_280, %parallel_loop3A_281], %parallel_loop3A_278 {strides = array<i32>} : memref<16x1280xf32, #tpu.memory_space<vmem>>, vector<16xf32>,
          %parallel_loop3A_283 = arith.constant 3.33333325 : f32
          %parallel_loop3A_284 = vector.broadcast %parallel_loop3A_283 : f32 to vector<16xf32>
          %parallel_loop3A_285 = arith.subf %parallel_loop3A_200, %parallel_loop3A_284 : vector<16xf32>
          %parallel_loop3A_286 = arith.mulf %parallel_loop3A_285, %parallel_loop3A_285 : vector<16xf32>
          %parallel_loop3A_287 = arith.constant -2.250000e+00 : f32
          %parallel_loop3A_288 = vector.broadcast %parallel_loop3A_287 : f32 to vector<16xf32>
          %parallel_loop3A_289 = arith.mulf %parallel_loop3A_286, %parallel_loop3A_288 : vector<16xf32>
          %parallel_loop3A_290 = math.exp %parallel_loop3A_289 : vector<16xf32>
          %parallel_loop3A_291 = arith.constant 2160 : i32
          %parallel_loop3A_292 = tpu.memref_slice %arg10[%parallel_loop3A_291] : memref<6912xf32, #tpu.memory_space<vmem>> -> memref<432xf32, #tpu.memory_space<vmem>>
          %parallel_loop3A_293 = tpu.vector_load_idx %parallel_loop3A_292[%parallel_loop3A_202] : memref<432xf32, #tpu.memory_space<vmem>>[vector<16xi32>], vector<16xf32>,
          %parallel_loop3A_294 = arith.addf %parallel_loop3A_290, %parallel_loop3A_293 : vector<16xf32>
          %parallel_loop3A_295 = arith.constant 5 : i32
          %parallel_loop3A_296 = arith.index_cast %parallel_loop3A_295 : i32 to index
          %parallel_loop3A_297 = arith.index_cast %parallel_loop3A_140 : i32 to index
          %parallel_loop3A_298 = tpu.vector_load %arg18[%parallel_loop3A_296, %parallel_loop3A_297] {strides = array<i32>} : memref<16x1280xf32, #tpu.memory_space<vmem>>, vector<16xf32>,
          tpu.vector_store %arg18[%parallel_loop3A_296, %parallel_loop3A_297], %parallel_loop3A_294 {strides = array<i32>} : memref<16x1280xf32, #tpu.memory_space<vmem>>, vector<16xf32>,
          %parallel_loop3A_299 = arith.constant 4.000000e+00 : f32
          %parallel_loop3A_300 = vector.broadcast %parallel_loop3A_299 : f32 to vector<16xf32>
          %parallel_loop3A_301 = arith.subf %parallel_loop3A_200, %parallel_loop3A_300 : vector<16xf32>
          %parallel_loop3A_302 = arith.mulf %parallel_loop3A_301, %parallel_loop3A_301 : vector<16xf32>
          %parallel_loop3A_303 = arith.constant -2.250000e+00 : f32
          %parallel_loop3A_304 = vector.broadcast %parallel_loop3A_303 : f32 to vector<16xf32>
          %parallel_loop3A_305 = arith.mulf %parallel_loop3A_302, %parallel_loop3A_304 : vector<16xf32>
          %parallel_loop3A_306 = math.exp %parallel_loop3A_305 : vector<16xf32>
          %parallel_loop3A_307 = arith.constant 2592 : i32
          %parallel_loop3A_308 = tpu.memref_slice %arg10[%parallel_loop3A_307] : memref<6912xf32, #tpu.memory_space<vmem>> -> memref<432xf32, #tpu.memory_space<vmem>>
          %parallel_loop3A_309 = tpu.vector_load_idx %parallel_loop3A_308[%parallel_loop3A_202] : memref<432xf32, #tpu.memory_space<vmem>>[vector<16xi32>], vector<16xf32>,
          %parallel_loop3A_310 = arith.addf %parallel_loop3A_306, %parallel_loop3A_309 : vector<16xf32>
          %parallel_loop3A_311 = arith.constant 6 : i32
          %parallel_loop3A_312 = arith.index_cast %parallel_loop3A_311 : i32 to index
          %parallel_loop3A_313 = arith.index_cast %parallel_loop3A_140 : i32 to index
          %parallel_loop3A_314 = tpu.vector_load %arg18[%parallel_loop3A_312, %parallel_loop3A_313] {strides = array<i32>} : memref<16x1280xf32, #tpu.memory_space<vmem>>, vector<16xf32>,
          tpu.vector_store %arg18[%parallel_loop3A_312, %parallel_loop3A_313], %parallel_loop3A_310 {strides = array<i32>} : memref<16x1280xf32, #tpu.memory_space<vmem>>, vector<16xf32>,
          %parallel_loop3A_315 = arith.constant 4.66666651 : f32
          %parallel_loop3A_316 = vector.broadcast %parallel_loop3A_315 : f32 to vector<16xf32>
          %parallel_loop3A_317 = arith.subf %parallel_loop3A_200, %parallel_loop3A_316 : vector<16xf32>
          %parallel_loop3A_318 = arith.mulf %parallel_loop3A_317, %parallel_loop3A_317 : vector<16xf32>
          %parallel_loop3A_319 = arith.constant -2.250000e+00 : f32
          %parallel_loop3A_320 = vector.broadcast %parallel_loop3A_319 : f32 to vector<16xf32>
          %parallel_loop3A_321 = arith.mulf %parallel_loop3A_318, %parallel_loop3A_320 : vector<16xf32>
          %parallel_loop3A_322 = math.exp %parallel_loop3A_321 : vector<16xf32>
          %parallel_loop3A_323 = arith.constant 3024 : i32
          %parallel_loop3A_324 = tpu.memref_slice %arg10[%parallel_loop3A_323] : memref<6912xf32, #tpu.memory_space<vmem>> -> memref<432xf32, #tpu.memory_space<vmem>>
          %parallel_loop3A_325 = tpu.vector_load_idx %parallel_loop3A_324[%parallel_loop3A_202] : memref<432xf32, #tpu.memory_space<vmem>>[vector<16xi32>], vector<16xf32>,
          %parallel_loop3A_326 = arith.addf %parallel_loop3A_322, %parallel_loop3A_325 : vector<16xf32>
          %parallel_loop3A_327 = arith.constant 7 : i32
          %parallel_loop3A_328 = arith.index_cast %parallel_loop3A_327 : i32 to index
          %parallel_loop3A_329 = arith.index_cast %parallel_loop3A_140 : i32 to index
          %parallel_loop3A_330 = tpu.vector_load %arg18[%parallel_loop3A_328, %parallel_loop3A_329] {strides = array<i32>} : memref<16x1280xf32, #tpu.memory_space<vmem>>, vector<16xf32>,
          tpu.vector_store %arg18[%parallel_loop3A_328, %parallel_loop3A_329], %parallel_loop3A_326 {strides = array<i32>} : memref<16x1280xf32, #tpu.memory_space<vmem>>, vector<16xf32>,
          %parallel_loop3A_331 = arith.constant 5.33333349 : f32
          %parallel_loop3A_332 = vector.broadcast %parallel_loop3A_331 : f32 to vector<16xf32>
          %parallel_loop3A_333 = arith.subf %parallel_loop3A_200, %parallel_loop3A_332 : vector<16xf32>
          %parallel_loop3A_334 = arith.mulf %parallel_loop3A_333, %parallel_loop3A_333 : vector<16xf32>
          %parallel_loop3A_335 = arith.constant -2.250000e+00 : f32
          %parallel_loop3A_336 = vector.broadcast %parallel_loop3A_335 : f32 to vector<16xf32>
          %parallel_loop3A_337 = arith.mulf %parallel_loop3A_334, %parallel_loop3A_336 : vector<16xf32>
          %parallel_loop3A_338 = math.exp %parallel_loop3A_337 : vector<16xf32>
          %parallel_loop3A_339 = arith.constant 3456 : i32
          %parallel_loop3A_340 = tpu.memref_slice %arg10[%parallel_loop3A_339] : memref<6912xf32, #tpu.memory_space<vmem>> -> memref<432xf32, #tpu.memory_space<vmem>>
          %parallel_loop3A_341 = tpu.vector_load_idx %parallel_loop3A_340[%parallel_loop3A_202] : memref<432xf32, #tpu.memory_space<vmem>>[vector<16xi32>], vector<16xf32>,
          %parallel_loop3A_342 = arith.addf %parallel_loop3A_338, %parallel_loop3A_341 : vector<16xf32>
          %parallel_loop3A_343 = arith.constant 8 : i32
          %parallel_loop3A_344 = arith.index_cast %parallel_loop3A_343 : i32 to index
          %parallel_loop3A_345 = arith.index_cast %parallel_loop3A_140 : i32 to index
          %parallel_loop3A_346 = tpu.vector_load %arg18[%parallel_loop3A_344, %parallel_loop3A_345] {strides = array<i32>} : memref<16x1280xf32, #tpu.memory_space<vmem>>, vector<16xf32>,
          tpu.vector_store %arg18[%parallel_loop3A_344, %parallel_loop3A_345], %parallel_loop3A_342 {strides = array<i32>} : memref<16x1280xf32, #tpu.memory_space<vmem>>, vector<16xf32>,
          %parallel_loop3A_347 = arith.constant 6.000000e+00 : f32
          %parallel_loop3A_348 = vector.broadcast %parallel_loop3A_347 : f32 to vector<16xf32>
          %parallel_loop3A_349 = arith.subf %parallel_loop3A_200, %parallel_loop3A_348 : vector<16xf32>
          %parallel_loop3A_350 = arith.mulf %parallel_loop3A_349, %parallel_loop3A_349 : vector<16xf32>
          %parallel_loop3A_351 = arith.constant -2.250000e+00 : f32
          %parallel_loop3A_352 = vector.broadcast %parallel_loop3A_351 : f32 to vector<16xf32>
          %parallel_loop3A_353 = arith.mulf %parallel_loop3A_350, %parallel_loop3A_352 : vector<16xf32>
          %parallel_loop3A_354 = math.exp %parallel_loop3A_353 : vector<16xf32>
          %parallel_loop3A_355 = arith.constant 3888 : i32
          %parallel_loop3A_356 = tpu.memref_slice %arg10[%parallel_loop3A_355] : memref<6912xf32, #tpu.memory_space<vmem>> -> memref<432xf32, #tpu.memory_space<vmem>>
          %parallel_loop3A_357 = tpu.vector_load_idx %parallel_loop3A_356[%parallel_loop3A_202] : memref<432xf32, #tpu.memory_space<vmem>>[vector<16xi32>], vector<16xf32>,
          %parallel_loop3A_358 = arith.addf %parallel_loop3A_354, %parallel_loop3A_357 : vector<16xf32>
          %parallel_loop3A_359 = arith.constant 9 : i32
          %parallel_loop3A_360 = arith.index_cast %parallel_loop3A_359 : i32 to index
          %parallel_loop3A_361 = arith.index_cast %parallel_loop3A_140 : i32 to index
          %parallel_loop3A_362 = tpu.vector_load %arg18[%parallel_loop3A_360, %parallel_loop3A_361] {strides = array<i32>} : memref<16x1280xf32, #tpu.memory_space<vmem>>, vector<16xf32>,
          tpu.vector_store %arg18[%parallel_loop3A_360, %parallel_loop3A_361], %parallel_loop3A_358 {strides = array<i32>} : memref<16x1280xf32, #tpu.memory_space<vmem>>, vector<16xf32>,
          %parallel_loop3A_363 = arith.constant 6.66666651 : f32
          %parallel_loop3A_364 = vector.broadcast %parallel_loop3A_363 : f32 to vector<16xf32>
          %parallel_loop3A_365 = arith.subf %parallel_loop3A_200, %parallel_loop3A_364 : vector<16xf32>
          %parallel_loop3A_366 = arith.mulf %parallel_loop3A_365, %parallel_loop3A_365 : vector<16xf32>
          %parallel_loop3A_367 = arith.constant -2.250000e+00 : f32
          %parallel_loop3A_368 = vector.broadcast %parallel_loop3A_367 : f32 to vector<16xf32>
          %parallel_loop3A_369 = arith.mulf %parallel_loop3A_366, %parallel_loop3A_368 : vector<16xf32>
          %parallel_loop3A_370 = math.exp %parallel_loop3A_369 : vector<16xf32>
          %parallel_loop3A_371 = arith.constant 4320 : i32
          %parallel_loop3A_372 = tpu.memref_slice %arg10[%parallel_loop3A_371] : memref<6912xf32, #tpu.memory_space<vmem>> -> memref<432xf32, #tpu.memory_space<vmem>>
          %parallel_loop3A_373 = tpu.vector_load_idx %parallel_loop3A_372[%parallel_loop3A_202] : memref<432xf32, #tpu.memory_space<vmem>>[vector<16xi32>], vector<16xf32>,
          %parallel_loop3A_374 = arith.addf %parallel_loop3A_370, %parallel_loop3A_373 : vector<16xf32>
          %parallel_loop3A_375 = arith.constant 10 : i32
          %parallel_loop3A_376 = arith.index_cast %parallel_loop3A_375 : i32 to index
          %parallel_loop3A_377 = arith.index_cast %parallel_loop3A_140 : i32 to index
          %parallel_loop3A_378 = tpu.vector_load %arg18[%parallel_loop3A_376, %parallel_loop3A_377] {strides = array<i32>} : memref<16x1280xf32, #tpu.memory_space<vmem>>, vector<16xf32>,
          tpu.vector_store %arg18[%parallel_loop3A_376, %parallel_loop3A_377], %parallel_loop3A_374 {strides = array<i32>} : memref<16x1280xf32, #tpu.memory_space<vmem>>, vector<16xf32>,
          %parallel_loop3A_379 = arith.constant 7.33333349 : f32
          %parallel_loop3A_380 = vector.broadcast %parallel_loop3A_379 : f32 to vector<16xf32>
          %parallel_loop3A_381 = arith.subf %parallel_loop3A_200, %parallel_loop3A_380 : vector<16xf32>
          %parallel_loop3A_382 = arith.mulf %parallel_loop3A_381, %parallel_loop3A_381 : vector<16xf32>
          %parallel_loop3A_383 = arith.constant -2.250000e+00 : f32
          %parallel_loop3A_384 = vector.broadcast %parallel_loop3A_383 : f32 to vector<16xf32>
          %parallel_loop3A_385 = arith.mulf %parallel_loop3A_382, %parallel_loop3A_384 : vector<16xf32>
          %parallel_loop3A_386 = math.exp %parallel_loop3A_385 : vector<16xf32>
          %parallel_loop3A_387 = arith.constant 4752 : i32
          %parallel_loop3A_388 = tpu.memref_slice %arg10[%parallel_loop3A_387] : memref<6912xf32, #tpu.memory_space<vmem>> -> memref<432xf32, #tpu.memory_space<vmem>>
          %parallel_loop3A_389 = tpu.vector_load_idx %parallel_loop3A_388[%parallel_loop3A_202] : memref<432xf32, #tpu.memory_space<vmem>>[vector<16xi32>], vector<16xf32>,
          %parallel_loop3A_390 = arith.addf %parallel_loop3A_386, %parallel_loop3A_389 : vector<16xf32>
          %parallel_loop3A_391 = arith.constant 11 : i32
          %parallel_loop3A_392 = arith.index_cast %parallel_loop3A_391 : i32 to index
          %parallel_loop3A_393 = arith.index_cast %parallel_loop3A_140 : i32 to index
          %parallel_loop3A_394 = tpu.vector_load %arg18[%parallel_loop3A_392, %parallel_loop3A_393] {strides = array<i32>} : memref<16x1280xf32, #tpu.memory_space<vmem>>, vector<16xf32>,
          tpu.vector_store %arg18[%parallel_loop3A_392, %parallel_loop3A_393], %parallel_loop3A_390 {strides = array<i32>} : memref<16x1280xf32, #tpu.memory_space<vmem>>, vector<16xf32>,
          %parallel_loop3A_395 = arith.constant 8.000000e+00 : f32
          %parallel_loop3A_396 = vector.broadcast %parallel_loop3A_395 : f32 to vector<16xf32>
          %parallel_loop3A_397 = arith.subf %parallel_loop3A_200, %parallel_loop3A_396 : vector<16xf32>
          %parallel_loop3A_398 = arith.mulf %parallel_loop3A_397, %parallel_loop3A_397 : vector<16xf32>
          %parallel_loop3A_399 = arith.constant -2.250000e+00 : f32
          %parallel_loop3A_400 = vector.broadcast %parallel_loop3A_399 : f32 to vector<16xf32>
          %parallel_loop3A_401 = arith.mulf %parallel_loop3A_398, %parallel_loop3A_400 : vector<16xf32>
          %parallel_loop3A_402 = math.exp %parallel_loop3A_401 : vector<16xf32>
          %parallel_loop3A_403 = arith.constant 5184 : i32
          %parallel_loop3A_404 = tpu.memref_slice %arg10[%parallel_loop3A_403] : memref<6912xf32, #tpu.memory_space<vmem>> -> memref<432xf32, #tpu.memory_space<vmem>>
          %parallel_loop3A_405 = tpu.vector_load_idx %parallel_loop3A_404[%parallel_loop3A_202] : memref<432xf32, #tpu.memory_space<vmem>>[vector<16xi32>], vector<16xf32>,
          %parallel_loop3A_406 = arith.addf %parallel_loop3A_402, %parallel_loop3A_405 : vector<16xf32>
          %parallel_loop3A_407 = arith.constant 12 : i32
          %parallel_loop3A_408 = arith.index_cast %parallel_loop3A_407 : i32 to index
          %parallel_loop3A_409 = arith.index_cast %parallel_loop3A_140 : i32 to index
          %parallel_loop3A_410 = tpu.vector_load %arg18[%parallel_loop3A_408, %parallel_loop3A_409] {strides = array<i32>} : memref<16x1280xf32, #tpu.memory_space<vmem>>, vector<16xf32>,
          tpu.vector_store %arg18[%parallel_loop3A_408, %parallel_loop3A_409], %parallel_loop3A_406 {strides = array<i32>} : memref<16x1280xf32, #tpu.memory_space<vmem>>, vector<16xf32>,
          %parallel_loop3A_411 = arith.constant 8.66666698 : f32
          %parallel_loop3A_412 = vector.broadcast %parallel_loop3A_411 : f32 to vector<16xf32>
          %parallel_loop3A_413 = arith.subf %parallel_loop3A_200, %parallel_loop3A_412 : vector<16xf32>
          %parallel_loop3A_414 = arith.mulf %parallel_loop3A_413, %parallel_loop3A_413 : vector<16xf32>
          %parallel_loop3A_415 = arith.constant -2.250000e+00 : f32
          %parallel_loop3A_416 = vector.broadcast %parallel_loop3A_415 : f32 to vector<16xf32>
          %parallel_loop3A_417 = arith.mulf %parallel_loop3A_414, %parallel_loop3A_416 : vector<16xf32>
          %parallel_loop3A_418 = math.exp %parallel_loop3A_417 : vector<16xf32>
          %parallel_loop3A_419 = arith.constant 5616 : i32
          %parallel_loop3A_420 = tpu.memref_slice %arg10[%parallel_loop3A_419] : memref<6912xf32, #tpu.memory_space<vmem>> -> memref<432xf32, #tpu.memory_space<vmem>>
          %parallel_loop3A_421 = tpu.vector_load_idx %parallel_loop3A_420[%parallel_loop3A_202] : memref<432xf32, #tpu.memory_space<vmem>>[vector<16xi32>], vector<16xf32>,
          %parallel_loop3A_422 = arith.addf %parallel_loop3A_418, %parallel_loop3A_421 : vector<16xf32>
          %parallel_loop3A_423 = arith.constant 13 : i32
          %parallel_loop3A_424 = arith.index_cast %parallel_loop3A_423 : i32 to index
          %parallel_loop3A_425 = arith.index_cast %parallel_loop3A_140 : i32 to index
          %parallel_loop3A_426 = tpu.vector_load %arg18[%parallel_loop3A_424, %parallel_loop3A_425] {strides = array<i32>} : memref<16x1280xf32, #tpu.memory_space<vmem>>, vector<16xf32>,
          tpu.vector_store %arg18[%parallel_loop3A_424, %parallel_loop3A_425], %parallel_loop3A_422 {strides = array<i32>} : memref<16x1280xf32, #tpu.memory_space<vmem>>, vector<16xf32>,
          %parallel_loop3A_427 = arith.constant 9.33333301 : f32
          %parallel_loop3A_428 = vector.broadcast %parallel_loop3A_427 : f32 to vector<16xf32>
          %parallel_loop3A_429 = arith.subf %parallel_loop3A_200, %parallel_loop3A_428 : vector<16xf32>
          %parallel_loop3A_430 = arith.mulf %parallel_loop3A_429, %parallel_loop3A_429 : vector<16xf32>
          %parallel_loop3A_431 = arith.constant -2.250000e+00 : f32
          %parallel_loop3A_432 = vector.broadcast %parallel_loop3A_431 : f32 to vector<16xf32>
          %parallel_loop3A_433 = arith.mulf %parallel_loop3A_430, %parallel_loop3A_432 : vector<16xf32>
          %parallel_loop3A_434 = math.exp %parallel_loop3A_433 : vector<16xf32>
          %parallel_loop3A_435 = arith.constant 6048 : i32
          %parallel_loop3A_436 = tpu.memref_slice %arg10[%parallel_loop3A_435] : memref<6912xf32, #tpu.memory_space<vmem>> -> memref<432xf32, #tpu.memory_space<vmem>>
          %parallel_loop3A_437 = tpu.vector_load_idx %parallel_loop3A_436[%parallel_loop3A_202] : memref<432xf32, #tpu.memory_space<vmem>>[vector<16xi32>], vector<16xf32>,
          %parallel_loop3A_438 = arith.addf %parallel_loop3A_434, %parallel_loop3A_437 : vector<16xf32>
          %parallel_loop3A_439 = arith.constant 14 : i32
          %parallel_loop3A_440 = arith.index_cast %parallel_loop3A_439 : i32 to index
          %parallel_loop3A_441 = arith.index_cast %parallel_loop3A_140 : i32 to index
          %parallel_loop3A_442 = tpu.vector_load %arg18[%parallel_loop3A_440, %parallel_loop3A_441] {strides = array<i32>} : memref<16x1280xf32, #tpu.memory_space<vmem>>, vector<16xf32>,
          tpu.vector_store %arg18[%parallel_loop3A_440, %parallel_loop3A_441], %parallel_loop3A_438 {strides = array<i32>} : memref<16x1280xf32, #tpu.memory_space<vmem>>, vector<16xf32>,
          %parallel_loop3A_443 = arith.constant 1.000000e+01 : f32
          %parallel_loop3A_444 = vector.broadcast %parallel_loop3A_443 : f32 to vector<16xf32>
          %parallel_loop3A_445 = arith.subf %parallel_loop3A_200, %parallel_loop3A_444 : vector<16xf32>
          %parallel_loop3A_446 = arith.mulf %parallel_loop3A_445, %parallel_loop3A_445 : vector<16xf32>
          %parallel_loop3A_447 = arith.constant -2.250000e+00 : f32
          %parallel_loop3A_448 = vector.broadcast %parallel_loop3A_447 : f32 to vector<16xf32>
          %parallel_loop3A_449 = arith.mulf %parallel_loop3A_446, %parallel_loop3A_448 : vector<16xf32>
          %parallel_loop3A_450 = math.exp %parallel_loop3A_449 : vector<16xf32>
          %parallel_loop3A_451 = arith.constant 6480 : i32
          %parallel_loop3A_452 = tpu.memref_slice %arg10[%parallel_loop3A_451] : memref<6912xf32, #tpu.memory_space<vmem>> -> memref<432xf32, #tpu.memory_space<vmem>>
          %parallel_loop3A_453 = tpu.vector_load_idx %parallel_loop3A_452[%parallel_loop3A_202] : memref<432xf32, #tpu.memory_space<vmem>>[vector<16xi32>], vector<16xf32>,
          %parallel_loop3A_454 = arith.addf %parallel_loop3A_450, %parallel_loop3A_453 : vector<16xf32>
          %parallel_loop3A_455 = arith.constant 15 : i32
          %parallel_loop3A_456 = arith.index_cast %parallel_loop3A_455 : i32 to index
          %parallel_loop3A_457 = arith.index_cast %parallel_loop3A_140 : i32 to index
          %parallel_loop3A_458 = tpu.vector_load %arg18[%parallel_loop3A_456, %parallel_loop3A_457] {strides = array<i32>} : memref<16x1280xf32, #tpu.memory_space<vmem>>, vector<16xf32>,
          tpu.vector_store %arg18[%parallel_loop3A_456, %parallel_loop3A_457], %parallel_loop3A_454 {strides = array<i32>} : memref<16x1280xf32, #tpu.memory_space<vmem>>, vector<16xf32>,
        } {sc.loop_unroll_factor = 4 : i64, sc.parallel_access}
        %dma_start3A_134 = arith.constant 0 : i32
        %dma_start3A_135 = tpu.memref_slice %arg7[%select_n3A, %dma_start3A_134, %mul3A_109] : memref<4x16x320000xf32, #tpu.memory_space<hbm>> -> memref<1x16x1280xf32, #tpu.memory_space<hbm>>
        %dma_start3A_136 = tpu.memref_squeeze %dma_start3A_135 : memref<1x16x1280xf32, #tpu.memory_space<hbm>> -> memref<16x1280xf32, #tpu.memory_space<hbm>>
        %dma_start3A_137 = arith.constant 0 : i32
        %dma_start3A_138 = tpu.memref_slice %arg7[%select_n3A, %dma_start3A_137, %mul3A_109] : memref<4x16x320000xf32, #tpu.memory_space<hbm>> -> memref<1x16x1280xf32, #tpu.memory_space<hbm>>
        %dma_start3A_139 = tpu.memref_squeeze %dma_start3A_138 : memref<1x16x1280xf32, #tpu.memory_space<hbm>> -> memref<16x1280xf32, #tpu.memory_space<hbm>>
        tpu.enqueue_dma source(%arg18 : memref<16x1280xf32, #tpu.memory_space<vmem>>) target(%dma_start3A_139 : memref<16x1280xf32, #tpu.memory_space<hbm>>) target_semaphore(%arg22 : memref<!tpu.dma_semaphore, #tpu.memory_space<semaphore_mem>>)
      } else {
      }
    }
    %scan3A_74 = arith.constant 16 : i32
    %dma_wait3A = arith.constant 0 : i32
    %dma_wait3A_75 = arith.constant 0 : i32
    %dma_wait3A_76 = arith.constant 0 : i32
    %dma_wait3A_77 = tpu.memref_slice %arg7[%dma_wait3A, %dma_wait3A_75, %dma_wait3A_76] : memref<4x16x320000xf32, #tpu.memory_space<hbm>> -> memref<1x16x1280xf32, #tpu.memory_space<hbm>>
    %dma_wait3A_78 = tpu.memref_squeeze %dma_wait3A_77 : memref<1x16x1280xf32, #tpu.memory_space<hbm>> -> memref<16x1280xf32, #tpu.memory_space<hbm>>
    %dma_wait3A_79 = arith.constant 0 : i32
    %dma_wait3A_80 = arith.constant 0 : i32
    %dma_wait3A_81 = tpu.memref_slice %arg7[%dma_wait3A, %dma_wait3A_79, %dma_wait3A_80] : memref<4x16x320000xf32, #tpu.memory_space<hbm>> -> memref<1x16x1280xf32, #tpu.memory_space<hbm>>
    %dma_wait3A_82 = tpu.memref_squeeze %dma_wait3A_81 : memref<1x16x1280xf32, #tpu.memory_space<hbm>> -> memref<16x1280xf32, #tpu.memory_space<hbm>>
    tpu.wait_dma2 semaphore(%arg21 : memref<!tpu.dma_semaphore, #tpu.memory_space<semaphore_mem>>) src(%dma_wait3A_82 : memref<16x1280xf32, #tpu.memory_space<hbm>>) dst(%arg17 : memref<16x1280xf32, #tpu.memory_space<vmem>>)
    %dma_wait3A_83 = arith.constant 0 : i32
    %dma_wait3A_84 = arith.constant 0 : i32
    %dma_wait3A_85 = arith.constant 0 : i32
    %dma_wait3A_86 = tpu.memref_slice %arg7[%dma_wait3A_83, %dma_wait3A_84, %dma_wait3A_85] : memref<4x16x320000xf32, #tpu.memory_space<hbm>> -> memref<1x16x1280xf32, #tpu.memory_space<hbm>>
    %dma_wait3A_87 = tpu.memref_squeeze %dma_wait3A_86 : memref<1x16x1280xf32, #tpu.memory_space<hbm>> -> memref<16x1280xf32, #tpu.memory_space<hbm>>
    %dma_wait3A_88 = arith.constant 0 : i32
    %dma_wait3A_89 = arith.constant 0 : i32
    %dma_wait3A_90 = tpu.memref_slice %arg7[%dma_wait3A_83, %dma_wait3A_88, %dma_wait3A_89] : memref<4x16x320000xf32, #tpu.memory_space<hbm>> -> memref<1x16x1280xf32, #tpu.memory_space<hbm>>
    %dma_wait3A_91 = tpu.memref_squeeze %dma_wait3A_90 : memref<1x16x1280xf32, #tpu.memory_space<hbm>> -> memref<16x1280xf32, #tpu.memory_space<hbm>>
    tpu.wait_dma2 semaphore(%arg22 : memref<!tpu.dma_semaphore, #tpu.memory_space<semaphore_mem>>) src(%dma_wait3A_91 : memref<16x1280xf32, #tpu.memory_space<hbm>>) dst(%arg18 : memref<16x1280xf32, #tpu.memory_space<vmem>>)
    return
  }
}

module attributes {stable_mosaic.version = 14 : i64} {
  func.func @body(%arg0: i32, %arg1: memref<4x2x3200xi32, #tpu.memory_space<vmem>>, %arg2: memref<1280000xi32, #tpu.memory_space<vmem>>, %arg3: memref<1280000xi32, #tpu.memory_space<vmem>>) attributes {dimension_semantics = [#tpu.dimension_semantics<arbitrary>], iteration_bounds = array<i64: 100>, scalar_prefetch = 0 : i64, scratch_operands = 0 : i64, tpu.core_type = #tpu.core_type<tc>, window_params = [{transform_indices = @transform_0, window_bounds = array<i64: 4, 2, 3200>}, {pipeline_mode = #tpu.pipeline_mode<synchronous>, transform_indices = @transform_1, window_bounds = array<i64: 1280000>}, {pipeline_mode = #tpu.pipeline_mode<synchronous>, transform_indices = @transform_2, window_bounds = array<i64: 1280000>}]} {
    %get3A = arith.constant 0 : index
    %get3A_0 = arith.constant 0 : index
    %get3A_1 = arith.constant 0 : index
    %get3A_2 = vector.load %arg1[%get3A, %get3A_0, %get3A_1] : memref<4x2x3200xi32, #tpu.memory_space<vmem>>, vector<1x1x3200xi32>
    %get3A_3 = vector.shape_cast %get3A_2 : vector<1x1x3200xi32> to vector<3200xi32>
    %mul3A = arith.constant 3200 : i32
    %mul3A_4 = arith.muli %arg0, %mul3A : i32
    %add3A = arith.constant 0 : i32
    %add3A_5 = arith.addi %add3A, %mul3A_4 : i32
    %swap3A = arith.index_cast %add3A_5 : i32 to index
    %swap3A_6 = vector.load %arg2[%swap3A] : memref<1280000xi32, #tpu.memory_space<vmem>>, vector<3200xi32>
    tpu.vector_store %arg2[%swap3A], %get3A_3 {strides = array<i32>} : memref<1280000xi32, #tpu.memory_space<vmem>>, vector<3200xi32>,
    %get3A_7 = arith.constant 0 : index
    %get3A_8 = arith.constant 1 : index
    %get3A_9 = arith.constant 0 : index
    %get3A_10 = vector.load %arg1[%get3A_7, %get3A_8, %get3A_9] : memref<4x2x3200xi32, #tpu.memory_space<vmem>>, vector<1x1x3200xi32>
    %get3A_11 = vector.shape_cast %get3A_10 : vector<1x1x3200xi32> to vector<3200xi32>
    %mul3A_12 = arith.constant 3200 : i32
    %mul3A_13 = arith.muli %arg0, %mul3A_12 : i32
    %add3A_14 = arith.constant 0 : i32
    %add3A_15 = arith.addi %add3A_14, %mul3A_13 : i32
    %swap3A_16 = arith.index_cast %add3A_15 : i32 to index
    %swap3A_17 = vector.load %arg3[%swap3A_16] : memref<1280000xi32, #tpu.memory_space<vmem>>, vector<3200xi32>
    tpu.vector_store %arg3[%swap3A_16], %get3A_11 {strides = array<i32>} : memref<1280000xi32, #tpu.memory_space<vmem>>, vector<3200xi32>,
    %get3A_18 = arith.constant 1 : index
    %get3A_19 = arith.constant 0 : index
    %get3A_20 = arith.constant 0 : index
    %get3A_21 = vector.load %arg1[%get3A_18, %get3A_19, %get3A_20] : memref<4x2x3200xi32, #tpu.memory_space<vmem>>, vector<1x1x3200xi32>
    %get3A_22 = vector.shape_cast %get3A_21 : vector<1x1x3200xi32> to vector<3200xi32>
    %mul3A_23 = arith.constant 3200 : i32
    %mul3A_24 = arith.muli %arg0, %mul3A_23 : i32
    %add3A_25 = arith.constant 320000 : i32
    %add3A_26 = arith.addi %add3A_25, %mul3A_24 : i32
    %swap3A_27 = arith.index_cast %add3A_26 : i32 to index
    %swap3A_28 = vector.load %arg2[%swap3A_27] : memref<1280000xi32, #tpu.memory_space<vmem>>, vector<3200xi32>
    tpu.vector_store %arg2[%swap3A_27], %get3A_22 {strides = array<i32>} : memref<1280000xi32, #tpu.memory_space<vmem>>, vector<3200xi32>,
    %get3A_29 = arith.constant 1 : index
    %get3A_30 = arith.constant 1 : index
    %get3A_31 = arith.constant 0 : index
    %get3A_32 = vector.load %arg1[%get3A_29, %get3A_30, %get3A_31] : memref<4x2x3200xi32, #tpu.memory_space<vmem>>, vector<1x1x3200xi32>
    %get3A_33 = vector.shape_cast %get3A_32 : vector<1x1x3200xi32> to vector<3200xi32>
    %mul3A_34 = arith.constant 3200 : i32
    %mul3A_35 = arith.muli %arg0, %mul3A_34 : i32
    %add3A_36 = arith.constant 320000 : i32
    %add3A_37 = arith.addi %add3A_36, %mul3A_35 : i32
    %swap3A_38 = arith.index_cast %add3A_37 : i32 to index
    %swap3A_39 = vector.load %arg3[%swap3A_38] : memref<1280000xi32, #tpu.memory_space<vmem>>, vector<3200xi32>
    tpu.vector_store %arg3[%swap3A_38], %get3A_33 {strides = array<i32>} : memref<1280000xi32, #tpu.memory_space<vmem>>, vector<3200xi32>,
    %get3A_40 = arith.constant 2 : index
    %get3A_41 = arith.constant 0 : index
    %get3A_42 = arith.constant 0 : index
    %get3A_43 = vector.load %arg1[%get3A_40, %get3A_41, %get3A_42] : memref<4x2x3200xi32, #tpu.memory_space<vmem>>, vector<1x1x3200xi32>
    %get3A_44 = vector.shape_cast %get3A_43 : vector<1x1x3200xi32> to vector<3200xi32>
    %mul3A_45 = arith.constant 3200 : i32
    %mul3A_46 = arith.muli %arg0, %mul3A_45 : i32
    %add3A_47 = arith.constant 640000 : i32
    %add3A_48 = arith.addi %add3A_47, %mul3A_46 : i32
    %swap3A_49 = arith.index_cast %add3A_48 : i32 to index
    %swap3A_50 = vector.load %arg2[%swap3A_49] : memref<1280000xi32, #tpu.memory_space<vmem>>, vector<3200xi32>
    tpu.vector_store %arg2[%swap3A_49], %get3A_44 {strides = array<i32>} : memref<1280000xi32, #tpu.memory_space<vmem>>, vector<3200xi32>,
    %get3A_51 = arith.constant 2 : index
    %get3A_52 = arith.constant 1 : index
    %get3A_53 = arith.constant 0 : index
    %get3A_54 = vector.load %arg1[%get3A_51, %get3A_52, %get3A_53] : memref<4x2x3200xi32, #tpu.memory_space<vmem>>, vector<1x1x3200xi32>
    %get3A_55 = vector.shape_cast %get3A_54 : vector<1x1x3200xi32> to vector<3200xi32>
    %mul3A_56 = arith.constant 3200 : i32
    %mul3A_57 = arith.muli %arg0, %mul3A_56 : i32
    %add3A_58 = arith.constant 640000 : i32
    %add3A_59 = arith.addi %add3A_58, %mul3A_57 : i32
    %swap3A_60 = arith.index_cast %add3A_59 : i32 to index
    %swap3A_61 = vector.load %arg3[%swap3A_60] : memref<1280000xi32, #tpu.memory_space<vmem>>, vector<3200xi32>
    tpu.vector_store %arg3[%swap3A_60], %get3A_55 {strides = array<i32>} : memref<1280000xi32, #tpu.memory_space<vmem>>, vector<3200xi32>,
    %get3A_62 = arith.constant 3 : index
    %get3A_63 = arith.constant 0 : index
    %get3A_64 = arith.constant 0 : index
    %get3A_65 = vector.load %arg1[%get3A_62, %get3A_63, %get3A_64] : memref<4x2x3200xi32, #tpu.memory_space<vmem>>, vector<1x1x3200xi32>
    %get3A_66 = vector.shape_cast %get3A_65 : vector<1x1x3200xi32> to vector<3200xi32>
    %mul3A_67 = arith.constant 3200 : i32
    %mul3A_68 = arith.muli %arg0, %mul3A_67 : i32
    %add3A_69 = arith.constant 960000 : i32
    %add3A_70 = arith.addi %add3A_69, %mul3A_68 : i32
    %swap3A_71 = arith.index_cast %add3A_70 : i32 to index
    %swap3A_72 = vector.load %arg2[%swap3A_71] : memref<1280000xi32, #tpu.memory_space<vmem>>, vector<3200xi32>
    tpu.vector_store %arg2[%swap3A_71], %get3A_66 {strides = array<i32>} : memref<1280000xi32, #tpu.memory_space<vmem>>, vector<3200xi32>,
    %get3A_73 = arith.constant 3 : index
    %get3A_74 = arith.constant 1 : index
    %get3A_75 = arith.constant 0 : index
    %get3A_76 = vector.load %arg1[%get3A_73, %get3A_74, %get3A_75] : memref<4x2x3200xi32, #tpu.memory_space<vmem>>, vector<1x1x3200xi32>
    %get3A_77 = vector.shape_cast %get3A_76 : vector<1x1x3200xi32> to vector<3200xi32>
    %mul3A_78 = arith.constant 3200 : i32
    %mul3A_79 = arith.muli %arg0, %mul3A_78 : i32
    %add3A_80 = arith.constant 960000 : i32
    %add3A_81 = arith.addi %add3A_80, %mul3A_79 : i32
    %swap3A_82 = arith.index_cast %add3A_81 : i32 to index
    %swap3A_83 = vector.load %arg3[%swap3A_82] : memref<1280000xi32, #tpu.memory_space<vmem>>, vector<3200xi32>
    tpu.vector_store %arg3[%swap3A_82], %get3A_77 {strides = array<i32>} : memref<1280000xi32, #tpu.memory_space<vmem>>, vector<3200xi32>,
    return
  }
  func.func @transform_0(%arg0: i32) -> (i32, i32, i32) {
    %c0_i32 = arith.constant 0 : i32
    %c0_i32_0 = arith.constant 0 : i32
    %c0_i32_1 = arith.constant 0 : i32
    return %c0_i32, %c0_i32_0, %arg0 : i32, i32, i32
  }
  func.func @transform_1(%arg0: i32) -> i32 {
    %c0_i32 = arith.constant 0 : i32
    %c0_i32_0 = arith.constant 0 : i32
    return %c0_i32 : i32
  }
  func.func @transform_2(%arg0: i32) -> i32 {
    %c0_i32 = arith.constant 0 : i32
    %c0_i32_0 = arith.constant 0 : i32
    return %c0_i32 : i32
  }
}

module attributes {stable_mosaic.version = 14 : i64} {
  func.func @body(%arg0: i32, %arg1: memref<4x4x3200xi32, #tpu.memory_space<vmem>>, %arg2: memref<1280000xi32, #tpu.memory_space<vmem>>) attributes {dimension_semantics = [#tpu.dimension_semantics<arbitrary>], iteration_bounds = array<i64: 100>, scalar_prefetch = 0 : i64, scratch_operands = 0 : i64, tpu.core_type = #tpu.core_type<tc>, window_params = [{transform_indices = @transform_0, window_bounds = array<i64: 4, 4, 3200>}, {pipeline_mode = #tpu.pipeline_mode<synchronous>, transform_indices = @transform_1, window_bounds = array<i64: 1280000>}]} {
    %get3A = arith.constant 0 : index
    %get3A_0 = arith.constant 0 : index
    %get3A_1 = arith.constant 0 : index
    %get3A_2 = vector.load %arg1[%get3A, %get3A_0, %get3A_1] : memref<4x4x3200xi32, #tpu.memory_space<vmem>>, vector<1x4x3200xi32>
    %get3A_3 = vector.shape_cast %get3A_2 : vector<1x4x3200xi32> to vector<4x3200xi32>
    %slice3A = vector.extract_strided_slice %get3A_3 {offsets = [0, 0], sizes = [1, 3200], strides = [1, 1]} : vector<4x3200xi32> to vector<1x3200xi32>
    %squeeze3A = vector.shape_cast %slice3A : vector<1x3200xi32> to vector<3200xi32>
    %slice3A_4 = vector.extract_strided_slice %get3A_3 {offsets = [1, 0], sizes = [1, 3200], strides = [1, 1]} : vector<4x3200xi32> to vector<1x3200xi32>
    %squeeze3A_5 = vector.shape_cast %slice3A_4 : vector<1x3200xi32> to vector<3200xi32>
    %mul3A = arith.constant 6 : i32
    %mul3A_6 = vector.broadcast %mul3A : i32 to vector<3200xi32>
    %mul3A_7 = arith.muli %mul3A_6, %squeeze3A_5 : vector<3200xi32>
    %add3A = arith.addi %squeeze3A, %mul3A_7 : vector<3200xi32>
    %slice3A_8 = vector.extract_strided_slice %get3A_3 {offsets = [2, 0], sizes = [1, 3200], strides = [1, 1]} : vector<4x3200xi32> to vector<1x3200xi32>
    %squeeze3A_9 = vector.shape_cast %slice3A_8 : vector<1x3200xi32> to vector<3200xi32>
    %mul3A_10 = arith.constant 18 : i32
    %mul3A_11 = vector.broadcast %mul3A_10 : i32 to vector<3200xi32>
    %mul3A_12 = arith.muli %mul3A_11, %squeeze3A_9 : vector<3200xi32>
    %add3A_13 = arith.addi %add3A, %mul3A_12 : vector<3200xi32>
    %slice3A_14 = vector.extract_strided_slice %get3A_3 {offsets = [3, 0], sizes = [1, 3200], strides = [1, 1]} : vector<4x3200xi32> to vector<1x3200xi32>
    %squeeze3A_15 = vector.shape_cast %slice3A_14 : vector<1x3200xi32> to vector<3200xi32>
    %mul3A_16 = arith.constant 54 : i32
    %mul3A_17 = vector.broadcast %mul3A_16 : i32 to vector<3200xi32>
    %mul3A_18 = arith.muli %mul3A_17, %squeeze3A_15 : vector<3200xi32>
    %add3A_19 = arith.addi %add3A_13, %mul3A_18 : vector<3200xi32>
    %mul3A_20 = arith.constant 3200 : i32
    %mul3A_21 = arith.muli %arg0, %mul3A_20 : i32
    %add3A_22 = arith.constant 0 : i32
    %add3A_23 = arith.addi %add3A_22, %mul3A_21 : i32
    %swap3A = arith.index_cast %add3A_23 : i32 to index
    %swap3A_24 = vector.load %arg2[%swap3A] : memref<1280000xi32, #tpu.memory_space<vmem>>, vector<3200xi32>
    tpu.vector_store %arg2[%swap3A], %add3A_19 {strides = array<i32>} : memref<1280000xi32, #tpu.memory_space<vmem>>, vector<3200xi32>,
    %get3A_25 = arith.constant 1 : index
    %get3A_26 = arith.constant 0 : index
    %get3A_27 = arith.constant 0 : index
    %get3A_28 = vector.load %arg1[%get3A_25, %get3A_26, %get3A_27] : memref<4x4x3200xi32, #tpu.memory_space<vmem>>, vector<1x4x3200xi32>
    %get3A_29 = vector.shape_cast %get3A_28 : vector<1x4x3200xi32> to vector<4x3200xi32>
    %slice3A_30 = vector.extract_strided_slice %get3A_29 {offsets = [0, 0], sizes = [1, 3200], strides = [1, 1]} : vector<4x3200xi32> to vector<1x3200xi32>
    %squeeze3A_31 = vector.shape_cast %slice3A_30 : vector<1x3200xi32> to vector<3200xi32>
    %slice3A_32 = vector.extract_strided_slice %get3A_29 {offsets = [1, 0], sizes = [1, 3200], strides = [1, 1]} : vector<4x3200xi32> to vector<1x3200xi32>
    %squeeze3A_33 = vector.shape_cast %slice3A_32 : vector<1x3200xi32> to vector<3200xi32>
    %mul3A_34 = arith.constant 6 : i32
    %mul3A_35 = vector.broadcast %mul3A_34 : i32 to vector<3200xi32>
    %mul3A_36 = arith.muli %mul3A_35, %squeeze3A_33 : vector<3200xi32>
    %add3A_37 = arith.addi %squeeze3A_31, %mul3A_36 : vector<3200xi32>
    %slice3A_38 = vector.extract_strided_slice %get3A_29 {offsets = [2, 0], sizes = [1, 3200], strides = [1, 1]} : vector<4x3200xi32> to vector<1x3200xi32>
    %squeeze3A_39 = vector.shape_cast %slice3A_38 : vector<1x3200xi32> to vector<3200xi32>
    %mul3A_40 = arith.constant 18 : i32
    %mul3A_41 = vector.broadcast %mul3A_40 : i32 to vector<3200xi32>
    %mul3A_42 = arith.muli %mul3A_41, %squeeze3A_39 : vector<3200xi32>
    %add3A_43 = arith.addi %add3A_37, %mul3A_42 : vector<3200xi32>
    %slice3A_44 = vector.extract_strided_slice %get3A_29 {offsets = [3, 0], sizes = [1, 3200], strides = [1, 1]} : vector<4x3200xi32> to vector<1x3200xi32>
    %squeeze3A_45 = vector.shape_cast %slice3A_44 : vector<1x3200xi32> to vector<3200xi32>
    %mul3A_46 = arith.constant 54 : i32
    %mul3A_47 = vector.broadcast %mul3A_46 : i32 to vector<3200xi32>
    %mul3A_48 = arith.muli %mul3A_47, %squeeze3A_45 : vector<3200xi32>
    %add3A_49 = arith.addi %add3A_43, %mul3A_48 : vector<3200xi32>
    %mul3A_50 = arith.constant 3200 : i32
    %mul3A_51 = arith.muli %arg0, %mul3A_50 : i32
    %add3A_52 = arith.constant 320000 : i32
    %add3A_53 = arith.addi %add3A_52, %mul3A_51 : i32
    %swap3A_54 = arith.index_cast %add3A_53 : i32 to index
    %swap3A_55 = vector.load %arg2[%swap3A_54] : memref<1280000xi32, #tpu.memory_space<vmem>>, vector<3200xi32>
    tpu.vector_store %arg2[%swap3A_54], %add3A_49 {strides = array<i32>} : memref<1280000xi32, #tpu.memory_space<vmem>>, vector<3200xi32>,
    %get3A_56 = arith.constant 2 : index
    %get3A_57 = arith.constant 0 : index
    %get3A_58 = arith.constant 0 : index
    %get3A_59 = vector.load %arg1[%get3A_56, %get3A_57, %get3A_58] : memref<4x4x3200xi32, #tpu.memory_space<vmem>>, vector<1x4x3200xi32>
    %get3A_60 = vector.shape_cast %get3A_59 : vector<1x4x3200xi32> to vector<4x3200xi32>
    %slice3A_61 = vector.extract_strided_slice %get3A_60 {offsets = [0, 0], sizes = [1, 3200], strides = [1, 1]} : vector<4x3200xi32> to vector<1x3200xi32>
    %squeeze3A_62 = vector.shape_cast %slice3A_61 : vector<1x3200xi32> to vector<3200xi32>
    %slice3A_63 = vector.extract_strided_slice %get3A_60 {offsets = [1, 0], sizes = [1, 3200], strides = [1, 1]} : vector<4x3200xi32> to vector<1x3200xi32>
    %squeeze3A_64 = vector.shape_cast %slice3A_63 : vector<1x3200xi32> to vector<3200xi32>
    %mul3A_65 = arith.constant 6 : i32
    %mul3A_66 = vector.broadcast %mul3A_65 : i32 to vector<3200xi32>
    %mul3A_67 = arith.muli %mul3A_66, %squeeze3A_64 : vector<3200xi32>
    %add3A_68 = arith.addi %squeeze3A_62, %mul3A_67 : vector<3200xi32>
    %slice3A_69 = vector.extract_strided_slice %get3A_60 {offsets = [2, 0], sizes = [1, 3200], strides = [1, 1]} : vector<4x3200xi32> to vector<1x3200xi32>
    %squeeze3A_70 = vector.shape_cast %slice3A_69 : vector<1x3200xi32> to vector<3200xi32>
    %mul3A_71 = arith.constant 18 : i32
    %mul3A_72 = vector.broadcast %mul3A_71 : i32 to vector<3200xi32>
    %mul3A_73 = arith.muli %mul3A_72, %squeeze3A_70 : vector<3200xi32>
    %add3A_74 = arith.addi %add3A_68, %mul3A_73 : vector<3200xi32>
    %slice3A_75 = vector.extract_strided_slice %get3A_60 {offsets = [3, 0], sizes = [1, 3200], strides = [1, 1]} : vector<4x3200xi32> to vector<1x3200xi32>
    %squeeze3A_76 = vector.shape_cast %slice3A_75 : vector<1x3200xi32> to vector<3200xi32>
    %mul3A_77 = arith.constant 54 : i32
    %mul3A_78 = vector.broadcast %mul3A_77 : i32 to vector<3200xi32>
    %mul3A_79 = arith.muli %mul3A_78, %squeeze3A_76 : vector<3200xi32>
    %add3A_80 = arith.addi %add3A_74, %mul3A_79 : vector<3200xi32>
    %mul3A_81 = arith.constant 3200 : i32
    %mul3A_82 = arith.muli %arg0, %mul3A_81 : i32
    %add3A_83 = arith.constant 640000 : i32
    %add3A_84 = arith.addi %add3A_83, %mul3A_82 : i32
    %swap3A_85 = arith.index_cast %add3A_84 : i32 to index
    %swap3A_86 = vector.load %arg2[%swap3A_85] : memref<1280000xi32, #tpu.memory_space<vmem>>, vector<3200xi32>
    tpu.vector_store %arg2[%swap3A_85], %add3A_80 {strides = array<i32>} : memref<1280000xi32, #tpu.memory_space<vmem>>, vector<3200xi32>,
    %get3A_87 = arith.constant 3 : index
    %get3A_88 = arith.constant 0 : index
    %get3A_89 = arith.constant 0 : index
    %get3A_90 = vector.load %arg1[%get3A_87, %get3A_88, %get3A_89] : memref<4x4x3200xi32, #tpu.memory_space<vmem>>, vector<1x4x3200xi32>
    %get3A_91 = vector.shape_cast %get3A_90 : vector<1x4x3200xi32> to vector<4x3200xi32>
    %slice3A_92 = vector.extract_strided_slice %get3A_91 {offsets = [0, 0], sizes = [1, 3200], strides = [1, 1]} : vector<4x3200xi32> to vector<1x3200xi32>
    %squeeze3A_93 = vector.shape_cast %slice3A_92 : vector<1x3200xi32> to vector<3200xi32>
    %slice3A_94 = vector.extract_strided_slice %get3A_91 {offsets = [1, 0], sizes = [1, 3200], strides = [1, 1]} : vector<4x3200xi32> to vector<1x3200xi32>
    %squeeze3A_95 = vector.shape_cast %slice3A_94 : vector<1x3200xi32> to vector<3200xi32>
    %mul3A_96 = arith.constant 6 : i32
    %mul3A_97 = vector.broadcast %mul3A_96 : i32 to vector<3200xi32>
    %mul3A_98 = arith.muli %mul3A_97, %squeeze3A_95 : vector<3200xi32>
    %add3A_99 = arith.addi %squeeze3A_93, %mul3A_98 : vector<3200xi32>
    %slice3A_100 = vector.extract_strided_slice %get3A_91 {offsets = [2, 0], sizes = [1, 3200], strides = [1, 1]} : vector<4x3200xi32> to vector<1x3200xi32>
    %squeeze3A_101 = vector.shape_cast %slice3A_100 : vector<1x3200xi32> to vector<3200xi32>
    %mul3A_102 = arith.constant 18 : i32
    %mul3A_103 = vector.broadcast %mul3A_102 : i32 to vector<3200xi32>
    %mul3A_104 = arith.muli %mul3A_103, %squeeze3A_101 : vector<3200xi32>
    %add3A_105 = arith.addi %add3A_99, %mul3A_104 : vector<3200xi32>
    %slice3A_106 = vector.extract_strided_slice %get3A_91 {offsets = [3, 0], sizes = [1, 3200], strides = [1, 1]} : vector<4x3200xi32> to vector<1x3200xi32>
    %squeeze3A_107 = vector.shape_cast %slice3A_106 : vector<1x3200xi32> to vector<3200xi32>
    %mul3A_108 = arith.constant 54 : i32
    %mul3A_109 = vector.broadcast %mul3A_108 : i32 to vector<3200xi32>
    %mul3A_110 = arith.muli %mul3A_109, %squeeze3A_107 : vector<3200xi32>
    %add3A_111 = arith.addi %add3A_105, %mul3A_110 : vector<3200xi32>
    %mul3A_112 = arith.constant 3200 : i32
    %mul3A_113 = arith.muli %arg0, %mul3A_112 : i32
    %add3A_114 = arith.constant 960000 : i32
    %add3A_115 = arith.addi %add3A_114, %mul3A_113 : i32
    %swap3A_116 = arith.index_cast %add3A_115 : i32 to index
    %swap3A_117 = vector.load %arg2[%swap3A_116] : memref<1280000xi32, #tpu.memory_space<vmem>>, vector<3200xi32>
    tpu.vector_store %arg2[%swap3A_116], %add3A_111 {strides = array<i32>} : memref<1280000xi32, #tpu.memory_space<vmem>>, vector<3200xi32>,
    return
  }
  func.func @transform_0(%arg0: i32) -> (i32, i32, i32) {
    %c0_i32 = arith.constant 0 : i32
    %c0_i32_0 = arith.constant 0 : i32
    %c0_i32_1 = arith.constant 0 : i32
    return %c0_i32, %c0_i32_0, %arg0 : i32, i32, i32
  }
  func.func @transform_1(%arg0: i32) -> i32 {
    %c0_i32 = arith.constant 0 : i32
    %c0_i32_0 = arith.constant 0 : i32
    return %c0_i32 : i32
  }
}

module attributes {stable_mosaic.version = 14 : i64} {
  func.func @body(%arg0: i32, %arg1: memref<2000x8xi32, #tpu.memory_space<vmem>>, %arg2: memref<128x128xf32, #tpu.memory_space<vmem>>, %arg3: memref<2000x128xf32, #tpu.memory_space<vmem>>) attributes {dimension_semantics = [#tpu.dimension_semantics<arbitrary>], iteration_bounds = array<i64: 20>, scalar_prefetch = 0 : i64, scratch_operands = 0 : i64, tpu.core_type = #tpu.core_type<tc>, window_params = [{transform_indices = @transform_0, window_bounds = array<i64: 2000, 8>}, {pipeline_mode = #tpu.pipeline_mode<synchronous>, transform_indices = @transform_1, window_bounds = array<i64: 128, 128>}, {transform_indices = @transform_2, window_bounds = array<i64: 2000, 128>}]} {
    %iota3A = tpu.iota {dimensions = array<i32: 1>} : vector<2000x128xi32>
    %broadcast_in_dim3A = arith.constant 0.000000e+00 : f32
    %broadcast_in_dim3A_0 = vector.broadcast %broadcast_in_dim3A : f32 to vector<2000x128xf32>
    %get3A = arith.constant 0 : index
    %get3A_1 = arith.constant 0 : index
    %get3A_2 = vector.load %arg1[%get3A, %get3A_1] : memref<2000x8xi32, #tpu.memory_space<vmem>>, vector<2000x8xi32>
    %slice3A = vector.extract_strided_slice %get3A_2 {offsets = [0, 0], sizes = [2000, 1], strides = [1, 1]} : vector<2000x8xi32> to vector<2000x1xi32>
    %add3A = arith.constant 0 : i32
    %add3A_3 = vector.broadcast %add3A : i32 to vector<2000x1xi32>
    %add3A_4 = arith.addi %slice3A, %add3A_3 : vector<2000x1xi32>
    %eq3A = vector.broadcast %add3A_4 : vector<2000x1xi32> to vector<2000x128xi32>
    %eq3A_5 = arith.cmpi eq, %iota3A, %eq3A : vector<2000x128xi32>
    %convert_element_type3A = arith.extui %eq3A_5 : vector<2000x128xi1> to vector<2000x128xi32>
    %convert_element_type3A_6 = arith.sitofp %convert_element_type3A : vector<2000x128xi32> to vector<2000x128xf32>
    %add3A_7 = arith.addf %broadcast_in_dim3A_0, %convert_element_type3A_6 : vector<2000x128xf32>
    %slice3A_8 = vector.extract_strided_slice %get3A_2 {offsets = [0, 2], sizes = [2000, 1], strides = [1, 1]} : vector<2000x8xi32> to vector<2000x1xi32>
    %add3A_9 = arith.constant 13 : i32
    %add3A_10 = vector.broadcast %add3A_9 : i32 to vector<2000x1xi32>
    %add3A_11 = arith.addi %slice3A_8, %add3A_10 : vector<2000x1xi32>
    %eq3A_12 = vector.broadcast %add3A_11 : vector<2000x1xi32> to vector<2000x128xi32>
    %eq3A_13 = arith.cmpi eq, %iota3A, %eq3A_12 : vector<2000x128xi32>
    %convert_element_type3A_14 = arith.extui %eq3A_13 : vector<2000x128xi1> to vector<2000x128xi32>
    %convert_element_type3A_15 = arith.sitofp %convert_element_type3A_14 : vector<2000x128xi32> to vector<2000x128xf32>
    %add3A_16 = arith.addf %add3A_7, %convert_element_type3A_15 : vector<2000x128xf32>
    %slice3A_17 = vector.extract_strided_slice %get3A_2 {offsets = [0, 3], sizes = [2000, 1], strides = [1, 1]} : vector<2000x8xi32> to vector<2000x1xi32>
    %add3A_18 = arith.constant 21 : i32
    %add3A_19 = vector.broadcast %add3A_18 : i32 to vector<2000x1xi32>
    %add3A_20 = arith.addi %slice3A_17, %add3A_19 : vector<2000x1xi32>
    %eq3A_21 = vector.broadcast %add3A_20 : vector<2000x1xi32> to vector<2000x128xi32>
    %eq3A_22 = arith.cmpi eq, %iota3A, %eq3A_21 : vector<2000x128xi32>
    %convert_element_type3A_23 = arith.extui %eq3A_22 : vector<2000x128xi1> to vector<2000x128xi32>
    %convert_element_type3A_24 = arith.sitofp %convert_element_type3A_23 : vector<2000x128xi32> to vector<2000x128xf32>
    %add3A_25 = arith.addf %add3A_16, %convert_element_type3A_24 : vector<2000x128xf32>
    %slice3A_26 = vector.extract_strided_slice %get3A_2 {offsets = [0, 4], sizes = [2000, 1], strides = [1, 1]} : vector<2000x8xi32> to vector<2000x1xi32>
    %add3A_27 = arith.constant 27 : i32
    %add3A_28 = vector.broadcast %add3A_27 : i32 to vector<2000x1xi32>
    %add3A_29 = arith.addi %slice3A_26, %add3A_28 : vector<2000x1xi32>
    %eq3A_30 = vector.broadcast %add3A_29 : vector<2000x1xi32> to vector<2000x128xi32>
    %eq3A_31 = arith.cmpi eq, %iota3A, %eq3A_30 : vector<2000x128xi32>
    %convert_element_type3A_32 = arith.extui %eq3A_31 : vector<2000x128xi1> to vector<2000x128xi32>
    %convert_element_type3A_33 = arith.sitofp %convert_element_type3A_32 : vector<2000x128xi32> to vector<2000x128xf32>
    %add3A_34 = arith.addf %add3A_25, %convert_element_type3A_33 : vector<2000x128xf32>
    %slice3A_35 = vector.extract_strided_slice %get3A_2 {offsets = [0, 5], sizes = [2000, 1], strides = [1, 1]} : vector<2000x8xi32> to vector<2000x1xi32>
    %add3A_36 = arith.constant 33 : i32
    %add3A_37 = vector.broadcast %add3A_36 : i32 to vector<2000x1xi32>
    %add3A_38 = arith.addi %slice3A_35, %add3A_37 : vector<2000x1xi32>
    %eq3A_39 = vector.broadcast %add3A_38 : vector<2000x1xi32> to vector<2000x128xi32>
    %eq3A_40 = arith.cmpi eq, %iota3A, %eq3A_39 : vector<2000x128xi32>
    %convert_element_type3A_41 = arith.extui %eq3A_40 : vector<2000x128xi1> to vector<2000x128xi32>
    %convert_element_type3A_42 = arith.sitofp %convert_element_type3A_41 : vector<2000x128xi32> to vector<2000x128xf32>
    %add3A_43 = arith.addf %add3A_34, %convert_element_type3A_42 : vector<2000x128xf32>
    %slice3A_44 = vector.extract_strided_slice %get3A_2 {offsets = [0, 6], sizes = [2000, 1], strides = [1, 1]} : vector<2000x8xi32> to vector<2000x1xi32>
    %add3A_45 = arith.constant 41 : i32
    %add3A_46 = vector.broadcast %add3A_45 : i32 to vector<2000x1xi32>
    %add3A_47 = arith.addi %slice3A_44, %add3A_46 : vector<2000x1xi32>
    %eq3A_48 = vector.broadcast %add3A_47 : vector<2000x1xi32> to vector<2000x128xi32>
    %eq3A_49 = arith.cmpi eq, %iota3A, %eq3A_48 : vector<2000x128xi32>
    %convert_element_type3A_50 = arith.extui %eq3A_49 : vector<2000x128xi1> to vector<2000x128xi32>
    %convert_element_type3A_51 = arith.sitofp %convert_element_type3A_50 : vector<2000x128xi32> to vector<2000x128xf32>
    %add3A_52 = arith.addf %add3A_43, %convert_element_type3A_51 : vector<2000x128xf32>
    %get3A_53 = arith.constant 0 : index
    %get3A_54 = arith.constant 0 : index
    %get3A_55 = vector.load %arg2[%get3A_53, %get3A_54] : memref<128x128xf32, #tpu.memory_space<vmem>>, vector<128x128xf32>
    %dot_general3A = arith.constant dense<0.000000e+00> : vector<2000x128xf32>
    %dot_general3A_56 = tpu.matmul %add3A_52, %get3A_55, %dot_general3A {dimension_numbers = #tpu.dot_dimension_numbers<[1], [0], [0], [1], [0, 0, 1, 1], [], []>, transpose_lhs_hint = false} : vector<2000x128xf32>, vector<128x128xf32>, vector<2000x128xf32> -> vector<2000x128xf32>
    %swap3A = arith.constant 0 : index
    %swap3A_57 = arith.constant 0 : index
    %swap3A_58 = vector.load %arg3[%swap3A, %swap3A_57] : memref<2000x128xf32, #tpu.memory_space<vmem>>, vector<2000x128xf32>
    tpu.vector_store %arg3[%swap3A, %swap3A_57], %dot_general3A_56 {strides = array<i32>} : memref<2000x128xf32, #tpu.memory_space<vmem>>, vector<2000x128xf32>,
    return
  }
  func.func @transform_0(%arg0: i32) -> (i32, i32) {
    %c0_i32 = arith.constant 0 : i32
    %c0_i32_0 = arith.constant 0 : i32
    return %arg0, %c0_i32 : i32, i32
  }
  func.func @transform_1(%arg0: i32) -> (i32, i32) {
    %c0_i32 = arith.constant 0 : i32
    %c0_i32_0 = arith.constant 0 : i32
    %c0_i32_1 = arith.constant 0 : i32
    return %c0_i32, %c0_i32_0 : i32, i32
  }
  func.func @transform_2(%arg0: i32) -> (i32, i32) {
    %c0_i32 = arith.constant 0 : i32
    %c0_i32_0 = arith.constant 0 : i32
    return %arg0, %c0_i32 : i32, i32
  }
}

</mosaic_0001>

<sc_bundles>
// kernel: kernel.6.cloned.1.call-start
scs
__scs_entry_jumppad:
0x0: {  	(pc) =	sbr.rel $0x88, $3  }
0x1: {  	(tag) =	ssettag $0x0;
	lr =	simm.s32 $0x1  }
0x2: {  	[smem:$0x3F93] =	sst lr;
	_ =	strace $0xD0000000  }
0x3: {  	_ = 	snop  }
0x4: {  	_ = 	snop  }
0x5: {  	_ = 	snop  }
0x6: {  	_ = 	snop  }
0x7: {  	_ = 	snop  }
__scs_overlays_trampoline_lowered:
0x8: {  	[smem:$0x3FA2] =	sst s0  }
0x9: {  	[smem:$0x3FA3] =	sst s1  }
0xa: {  	[smem:$0x3FA4] =	sst s2  }
0xb: {  	[smem:$0x3FA5] =	sst s3  }
0xc: {  	[smem:$0x3FA6] =	sst s4  }
0xd: {  	[smem:$0x3FA7] =	sst s5  }
0xe: {  	[smem:$0x3FA8] =	sst s6  }
0xf: {  	[smem:$0x3FA9] =	sst s7  }
0x10: {  	[smem:$0x3FAA] =	sst s8  }
0x11: {  	[smem:$0x3FAB] =	sst s9;
	s0 =	simm.s32 @!p0 $0x0  }
0x12: {  	s1 =	sld [smem:$0x3F91];
	s0 =	simm.s32 @p0 $0x1  }
0x13: {  	[smem:$0x3FAC] =	sst s0;
	s0 =	simm.s32 @!p1 $0x0  }
0x14: {  	s2 =	sld [smem:$0x3F90];
	s0 =	simm.s32 @p1 $0x1  }
0x15: {  	[smem:$0x3FAD] =	sst s0;
	s0 =	simm.s32 @!p2 $0x0  }
0x16: {  	s3 =	sld [smem:$0x3FDB];
	s0 =	simm.s32 @p2 $0x1  }
0x17: {  	s4 =	simm.s32 $0x1BF5;
	[smem:$0x3FAF] =	sst s0  }
0x18: {  	s0 =	sld [smem:$0x3F92];
	_ =	swait.ge [sflag:s4], $0x0  }
0x19: {  	s7 =	sld [smem:$0x3F93]  }
0x1a: {  	s8 =	sadd.s32 $0xFFFFE003, lr  }
0x1b: {  	s9 =	sadd.s32 $0xFFFFFEF7, lr;
	s5 =	simm.s32 $0xFFFFFFFF;
	p2 =	slt.u32 s8, $0xFFFFF086  }
0x1c: {  	p1 =	slt.u32 s9, $0xF7A;
	s5 =	simm.s32 @!p2 $0x0  }
0x1d: {  	s5 =	simm.s32 @p1 $0x1;
	p0 =	seq.s32 s7, s2  }
0x1e: {  	s7 =	smul.u32 @!p0 $0xF7A, s2;
	p2 =	seq.s32 @!p0 s5, $0x0  }
0x1f: {  	s9 =	smul.u32 $0xF7A, s1;
	s8 =	simm.s32 @!p0 $0x1BF5;
	p2 =	por !p2, p0  }
0x20: {  	[sflag:s8] =	ssyncset.s32 @!p0 $0xFFFFF086;
	s6 =	sadd.s32 @!p0 s3, s7;
	s7 =	simm.s32 @!p0 $0x108  }
0x21: {  	s3 =	sadd.s32 s3, s9;
	s6 =	sadd.s32 @!p0 $0x88, s6;
	s7 =	simm.s32 @p2 $0x1082  }
0x22: {  	[simem:s7], [sflag:s8] =	dma.local @!p0 [hbm:s6], $0xF7A  }
0x23: {  	s9 =	sor.u32 $0xD0000000, s2;
	s6 =	simm.s32 $0x108;
	_ =	swait.ge @!p0 [sflag:s8], $0x0  }
0x24: {  	s3 =	sadd.s32 $0x88, s3;
	s6 =	simm.s32 @!p1 $0x1082;
	[sflag:s4] =	ssyncset.s32 $0xFFFFF086  }
0x25: {  	[simem:s6], [sflag:s4] =	dma.local [hbm:s3], $0xF7A  }
0x26: {  	[smem:$0x3F93] =	sst s1;
	(tag) =	ssettag s2;
	_ =	strace s9  }
0x27: {  	s1 =	sld [smem:$0x3FA3]  }
0x28: {  	s2 =	sld [smem:$0x3FA4]  }
0x29: {  	s4 =	sld [smem:$0x3FA6]  }
0x2a: {  	p0 =	seq.s32 s5, $0x0;
	s5 =	sld [smem:$0x3FA7]  }
0x2b: {  	s6 =	sld [smem:$0x3FA8]  }
0x2c: {  	s7 =	sld [smem:$0x3FA9]  }
0x2d: {  	s3 =	simm.s32 $0x108;
	s8 =	sld [smem:$0x3FAA]  }
0x2e: {  	s3 =	simm.s32 @!p0 $0x1082;
	s9 =	sld [smem:$0x3FAB]  }
0x2f: {  	lr =	sadd.s32 s0, s3;
	s0 =	sld [smem:$0x3FA2]  }
0x30: {  	s3 =	sld [smem:$0x3FA5]  }
0x31: {  	[smem:$0x3FAE] =	sst s10  }
0x32: {  	s10 =	sld [smem:$0x3FAC];
	_ =	sdelay $0x3  }
0x33: {  	p0 =	seq.s32 s10, $0x1;
	s10 =	sld [smem:$0x3FAE];
	_ =	sdelay $0x3  }
0x34: {  	[smem:$0x3FAE] =	sst s10  }
0x35: {  	s10 =	sld [smem:$0x3FAD];
	_ =	sdelay $0x3  }
0x36: {  	p1 =	seq.s32 s10, $0x1;
	s10 =	sld [smem:$0x3FAE];
	_ =	sdelay $0x3  }
0x37: {  	[smem:$0x3FAE] =	sst s10  }
0x38: {  	s10 =	sld [smem:$0x3FAF]  }
0x39: {  	_ = 	snop;
	(pc) =	sbr.ind lr, $3  }
0x3a: {  	_ = 	snop  }
0x3b: {  	_ = 	snop  }
0x3c: {  	p2 =	seq.s32 s10, $0x1;
	s10 =	sld [smem:$0x3FAE]  }
0x3d: {  	_ =	shalt  }
0x3e: {  	_ =	shalt  }
0x3f: {  	_ =	shalt  }
0x40: {  	_ =	shalt  }
0x41: {  	_ =	shalt  }
0x42: {  	_ =	shalt  }
0x43: {  	_ =	shalt  }
0x44: {  	_ =	shalt  }
0x45: {  	_ =	shalt  }
0x46: {  	_ =	shalt  }
0x47: {  	_ =	shalt  }
0x48: {  	_ =	shalt  }
0x49: {  	_ =	shalt  }
0x4a: {  	_ =	shalt  }
0x4b: {  	_ =	shalt  }
0x4c: {  	_ =	shalt  }
0x4d: {  	_ =	shalt  }
0x4e: {  	_ =	shalt  }
0x4f: {  	_ =	shalt  }
0x50: {  	_ =	shalt  }
0x51: {  	_ =	shalt  }
0x52: {  	_ =	shalt  }
0x53: {  	_ =	shalt  }
0x54: {  	_ =	shalt  }
0x55: {  	_ =	shalt  }
0x56: {  	_ =	shalt  }
0x57: {  	_ =	shalt  }
0x58: {  	_ =	shalt  }
0x59: {  	_ =	shalt  }
0x5a: {  	_ =	shalt  }
0x5b: {  	_ =	shalt  }
0x5c: {  	_ =	shalt  }
0x5d: {  	_ =	shalt  }
0x5e: {  	_ =	shalt  }
0x5f: {  	_ =	shalt  }
0x60: {  	_ =	shalt  }
0x61: {  	_ =	shalt  }
0x62: {  	_ =	shalt  }
0x63: {  	_ =	shalt  }
0x64: {  	_ =	shalt  }
0x65: {  	_ =	shalt  }
0x66: {  	_ =	shalt  }
0x67: {  	_ =	shalt  }
0x68: {  	_ =	shalt  }
0x69: {  	_ =	shalt  }
0x6a: {  	_ =	shalt  }
0x6b: {  	_ =	shalt  }
0x6c: {  	_ =	shalt  }
0x6d: {  	_ =	shalt  }
0x6e: {  	_ =	shalt  }
0x6f: {  	_ =	shalt  }
0x70: {  	_ =	shalt  }
0x71: {  	_ =	shalt  }
0x72: {  	_ =	shalt  }
0x73: {  	_ =	shalt  }
0x74: {  	_ =	shalt  }
0x75: {  	_ =	shalt  }
0x76: {  	_ =	shalt  }
0x77: {  	_ =	shalt  }
0x78: {  	_ =	shalt  }
0x79: {  	_ =	shalt  }
0x7a: {  	_ =	shalt  }
0x7b: {  	_ =	shalt  }
0x7c: {  	_ =	shalt  }
0x7d: {  	_ =	shalt  }
0x7e: {  	_ =	shalt  }
0x7f: {  	_ =	shalt  }
0x80: {  	_ =	shalt  }
0x81: {  	_ =	shalt  }
0x82: {  	_ =	shalt  }
0x83: {  	_ =	shalt  }
0x84: {  	_ =	shalt  }
0x85: {  	_ =	shalt  }
0x86: {  	_ =	shalt  }
0x87: {  	_ =	shalt  }
.Lfunc_end0:
.L_simem_size_0:
called_computation_lowered:
.L_overlay_start_0:
0x88: {  	s2 =	sld [smem:$0x3FD9]  }
0x89: {  	s3 =	sld [smem:$0x3FFE];
	_ =	sdelay $0x1  }
0x8a: {  	s1 =	srdreg.scid  }
0x8b: {  	s0 =	sand.u32 $0x1, s1  }
0x8c: {  	s14 =	sshll.u32 s0, $0xA;
	s2 =	sadd.s32 s3, s2  }
0x8d: {  	s2 =	sadd.s32 s2, s14  }
0x8e: {  	[smem:$0x3FBA] =	sst s2  }
0x8f: {  	_ = 	snop  }
0x90: {  	s2 =	sld [smem:$0x3FD0];
	_ =	sdelay $0x2  }
0x91: {  	s15 =	simm.s32 $0xA;
	s4 =	simm.s32 $0x10  }
0x92: {  	[smem:s4], [sflag:s15] =	dma.local [hbm:s2], $0x1  }
0x93: {  	_ =	swait.eq [sflag:s15], $0x1  }
0x94: {  	[sflag:s15] =	ssyncset.done $0x0  }
0x95: {  	[sflag:s15] =	ssyncadd.s32 $0xFFFFFFFF  }
0x96: {  	s16 =	sld [smem:$0x11];
	(tm) =	ssettm $0x1  }
0x97: {  	s17 =	sld [smem:$0x3FFB];
	_ =	sdelay $0x3  }
0x98: {  	_ =	strace s17  }
0x99: {  	s3 =	sld [smem:$0x3FFC];
	_ =	sdelay $0x3  }
0x9a: {  	_ =	strace s3  }
0x9b: {  	s3 =	sld [smem:$0x3FFD];
	_ =	sdelay $0x3  }
0x9c: {  	_ =	strace s3  }
0x9d: {  	_ =	strace $0x8FFFFFFF  }
0x9e: {  	s18 =	sld [smem:$0x3FDB];
	_ =	sdelay $0x1  }
0x9f: {  	s19 =	simm.s32 $_scs_section_size  }
0xa0: {  	s5 =	simm.s32 $_size__tile_overlayer_lowered;
	s6 =	simm.s32 $_tile_overlayer_lowered  }
0xa1: {  	s22 =	simm.s32 $0x1BFF;
	s21 =	sshll.u32 s6, $0x1;
	s3 =	sadd.s32 s19, s18  }
0xa2: {  	s7 =	simm.s32 $0x0;
	s20 =	sshll.u32 s5, $0x1;
	s5 =	sadd.s32 s21, s3  }
0xa3: {  	[timem:s7], [sflag:s22] =	dma.local [hbm:s5], s20  }
0xa4: {  	_ =	swait.ge [sflag:s22], s20  }
0xa5: {  	s4 =	ssub.s32 $0x0, s20;
	[sflag:s22] =	ssyncset.done $0x0  }
0xa6: {  	[sflag:s22] =	ssyncadd.s32 s4;
	_ =	sdelay $0x1  }
0xa7: {  	s23 =	simm.s32 $0x1B8B  }
0xa8: {  	_ =	swait.ge [sflag:s23], $0x1  }
0xa9: {  	[sflag:s23] =	ssyncset.done $0x0  }
0xaa: {  	s25 =	simm.s32 $0x1B8E;
	s24 =	sld [smem:$0x3FFE];
	[sflag:s23] =	ssyncadd.s32 $0xFFFFFFFF  }
0xab: {  	s26 =	simm.s32 $execute0_lowered;
	[smem:$0x3FD2] =	sst s25  }
0xac: {  	s5 =	sshll.u32 s26, $0x1;
	_ =	strace $0x80000046;
	[dreg:$0x1] =	wrdreg $0xFFFFFFFF  }
0xad: {  	s28 =	simm.s32 $_size_execute0_lowered;
	s3 =	sadd.s32 s3, s5;
	[dreg:$0x0] =	wrdreg $0x0  }
0xae: {  	s5 =	sshll.u32 s28, $0x1;
	[dreg:$0x2] =	wrdreg s3  }
0xaf: {  	[dreg:$0x3] =	wrdreg s5  }
0xb0: {  	[dreg:$0x4] =	wrdreg $0xC0  }
0xb1: {  	_ =	task [dreg:s7], $0x5FFFF  }
0xb2: {  	[dreg:$0x1] =	wrdreg $0xFFFFFFFF  }
0xb3: {  	[dreg:$0x0] =	wrdreg $0x60  }
0xb4: {  	[dreg:$0x2] =	wrdreg s24  }
0xb5: {  	[dreg:$0x3] =	wrdreg s16  }
0xb6: {  	[dreg:$0x4] =	wrdreg $0x9  }
0xb7: {  	_ =	task.clear_ibuf [dreg:s7], $0x5FFFF;
	_ =	strace $0x90000046  }
0xb8: {  	s29 =	simm.s32 $0x9;
	_ =	strace $0x80000048  }
0xb9: {  	_ =	swait.ge [sflag:s29], $0x1  }
0xba: {  	[sflag:s29] =	ssyncadd.s32 $0xFFFFFFFF  }
0xbb: {  	_ =	strace $0x90000048  }
0xbc: {  	_ =	sfence  }
0xbd: {  	s30 =	sld [smem:$0x0];
	_ =	sdelay $0x2  }
0xbe: {  	s31 =	sshll.u32 s1, $0xD;
	s1 =	sshrl.u32 s1, $0x2  }
0xbf: {  	s3 =	sand.u32 $0x4000, s31;
	s1 =	sadd.s32 s1, s30  }
0xc0: {  	s0 =	sor.u32 s3, s0;
	s1 =	sshll.u32 s1, $0x11  }
0xc1: {  	s0 =	sor.u32 s1, s0  }
0xc2: {  	s0 =	sadd.s32 $0x8F2B, s0  }
0xc3: {  	[sflag:s0] =	ssyncadd.remote.s32 $0x1  }
0xc4: {  	_ =	sfence.sel $0xFFFF  }
0xc5: {  	[dreg:$0x0] =	wrdreg $0xFFFFFFFF;
	(pc) =	sbr.abs _section_cstart, $3  }
0xc6: {  	[dreg:$0x1] =	wrdreg $0xFFFFFFFF  }
0xc7: {  	_ =	task.clear_ibuf [dreg:s7], $0x2FFFF;
	_ =	strace $0x9FFFFFFF  }
0xc8: {  	(tm) =	ssettm $0x7FFFFFFF  }
0xc9: {  	_ =	shalt  }
tec
execute0_lowered:
.L_overlay_start_1:
0x0: {  	(tag) =	ssettag $0x1  }
0x1: {  	s0 =	rddreg [dreg:$0x0];
	s3 =	simm.s32 $0x0;
	s4 =	stileid.u32  }
0x2: {  	s2 =	srdreg.scid;
	s14 =	simm.s32 $0x20;
	s15 =	simm.s32 $0x7580  }
0x3: {  	s29 =	simm.s32 $0x7700;
	s16 =	simm.s32 $0x78B0;
	s1 =	sshrl.u32 s4, $0x2  }
0x4: {  	s4 =	sshll.u32 s4, $0x1;
	s2 =	sand.u32 $0x1, s2;
	[smem:$0x7FF] =	sst s3  }
0x5: {  	s8 =	sadd.s32 $0x2D600, s0;
	s10 =	sadd.s32 $0x54800, s0;
	s11 =	sadd.s32 $0x6400, s0  }
0x6: {  	s5 =	smul.u32 $0x2710, s1;
	_ =	strace $0x80000047;
	[dreg:$0x5] =	wrdreg s8  }
0x7: {  	s4 =	sand.u32 $0x6, s4;
	s9 =	smul.u32 $0x4E200, s1;
	[dreg:$0x8] =	wrdreg s10  }
0x8: {  	v0 =	vlaneseq.u32;
	[dreg:$0x9] =	wrdreg s11;
	s1 =	smul.u32 $0x4E2000, s1;
	s6 =	sor.u32 s2, s4  }
0x9: {  	v3 =	vimm.s32 $0xECA86420;
	v1 =	vimm.s32 $0x6;
	v2 =	vimm.s32 $0x0;
	s2 =	ssub.s32 $0x2, s2;
	p0 =	seq.s32 s4, $0x0;
	s5 =	sshrl.u32 s5, $0x3  }
0xa: {  	vm0 =	vcmask $0xB08;
	vm1 =	vcmask $0x1310;
	vm2 =	vcmask $0x1B18;
	s7 =	smul.u32 $0x1F, s6;
	s6 =	smin.u32 s6, $0x2;
	[dreg:$0x7] =	wrdreg s9  }
0xb: {  	vm3 =	vcmask $0x300;
	vm4 =	vcmask $0x2320;
	vm5 =	vcmask $0x2B28;
	s20 =	sshrl.u32 s2, $0x1;
	s14 =	simm.s32 @!p0 $0x1F;
	[dreg:$0x12] =	wrdreg s1  }
0xc: {  	vm6 =	vcmask $0x3330;
	vm7 =	vcmask $0x3B38;
	vm8 =	vmmov $0xff;
	s5 =	sadd.s32 s5, s0;
	s0 =	sadd.s32 $0x2600, s0;
	[dreg:$0xb] =	wrdreg s14  }
0xd: {  	v5 =	vimm.s32 $0x9;
	v3 =	vunpack.c.l.s4.s8 v3;
	v4 =	vmul.u32 $0x2, v0;
	s21 =	ssub.s32 s2, s20;
	s7 =	sadd.s32 s6, s7;
	[dreg:$0xa] =	wrdreg s0  }
0xe: {  	v6 =	vor.u32 $0x1B0, v0;
	v30 =	vor.u32 $0x360, v0;
	v31 =	vor.u32 $0x510, v0;
	s23 =	sadd.s32 $0x2800, s5;
	[dreg:$0x6] =	wrdreg s7;
	s7 =	smul.u32 $0x500, s7  }
0xf: {  	v32 =	vor.u32 $0x6C0, v0;
	v33 =	vor.u32 $0x870, v0;
	v34 =	vor.u32 $0xA20, v0;
	s24 =	sadd.s32 $0x3B88, s5;
	s25 =	sadd.s32 $0x4F10, s5;
	[dreg:$0xc] =	wrdreg s23  }
0x10: {  	v35 =	vor.u32 $0xBD0, v0;
	v36 =	vor.u32 $0xD80, v0;
	v37 =	vor.u32 $0xF30, v0;
	s0 =	smax.u32 s21, $0x1;
	[dreg:$0xd] =	wrdreg s24;
	s22 =	sadd.s32 s9, s7  }
.Ltmp0:
0x11: {  	v38 =	vor.u32 $0x10E0, v0;
	v39 =	vor.u32 $0x1290, v0;
	v40 =	vor.u32 $0x1440, v0;
	[dreg:$0xe] =	wrdreg s25;
	s2 =	sshrl.u32 s22, $0x3;
	(pc) =	sbr.rel .LBB2_1-.Ltmp0, $4  }
0x12: {  	s30 =	simm.s32 $0x7A60;
	v41 =	vor.u32 $0x15F0, v0;
	v42 =	vor.u32 $0x17A0, v0;
	v43 =	vor.u32 $0x1950, v0;
	[dreg:$0x13] =	wrdreg s0;
	s26 =	sadd.s32 s8, s2  }
0x13: {  	s31 =	simm.s32 $0x7C10;
	v7 =	vmovc v6;
	v8 =	vmovc v30;
	v9 =	vmov v31;
	v10 =	vmov v32;
	v11 =	vmov v33;
	s28 =	sadd.s32 s10, s2;
	[dreg:$0xf] =	wrdreg s26  }
0x14: {  	v12 =	vmovc v34;
	v13 =	vmovc v35;
	v14 =	vmov v36;
	v15 =	vmov v37;
	v16 =	vmov v38;
	s20 =	simm.s32 $0x4E20;
	s2 =	sadd.s32 s11, s2;
	[dreg:$0x10] =	wrdreg s28  }
0x15: {  	v17 =	vmovc v39;
	v18 =	vmovc v40;
	v19 =	vmov v41;
	v20 =	vmov v42;
	[tilespmem:$0x1FFF0] =	vst v43;
	v3 =	vunpack.c.0.s8.s32 v3;
	s21 =	simm.s32 $0x2710;
	[dreg:$0x11] =	wrdreg s2;
	s2 =	simm.s32 $0x0  }
.LBB2_13:
0x16: {  	s0 =	simm.s32 $0x3  }
0x17: {  	_ =	swait.ge [sflag:s0], $0x5000  }
0x18: {  	[sflag:s0] =	ssyncset.done $0x0  }
0x19: {  	s1 =	simm.s32 $0x4;
	[sflag:s0] =	ssyncadd.s32 $0xFFFFB000  }
0x1a: {  	_ =	swait.ge [sflag:s1], $0x5000  }
0x1b: {  	s2 =	rddreg [dreg:$0x14]  }
0x1c: {  	s28 =	rddreg [dreg:$0x13];
	s2 =	sadd.s32 $0x1, s2  }
0x1d: {  	p0 =	sne.s32 s2, s28  }
.Ltmp1:
0x1e: {  	_ = 	snop;
	(pc) =	sbr.rel @!p0 .LBB2_14-.Ltmp1, $3  }
0x1f: {  	_ =	sdelay $0x1  }
0x20: {  	[sflag:s1] =	ssyncset.done $0x0  }
0x21: {  	[sflag:s1] =	ssyncadd.s32 $0xFFFFB000  }
.LBB2_1:
0x22: {  	[dreg:$0x14] =	wrdreg s2  }
0x23: {  	s0 =	rddreg [dreg:$0xc];
	s1 =	simm.s32 $0x5  }
0x24: {  	[tilespmem:s3], [sflag:$0x5] =	stream.linear.gather [hbm4b:s0+s3], $0x2710, $0x38;
	[tilespmem:$0x15000] =	vst v63  }
0x25: {  	_ =	swait.ge [sflag:s1], $0x2710  }
0x26: {  	[sflag:s1] =	ssyncset.done $0x0  }
0x27: {  	s25 =	rddreg [dreg:$0xd];
	[sflag:s1] =	ssyncadd.s32 $0xFFFFD8F0  }
0x28: {  	[tilespmem:s21], [sflag:$0x5] =	stream.linear.gather [hbm4b:s25+s3], $0x2710, $0x38;
	[tilespmem:$0x15000] =	vst v63  }
0x29: {  	_ =	swait.ge [sflag:s1], $0x2710  }
0x2a: {  	[sflag:s1] =	ssyncset.done $0x0  }
0x2b: {  	s26 =	rddreg [dreg:$0xe];
	[sflag:s1] =	ssyncadd.s32 $0xFFFFD8F0  }
0x2c: {  	[tilespmem:s20], [sflag:$0x5] =	stream.linear.gather [hbm4b:s26+s3], $0x2710, $0x38;
	[tilespmem:$0x15000] =	vst v63  }
0x2d: {  	_ =	swait.ge [sflag:s1], $0x2710  }
0x2e: {  	[sflag:s1] =	ssyncset.done $0x0  }
0x2f: {  	s28 =	rddreg [dreg:$0xa];
	[sflag:s1] =	ssyncadd.s32 $0xFFFFD8F0  }
0x30: {  	[tilespmem:s15], [sflag:$0x5] =	stream.linear.gather [hbm4b:s28+s3], $0x180, $0x38;
	[tilespmem:$0x15000] =	vst v63  }
0x31: {  	_ =	swait.ge [sflag:s1], $0x180  }
0x32: {  	[sflag:s1] =	ssyncset.done $0x0  }
0x33: {  	s2 =	simm.s32 $0x0;
	[sflag:s1] =	ssyncadd.s32 $0xFFFFFE80  }
.LBB2_2:
0x34: {  	v21 =	vor.u32 s2, v0  }
0x35: {  	v22 =	vmulhi.u32 $0xAAAAAAAB, v21;
	_ =	sdelay $0x1  }
0x36: {  	v23 =	vshrl.u32 v22, $0x2  }
0x37: {  	v22 =	vmul.u32 $0xFFFFFFFA, v23;
	_ =	sdelay $0x1  }
0x38: {  	v24 =	vmov s2;
	v22 =	vadd.s32 v21, v22  }
0x39: {  	vm10 =	veq.s32 v24, v0;
	vm9 =	vne.s32 v22, $0x0  }
0x3a: {  	vm9 =	vmand vm10, vm9  }
0x3b: {  	v47 =	vsel vm9, $0xFFFFFFFF, v2  }
0x3c: {  	v24 =	vadd.s32 v47, v23  }
0x3d: {  	(v2sf) =	vpush v24, $0xD;
	_ =	sdelay $0x1  }
0x3e: {  	(v2sf) =	vpush v24, $0xC;
	_ =	sdelay $0x1  }
0x3f: {  	(v2sf) =	vpush v24, $0xE;
	_ =	sdelay $0x1  }
0x40: {  	(v2sf) =	vpush v24, $0xF;
	_ =	sdelay $0x1  }
0x41: {  	(v2sf) =	vpush v24, $0x9;
	_ =	sdelay $0x1  }
0x42: {  	(v2sf) =	vpush v24, $0x8;
	_ =	sdelay $0x1  }
0x43: {  	(v2sf) =	vpush v24, $0xA;
	_ =	sdelay $0x1  }
0x44: {  	(v2sf) =	vpush v24, $0xB  }
0x45: {  	s0 =	spop (v2sf)  }
0x46: {  	s1 =	smulhi.u32 $0x55555556, s0;
	s0 =	sshra.s32 s0, $0x1F  }
0x47: {  	s4 =	spop (v2sf);
	s0 =	smul.u32 $0x55555556, s0  }
0x48: {  	(v2sf) =	vpush v24, $0x1;
	s5 =	smulhi.u32 $0x55555556, s4;
	s4 =	sshra.s32 s4, $0x1F  }
0x49: {  	s22 =	spop (v2sf);
	s6 =	smul.u32 $0x55555556, s4  }
0x4a: {  	(v2sf) =	vpush v24, $0x0;
	s7 =	smulhi.u32 $0x55555556, s22;
	s4 =	sshra.s32 s22, $0x1F  }
0x4b: {  	s23 =	spop (v2sf);
	s8 =	smul.u32 $0x55555556, s4  }
0x4c: {  	(v2sf) =	vpush v24, $0x2;
	s9 =	smulhi.u32 $0x55555556, s23;
	s4 =	sshra.s32 s23, $0x1F  }
0x4d: {  	s24 =	spop (v2sf);
	s10 =	smul.u32 $0x55555556, s4  }
0x4e: {  	(v2sf) =	vpush v24, $0x3;
	s11 =	smulhi.u32 $0x55555556, s24;
	s4 =	sshra.s32 s24, $0x1F  }
0x4f: {  	s25 =	spop (v2sf);
	s12 =	smul.u32 $0x55555556, s4  }
0x50: {  	(v2sf) =	vpush v24, $0x4;
	s13 =	smulhi.u32 $0x55555556, s25;
	s4 =	sshra.s32 s25, $0x1F  }
0x51: {  	s26 =	spop (v2sf);
	s17 =	smul.u32 $0x55555556, s4  }
0x52: {  	(v2sf) =	vpush v24, $0x5;
	s18 =	smulhi.u32 $0x55555556, s26;
	s4 =	sshra.s32 s26, $0x1F  }
0x53: {  	(v2sf) =	vpush v24, $0x6;
	s28 =	spop (v2sf);
	s19 =	smul.u32 $0x55555556, s4  }
0x54: {  	s6 =	sadd.s32 s6, s5;
	s22 =	smulhi.u32 $0x55555556, s28;
	s4 =	sshra.s32 s28, $0x1F  }
0x55: {  	v25 =	vmov s6;
	s6 =	sshrl.u32 s6, $0x1F;
	(v2sf) =	vpush v24, $0x7;
	s23 =	smul.u32 $0x55555556, s4  }
0x56: {  	s4 =	sadd.s32 s0, s1;
	s1 =	sadd.s32 s8, s7;
	s0 =	sadd.s32 s10, s9  }
0x57: {  	s9 =	sadd.s32 s12, s11;
	s11 =	sadd.s32 s17, s13;
	s24 =	spop (v2sf)  }
0x58: {  	s13 =	sadd.s32 s19, s18;
	s25 =	smulhi.u32 $0x55555556, s24;
	s3 =	sshra.s32 s24, $0x1F  }
0x59: {  	v26 =	vmov s11;
	s11 =	sshrl.u32 s11, $0x1F;
	s5 =	spop (v2sf);
	s24 =	smul.u32 $0x55555556, s3  }
0x5a: {  	v25 =	vsel vm0, s4, v25;
	s4 =	sshrl.u32 s4, $0x1F;
	s7 =	smulhi.u32 $0x55555556, s5;
	s26 =	sshra.s32 s5, $0x1F  }
0x5b: {  	v26 =	vsel vm0, s9, v26;
	s9 =	sshrl.u32 s9, $0x1F;
	s28 =	spop (v2sf);
	s8 =	smul.u32 $0x55555556, s26  }
0x5c: {  	v25 =	vsel vm1, s1, v25;
	s1 =	sshrl.u32 s1, $0x1F;
	s10 =	smulhi.u32 $0x55555556, s28;
	s5 =	sshra.s32 s28, $0x1F  }
0x5d: {  	v25 =	vsel vm2, s0, v25;
	s0 =	sshrl.u32 s0, $0x1F;
	s3 =	spop (v2sf);
	s12 =	smul.u32 $0x55555556, s5  }
0x5e: {  	s17 =	smulhi.u32 $0x55555556, s3;
	s26 =	sshra.s32 s3, $0x1F;
	s5 =	sadd.s32 s23, s22  }
0x5f: {  	s28 =	spop (v2sf);
	s22 =	sadd.s32 s24, s25;
	s18 =	smul.u32 $0x55555556, s26  }
0x60: {  	s7 =	sadd.s32 s8, s7;
	s8 =	smulhi.u32 $0x55555556, s28;
	s19 =	sshra.s32 s28, $0x1F  }
0x61: {  	s3 =	spop (v2sf);
	s19 =	smul.u32 $0x55555556, s19;
	s10 =	sadd.s32 s12, s10  }
0x62: {  	v49 =	vmov s6;
	v28 =	vmov s11;
	s24 =	smulhi.u32 $0x55555556, s3;
	s23 =	sshra.s32 s3, $0x1F;
	s28 =	spop (v2sf)  }
0x63: {  	v26 =	vsel vm1, s13, v26;
	v28 =	vsel vm0, s9, v28;
	v23 =	vmov s7;
	s7 =	sshrl.u32 s7, $0x1F;
	s17 =	sadd.s32 s18, s17;
	s26 =	smul.u32 $0x55555556, s23  }
0x64: {  	v26 =	vsel vm2, s5, v26;
	v23 =	vnsel vm3, $0x0, v23;
	s3 =	smulhi.u32 $0x55555556, s28;
	s23 =	sshra.s32 s28, $0x1F;
	s25 =	spop (v2sf);
	v27 =	vmov s7  }
0x65: {  	v25 =	vcombine.low v26, v25;
	v23 =	vsel vm0, s22, v23;
	s8 =	sadd.s32 s19, s8;
	s23 =	smul.u32 $0x55555556, s23;
	v27 =	vnsel vm3, $0x0, v27;
	s22 =	sshrl.u32 s22, $0x1F  }
0x66: {  	s11 =	sshrl.u32 s17, $0x1F;
	v23 =	vsel vm1, s10, v23;
	s12 =	sadd.s32 s26, s24;
	v48 =	vsel vm0, s22, v27;
	s10 =	sshrl.u32 s10, $0x1F;
	v27 =	vsel vm0, s4, v49  }
0x67: {  	s26 =	smulhi.u32 $0x55555556, s25;
	s24 =	sshra.s32 s25, $0x1F;
	v23 =	vsel vm2, s17, v23;
	v26 =	vsel vm1, s10, v48;
	s17 =	sshrl.u32 s13, $0x1F;
	v27 =	vsel vm1, s1, v27  }
0x68: {  	s22 =	sshrl.u32 s8, $0x1F;
	s28 =	sadd.s32 s23, s3;
	s3 =	smul.u32 $0x55555556, s24;
	v23 =	vsel vm4, s8, v23;
	v26 =	vsel vm2, s11, v26;
	v28 =	vsel vm1, s17, v28  }
0x69: {  	s23 =	sshrl.u32 s5, $0x1F;
	s24 =	sshrl.u32 s12, $0x1F;
	v27 =	vsel vm2, s0, v27;
	v23 =	vsel vm5, s12, v23;
	v26 =	vsel vm4, s22, v26  }
0x6a: {  	s25 =	sadd.s32 s3, s26;
	v28 =	vsel vm2, s23, v28;
	s26 =	sshrl.u32 s28, $0x1F;
	v23 =	vsel vm6, s28, v23;
	v26 =	vsel vm5, s24, v26  }
0x6b: {  	v27 =	vcombine.low v28, v27;
	s28 =	sshrl.u32 s25, $0x1F;
	v23 =	vsel vm7, s25, v23;
	v26 =	vsel vm6, s26, v26  }
0x6c: {  	v25 =	vperm.xlane v25, v3;
	v23 =	vperm.xlane v23, v4;
	v26 =	vsel vm7, s28, v26  }
0x6d: {  	v27 =	vperm.xlane v27, v3;
	v26 =	vperm.xlane v26, v4;
	_ =	sdelay $0x1  }
0x6e: {  	v23 =	vsel vm8, v23, v25;
	v50 =	vsel vm8, v26, v27  }
0x6f: {  	v25 =	vadd.s32 v50, v23  }
0x70: {  	v23 =	vmul.u32 $0xFFFFFFFD, v25;
	_ =	sdelay $0x1  }
0x71: {  	v23 =	vadd.s32 v24, v23  }
0x72: {  	vm10 =	vlt.s32 v24, $0x1;
	vm9 =	vne.s32 v23, $0x0  }
0x73: {  	vm9 =	vmand vm10, vm9  }
0x74: {  	v51 =	vsel vm9, $0xFFFFFFFF, v2  }
0x75: {  	v24 =	vadd.s32 v51, v25  }
0x76: {  	(v2sf) =	vpush v24, $0xD;
	_ =	sdelay $0x1  }
0x77: {  	(v2sf) =	vpush v24, $0xC;
	_ =	sdelay $0x1  }
0x78: {  	(v2sf) =	vpush v24, $0xE;
	_ =	sdelay $0x1  }
0x79: {  	(v2sf) =	vpush v24, $0xF;
	_ =	sdelay $0x1  }
0x7a: {  	(v2sf) =	vpush v24, $0x9;
	_ =	sdelay $0x1  }
0x7b: {  	(v2sf) =	vpush v24, $0x8;
	_ =	sdelay $0x1  }
0x7c: {  	(v2sf) =	vpush v24, $0xA;
	_ =	sdelay $0x1  }
0x7d: {  	(v2sf) =	vpush v24, $0xB  }
0x7e: {  	s1 =	spop (v2sf)  }
0x7f: {  	(v2sf) =	vpush v24, $0x1;
	s3 =	smulhi.u32 $0x55555556, s1;
	s0 =	sshra.s32 s1, $0x1F  }
0x80: {  	s18 =	spop (v2sf);
	s0 =	smul.u32 $0x55555556, s0  }
0x81: {  	(v2sf) =	vpush v24, $0x0;
	s5 =	smulhi.u32 $0x55555556, s18;
	s4 =	sshra.s32 s18, $0x1F  }
0x82: {  	s19 =	spop (v2sf);
	s6 =	smul.u32 $0x55555556, s4  }
0x83: {  	(v2sf) =	vpush v24, $0x2;
	s7 =	smulhi.u32 $0x55555556, s19;
	s4 =	sshra.s32 s19, $0x1F  }
0x84: {  	s22 =	spop (v2sf);
	s8 =	smul.u32 $0x55555556, s4  }
0x85: {  	(v2sf) =	vpush v24, $0x3;
	s9 =	smulhi.u32 $0x55555556, s22;
	s4 =	sshra.s32 s22, $0x1F  }
0x86: {  	s23 =	spop (v2sf);
	s10 =	smul.u32 $0x55555556, s4  }
0x87: {  	(v2sf) =	vpush v24, $0x4;
	s11 =	smulhi.u32 $0x55555556, s23;
	s4 =	sshra.s32 s23, $0x1F  }
0x88: {  	s24 =	spop (v2sf);
	s12 =	smul.u32 $0x55555556, s4  }
0x89: {  	(v2sf) =	vpush v24, $0x5;
	s13 =	smulhi.u32 $0x55555556, s24;
	s4 =	sshra.s32 s24, $0x1F  }
0x8a: {  	s25 =	spop (v2sf);
	s17 =	smul.u32 $0x55555556, s4  }
0x8b: {  	(v2sf) =	vpush v24, $0x6;
	s18 =	smulhi.u32 $0x55555556, s25;
	s4 =	sshra.s32 s25, $0x1F  }
0x8c: {  	s26 =	spop (v2sf);
	s19 =	smul.u32 $0x55555556, s4  }
0x8d: {  	s6 =	sadd.s32 s6, s5;
	s22 =	smulhi.u32 $0x55555556, s26;
	s4 =	sshra.s32 s26, $0x1F  }
0x8e: {  	s24 =	smul.u32 $0x55555556, s4;
	s4 =	sadd.s32 s0, s3;
	s28 =	spop (v2sf)  }
0x8f: {  	(v2sf) =	vpush v24, $0x7;
	s0 =	sadd.s32 s10, s9;
	s25 =	smulhi.u32 $0x55555556, s28;
	s1 =	sshra.s32 s28, $0x1F  }
0x90: {  	s10 =	sadd.s32 s12, s11;
	s3 =	spop (v2sf);
	s26 =	smul.u32 $0x55555556, s1  }
0x91: {  	s1 =	sadd.s32 s8, s7;
	s7 =	smulhi.u32 $0x55555556, s3;
	s23 =	sshra.s32 s3, $0x1F  }
0x92: {  	s12 =	sadd.s32 s17, s13;
	s28 =	spop (v2sf);
	s3 =	smul.u32 $0x55555556, s23  }
0x93: {  	s17 =	sadd.s32 s19, s18;
	s11 =	smulhi.u32 $0x55555556, s28;
	s8 =	sshra.s32 s28, $0x1F  }
0x94: {  	v54 =	vmov s12;
	s12 =	sshrl.u32 s12, $0x1F;
	s23 =	spop (v2sf);
	s13 =	smul.u32 $0x55555556, s8  }
0x95: {  	s5 =	sadd.s32 s24, s22;
	s18 =	smulhi.u32 $0x55555556, s23;
	s8 =	sshra.s32 s23, $0x1F  }
0x96: {  	v27 =	vsel vm0, s10, v54;
	s10 =	sshrl.u32 s10, $0x1F;
	s28 =	spop (v2sf);
	s8 =	smul.u32 $0x55555556, s8  }
0x97: {  	s7 =	sadd.s32 s3, s7;
	s3 =	smulhi.u32 $0x55555556, s28;
	s19 =	sshra.s32 s28, $0x1F  }
0x98: {  	v27 =	vsel vm1, s17, v27;
	s17 =	sshrl.u32 s17, $0x1F;
	s24 =	spop (v2sf);
	s19 =	smul.u32 $0x55555556, s19  }
0x99: {  	s11 =	sadd.s32 s13, s11;
	s13 =	smulhi.u32 $0x55555556, s24;
	s22 =	sshra.s32 s24, $0x1F  }
0x9a: {  	v53 =	vmov s6;
	v29 =	vmov s12;
	s23 =	sadd.s32 s26, s25;
	s26 =	spop (v2sf);
	s28 =	smul.u32 $0x55555556, s22  }
0x9b: {  	v26 =	vsel vm0, s4, v53;
	v29 =	vsel vm0, s10, v29;
	v52 =	vmov s7;
	s24 =	sshra.s32 s26, $0x1F;
	s9 =	sadd.s32 s19, s3;
	s3 =	smulhi.u32 $0x55555556, s26  }
0x9c: {  	v27 =	vsel vm2, s5, v27;
	v29 =	vsel vm1, s17, v29;
	s7 =	sshrl.u32 s7, $0x1F;
	v25 =	vnsel vm3, $0x0, v52;
	s22 =	smul.u32 $0x55555556, s24  }
0x9d: {  	s6 =	sshrl.u32 s6, $0x1F;
	s4 =	sshrl.u32 s4, $0x1F;
	v26 =	vsel vm1, s1, v26;
	s8 =	sadd.s32 s8, s18;
	v28 =	vmov s7;
	v25 =	vsel vm0, s23, v25  }
0x9e: {  	v26 =	vsel vm2, s0, v26;
	s25 =	spop (v2sf);
	v28 =	vnsel vm3, $0x0, v28;
	v25 =	vsel vm1, s11, v25;
	s19 =	sadd.s32 s22, s3;
	s3 =	sshrl.u32 s23, $0x1F  }
0x9f: {  	v26 =	vcombine.low v27, v26;
	s26 =	smulhi.u32 $0x55555556, s25;
	s13 =	sadd.s32 s28, s13;
	s11 =	sshrl.u32 s11, $0x1F;
	v25 =	vsel vm2, s8, v25;
	v55 =	vsel vm0, s3, v28  }
0xa0: {  	s28 =	sshra.s32 s25, $0x1F;
	s8 =	sshrl.u32 s8, $0x1F;
	s23 =	sshrl.u32 s5, $0x1F;
	v25 =	vsel vm4, s9, v25;
	v28 =	vmov s6;
	v27 =	vsel vm1, s11, v55  }
0xa1: {  	s1 =	sshrl.u32 s1, $0x1F;
	s18 =	smul.u32 $0x55555556, s28;
	s22 =	sshrl.u32 s9, $0x1F;
	v29 =	vsel vm2, s23, v29;
	v28 =	vsel vm0, s4, v28;
	v27 =	vsel vm2, s8, v27  }
0xa2: {  	s0 =	sshrl.u32 s0, $0x1F;
	s24 =	sshrl.u32 s13, $0x1F;
	v25 =	vsel vm5, s13, v25;
	v28 =	vsel vm1, s1, v28;
	v27 =	vsel vm4, s22, v27  }
0xa3: {  	s25 =	sadd.s32 s18, s26;
	s26 =	sshrl.u32 s19, $0x1F;
	v25 =	vsel vm6, s19, v25;
	v28 =	vsel vm2, s0, v28;
	v27 =	vsel vm5, s24, v27  }
0xa4: {  	s28 =	sshrl.u32 s25, $0x1F;
	v25 =	vsel vm7, s25, v25;
	v28 =	vcombine.low v29, v28;
	v27 =	vsel vm6, s26, v27  }
0xa5: {  	v26 =	vperm.xlane v26, v3;
	v25 =	vperm.xlane v25, v4;
	v27 =	vsel vm7, s28, v27  }
0xa6: {  	v28 =	vperm.xlane v28, v3;
	v27 =	vperm.xlane v27, v4;
	_ =	sdelay $0x1  }
0xa7: {  	v25 =	vsel vm8, v25, v26;
	v56 =	vsel vm8, v27, v28  }
0xa8: {  	v25 =	vadd.s32 v56, v25  }
0xa9: {  	v26 =	vmul.u32 $0xFFFFFFFD, v25  }
0xaa: {  	v22 =	vshll.u32 v22, $0x4;
	vm9 =	vlt.s32 v23, $0x0  }
0xab: {  	v57 =	vsel vm9, $0x9, v1;
	vm9 =	vlt.s32 v24, $0x1;
	v26 =	vadd.s32 v24, v26  }
0xac: {  	v23 =	vadd.s32 v23, v57;
	vm10 =	vne.s32 v26, $0x0;
	vm11 =	vlt.s32 v26, $0x0  }
0xad: {  	v23 =	vshll.u32 v23, $0x4;
	vm9 =	vmand vm9, vm10;
	v58 =	vsel vm11, $0xC, v5  }
0xae: {  	v59 =	vsel vm9, $0xFFFFFFFF, v2;
	v24 =	vadd.s32 v26, v58  }
0xaf: {  	v60 =	vadd.s32 v59, v25;
	v25 =	vshll.u32 v24, $0x4  }
0xb0: {  	v24 =	vshll.u32 v60, $0x4  }
0xb1: {  	v61 =	vld.idx.msk [tilespmem:v22+s15+$0x0], $0xffff;
	v26 =	vadd.s32 $0xC0, v24  }
0xb2: {  	v28 =	vld.idx.msk [tilespmem:v23+s15+$0x0], $0xffff;
	_ =	sdelay $0x1  }
0xb3: {  	v29 =	vld.idx.msk [tilespmem:v25+s15+$0x0], $0xffff;
	_ =	sdelay $0x1  }
0xb4: {  	v26 =	vld.idx.msk [tilespmem:v26+s15+$0x0], $0xffff  }
0xb5: {  	v27 =	vadd.f32 v28, v61;
	_ =	sdelay $0x1  }
0xb6: {  	v28 =	vor.u32 $0x1, v22;
	v27 =	vadd.f32 v29, v27  }
0xb7: {  	v29 =	vor.u32 $0x1, v23  }
0xb8: {  	v26 =	vadd.f32 v26, v27  }
0xb9: {  	v62 =	vor.u32 $0x1, v25  }
0xba: {  	[tilespmem:v21+s29+$0x0] =	vst.idx.msk $0xffff, v26  }
0xbb: {  	v63 =	vadd.s32 $0xC1, v24;
	v21 =	vld.idx.msk [tilespmem:v28+s15+$0x0], $0xffff  }
0xbc: {  	v28 =	vld.idx.msk [tilespmem:v29+s15+$0x0], $0xffff;
	_ =	sdelay $0x1  }
0xbd: {  	v27 =	vld.idx.msk [tilespmem:v62+s15+$0x0], $0xffff;
	_ =	sdelay $0x1  }
0xbe: {  	v26 =	vld.idx.msk [tilespmem:v63+s15+$0x0], $0xffff  }
0xbf: {  	v21 =	vadd.f32 v28, v21  }
0xc0: {  	v28 =	vadd.s32 s2, v6  }
0xc1: {  	v44 =	vor.u32 $0x2, v22;
	v21 =	vadd.f32 v27, v21  }
0xc2: {  	v29 =	vor.u32 $0x2, v23  }
0xc3: {  	v21 =	vadd.f32 v26, v21  }
0xc4: {  	v45 =	vor.u32 $0x2, v25  }
0xc5: {  	[tilespmem:v28+s29+$0x0] =	vst.idx.msk $0xffff, v21  }
0xc6: {  	v46 =	vadd.s32 $0xC2, v24;
	v21 =	vld.idx.msk [tilespmem:v44+s15+$0x0], $0xffff  }
0xc7: {  	v28 =	vld.idx.msk [tilespmem:v29+s15+$0x0], $0xffff;
	_ =	sdelay $0x1  }
0xc8: {  	v26 =	vld.idx.msk [tilespmem:v45+s15+$0x0], $0xffff;
	_ =	sdelay $0x1  }
0xc9: {  	v27 =	vld.idx.msk [tilespmem:v46+s15+$0x0], $0xffff  }
0xca: {  	v21 =	vadd.f32 v28, v21  }
0xcb: {  	v28 =	vadd.s32 s2, v30  }
0xcc: {  	v47 =	vor.u32 $0x3, v22;
	v21 =	vadd.f32 v26, v21  }
0xcd: {  	v29 =	vor.u32 $0x3, v23  }
0xce: {  	v21 =	vadd.f32 v27, v21  }
0xcf: {  	v48 =	vor.u32 $0x3, v25  }
0xd0: {  	[tilespmem:v28+s29+$0x0] =	vst.idx.msk $0xffff, v21  }
0xd1: {  	v49 =	vadd.s32 $0xC3, v24;
	v21 =	vld.idx.msk [tilespmem:v47+s15+$0x0], $0xffff  }
0xd2: {  	v28 =	vld.idx.msk [tilespmem:v29+s15+$0x0], $0xffff;
	_ =	sdelay $0x1  }
0xd3: {  	v27 =	vld.idx.msk [tilespmem:v48+s15+$0x0], $0xffff;
	_ =	sdelay $0x1  }
0xd4: {  	v26 =	vld.idx.msk [tilespmem:v49+s15+$0x0], $0xffff  }
0xd5: {  	v21 =	vadd.f32 v28, v21  }
0xd6: {  	v28 =	vadd.s32 s2, v31  }
0xd7: {  	v50 =	vor.u32 $0x4, v22;
	v21 =	vadd.f32 v27, v21  }
0xd8: {  	v29 =	vor.u32 $0x4, v23  }
0xd9: {  	v21 =	vadd.f32 v26, v21  }
0xda: {  	v51 =	vor.u32 $0x4, v25  }
0xdb: {  	[tilespmem:v28+s29+$0x0] =	vst.idx.msk $0xffff, v21  }
0xdc: {  	v52 =	vadd.s32 $0xC4, v24;
	v21 =	vld.idx.msk [tilespmem:v50+s15+$0x0], $0xffff  }
0xdd: {  	v28 =	vld.idx.msk [tilespmem:v29+s15+$0x0], $0xffff;
	_ =	sdelay $0x1  }
0xde: {  	v26 =	vld.idx.msk [tilespmem:v51+s15+$0x0], $0xffff;
	_ =	sdelay $0x1  }
0xdf: {  	v27 =	vld.idx.msk [tilespmem:v52+s15+$0x0], $0xffff  }
0xe0: {  	v21 =	vadd.f32 v28, v21  }
0xe1: {  	v28 =	vadd.s32 s2, v32  }
0xe2: {  	v53 =	vor.u32 $0x5, v22;
	v21 =	vadd.f32 v26, v21  }
0xe3: {  	v29 =	vor.u32 $0x5, v23  }
0xe4: {  	v21 =	vadd.f32 v27, v21  }
0xe5: {  	v54 =	vor.u32 $0x5, v25  }
0xe6: {  	[tilespmem:v28+s29+$0x0] =	vst.idx.msk $0xffff, v21  }
0xe7: {  	v55 =	vadd.s32 $0xC5, v24;
	v21 =	vld.idx.msk [tilespmem:v53+s15+$0x0], $0xffff  }
0xe8: {  	v28 =	vld.idx.msk [tilespmem:v29+s15+$0x0], $0xffff;
	_ =	sdelay $0x1  }
0xe9: {  	v27 =	vld.idx.msk [tilespmem:v54+s15+$0x0], $0xffff;
	_ =	sdelay $0x1  }
0xea: {  	v26 =	vld.idx.msk [tilespmem:v55+s15+$0x0], $0xffff  }
0xeb: {  	v21 =	vadd.f32 v28, v21  }
0xec: {  	v28 =	vadd.s32 s2, v33  }
0xed: {  	v56 =	vor.u32 $0x6, v22;
	v21 =	vadd.f32 v27, v21  }
0xee: {  	v29 =	vor.u32 $0x6, v23  }
0xef: {  	v21 =	vadd.f32 v26, v21  }
0xf0: {  	v57 =	vor.u32 $0x6, v25  }
0xf1: {  	[tilespmem:v28+s29+$0x0] =	vst.idx.msk $0xffff, v21  }
0xf2: {  	v58 =	vadd.s32 $0xC6, v24;
	v21 =	vld.idx.msk [tilespmem:v56+s15+$0x0], $0xffff  }
0xf3: {  	v28 =	vld.idx.msk [tilespmem:v29+s15+$0x0], $0xffff;
	_ =	sdelay $0x1  }
0xf4: {  	v26 =	vld.idx.msk [tilespmem:v57+s15+$0x0], $0xffff;
	_ =	sdelay $0x1  }
0xf5: {  	v27 =	vld.idx.msk [tilespmem:v58+s15+$0x0], $0xffff  }
0xf6: {  	v21 =	vadd.f32 v28, v21  }
0xf7: {  	v28 =	vadd.s32 s2, v34  }
0xf8: {  	v59 =	vor.u32 $0x7, v22;
	v21 =	vadd.f32 v26, v21  }
0xf9: {  	v29 =	vor.u32 $0x7, v23  }
0xfa: {  	v21 =	vadd.f32 v27, v21  }
0xfb: {  	v60 =	vor.u32 $0x7, v25  }
0xfc: {  	[tilespmem:v28+s29+$0x0] =	vst.idx.msk $0xffff, v21  }
0xfd: {  	v61 =	vadd.s32 $0xC7, v24;
	v21 =	vld.idx.msk [tilespmem:v59+s15+$0x0], $0xffff  }
0xfe: {  	v28 =	vld.idx.msk [tilespmem:v29+s15+$0x0], $0xffff;
	_ =	sdelay $0x1  }
0xff: {  	v27 =	vld.idx.msk [tilespmem:v60+s15+$0x0], $0xffff;
	_ =	sdelay $0x1  }
0x100: {  	v26 =	vld.idx.msk [tilespmem:v61+s15+$0x0], $0xffff  }
0x101: {  	v21 =	vadd.f32 v28, v21  }
0x102: {  	v28 =	vadd.s32 s2, v35  }
0x103: {  	v62 =	vor.u32 $0x8, v22;
	v21 =	vadd.f32 v27, v21  }
0x104: {  	v29 =	vor.u32 $0x8, v23  }
0x105: {  	v21 =	vadd.f32 v26, v21  }
0x106: {  	v63 =	vor.u32 $0x8, v25  }
0x107: {  	[tilespmem:v28+s29+$0x0] =	vst.idx.msk $0xffff, v21  }
0x108: {  	v44 =	vadd.s32 $0xC8, v24;
	v21 =	vld.idx.msk [tilespmem:v62+s15+$0x0], $0xffff  }
0x109: {  	v28 =	vld.idx.msk [tilespmem:v29+s15+$0x0], $0xffff;
	_ =	sdelay $0x1  }
0x10a: {  	v26 =	vld.idx.msk [tilespmem:v63+s15+$0x0], $0xffff;
	_ =	sdelay $0x1  }
0x10b: {  	v27 =	vld.idx.msk [tilespmem:v44+s15+$0x0], $0xffff  }
0x10c: {  	v21 =	vadd.f32 v28, v21  }
0x10d: {  	v28 =	vadd.s32 s2, v36  }
0x10e: {  	v45 =	vor.u32 $0x9, v22;
	v21 =	vadd.f32 v26, v21  }
0x10f: {  	v29 =	vor.u32 $0x9, v23  }
0x110: {  	v21 =	vadd.f32 v27, v21  }
0x111: {  	v46 =	vor.u32 $0x9, v25  }
0x112: {  	[tilespmem:v28+s29+$0x0] =	vst.idx.msk $0xffff, v21  }
0x113: {  	v47 =	vadd.s32 $0xC9, v24;
	v21 =	vld.idx.msk [tilespmem:v45+s15+$0x0], $0xffff  }
0x114: {  	v28 =	vld.idx.msk [tilespmem:v29+s15+$0x0], $0xffff;
	_ =	sdelay $0x1  }
0x115: {  	v27 =	vld.idx.msk [tilespmem:v46+s15+$0x0], $0xffff;
	_ =	sdelay $0x1  }
0x116: {  	v26 =	vld.idx.msk [tilespmem:v47+s15+$0x0], $0xffff  }
0x117: {  	v21 =	vadd.f32 v28, v21  }
0x118: {  	v28 =	vadd.s32 s2, v37  }
0x119: {  	v48 =	vor.u32 $0xA, v22;
	v21 =	vadd.f32 v27, v21  }
0x11a: {  	v29 =	vor.u32 $0xA, v23  }
0x11b: {  	v21 =	vadd.f32 v26, v21  }
0x11c: {  	v49 =	vor.u32 $0xA, v25  }
0x11d: {  	[tilespmem:v28+s29+$0x0] =	vst.idx.msk $0xffff, v21  }
0x11e: {  	v50 =	vadd.s32 $0xCA, v24;
	v21 =	vld.idx.msk [tilespmem:v48+s15+$0x0], $0xffff  }
0x11f: {  	v28 =	vld.idx.msk [tilespmem:v29+s15+$0x0], $0xffff;
	_ =	sdelay $0x1  }
0x120: {  	v26 =	vld.idx.msk [tilespmem:v49+s15+$0x0], $0xffff;
	_ =	sdelay $0x1  }
0x121: {  	v27 =	vld.idx.msk [tilespmem:v50+s15+$0x0], $0xffff  }
0x122: {  	v21 =	vadd.f32 v28, v21  }
0x123: {  	v28 =	vadd.s32 s2, v38  }
0x124: {  	v51 =	vor.u32 $0xB, v22;
	v21 =	vadd.f32 v26, v21  }
0x125: {  	v29 =	vor.u32 $0xB, v23  }
0x126: {  	v21 =	vadd.f32 v27, v21  }
0x127: {  	v52 =	vor.u32 $0xB, v25  }
0x128: {  	[tilespmem:v28+s29+$0x0] =	vst.idx.msk $0xffff, v21  }
0x129: {  	v53 =	vadd.s32 $0xCB, v24;
	v21 =	vld.idx.msk [tilespmem:v51+s15+$0x0], $0xffff  }
0x12a: {  	v28 =	vld.idx.msk [tilespmem:v29+s15+$0x0], $0xffff;
	_ =	sdelay $0x1  }
0x12b: {  	v27 =	vld.idx.msk [tilespmem:v52+s15+$0x0], $0xffff;
	_ =	sdelay $0x1  }
0x12c: {  	v26 =	vld.idx.msk [tilespmem:v53+s15+$0x0], $0xffff  }
0x12d: {  	v21 =	vadd.f32 v28, v21  }
0x12e: {  	v28 =	vadd.s32 s2, v39  }
0x12f: {  	v54 =	vor.u32 $0xC, v22;
	v21 =	vadd.f32 v27, v21  }
0x130: {  	v29 =	vor.u32 $0xC, v23  }
0x131: {  	v21 =	vadd.f32 v26, v21  }
0x132: {  	v55 =	vor.u32 $0xC, v25  }
0x133: {  	[tilespmem:v28+s29+$0x0] =	vst.idx.msk $0xffff, v21  }
0x134: {  	v56 =	vadd.s32 $0xCC, v24;
	v21 =	vld.idx.msk [tilespmem:v54+s15+$0x0], $0xffff  }
0x135: {  	v28 =	vld.idx.msk [tilespmem:v29+s15+$0x0], $0xffff;
	_ =	sdelay $0x1  }
0x136: {  	v26 =	vld.idx.msk [tilespmem:v55+s15+$0x0], $0xffff;
	_ =	sdelay $0x1  }
0x137: {  	v27 =	vld.idx.msk [tilespmem:v56+s15+$0x0], $0xffff  }
0x138: {  	v21 =	vadd.f32 v28, v21  }
0x139: {  	v28 =	vadd.s32 s2, v40  }
0x13a: {  	v57 =	vor.u32 $0xD, v22;
	v21 =	vadd.f32 v26, v21  }
0x13b: {  	v29 =	vor.u32 $0xD, v23  }
0x13c: {  	v21 =	vadd.f32 v27, v21  }
0x13d: {  	v58 =	vor.u32 $0xD, v25  }
0x13e: {  	[tilespmem:v28+s29+$0x0] =	vst.idx.msk $0xffff, v21  }
0x13f: {  	v59 =	vadd.s32 $0xCD, v24;
	v21 =	vld.idx.msk [tilespmem:v57+s15+$0x0], $0xffff  }
0x140: {  	v28 =	vld.idx.msk [tilespmem:v29+s15+$0x0], $0xffff;
	_ =	sdelay $0x1  }
0x141: {  	v27 =	vld.idx.msk [tilespmem:v58+s15+$0x0], $0xffff;
	_ =	sdelay $0x1  }
0x142: {  	v26 =	vld.idx.msk [tilespmem:v59+s15+$0x0], $0xffff  }
0x143: {  	v21 =	vadd.f32 v28, v21  }
0x144: {  	v28 =	vadd.s32 s2, v41  }
0x145: {  	v60 =	vor.u32 $0xE, v22;
	v21 =	vadd.f32 v27, v21  }
0x146: {  	v29 =	vor.u32 $0xE, v23  }
0x147: {  	v21 =	vadd.f32 v26, v21  }
0x148: {  	v61 =	vor.u32 $0xE, v25  }
0x149: {  	[tilespmem:v28+s29+$0x0] =	vst.idx.msk $0xffff, v21  }
0x14a: {  	v62 =	vadd.s32 $0xCE, v24;
	v21 =	vld.idx.msk [tilespmem:v60+s15+$0x0], $0xffff  }
0x14b: {  	v28 =	vld.idx.msk [tilespmem:v29+s15+$0x0], $0xffff;
	_ =	sdelay $0x1  }
0x14c: {  	v26 =	vld.idx.msk [tilespmem:v61+s15+$0x0], $0xffff;
	_ =	sdelay $0x1  }
0x14d: {  	v27 =	vld.idx.msk [tilespmem:v62+s15+$0x0], $0xffff  }
0x14e: {  	v21 =	vadd.f32 v28, v21  }
0x14f: {  	v28 =	vadd.s32 s2, v42  }
0x150: {  	v22 =	vor.u32 $0xF, v22;
	v21 =	vadd.f32 v26, v21  }
0x151: {  	v23 =	vor.u32 $0xF, v23  }
0x152: {  	v21 =	vadd.f32 v27, v21  }
0x153: {  	v25 =	vor.u32 $0xF, v25  }
0x154: {  	[tilespmem:v28+s29+$0x0] =	vst.idx.msk $0xffff, v21  }
0x155: {  	v21 =	vld.idx.msk [tilespmem:v22+s15+$0x0], $0xffff;
	v22 =	vadd.s32 $0xCF, v24  }
0x156: {  	v23 =	vld.idx.msk [tilespmem:v23+s15+$0x0], $0xffff;
	_ =	sdelay $0x1  }
0x157: {  	v63 =	vld.idx.msk [tilespmem:v25+s15+$0x0], $0xffff;
	_ =	sdelay $0x1  }
0x158: {  	v22 =	vld.idx.msk [tilespmem:v22+s15+$0x0], $0xffff  }
0x159: {  	v21 =	vadd.f32 v23, v21  }
0x15a: {  	p0 =	sne.s32 s2, $0x1A0;
	v23 =	vadd.s32 s2, v43  }
.Ltmp2:
0x15b: {  	v21 =	vadd.f32 v63, v21;
	(pc) =	sbr.rel @p0 .LBB2_2-.Ltmp2, $3  }
0x15c: {  	_ = 	snop  }
0x15d: {  	v21 =	vadd.f32 v22, v21;
	_ =	sdelay $0x1  }
0x15e: {  	s2 =	sadd.s32 $0x10, s2;
	[tilespmem:v23+s29+$0x0] =	vst.idx.msk $0xffff, v21  }
0x15f: {  	s5 =	simm.s32 $0x0;
	s0 =	rddreg [dreg:$0xf]  }
0x160: {  	s1 =	simm.s32 $0x9200;
	s24 =	rddreg [dreg:$0x10];
	s25 =	simm.s32 $0x9C00  }
0x161: {  	[tilespmem:s1], [sflag:$0x1] =	stream.linear.gather [hbm4b:s0+s5], $0x500, $0x38;
	[tilespmem:$0x15000] =	vst v63  }
.Ltmp3:
0x162: {  	s26 =	rddreg [dreg:$0x11];
	s28 =	simm.s32 $0xA600;
	(pc) =	sbr.rel .LBB2_4-.Ltmp3, $4  }
0x163: {  	[tilespmem:s25], [sflag:$0x1] =	stream.linear.gather [hbm4b:s24+s5], $0x500, $0x38;
	[tilespmem:$0x15000] =	vst v63  }
0x164: {  	s18 =	simm.s32 $0x7DC0;
	s22 =	simm.s32 $0x7F70;
	s23 =	simm.s32 $0x8120  }
0x165: {  	[tilespmem:s28], [sflag:$0x1] =	stream.linear.gather [hbm4b:s26+s5], $0x500, $0x38;
	[tilespmem:$0x15000] =	vst v63  }
0x166: {  	s13 =	simm.s32 $0x8480;
	s3 =	simm.s32 $0x0;
	s26 =	simm.s32 $0x82D0  }
.LBB2_12:
0x167: {  	s5 =	sadd.s32 $0x1, s5  }
0x168: {  	p0 =	sne.s32 s5, $0x10  }
.Ltmp4:
0x169: {  	_ = 	snop;
	(pc) =	sbr.rel @!p0 .LBB2_13-.Ltmp4, $1  }
0x16a: {  	_ =	sdelay $0x3  }
.LBB2_4:
0x16b: {  	s25 =	sshll.u32 s5, $0x1  }
0x16c: {  	p0 =	slt.u32 s25, s14  }
.Ltmp5:
0x16d: {  	_ = 	snop;
	(pc) =	sbr.rel @!p0 .LBB2_8-.Ltmp5, $2  }
0x16e: {  	_ =	sdelay $0x2  }
0x16f: {  	[dreg:$0x15] =	wrdreg s5;
	s24 =	sor.u32 $0x1, s25  }
0x170: {  	s0 =	sor.u32 $0x1, s25  }
0x171: {  	s12 =	rddreg [dreg:$0x6];
	p0 =	sge.u32 s0, s14  }
0x172: {  	[dreg:$0x16] =	wrdreg s0;
	s0 =	sadd.s32 @!p0 s12, s0  }
0x173: {  	s0 =	smul.u32 @!p0 $0x500, s0  }
0x174: {  	s1 =	rddreg [dreg:$0x7]  }
0x175: {  	s0 =	sadd.s32 @!p0 s1, s0  }
0x176: {  	s1 =	rddreg [dreg:$0x5];
	s0 =	sshrl.u32 @!p0 s0, $0x3  }
0x177: {  	s2 =	simm.s32 @!p0 $0x0;
	s4 =	simm.s32 @!p0 $0x9700;
	s1 =	sadd.s32 @!p0 s1, s0  }
0x178: {  	[tilespmem:s4], [sflag:$0x2] =	stream.linear.gather @!p0 [hbm4b:s1+s2], $0x500, $0x38;
	[tilespmem:$0x15000] =	vst v63  }
0x179: {  	s1 =	rddreg [dreg:$0x8]  }
0x17a: {  	s4 =	simm.s32 @!p0 $0xA100;
	s1 =	sadd.s32 @!p0 s1, s0  }
0x17b: {  	[tilespmem:s4], [sflag:$0x2] =	stream.linear.gather @!p0 [hbm4b:s1+s2], $0x500, $0x38;
	[tilespmem:$0x15000] =	vst v63  }
0x17c: {  	s1 =	rddreg [dreg:$0x9]  }
0x17d: {  	s7 =	simm.s32 $0x1;
	s0 =	sadd.s32 @!p0 s1, s0;
	s1 =	simm.s32 @!p0 $0xAB00  }
0x17e: {  	[tilespmem:s1], [sflag:$0x2] =	stream.linear.gather @!p0 [hbm4b:s0+s2], $0x500, $0x38;
	[tilespmem:$0x15000] =	vst v63  }
0x17f: {  	_ =	swait.ge [sflag:s7], $0x500  }
0x180: {  	[sflag:s7] =	ssyncset.done $0x0  }
0x181: {  	[sflag:s7] =	ssyncadd.s32 $0xFFFFFB00  }
0x182: {  	_ =	swait.ge [sflag:s7], $0x500  }
0x183: {  	[sflag:s7] =	ssyncset.done $0x0  }
0x184: {  	[sflag:s7] =	ssyncadd.s32 $0xFFFFFB00  }
0x185: {  	_ =	swait.ge [sflag:s7], $0x500  }
0x186: {  	p0 =	seq.s32 s5, $0x0;
	[sflag:s7] =	ssyncset.done $0x0  }
0x187: {  	s0 =	simm.s32 @!p0 $0x3;
	[sflag:s7] =	ssyncadd.s32 $0xFFFFFB00  }
0x188: {  	_ =	swait.ge @!p0 [sflag:s0], $0x5000  }
0x189: {  	[sflag:s0] =	ssyncset.done @!p0 $0x0  }
0x18a: {  	s8 =	simm.s32 $0x9200;
	[sflag:s0] =	ssyncadd.s32 @!p0 $0xFFFFB000  }
0x18b: {  	s5 =	simm.s32 $0x9C00;
	v21 =	vld [tilespmem:s8+$0x0]  }
0x18c: {  	v22 =	vld [tilespmem:s5+$0x0];
	_ =	sdelay $0x6  }
0x18d: {  	v23 =	vld.idx.msk [tilespmem:v21+s3+$0x0], $0xffff  }
0x18e: {  	v24 =	vld.idx.msk [tilespmem:v22+s3+$0x0], $0xffff  }
0x18f: {  	v25 =	vld.idx.msk [tilespmem:v21+s21+$0x0], $0xffff  }
0x190: {  	v26 =	vld.idx.msk [tilespmem:v22+s21+$0x0], $0xffff  }
0x191: {  	v21 =	vld.idx.msk [tilespmem:v21+s20+$0x0], $0xffff  }
0x192: {  	v22 =	vld.idx.msk [tilespmem:v22+s20+$0x0], $0xffff;
	_ =	sdelay $0x2  }
0x193: {  	v23 =	vsub.f32 v23, v24;
	v24 =	vsub.f32 v25, v26;
	_ =	sdelay $0x1  }
0x194: {  	v21 =	vsub.f32 v21, v22;
	v23 =	vmul.f32 v23, v23;
	v22 =	vmul.f32 v24, v24;
	_ =	sdelay $0x1  }
0x195: {  	v21 =	vmul.f32 v21, v21;
	v22 =	vadd.f32 v22, v23;
	_ =	sdelay $0x1  }
0x196: {  	v21 =	vadd.f32 v21, v22;
	_ =	sdelay $0x1  }
0x197: {  	v21 =	vadd.f32 $9.999999960e-13, v21;
	_ =	sdelay $0x1  }
0x198: {  	v22 =	vshra.s32 v21, $0x1;
	v23 =	vmul.f32 $5.000000000e-01, v21  }
0x199: {  	v22 =	vsub.s32 $0x5F3759DF, v22  }
0x19a: {  	s28 =	simm.s32 $0x0;
	v24 =	vmul.f32 v22, v23  }
0x19b: {  	s6 =	sand.u32 $0x40, s28  }
0x19c: {  	s9 =	sand.u32 $0x780, s28;
	s7 =	sor.u32 $0x10, s6;
	v24 =	vmul.f32 v22, v24  }
0x19d: {  	s11 =	sor.u32 s9, s7  }
0x19e: {  	v27 =	vld [tilespmem:s11+$0x9C00];
	v24 =	vsub.f32 $1.500000000e+00, v24  }
0x19f: {  	v26 =	vld [tilespmem:s11+$0x9200]  }
0x1a0: {  	s8 =	sor.u32 $0x30, s6;
	v22 =	vmul.f32 v22, v24  }
0x1a1: {  	s10 =	sor.u32 s9, s8  }
0x1a2: {  	v25 =	vld [tilespmem:s10+$0x9C00];
	v23 =	vmul.f32 v22, v23;
	_ =	sdelay $0x1  }
0x1a3: {  	v24 =	vld [tilespmem:s10+$0x9200];
	v23 =	vmul.f32 v23, v22;
	_ =	sdelay $0x1  }
0x1a4: {  	v42 =	vld.idx.msk [tilespmem:v27+s3+$0x0], $0xffff;
	v23 =	vsub.f32 $1.500000000e+00, v23  }
0x1a5: {  	s17 =	sor.u32 $0x20, s6;
	v40 =	vld.idx.msk [tilespmem:v26+s3+$0x0], $0xffff  }
0x1a6: {  	s0 =	sor.u32 s9, s17;
	v22 =	vmul.f32 v23, v22  }
0x1a7: {  	v28 =	vld [tilespmem:s0+$0x9200]  }
0x1a8: {  	v33 =	vld.idx.msk [tilespmem:v25+s21+$0x0], $0xffff;
	v21 =	vmul.f32 v22, v21  }
0x1a9: {  	v23 =	vld [tilespmem:s0+$0x9C00]  }
0x1aa: {  	v40 =	vsub.f32 v40, v42;
	v29 =	vld.idx.msk [tilespmem:v24+s3+$0x0], $0xffff;
	v31 =	vadd.f32 $-6.666666510e+00, v21  }
0x1ab: {  	v30 =	vld.idx.msk [tilespmem:v24+s21+$0x0], $0xffff;
	v32 =	vadd.f32 $-5.333333490e+00, v21;
	v34 =	vadd.f32 $-6.000000000e+00, v21  }
0x1ac: {  	v40 =	vmul.f32 v40, v40;
	v22 =	vld.idx.msk [tilespmem:v25+s3+$0x0], $0xffff;
	v35 =	vadd.f32 $-4.000000000e+00, v21;
	v37 =	vadd.f32 $-4.666666510e+00, v21  }
0x1ad: {  	v24 =	vld.idx.msk [tilespmem:v24+s20+$0x0], $0xffff;
	v36 =	vmul.f32 v21, v21;
	v38 =	vadd.f32 $-3.333333250e+00, v21;
	v31 =	vmul.f32 v31, v31  }
0x1ae: {  	v25 =	vld.idx.msk [tilespmem:v25+s20+$0x0], $0xffff;
	v39 =	vadd.f32 $-2.666666750e+00, v21;
	v34 =	vmul.f32 v34, v34;
	v37 =	vmul.f32 v37, v37  }
0x1af: {  	v43 =	vadd.f32 $-1.333333370e+00, v21;
	v32 =	vmul.f32 v32, v32;
	v35 =	vmul.f32 v35, v35  }
0x1b0: {  	v45 =	vld.idx.msk [tilespmem:v28+s3+$0x0], $0xffff;
	v41 =	vadd.f32 $-2.000000000e+00, v21;
	v39 =	vmul.f32 v39, v39;
	v38 =	vmul.f32 v38, v38  }
0x1b1: {  	v46 =	vld.idx.msk [tilespmem:v28+s21+$0x0], $0xffff;
	v43 =	vmul.f32 v43, v43;
	v22 =	vsub.f32 v29, v22;
	v29 =	vsub.f32 v30, v33  }
0x1b2: {  	v28 =	vld.idx.msk [tilespmem:v28+s20+$0x0], $0xffff;
	v58 =	vadd.f32 $-6.666666860e-01, v21;
	v41 =	vmul.f32 v41, v41;
	v36 =	vmul.f32 $-2.250000000e+00, v36  }
0x1b3: {  	v44 =	vld.idx.msk [tilespmem:v26+s21+$0x0], $0xffff;
	v24 =	vsub.f32 v24, v25;
	v22 =	vmul.f32 v22, v22;
	v25 =	vmul.f32 v29, v29  }
0x1b4: {  	v26 =	vld.idx.msk [tilespmem:v26+s20+$0x0], $0xffff;
	v33 =	vmul.f32 v58, v58;
	v34 =	vmul.f32 $-2.250000000e+00, v34  }
0x1b5: {  	v30 =	vld.idx.msk [tilespmem:v27+s21+$0x0], $0xffff;
	v31 =	vmul.f32 $-2.250000000e+00, v31;
	v24 =	vmul.f32 v24, v24;
	v22 =	vadd.f32 v25, v22  }
0x1b6: {  	v32 =	vmul.f32 $-2.250000000e+00, v32;
	v35 =	vmul.f32 $-2.250000000e+00, v35;
	v29 =	vld.idx.msk [tilespmem:v23+s3+$0x0], $0xffff  }
0x1b7: {  	v37 =	vmul.f32 $-2.250000000e+00, v37;
	v38 =	vmul.f32 $-2.250000000e+00, v38;
	v25 =	vld.idx.msk [tilespmem:v23+s21+$0x0], $0xffff;
	v22 =	vadd.f32 v24, v22  }
0x1b8: {  	v59 =	vmul.f32 $-2.250000000e+00, v43;
	v36 =	vmul.f32 $1.442695020e+00, v36;
	v24 =	vld.idx.msk [tilespmem:v27+s20+$0x0], $0xffff  }
0x1b9: {  	v41 =	vmul.f32 $-2.250000000e+00, v41;
	v63 =	vmul.f32 $1.442695020e+00, v35;
	v23 =	vld.idx.msk [tilespmem:v23+s20+$0x0], $0xffff;
	v22 =	vadd.f32 $9.999999960e-13, v22  }
0x1ba: {  	v38 =	vmul.f32 $1.442695020e+00, v38;
	(erf) = vpow2.f32 v36  }
0x1bb: {  	v30 =	vsub.f32 v44, v30;
	v60 =	vshra.s32 v22, $0x1;
	v61 =	vmul.f32 $5.000000000e-01, v22  }
0x1bc: {  	v29 =	vsub.f32 v45, v29;
	v25 =	vsub.f32 v46, v25;
	v42 =	vsub.s32 $0x5F3759DF, v60  }
0x1bd: {  	v30 =	vmul.f32 v30, v30;
	v24 =	vsub.f32 v26, v24;
	v62 =	vmul.f32 v42, v61  }
0x1be: {  	v23 =	vsub.f32 v28, v23;
	v26 =	vmul.f32 v29, v29;
	v25 =	vmul.f32 v25, v25  }
0x1bf: {  	v28 =	vadd.f32 v30, v40;
	v24 =	vmul.f32 v24, v24;
	v29 =	vmul.f32 v42, v62  }
0x1c0: {  	v27 =	vmul.f32 $-2.250000000e+00, v39;
	v23 =	vmul.f32 v23, v23;
	v25 =	vadd.f32 v25, v26  }
0x1c1: {  	v53 =	vmul.f32 $1.442695020e+00, v41;
	v24 =	vadd.f32 v24, v28;
	v29 =	vsub.f32 $1.500000000e+00, v29  }
0x1c2: {  	v27 =	vmul.f32 $1.442695020e+00, v27;
	v30 =	vmul.f32 $-2.250000000e+00, v33;
	v23 =	vadd.f32 v23, v25  }
0x1c3: {  	v26 =	vmul.f32 $1.442695020e+00, v31;
	v24 =	vadd.f32 $9.999999960e-13, v24;
	v29 =	vmul.f32 v42, v29  }
0x1c4: {  	v28 =	vmul.f32 $1.442695020e+00, v34;
	v25 =	vmul.f32 $1.442695020e+00, v37;
	v23 =	vadd.f32 $9.999999960e-13, v23  }
0x1c5: {  	v46 =	vshra.s32 v24, $0x1;
	v47 =	vmul.f32 $5.000000000e-01, v24;
	v45 =	vmul.f32 v29, v61  }
0x1c6: {  	v48 =	vshra.s32 v23, $0x1;
	v49 =	vmul.f32 $5.000000000e-01, v23;
	v34 =	vsub.s32 $0x5F3759DF, v46  }
0x1c7: {  	v37 =	vsub.s32 $0x5F3759DF, v48;
	v50 =	vmul.f32 v34, v47;
	v33 =	vmul.f32 v45, v29  }
0x1c8: {  	v31 =	vmul.f32 $1.442695020e+00, v32;
	v51 =	vmul.f32 v37, v49  }
0x1c9: {  	(erf) = vpow2.f32 v26;
	v52 =	vmul.f32 v34, v50;
	v33 =	vsub.f32 $1.500000000e+00, v33  }
0x1ca: {  	(erf) = vpow2.f32 v28;
	v26 =	vmul.f32 v37, v51  }
0x1cb: {  	(erf) = vpow2.f32 v31;
	v28 =	vmul.f32 v33, v29;
	v29 =	vsub.f32 $1.500000000e+00, v52  }
0x1cc: {  	v30 =	vmul.f32 $1.442695020e+00, v30;
	(erf) = vpow2.f32 v25;
	v31 =	vsub.f32 $1.500000000e+00, v26  }
0x1cd: {  	v26 =	vmul.f32 v28, v22;
	v22 =	vmul.f32 v34, v29  }
0x1ce: {  	(erf) = vpow2.f32 v63;
	v28 =	vmul.f32 v37, v31  }
0x1cf: {  	(erf) = vpow2.f32 v38;
	v29 =	vmul.f32 v22, v47  }
0x1d0: {  	v25 =	vmul.f32 v26, v26;
	v31 =	vmul.f32 v28, v49  }
0x1d1: {  	(erf) = vpow2.f32 v27;
	v48 =	vadd.f32 $-1.333333370e+00, v26;
	v29 =	vmul.f32 v29, v22  }
0x1d2: {  	v55 =	vadd.f32 $-6.666666860e-01, v26;
	v25 =	vmul.f32 $-2.250000000e+00, v25;
	v31 =	vmul.f32 v31, v28  }
0x1d3: {  	(erf) = vpow2.f32 v53;
	v40 =	vmul.f32 v48, v48;
	v27 =	vsub.f32 $1.500000000e+00, v29  }
0x1d4: {  	v56 =	vmul.f32 v55, v55;
	v54 =	vmul.f32 $1.442695020e+00, v25;
	v31 =	vsub.f32 $1.500000000e+00, v31  }
0x1d5: {  	s2 =	simm.s32 $0xA600;
	v25 =	vld [tilespmem:s10+$0xA600];
	v40 =	vmul.f32 $-2.250000000e+00, v40;
	v27 =	vmul.f32 v27, v22  }
0x1d6: {  	v29 =	vmul.f32 $1.442695020e+00, v59;
	v22 =	vld [tilespmem:s2+$0x0];
	v28 =	vmul.f32 v31, v28  }
0x1d7: {  	(erf) = vpow2.f32 v54;
	v40 =	vmul.f32 $1.442695020e+00, v40  }
0x1d8: {  	v57 =	vpop (erf);
	v32 =	vmul.f32 v27, v24;
	v31 =	vmul.f32 v28, v23  }
0x1d9: {  	(erf) = vpow2.f32 v29;
	v23 =	vmul.f32 $-2.250000000e+00, v56;
	v27 =	vpop (erf)  }
0x1da: {  	v24 =	vmul.f32 v32, v32;
	v58 =	vadd.f32 $-6.666666860e-01, v32;
	v59 =	vmul.f32 v31, v31;
	v28 =	vpop (erf)  }
0x1db: {  	v23 =	vmul.f32 $1.442695020e+00, v23;
	(erf) = vpow2.f32 v30;
	v29 =	vpop (erf)  }
0x1dc: {  	v60 =	vadd.f32 $-6.666666860e-01, v31;
	v24 =	vmul.f32 $-2.250000000e+00, v24;
	v61 =	vmul.f32 v58, v58;
	v30 =	vpop (erf)  }
0x1dd: {  	v51 =	vadd.f32 $-1.333333370e+00, v32;
	v62 =	vmul.f32 $-2.250000000e+00, v59;
	v63 =	vld.idx.msk [tilespmem:v25+s29+$0x0], $0xffff;
	(erf) = vpow2.f32 v23;
	v33 =	vpop (erf)  }
0x1de: {  	v52 =	vadd.f32 $-1.333333370e+00, v31;
	v50 =	vmul.f32 v60, v60;
	v23 =	vmul.f32 $1.442695020e+00, v24;
	v49 =	vld.idx.msk [tilespmem:v22+s29+$0x0], $0xffff;
	v34 =	vpop (erf)  }
0x1df: {  	v55 =	vadd.f32 $-2.000000000e+00, v32;
	v43 =	vmul.f32 v51, v51;
	v24 =	vld [tilespmem:s11+$0xA600];
	v37 =	vmul.f32 $-2.250000000e+00, v61;
	v35 =	vpop (erf)  }
0x1e0: {  	s19 =	simm.s32 $0x0;
	v56 =	vadd.f32 $-2.000000000e+00, v31;
	v42 =	vmul.f32 $-2.250000000e+00, v50;
	(erf) = vpow2.f32 v23;
	v23 =	vld [tilespmem:s0+$0xA600];
	v44 =	vpop (erf)  }
0x1e1: {  	s10 =	sand.u32 $0x3C00, s19;
	v38 =	vmul.f32 $1.442695020e+00, v62;
	v58 =	vmul.f32 $-2.250000000e+00, v43;
	v61 =	vadd.f32 $-2.000000000e+00, v26;
	v53 =	vpop (erf)  }
0x1e2: {  	s14 =	sadd.s32 $0xB000, s10;
	v37 =	vmul.f32 $1.442695020e+00, v37;
	v54 =	vmul.f32 $1.442695020e+00, v42;
	v39 =	vadd.f32 v53, v63  }
0x1e3: {  	s9 =	sor.u32 s8, s14;
	v42 =	vmul.f32 v55, v55;
	(erf) = vpow2.f32 v38;
	v36 =	vadd.f32 v57, v49  }
0x1e4: {  	s15 =	sor.u32 s6, s14;
	v45 =	vmul.f32 v61, v61;
	v38 =	vmul.f32 v52, v52;
	[tilespmem:s9+$0x0] =	vst v39  }
0x1e5: {  	(erf) = vpow2.f32 v37;
	v37 =	vmul.f32 v56, v56;
	[tilespmem:s15+$0x0] =	vst v36;
	v57 =	vld.idx.msk [tilespmem:v25+s16+$0x0], $0xffff  }
0x1e6: {  	v59 =	vadd.f32 $-2.666666750e+00, v32;
	v42 =	vmul.f32 $-2.250000000e+00, v42;
	(erf) = vpow2.f32 v40;
	v60 =	vld.idx.msk [tilespmem:v22+s16+$0x0], $0xffff  }
0x1e7: {  	v41 =	vpop (erf);
	v38 =	vmul.f32 $-2.250000000e+00, v38;
	v63 =	vmul.f32 $-2.250000000e+00, v45;
	v62 =	vld.idx.msk [tilespmem:v24+s29+$0x0], $0xffff  }
0x1e8: {  	v56 =	vadd.f32 $-2.666666750e+00, v26;
	v40 =	vmul.f32 v59, v59;
	(erf) = vpow2.f32 v54;
	v49 =	vpop (erf);
	v48 =	vld.idx.msk [tilespmem:v23+s29+$0x0], $0xffff  }
0x1e9: {  	v47 =	vadd.f32 $-2.666666750e+00, v31;
	v37 =	vmul.f32 $-2.250000000e+00, v37;
	v42 =	vmul.f32 $1.442695020e+00, v42;
	v52 =	vpop (erf)  }
0x1ea: {  	v61 =	vmul.f32 v56, v56;
	v39 =	vmul.f32 $1.442695020e+00, v58;
	v36 =	vadd.f32 v52, v57  }
0x1eb: {  	v38 =	vmul.f32 $1.442695020e+00, v38;
	v58 =	vmul.f32 v47, v47;
	v43 =	vadd.f32 v49, v60;
	v52 =	vpop (erf)  }
0x1ec: {  	(erf) = vpow2.f32 v39;
	v39 =	vmul.f32 $1.442695020e+00, v63;
	v53 =	vadd.f32 v52, v62;
	v54 =	vpop (erf);
	[tilespmem:s9+$0x80] =	vst v36  }
0x1ed: {  	s20 =	sor.u32 s7, s14;
	v40 =	vmul.f32 $-2.250000000e+00, v40;
	(erf) = vpow2.f32 v38;
	v38 =	vadd.f32 v54, v48;
	[tilespmem:s15+$0x80] =	vst v43;
	v55 =	vld.idx.msk [tilespmem:v25+s30+$0x0], $0xffff  }
0x1ee: {  	s1 =	sor.u32 s17, s14;
	v50 =	vadd.f32 $-3.333333250e+00, v32;
	v37 =	vmul.f32 $1.442695020e+00, v37;
	(erf) = vpow2.f32 v39;
	v57 =	vld.idx.msk [tilespmem:v22+s30+$0x0], $0xffff;
	[tilespmem:s20+$0x0] =	vst v53  }
0x1ef: {  	v51 =	vadd.f32 $-3.333333250e+00, v31;
	v40 =	vmul.f32 $1.442695020e+00, v40;
	(erf) = vpow2.f32 v42;
	v59 =	vld.idx.msk [tilespmem:v24+s16+$0x0], $0xffff;
	[tilespmem:s1+$0x0] =	vst v38  }
0x1f0: {  	v49 =	vadd.f32 $-6.666666510e+00, v31;
	v52 =	vmul.f32 v50, v50;
	v60 =	vpop (erf);
	(erf) = vpow2.f32 v37;
	v62 =	vld.idx.msk [tilespmem:v23+s16+$0x0], $0xffff  }
0x1f1: {  	v42 =	vadd.f32 $-4.000000000e+00, v31;
	v36 =	vmul.f32 $-2.250000000e+00, v58;
	v37 =	vmul.f32 $-2.250000000e+00, v61;
	v63 =	vpop (erf)  }
0x1f2: {  	v49 =	vmul.f32 v49, v49;
	v53 =	vmul.f32 v51, v51;
	v45 =	vadd.f32 v63, v55  }
0x1f3: {  	(erf) = vpow2.f32 v40;
	v40 =	vadd.f32 $-5.333333490e+00, v32;
	v41 =	vadd.f32 v41, v57  }
0x1f4: {  	v42 =	vmul.f32 v42, v42;
	v36 =	vmul.f32 $1.442695020e+00, v36;
	v54 =	vpop (erf);
	v38 =	vadd.f32 v60, v59;
	[tilespmem:s9+$0x100] =	vst v45  }
0x1f5: {  	v37 =	vmul.f32 $1.442695020e+00, v37;
	v40 =	vmul.f32 v40, v40;
	[tilespmem:s15+$0x100] =	vst v41;
	v56 =	vadd.f32 v54, v62;
	v47 =	vld.idx.msk [tilespmem:v25+s31+$0x0], $0xffff  }
0x1f6: {  	(erf) = vpow2.f32 v36;
	v55 =	vmul.f32 $-2.250000000e+00, v52;
	v58 =	vld.idx.msk [tilespmem:v22+s31+$0x0], $0xffff;
	[tilespmem:s20+$0x80] =	vst v38  }
0x1f7: {  	v43 =	vadd.f32 $-4.000000000e+00, v32;
	(erf) = vpow2.f32 v37;
	v57 =	vmul.f32 $-2.250000000e+00, v53;
	v45 =	vpop (erf);
	v61 =	vld.idx.msk [tilespmem:v24+s30+$0x0], $0xffff  }
0x1f8: {  	v40 =	vmul.f32 $-2.250000000e+00, v40;
	v60 =	vadd.f32 $-3.333333250e+00, v26;
	v59 =	vmul.f32 $1.442695020e+00, v55;
	[tilespmem:s1+$0x80] =	vst v56;
	v48 =	vpop (erf)  }
0x1f9: {  	v39 =	vadd.f32 $-4.666666510e+00, v32;
	v62 =	vmul.f32 v43, v43;
	v36 =	vmul.f32 $1.442695020e+00, v57;
	v63 =	vld.idx.msk [tilespmem:v23+s30+$0x0], $0xffff;
	v56 =	vpop (erf)  }
0x1fa: {  	v55 =	vmul.f32 $1.442695020e+00, v40;
	v38 =	vmul.f32 v60, v60;
	v57 =	vadd.f32 v56, v47  }
0x1fb: {  	(erf) = vpow2.f32 v59;
	v41 =	vmul.f32 $-2.250000000e+00, v62;
	v44 =	vadd.f32 v44, v58  }
0x1fc: {  	v59 =	vmul.f32 $-2.250000000e+00, v42;
	v38 =	vmul.f32 $-2.250000000e+00, v38;
	v45 =	vadd.f32 v45, v61;
	[tilespmem:s9+$0x180] =	vst v57  }
0x1fd: {  	v53 =	vadd.f32 $-7.333333490e+00, v32;
	(erf) = vpow2.f32 v36;
	v42 =	vpop (erf);
	v58 =	vmul.f32 v39, v39;
	[tilespmem:s15+$0x180] =	vst v44;
	v60 =	vld.idx.msk [tilespmem:v25+s18+$0x0], $0xffff  }
0x1fe: {  	p0 =	por $0x0, $0x0;
	v36 =	vadd.f32 $-6.000000000e+00, v32;
	v38 =	vmul.f32 $1.442695020e+00, v38;
	v47 =	vpop (erf);
	v48 =	vadd.f32 v48, v63;
	s9 =	simm.s32 $0x1;
	v63 =	vld.idx.msk [tilespmem:v22+s18+$0x0], $0xffff  }
0x1ff: {  	v50 =	vadd.f32 $-4.666666510e+00, v31;
	v53 =	vmul.f32 v53, v53;
	v41 =	vmul.f32 $1.442695020e+00, v41;
	s9 =	simm.s32 @!p0 $0x0;
	v44 =	vpop (erf)  }
0x200: {  	v62 =	vadd.f32 $-4.000000000e+00, v26;
	v36 =	vmul.f32 v36, v36;
	(erf) = vpow2.f32 v38;
	[tilespmem:s20+$0x100] =	vst v45;
	s21 =	sshll.u32 s9, $0x6;
	v45 =	vpop (erf)  }
0x201: {  	v61 =	vmul.f32 v50, v50;
	v37 =	vmul.f32 $-2.250000000e+00, v58;
	v57 =	vld.idx.msk [tilespmem:v24+s31+$0x0], $0xffff;
	[tilespmem:s1+$0x100] =	vst v48;
	s0 =	sadd.s32 $0x0, s21;
	v58 =	vpop (erf)  }
0x202: {  	v39 =	vmul.f32 $1.442695020e+00, v59;
	v38 =	vmul.f32 v62, v62;
	v59 =	vld.idx.msk [tilespmem:v23+s31+$0x0], $0xffff;
	s29 =	sadd.s32 $0x30, s0;
	v46 =	vadd.f32 v58, v60  }
0x203: {  	(erf) = vpow2.f32 v41;
	v56 =	vmul.f32 $-2.250000000e+00, v61;
	s24 =	sor.u32 $0x200, s29;
	v35 =	vadd.f32 v35, v63  }
0x204: {  	v52 =	vadd.f32 $-8.000000000e+00, v31;
	v38 =	vmul.f32 $-2.250000000e+00, v38;
	v37 =	vmul.f32 $1.442695020e+00, v37;
	s3 =	sor.u32 $0x200, s0;
	[tilespmem:s24+$0xB000] =	vst v46  }
0x205: {  	v43 =	vadd.f32 $-5.333333490e+00, v31;
	v41 =	vmul.f32 $1.442695020e+00, v56;
	(erf) = vpow2.f32 v39;
	[tilespmem:s3+$0xB000] =	vst v35;
	v62 =	vld.idx.msk [tilespmem:v25+s22+$0x0], $0xffff  }
0x206: {  	v38 =	vmul.f32 $1.442695020e+00, v38;
	(erf) = vpow2.f32 v37;
	v63 =	vadd.f32 v42, v57;
	v56 =	vld.idx.msk [tilespmem:v22+s22+$0x0], $0xffff  }
0x207: {  	v61 =	vmul.f32 v43, v43;
	(erf) = vpow2.f32 v41;
	v54 =	vadd.f32 v47, v59;
	v46 =	vpop (erf)  }
0x208: {  	v60 =	vadd.f32 $-6.000000000e+00, v31;
	v57 =	vadd.f32 $-4.666666510e+00, v26;
	[tilespmem:s20+$0x180] =	vst v63;
	(erf) = vpow2.f32 v38;
	v51 =	vpop (erf)  }
0x209: {  	v50 =	vadd.f32 $-6.666666510e+00, v32;
	v36 =	vmul.f32 $-2.250000000e+00, v36;
	v37 =	vmul.f32 $-2.250000000e+00, v61;
	v41 =	vld.idx.msk [tilespmem:v24+s18+$0x0], $0xffff;
	[tilespmem:s1+$0x180] =	vst v54;
	v58 =	vpop (erf)  }
0x20a: {  	v59 =	vmul.f32 v60, v60;
	v38 =	vmul.f32 v57, v57;
	v60 =	vld.idx.msk [tilespmem:v23+s18+$0x0], $0xffff;
	v35 =	vadd.f32 v58, v62  }
0x20b: {  	v36 =	vmul.f32 $1.442695020e+00, v36;
	s11 =	sor.u32 $0x280, s29;
	v37 =	vmul.f32 $1.442695020e+00, v37;
	v34 =	vadd.f32 v34, v56  }
0x20c: {  	v40 =	vadd.f32 $-8.666666980e+00, v31;
	s15 =	sor.u32 $0x280, s0;
	(erf) = vpow2.f32 v55;
	v38 =	vmul.f32 $-2.250000000e+00, v38;
	[tilespmem:s11+$0xB000] =	vst v35  }
0x20d: {  	v42 =	vadd.f32 $-7.333333490e+00, v31;
	v61 =	vmul.f32 $-2.250000000e+00, v59;
	(erf) = vpow2.f32 v37;
	v47 =	vpop (erf);
	[tilespmem:s15+$0xB000] =	vst v34;
	v63 =	vld.idx.msk [tilespmem:v25+s23+$0x0], $0xffff  }
0x20e: {  	s14 =	sadd.s32 $0x10, s0;
	v62 =	vmul.f32 v50, v50;
	v50 =	vpop (erf);
	v38 =	vmul.f32 $1.442695020e+00, v38;
	v56 =	vadd.f32 v44, v41;
	v39 =	vld.idx.msk [tilespmem:v22+s23+$0x0], $0xffff  }
0x20f: {  	s16 =	sadd.s32 $0x20, s0;
	v54 =	vmul.f32 $1.442695020e+00, v61;
	(erf) = vpow2.f32 v36;
	v43 =	vpop (erf);
	s11 =	sor.u32 $0x200, s14;
	v57 =	vadd.f32 v45, v60  }
0x210: {  	s18 =	sor.u32 $0x200, s16;
	v37 =	vadd.f32 $-8.000000000e+00, v32;
	v35 =	vmul.f32 $-2.250000000e+00, v62;
	v44 =	vpop (erf);
	(erf) = vpow2.f32 v38;
	[tilespmem:s11+$0xB000] =	vst v56  }
0x211: {  	v58 =	vmul.f32 $-2.250000000e+00, v49;
	v60 =	vadd.f32 $-5.333333490e+00, v26;
	(erf) = vpow2.f32 v54;
	v38 =	vld.idx.msk [tilespmem:v24+s22+$0x0], $0xffff;
	[tilespmem:s18+$0xB000] =	vst v57;
	v59 =	vpop (erf)  }
0x212: {  	v62 =	vmul.f32 $1.442695020e+00, v35;
	v57 =	vmul.f32 v42, v42;
	v61 =	vld.idx.msk [tilespmem:v23+s22+$0x0], $0xffff;
	v34 =	vadd.f32 v59, v63  }
0x213: {  	s20 =	sor.u32 $0x300, s29;
	v36 =	vadd.f32 $-9.333333010e+00, v32;
	v45 =	vmul.f32 v60, v60;
	v33 =	vadd.f32 v33, v39  }
0x214: {  	s21 =	sor.u32 $0x300, s0;
	v41 =	vadd.f32 $-8.666666980e+00, v32;
	(erf) = vpow2.f32 v62;
	v60 =	vmul.f32 $-2.250000000e+00, v57;
	[tilespmem:s20+$0xB000] =	vst v34  }
0x215: {  	v35 =	vadd.f32 $-9.333333010e+00, v31;
	v63 =	vmul.f32 $1.442695020e+00, v58;
	v58 =	vmul.f32 $-2.250000000e+00, v45;
	[tilespmem:s21+$0xB000] =	vst v33;
	v55 =	vld.idx.msk [tilespmem:v25+s26+$0x0], $0xffff  }
0x216: {  	s24 =	sadd.s32 s12, s25;
	v42 =	vpop (erf);
	v59 =	vmul.f32 $-2.250000000e+00, v53;
	v45 =	vmul.f32 v37, v37;
	v38 =	vadd.f32 v46, v38;
	[dreg:$0x17] =	wrdreg s25  }
0x217: {  	s22 =	sor.u32 $0x280, s14;
	v39 =	vpop (erf);
	v48 =	vmul.f32 $1.442695020e+00, v60;
	v49 =	vadd.f32 v51, v61;
	v61 =	vmul.f32 $1.442695020e+00, v58;
	[dreg:$0x18] =	wrdreg s24  }
0x218: {  	(erf) = vpow2.f32 v63;
	v33 =	vadd.f32 $-1.000000000e+01, v32;
	v62 =	vmul.f32 $1.442695020e+00, v59;
	v32 =	vpop (erf);
	s25 =	sor.u32 $0x280, s16;
	v34 =	vld.idx.msk [tilespmem:v22+s26+$0x0], $0xffff;
	[tilespmem:s22+$0xB000] =	vst v38  }
0x219: {  	s4 =	simm.s32 $0x9240;
	s31 =	sor.u32 $0x380, s14;
	s30 =	sor.u32 $0x380, s16;
	v37 =	vadd.f32 $-1.000000000e+01, v31;
	v46 =	vmul.f32 v52, v52;
	[tilespmem:s25+$0xB000] =	vst v49;
	v63 =	vpop (erf);
	(erf) = vpow2.f32 v61;
	v31 =	vld.idx.msk [tilespmem:v24+s23+$0x0], $0xffff  }
0x21a: {  	s1 =	sor.u32 $0x300, s16;
	v52 =	vadd.f32 $-6.000000000e+00, v26;
	s24 =	sor.u32 $0x300, s14;
	s25 =	sor.u32 $0x380, s0;
	v49 =	vld.idx.msk [tilespmem:v23+s23+$0x0], $0xffff;
	(erf) = vpow2.f32 v62;
	v38 =	vpop (erf);
	v51 =	vadd.f32 v63, v55  }
.LBB2_6:
0x21b: {  	_ =	sdelay $0x1  }
0x21c: {  	[dreg:$0x3] =	wrdreg s2;
	v53 =	vld [tilespmem:s4+$0x0];
	s0 =	sor.u32 $0x380, s29;
	s2 =	sadd.s32 $0x40, s5;
	v59 =	vmul.f32 $-2.250000000e+00, v45;
	v60 =	vmul.f32 v52, v52;
	v30 =	vadd.f32 v30, v34  }
0x21d: {  	(erf) = vpow2.f32 v48;
	v48 =	vld [tilespmem:s2+$0x0];
	v0 =	vmul.f32 $-2.250000000e+00, v46;
	[tilespmem:s0+$0xB000] =	vst v51  }
0x21e: {  	v62 =	vld.idx.msk [tilespmem:v25+s13+$0x0], $0xffff;
	v46 =	vmul.f32 $-2.250000000e+00, v60;
	[tilespmem:s25+$0xB000] =	vst v30;
	v30 =	vadd.f32 v47, v31;
	v31 =	vmul.f32 $1.442695020e+00, v59  }
0x21f: {  	v61 =	vmul.f32 v41, v41;
	v41 =	vpop (erf);
	v55 =	vmul.f32 $1.442695020e+00, v0;
	v63 =	vld.idx.msk [tilespmem:v22+s13+$0x0], $0xffff  }
0x220: {  	v49 =	vadd.f32 v50, v49;
	v45 =	vpop (erf);
	v56 =	vmul.f32 $1.442695020e+00, v46;
	[tilespmem:s24+$0xB000] =	vst v30;
	(erf) = vpow2.f32 v31  }
0x221: {  	v58 =	vmul.f32 v36, v36;
	v31 =	vld.idx.msk [tilespmem:v24+s26+$0x0], $0xffff;
	(erf) = vpow2.f32 v55  }
0x222: {  	[tilespmem:s1+$0xB000] =	vst v49;
	v59 =	vpop (erf);
	v30 =	vmul.f32 v40, v40;
	(erf) = vpow2.f32 v56  }
0x223: {  	s20 =	simm.s32 $0x0;
	s9 =	sadd.s32 $0xD800, s10;
	v34 =	vmul.f32 $-2.250000000e+00, v61;
	v61 =	vadd.f32 $-6.666666510e+00, v26;
	v57 =	vld.idx.msk [tilespmem:v23+s26+$0x0], $0xffff;
	v47 =	vadd.f32 v59, v62  }
0x224: {  	s5 =	simm.s32 $0x2710;
	v35 =	vmul.f32 v35, v35;
	s11 =	sor.u32 s8, s9;
	v60 =	vld.idx.msk [tilespmem:v53+s20+$0x0], $0xffff;
	v30 =	vmul.f32 $-2.250000000e+00, v30;
	v29 =	vadd.f32 v29, v63  }
0x225: {  	v34 =	vmul.f32 $1.442695020e+00, v34;
	s25 =	sor.u32 s7, s9;
	v62 =	vmul.f32 v61, v61;
	v54 =	vld.idx.msk [tilespmem:v48+s20+$0x0], $0xffff;
	s26 =	sor.u32 s17, s9;
	s9 =	sor.u32 s6, s9;
	[tilespmem:s11+$0x0] =	vst v47  }
0x226: {  	s14 =	simm.s32 $0x8630;
	v36 =	vpop (erf);
	v51 =	vld.idx.msk [tilespmem:v53+s5+$0x0], $0xffff;
	v30 =	vmul.f32 $1.442695020e+00, v30;
	[tilespmem:s9+$0x0] =	vst v29;
	v29 =	vadd.f32 v43, v31;
	v31 =	vmul.f32 $-2.250000000e+00, v58  }
0x227: {  	v40 =	vpop (erf);
	v56 =	vmul.f32 $-2.250000000e+00, v62;
	(erf) = vpow2.f32 v34;
	v63 =	vld.idx.msk [tilespmem:v25+s14+$0x0], $0xffff  }
0x228: {  	(erf) = vpow2.f32 v30;
	v30 =	vld.idx.msk [tilespmem:v22+s14+$0x0], $0xffff;
	[tilespmem:s31+$0xB000] =	vst v29;
	v29 =	vmul.f32 $1.442695020e+00, v31  }
0x229: {  	v55 =	vmul.f32 $-2.250000000e+00, v35;
	v0 =	vadd.f32 v44, v57;
	v46 =	vmul.f32 $1.442695020e+00, v56;
	v35 =	vpop (erf)  }
0x22a: {  	v37 =	vmul.f32 v37, v37;
	v59 =	vsub.f32 v60, v54;
	v57 =	vld.idx.msk [tilespmem:v48+s5+$0x0], $0xffff;
	v34 =	vpop (erf);
	(erf) = vpow2.f32 v29  }
0x22b: {  	[tilespmem:s30+$0xB000] =	vst v0;
	v0 =	vadd.f32 $-7.333333490e+00, v21;
	v31 =	vmul.f32 v33, v33;
	v58 =	vld.idx.msk [tilespmem:v24+s13+$0x0], $0xffff;
	v61 =	vpop (erf);
	(erf) = vpow2.f32 v46  }
0x22c: {  	s12 =	sadd.s32 $0xD880, s10;
	v44 =	vmul.f32 $1.442695020e+00, v55;
	v60 =	vld.idx.msk [tilespmem:v23+s13+$0x0], $0xffff;
	v43 =	vadd.f32 v61, v63;
	v63 =	vadd.f32 $-7.333333490e+00, v26  }
0x22d: {  	s21 =	simm.s32 $0x4E20;
	s15 =	sor.u32 s7, s12;
	v54 =	vmul.f32 v0, v0;
	v31 =	vmul.f32 $-2.250000000e+00, v31;
	v1 =	vadd.f32 v28, v30  }
0x22e: {  	s16 =	sor.u32 s17, s12;
	s18 =	sor.u32 s8, s12;
	s12 =	sor.u32 s6, s12;
	v52 =	vld.idx.msk [tilespmem:v53+s21+$0x0], $0xffff;
	(erf) = vpow2.f32 v44;
	v55 =	vmul.f32 v63, v63  }
0x22f: {  	s3 =	simm.s32 $0x87E0;
	v62 =	vld.idx.msk [tilespmem:v48+s21+$0x0], $0xffff;
	v30 =	vmul.f32 $1.442695020e+00, v31;
	v31 =	vmul.f32 $-2.250000000e+00, v37;
	v53 =	vsub.f32 v51, v57;
	[tilespmem:s12+$0x0] =	vst v1  }
0x230: {  	v57 =	vmul.f32 v59, v59;
	[tilespmem:s18+$0x0] =	vst v43;
	v33 =	vadd.f32 v42, v58;
	v58 =	vld.idx.msk [tilespmem:v22+s3+$0x0], $0xffff;
	v59 =	vmul.f32 $-2.250000000e+00, v55  }
0x231: {  	v29 =	vpop (erf);
	v0 =	vadd.f32 v39, v60;
	v60 =	vmul.f32 $-2.250000000e+00, v54;
	v31 =	vmul.f32 $1.442695020e+00, v31;
	v56 =	vld.idx.msk [tilespmem:v25+s3+$0x0], $0xffff  }
0x232: {  	(erf) = vpow2.f32 v30;
	v28 =	vpop (erf);
	v39 =	vmul.f32 $1.442695020e+00, v59  }
0x233: {  	[tilespmem:s26+$0x0] =	vst v0;
	v43 =	vmul.f32 $1.442695020e+00, v60;
	(erf) = vpow2.f32 v31;
	v30 =	vpop (erf)  }
0x234: {  	v51 =	vadd.f32 $-8.000000000e+00, v26;
	v31 =	vsub.f32 v52, v62;
	v62 =	vld.idx.msk [tilespmem:v23+s14+$0x0], $0xffff;
	v49 =	vpop (erf);
	(erf) = vpow2.f32 v39  }
0x235: {  	s22 =	sadd.s32 $0xD900, s10;
	v1 =	vmul.f32 v53, v53;
	[tilespmem:s25+$0x0] =	vst v33;
	v27 =	vadd.f32 v58, v27;
	(erf) = vpow2.f32 v43  }
0x236: {  	s1 =	sor.u32 s6, s22;
	v52 =	vadd.f32 $-8.000000000e+00, v21;
	v61 =	vld.idx.msk [tilespmem:v24+s14+$0x0], $0xffff;
	v50 =	vadd.f32 v56, v49  }
0x237: {  	s26 =	sor.u32 s8, s22;
	v53 =	vmul.f32 v51, v51;
	v63 =	vadd.f32 v1, v57;
	v31 =	vmul.f32 v31, v31;
	[tilespmem:s1+$0x0] =	vst v27  }
0x238: {  	v27 =	vmul.f32 v52, v52;
	s1 =	simm.s32 $0x8990;
	[tilespmem:s26+$0x0] =	vst v50  }
0x239: {  	v46 =	vadd.f32 v31, v63;
	v39 =	vmul.f32 $-2.250000000e+00, v53;
	v38 =	vadd.f32 v38, v62;
	v54 =	vld.idx.msk [tilespmem:v25+s1+$0x0], $0xffff  }
0x23a: {  	v33 =	vpop (erf);
	v55 =	vld.idx.msk [tilespmem:v22+s1+$0x0], $0xffff;
	v27 =	vmul.f32 $-2.250000000e+00, v27  }
0x23b: {  	v0 =	vadd.f32 v32, v61;
	v42 =	vadd.f32 $9.999999960e-13, v46;
	v58 =	vmul.f32 $1.442695020e+00, v39;
	v31 =	vpop (erf);
	[tilespmem:s16+$0x0] =	vst v38  }
0x23c: {  	v63 =	vadd.f32 $-8.666666980e+00, v26;
	v60 =	vld.idx.msk [tilespmem:v23+s3+$0x0], $0xffff;
	v32 =	vpop (erf);
	v27 =	vmul.f32 $1.442695020e+00, v27  }
0x23d: {  	[tilespmem:s15+$0x0] =	vst v0;
	v56 =	vshra.s32 v42, $0x1;
	v46 =	vmul.f32 $5.000000000e-01, v42;
	v62 =	vpop (erf);
	(erf) = vpow2.f32 v58  }
0x23e: {  	s13 =	sadd.s32 $0xD980, s10;
	v57 =	vld.idx.msk [tilespmem:v24+s3+$0x0], $0xffff;
	v59 =	vsub.s32 $0x5F3759DF, v56;
	v37 =	vadd.f32 v54, v62;
	v52 =	vpop (erf);
	(erf) = vpow2.f32 v27  }
0x23f: {  	v53 =	vadd.f32 $-8.666666980e+00, v21;
	s3 =	sor.u32 s8, s13;
	v61 =	vmul.f32 v59, v46;
	v27 =	vadd.f32 v55, v52  }
0x240: {  	s9 =	sor.u32 s6, s13;
	v54 =	vmul.f32 v63, v63;
	[tilespmem:s3+$0x0] =	vst v37  }
0x241: {  	v48 =	vmul.f32 v59, v61;
	v44 =	vadd.f32 v60, v45;
	s3 =	simm.s32 $0x8B40;
	[tilespmem:s9+$0x0] =	vst v27;
	v27 =	vmul.f32 v53, v53  }
0x242: {  	s25 =	sor.u32 s17, s22;
	v37 =	vmul.f32 $-2.250000000e+00, v54;
	v56 =	vld.idx.msk [tilespmem:v25+s3+$0x0], $0xffff  }
0x243: {  	v55 =	vadd.f32 v57, v41;
	v57 =	vsub.f32 $1.500000000e+00, v48;
	[tilespmem:s25+$0x0] =	vst v44;
	v58 =	vld.idx.msk [tilespmem:v22+s3+$0x0], $0xffff;
	v27 =	vmul.f32 $-2.250000000e+00, v27  }
0x244: {  	v61 =	vld.idx.msk [tilespmem:v23+s1+$0x0], $0xffff;
	v37 =	vmul.f32 $1.442695020e+00, v37  }
0x245: {  	s23 =	sor.u32 s7, s22;
	v59 =	vmul.f32 v59, v57;
	v27 =	vmul.f32 $1.442695020e+00, v27  }
0x246: {  	[tilespmem:s23+$0x0] =	vst v55;
	v63 =	vpop (erf);
	(erf) = vpow2.f32 v37  }
0x247: {  	s11 =	sadd.s32 $0xDA00, s10;
	v60 =	vld.idx.msk [tilespmem:v24+s1+$0x0], $0xffff;
	v62 =	vmul.f32 v59, v46;
	v48 =	vadd.f32 v56, v63;
	v50 =	vpop (erf);
	(erf) = vpow2.f32 v27  }
0x248: {  	s28 =	sadd.s32 $0x40, s28;
	s12 =	sor.u32 s8, s11;
	v49 =	vadd.f32 $-9.333333010e+00, v26;
	v51 =	vadd.f32 v58, v50  }
0x249: {  	s26 =	sand.u32 $0x40, s28;
	s16 =	simm.s32 $0x8CF0;
	s9 =	sor.u32 s6, s11;
	v40 =	vadd.f32 v61, v40;
	v27 =	vmul.f32 v62, v59;
	[tilespmem:s12+$0x0] =	vst v48  }
0x24a: {  	s24 =	sor.u32 s17, s13;
	s18 =	sand.u32 $0x780, s28;
	v52 =	vmul.f32 v49, v49;
	s12 =	sor.u32 $0x20, s26;
	[tilespmem:s9+$0x0] =	vst v51;
	v53 =	vld.idx.msk [tilespmem:v25+s16+$0x0], $0xffff  }
0x24b: {  	[tilespmem:s24+$0x0] =	vst v40;
	v27 =	vsub.f32 $1.500000000e+00, v27;
	s9 =	sor.u32 $0x30, s26;
	s25 =	sor.u32 s18, s12;
	v54 =	vld.idx.msk [tilespmem:v22+s16+$0x0], $0xffff  }
0x24c: {  	s0 =	sor.u32 s7, s11;
	v26 =	vadd.f32 $-1.000000000e+01, v26;
	v37 =	vmul.f32 $-2.250000000e+00, v52;
	v36 =	vadd.f32 v60, v36;
	s29 =	sor.u32 s18, s9;
	v46 =	vld [tilespmem:s25+$0x9200]  }
0x24d: {  	s15 =	sor.u32 s7, s13;
	s23 =	sor.u32 s17, s11;
	s11 =	sor.u32 $0x10, s26;
	v27 =	vmul.f32 v27, v59;
	v38 =	vld [tilespmem:s29+$0x9200]  }
0x24e: {  	v26 =	vmul.f32 v26, v26;
	s22 =	sor.u32 s18, s11;
	v55 =	vmul.f32 $1.442695020e+00, v37;
	[tilespmem:s15+$0x0] =	vst v36;
	v37 =	vld [tilespmem:s29+$0x9C00]  }
0x24f: {  	v56 =	vadd.f32 $-1.000000000e+01, v21;
	v40 =	vld [tilespmem:s22+$0x9200];
	v27 =	vmul.f32 v27, v42;
	v42 =	vadd.f32 $-9.333333010e+00, v21;
	v21 =	vpop (erf)  }
0x250: {  	s14 =	sadd.s32 $0xDA80, s10;
	v26 =	vmul.f32 $-2.250000000e+00, v26;
	v44 =	vld [tilespmem:s22+$0x9C00];
	v57 =	vadd.f32 v53, v21;
	v58 =	vpop (erf)  }
0x251: {  	s15 =	sor.u32 s8, s14;
	v36 =	vld [tilespmem:s22+$0xA600];
	(erf) = vpow2.f32 v55;
	v21 =	vmov v27;
	v39 =	vadd.f32 v54, v58  }
0x252: {  	s13 =	sor.u32 s6, s14;
	v26 =	vmul.f32 $1.442695020e+00, v26;
	v43 =	vmul.f32 v56, v56;
	v48 =	vld [tilespmem:s25+$0x9C00];
	v62 =	vadd.f32 $-4.666666510e+00, v21;
	[tilespmem:s15+$0x0] =	vst v57;
	s15 =	simm.s32 $0x8EA0  }
0x253: {  	v42 =	vmul.f32 v42, v42;
	v59 =	vadd.f32 $-6.666666510e+00, v21;
	v63 =	vadd.f32 $-5.333333490e+00, v21;
	[tilespmem:s13+$0x0] =	vst v39;
	v39 =	vld.idx.msk [tilespmem:v25+s15+$0x0], $0xffff  }
0x254: {  	v60 =	vadd.f32 $-6.000000000e+00, v21;
	v27 =	vmul.f32 v27, v21;
	v50 =	vmul.f32 v62, v62;
	v62 =	vld.idx.msk [tilespmem:v46+s5+$0x0], $0xffff  }
0x255: {  	v61 =	vadd.f32 $-4.000000000e+00, v21;
	v51 =	vadd.f32 $-3.333333250e+00, v21;
	v45 =	vmul.f32 v59, v59;
	v53 =	vld.idx.msk [tilespmem:v38+s20+$0x0], $0xffff  }
0x256: {  	v54 =	vadd.f32 $-2.000000000e+00, v21;
	v47 =	vmul.f32 v60, v60;
	v41 =	vmul.f32 v63, v63;
	v55 =	vld.idx.msk [tilespmem:v37+s20+$0x0], $0xffff  }
0x257: {  	v52 =	vadd.f32 $-2.666666750e+00, v21;
	v49 =	vmul.f32 v61, v61;
	v51 =	vmul.f32 v51, v51;
	v57 =	vld.idx.msk [tilespmem:v38+s5+$0x0], $0xffff  }
0x258: {  	v56 =	vadd.f32 $-1.333333370e+00, v21;
	v54 =	vmul.f32 v54, v54;
	v27 =	vmul.f32 $-2.250000000e+00, v27;
	v59 =	vld.idx.msk [tilespmem:v37+s5+$0x0], $0xffff  }
0x259: {  	v58 =	vadd.f32 $-6.666666860e-01, v21;
	v38 =	vld.idx.msk [tilespmem:v38+s21+$0x0], $0xffff;
	v45 =	vmul.f32 $-2.250000000e+00, v45;
	v41 =	vmul.f32 $-2.250000000e+00, v41  }
0x25a: {  	v37 =	vld.idx.msk [tilespmem:v37+s21+$0x0], $0xffff;
	v60 =	vpop (erf);
	(erf) = vpow2.f32 v26;
	v26 =	vmul.f32 v52, v52  }
0x25b: {  	s22 =	sadd.s32 $0xDB00, s10;
	v52 =	vmul.f32 v56, v56;
	v56 =	vmul.f32 v58, v58;
	v58 =	vld.idx.msk [tilespmem:v40+s20+$0x0], $0xffff;
	v39 =	vadd.f32 v39, v60  }
0x25c: {  	s30 =	sor.u32 s17, s14;
	s1 =	sor.u32 s7, s14;
	s14 =	sor.u32 s8, s22;
	v49 =	vmul.f32 $-2.250000000e+00, v49;
	v50 =	vmul.f32 $-2.250000000e+00, v50;
	v60 =	vld.idx.msk [tilespmem:v40+s5+$0x0], $0xffff  }
0x25d: {  	v53 =	vsub.f32 v53, v55;
	v63 =	vsub.f32 v57, v59;
	v59 =	vld.idx.msk [tilespmem:v46+s20+$0x0], $0xffff;
	[tilespmem:s14+$0x0] =	vst v39;
	v39 =	vmul.f32 $-2.250000000e+00, v42  }
0x25e: {  	v42 =	vmul.f32 $-2.250000000e+00, v43;
	s14 =	simm.s32 $0x9050;
	v43 =	vmul.f32 $-2.250000000e+00, v47;
	v47 =	vld.idx.msk [tilespmem:v44+s20+$0x0], $0xffff  }
0x25f: {  	v37 =	vsub.f32 v38, v37;
	v38 =	vmul.f32 v53, v53;
	v53 =	vmul.f32 v63, v63;
	v25 =	vld.idx.msk [tilespmem:v25+s14+$0x0], $0xffff  }
0x260: {  	v51 =	vmul.f32 $-2.250000000e+00, v51;
	v27 =	vmul.f32 $1.442695020e+00, v27;
	v55 =	vld.idx.msk [tilespmem:v48+s20+$0x0], $0xffff  }
0x261: {  	v45 =	vmul.f32 $1.442695020e+00, v45;
	v57 =	vld.idx.msk [tilespmem:v44+s5+$0x0], $0xffff;
	v63 =	vmul.f32 v37, v37;
	v53 =	vadd.f32 v53, v38  }
0x262: {  	v38 =	vmul.f32 $-2.250000000e+00, v52;
	v52 =	vmul.f32 $-2.250000000e+00, v54;
	v54 =	vld.idx.msk [tilespmem:v48+s5+$0x0], $0xffff  }
0x263: {  	v37 =	vmul.f32 $-2.250000000e+00, v56;
	v56 =	vld.idx.msk [tilespmem:v40+s21+$0x0], $0xffff;
	v47 =	vsub.f32 v58, v47;
	v58 =	vadd.f32 v63, v53;
	v61 =	vpop (erf)  }
0x264: {  	s10 =	sadd.s32 $0xDB80, s10;
	v50 =	vmul.f32 $1.442695020e+00, v50;
	v44 =	vld.idx.msk [tilespmem:v44+s21+$0x0], $0xffff;
	v39 =	vmul.f32 $1.442695020e+00, v39;
	v25 =	vadd.f32 v25, v61  }
0x265: {  	v49 =	vmul.f32 $1.442695020e+00, v49;
	s20 =	sor.u32 s8, s10;
	v55 =	vsub.f32 v59, v55;
	v53 =	vadd.f32 $9.999999960e-13, v58  }
0x266: {  	v46 =	vld.idx.msk [tilespmem:v46+s21+$0x0], $0xffff;
	(erf) = vpow2.f32 v39;
	v47 =	vmul.f32 v47, v47;
	[tilespmem:s20+$0x0] =	vst v25;
	v25 =	vsub.f32 v60, v57  }
0x267: {  	v48 =	vld.idx.msk [tilespmem:v48+s21+$0x0], $0xffff;
	v62 =	vsub.f32 v62, v54;
	v61 =	vshra.s32 v53, $0x1;
	v59 =	vmul.f32 $5.000000000e-01, v53  }
0x268: {  	v54 =	vmul.f32 v55, v55;
	v55 =	vsub.s32 $0x5F3759DF, v61;
	v25 =	vmul.f32 v25, v25  }
0x269: {  	v51 =	vmul.f32 $1.442695020e+00, v51;
	v44 =	vsub.f32 v56, v44;
	v56 =	vld.idx.msk [tilespmem:v23+s3+$0x0], $0xffff;
	v63 =	vmul.f32 v55, v59  }
0x26a: {  	v26 =	vmul.f32 $-2.250000000e+00, v26;
	v58 =	vmul.f32 $1.442695020e+00, v41;
	v25 =	vadd.f32 v25, v47;
	v47 =	vld.idx.msk [tilespmem:v24+s3+$0x0], $0xffff  }
0x26b: {  	v57 =	vmul.f32 $1.442695020e+00, v43;
	v43 =	vld [tilespmem:s25+$0xA600];
	v41 =	vmul.f32 v55, v63  }
0x26c: {  	v44 =	vmul.f32 v44, v44;
	v46 =	vsub.f32 v46, v48;
	v39 =	vmul.f32 v62, v62;
	v60 =	vld.idx.msk [tilespmem:v22+s15+$0x0], $0xffff  }
0x26d: {  	v42 =	vmul.f32 $1.442695020e+00, v42;
	v48 =	vmul.f32 $1.442695020e+00, v26;
	v26 =	vsub.f32 $1.500000000e+00, v41  }
0x26e: {  	v39 =	vadd.f32 v39, v54;
	v54 =	vmul.f32 v46, v46;
	v25 =	vadd.f32 v44, v25  }
0x26f: {  	s21 =	simm.s32 $0x7700;
	(erf) = vpow2.f32 v27;
	v26 =	vmul.f32 v55, v26;
	v27 =	vadd.f32 v47, v35  }
0x270: {  	v40 =	vld.idx.msk [tilespmem:v36+s21+$0x0], $0xffff;
	v55 =	vpop (erf);
	(erf) = vpow2.f32 v42;
	v35 =	vadd.f32 $9.999999960e-13, v25;
	v25 =	vadd.f32 v54, v39  }
0x271: {  	v39 =	vadd.f32 v60, v55;
	v59 =	vmul.f32 v26, v59;
	[tilespmem:s0+$0x0] =	vst v27;
	v27 =	vadd.f32 v56, v34  }
0x272: {  	v61 =	vshra.s32 v35, $0x1;
	v44 =	vmul.f32 $5.000000000e-01, v35;
	v46 =	vadd.f32 $9.999999960e-13, v25  }
0x273: {  	(erf) = vpow2.f32 v45;
	v34 =	vsub.s32 $0x5F3759DF, v61;
	v42 =	vmul.f32 v59, v26  }
0x274: {  	v41 =	vld.idx.msk [tilespmem:v43+s21+$0x0], $0xffff;
	[tilespmem:s23+$0x0] =	vst v27;
	v27 =	vmul.f32 v34, v44;
	v62 =	vshra.s32 v46, $0x1;
	v47 =	vmul.f32 $5.000000000e-01, v46  }
0x275: {  	(erf) = vpow2.f32 v57;
	v25 =	vld.idx.msk [tilespmem:v24+s16+$0x0], $0xffff;
	v45 =	vsub.s32 $0x5F3759DF, v62;
	v42 =	vsub.f32 $1.500000000e+00, v42  }
0x276: {  	s13 =	sor.u32 s6, s22;
	v27 =	vmul.f32 v34, v27;
	v0 =	vmul.f32 v45, v47  }
0x277: {  	v52 =	vmul.f32 $1.442695020e+00, v52;
	[tilespmem:s13+$0x0] =	vst v39;
	v63 =	vld.idx.msk [tilespmem:v23+s16+$0x0], $0xffff;
	v26 =	vmul.f32 v42, v26  }
0x278: {  	s5 =	smov.u32 s2;
	s2 =	rddreg [dreg:$0x3];
	(erf) = vpow2.f32 v58;
	v59 =	vld.idx.msk [tilespmem:v22+s14+$0x0], $0xffff;
	v27 =	vsub.f32 $1.500000000e+00, v27;
	v60 =	vmul.f32 v45, v0  }
0x279: {  	s2 =	sadd.s32 $0x40, s2;
	v55 =	vpop (erf);
	(erf) = vpow2.f32 v50;
	v26 =	vmul.f32 v26, v53  }
0x27a: {  	v22 =	vld [tilespmem:s2+$0x0];
	v25 =	vadd.f32 v25, v29;
	v34 =	vmul.f32 v34, v27;
	v0 =	vsub.f32 $1.500000000e+00, v60  }
0x27b: {  	v29 =	vpop (erf);
	(erf) = vpow2.f32 v49;
	v1 =	vmul.f32 v26, v26  }
0x27c: {  	[tilespmem:s1+$0x0] =	vst v25;
	v25 =	vadd.f32 v63, v28;
	v62 =	vmul.f32 v34, v44;
	v63 =	vmul.f32 v45, v0  }
0x27d: {  	v29 =	vadd.f32 v59, v29;
	v27 =	vpop (erf);
	(erf) = vpow2.f32 v51;
	v53 =	vmul.f32 $-2.250000000e+00, v1  }
0x27e: {  	v61 =	vld.idx.msk [tilespmem:v24+s15+$0x0], $0xffff;
	v28 =	vpop (erf);
	(erf) = vpow2.f32 v48;
	v54 =	vmul.f32 v63, v47  }
0x27f: {  	s24 =	sor.u32 s7, s22;
	s31 =	sor.u32 s17, s22;
	[tilespmem:s30+$0x0] =	vst v25;
	v25 =	vld [tilespmem:s29+$0xA600];
	v0 =	vmul.f32 v62, v34;
	v45 =	vmul.f32 $1.442695020e+00, v53  }
0x280: {  	s18 =	sor.u32 s17, s10;
	s22 =	sor.u32 s7, s10;
	s10 =	sor.u32 s6, s10;
	v56 =	vld.idx.msk [tilespmem:v23+s15+$0x0], $0xffff;
	(erf) = vpow2.f32 v52;
	v42 =	vmul.f32 v54, v63  }
0x281: {  	v38 =	vmul.f32 $1.442695020e+00, v38;
	[tilespmem:s10+$0x0] =	vst v29;
	v29 =	vpop (erf);
	v58 =	vsub.f32 $1.500000000e+00, v0;
	(erf) = vpow2.f32 v45  }
0x282: {  	v37 =	vmul.f32 $1.442695020e+00, v37;
	v60 =	vadd.f32 $-6.666666860e-01, v26;
	v57 =	vld.idx.msk [tilespmem:v22+s21+$0x0], $0xffff;
	v0 =	vsub.f32 $1.500000000e+00, v42  }
0x283: {  	v39 =	vadd.f32 v61, v30;
	v30 =	vpop (erf);
	v59 =	vmul.f32 v58, v34;
	(erf) = vpow2.f32 v38  }
0x284: {  	v42 =	vmul.f32 v60, v60;
	v0 =	vmul.f32 v0, v63  }
0x285: {  	v34 =	vpop (erf);
	v61 =	vadd.f32 v56, v33;
	(erf) = vpow2.f32 v37;
	v33 =	vmul.f32 v59, v35  }
0x286: {  	v37 =	vmul.f32 v0, v46;
	v0 =	vmul.f32 $-2.250000000e+00, v42  }
0x287: {  	v62 =	vld.idx.msk [tilespmem:v25+s21+$0x0], $0xffff;
	v63 =	vadd.f32 v55, v57;
	[tilespmem:s31+$0x0] =	vst v61;
	v38 =	vpop (erf);
	v55 =	vmul.f32 v33, v33  }
0x288: {  	v56 =	vadd.f32 $-6.666666860e-01, v33;
	v42 =	vld.idx.msk [tilespmem:v23+s14+$0x0], $0xffff;
	v23 =	vmov v43;
	v43 =	vpop (erf);
	v59 =	vmul.f32 $1.442695020e+00, v0  }
0x289: {  	s19 =	sadd.s32 $0x200, s19;
	v35 =	vpop (erf);
	v57 =	vmul.f32 v37, v37;
	v44 =	vmul.f32 $-2.250000000e+00, v55  }
0x28a: {  	s10 =	sand.u32 $0x3C00, s19;
	v58 =	vadd.f32 $-6.666666860e-01, v37;
	v46 =	vmul.f32 v56, v56;
	v61 =	vpop (erf);
	(erf) = vpow2.f32 v59  }
0x28b: {  	s6 =	smov.u32 s26;
	s25 =	sadd.s32 $0xB000, s10;
	v60 =	vadd.f32 $-1.333333370e+00, v37;
	v0 =	vadd.f32 $-1.333333370e+00, v26;
	v48 =	vmul.f32 $-2.250000000e+00, v57  }
0x28c: {  	s8 =	smov.u32 s9;
	s1 =	sor.u32 s6, s25;
	v44 =	vmul.f32 $1.442695020e+00, v44;
	v49 =	vmul.f32 v58, v58;
	v45 =	vadd.f32 v61, v62  }
0x28d: {  	s26 =	sor.u32 s8, s25;
	[tilespmem:s1+$0x0] =	vst v63;
	v63 =	vmul.f32 $-2.250000000e+00, v46;
	v51 =	vmul.f32 v60, v60  }
0x28e: {  	s17 =	smov.u32 s12;
	s12 =	simm.s32 $0x78B0;
	v62 =	vmul.f32 v0, v0;
	v48 =	vmul.f32 $1.442695020e+00, v48;
	[tilespmem:s26+$0x0] =	vst v45  }
0x28f: {  	v47 =	vadd.f32 $-1.333333370e+00, v33;
	v55 =	vpop (erf);
	(erf) = vpow2.f32 v44;
	v49 =	vmul.f32 $-2.250000000e+00, v49;
	v46 =	vld.idx.msk [tilespmem:v25+s12+$0x0], $0xffff  }
0x290: {  	[tilespmem:s24+$0x0] =	vst v39;
	v50 =	vpop (erf);
	v45 =	vmul.f32 $-2.250000000e+00, v62;
	(erf) = vpow2.f32 v48;
	v48 =	vld.idx.msk [tilespmem:v22+s12+$0x0], $0xffff  }
0x291: {  	v39 =	vld.idx.msk [tilespmem:v24+s14+$0x0], $0xffff;
	v24 =	vmov v36;
	v0 =	vmul.f32 v47, v47;
	v36 =	vmul.f32 $1.442695020e+00, v63  }
0x292: {  	v52 =	vadd.f32 $-2.000000000e+00, v33;
	v49 =	vmul.f32 $1.442695020e+00, v49;
	v45 =	vmul.f32 $1.442695020e+00, v45  }
0x293: {  	v53 =	vadd.f32 $-2.000000000e+00, v37;
	(erf) = vpow2.f32 v36;
	v36 =	vmul.f32 $-2.250000000e+00, v0;
	v54 =	vpop (erf)  }
0x294: {  	v0 =	vadd.f32 $-2.000000000e+00, v26;
	(erf) = vpow2.f32 v45;
	v62 =	vadd.f32 v54, v46  }
0x295: {  	v1 =	vmul.f32 $1.442695020e+00, v36;
	v36 =	vmul.f32 $-2.250000000e+00, v51;
	v63 =	vadd.f32 v50, v48  }
0x296: {  	v45 =	vmul.f32 v0, v0;
	(erf) = vpow2.f32 v49  }
0x297: {  	s13 =	simm.s32 $0x7A60;
	v56 =	vadd.f32 $-2.666666750e+00, v33;
	v50 =	vmul.f32 v53, v53;
	v49 =	vmul.f32 v52, v52;
	[tilespmem:s1+$0x80] =	vst v63  }
0x298: {  	v44 =	vadd.f32 $-2.666666750e+00, v37;
	v63 =	vmul.f32 $1.442695020e+00, v36;
	v45 =	vmul.f32 $-2.250000000e+00, v45;
	[tilespmem:s26+$0x80] =	vst v62;
	v62 =	vpop (erf)  }
0x299: {  	s7 =	smov.u32 s11;
	v48 =	vld.idx.msk [tilespmem:v25+s13+$0x0], $0xffff;
	(erf) = vpow2.f32 v1;
	v40 =	vadd.f32 v62, v40;
	v47 =	vpop (erf);
	v62 =	vmul.f32 $-2.250000000e+00, v49  }
0x29a: {  	s0 =	sor.u32 s7, s25;
	(erf) = vpow2.f32 v63;
	v63 =	vmul.f32 $-2.250000000e+00, v50;
	v36 =	vadd.f32 v47, v41  }
0x29b: {  	s23 =	sor.u32 s17, s25;
	v51 =	vld.idx.msk [tilespmem:v22+s13+$0x0], $0xffff;
	v41 =	vmul.f32 $1.442695020e+00, v45;
	v45 =	vmul.f32 v56, v56;
	[tilespmem:s0+$0x0] =	vst v40  }
0x29c: {  	v56 =	vpop (erf);
	v0 =	vmul.f32 $1.442695020e+00, v62;
	v62 =	vmul.f32 v44, v44;
	v46 =	vld.idx.msk [tilespmem:v24+s12+$0x0], $0xffff;
	[tilespmem:s23+$0x0] =	vst v36  }
0x29d: {  	v57 =	vadd.f32 $-3.333333250e+00, v33;
	v36 =	vmul.f32 $1.442695020e+00, v63;
	v49 =	vld.idx.msk [tilespmem:v23+s12+$0x0], $0xffff;
	v40 =	vpop (erf);
	(erf) = vpow2.f32 v41  }
0x29e: {  	v63 =	vadd.f32 $-2.666666750e+00, v26;
	v41 =	vadd.f32 v40, v48;
	(erf) = vpow2.f32 v0  }
0x29f: {  	v60 =	vadd.f32 $-4.000000000e+00, v37;
	v62 =	vmul.f32 $-2.250000000e+00, v62;
	v40 =	vpop (erf);
	(erf) = vpow2.f32 v36  }
0x2a0: {  	v51 =	vadd.f32 v55, v51;
	v36 =	vmul.f32 $-2.250000000e+00, v45;
	[tilespmem:s26+$0x100] =	vst v41;
	v41 =	vmul.f32 v63, v63  }
0x2a1: {  	s14 =	simm.s32 $0x7C10;
	v58 =	vadd.f32 $-3.333333250e+00, v37;
	v60 =	vmul.f32 v60, v60;
	v63 =	vadd.f32 v56, v46  }
0x2a2: {  	[tilespmem:s1+$0x100] =	vst v51;
	v55 =	vld.idx.msk [tilespmem:v25+s14+$0x0], $0xffff;
	v36 =	vmul.f32 $1.442695020e+00, v36;
	v40 =	vadd.f32 v40, v49;
	v41 =	vmul.f32 $-2.250000000e+00, v41  }
0x2a3: {  	v45 =	vmul.f32 $1.442695020e+00, v62;
	v46 =	vmul.f32 v57, v57;
	v56 =	vpop (erf);
	v57 =	vld.idx.msk [tilespmem:v22+s14+$0x0], $0xffff;
	[tilespmem:s0+$0x80] =	vst v63  }
0x2a4: {  	v62 =	vpop (erf);
	(erf) = vpow2.f32 v36;
	[tilespmem:s23+$0x80] =	vst v40;
	v40 =	vmul.f32 $1.442695020e+00, v41  }
0x2a5: {  	v59 =	vadd.f32 $-4.000000000e+00, v33;
	v0 =	vmul.f32 v58, v58;
	v63 =	vld.idx.msk [tilespmem:v24+s13+$0x0], $0xffff;
	(erf) = vpow2.f32 v45  }
0x2a6: {  	v54 =	vadd.f32 $-4.666666510e+00, v37;
	v36 =	vmul.f32 $-2.250000000e+00, v46;
	v41 =	vld.idx.msk [tilespmem:v23+s13+$0x0], $0xffff;
	v58 =	vpop (erf);
	(erf) = vpow2.f32 v40  }
0x2a7: {  	v46 =	vmul.f32 $-2.250000000e+00, v0;
	v40 =	vadd.f32 v58, v55;
	v55 =	vadd.f32 $-3.333333250e+00, v26  }
0x2a8: {  	v36 =	vmul.f32 $1.442695020e+00, v36;
	v35 =	vadd.f32 v35, v57;
	v57 =	vmul.f32 v59, v59  }
0x2a9: {  	v61 =	vadd.f32 $-4.666666510e+00, v33;
	v59 =	vmul.f32 $1.442695020e+00, v46;
	v58 =	vpop (erf);
	[tilespmem:s26+$0x180] =	vst v40;
	v40 =	vmul.f32 v55, v55  }
0x2aa: {  	s16 =	simm.s32 $0x7DC0;
	v54 =	vmul.f32 v54, v54;
	v1 =	vpop (erf);
	(erf) = vpow2.f32 v36;
	v63 =	vadd.f32 v56, v63  }
0x2ab: {  	[tilespmem:s1+$0x180] =	vst v35;
	(erf) = vpow2.f32 v59;
	v55 =	vld.idx.msk [tilespmem:v25+s16+$0x0], $0xffff;
	v59 =	vadd.f32 v62, v41;
	v0 =	vmul.f32 $-2.250000000e+00, v40  }
0x2ac: {  	p0 =	por !p0, !p0;
	v53 =	vadd.f32 $-5.333333490e+00, v33;
	v54 =	vmul.f32 $-2.250000000e+00, v54;
	v35 =	vmul.f32 v61, v61;
	s1 =	simm.s32 $0x1;
	v56 =	vld.idx.msk [tilespmem:v22+s16+$0x0], $0xffff;
	[tilespmem:s0+$0x100] =	vst v63  }
0x2ad: {  	v61 =	vmul.f32 $-2.250000000e+00, v60;
	s1 =	simm.s32 @!p0 $0x0;
	[tilespmem:s23+$0x100] =	vst v59;
	v60 =	vpop (erf);
	v59 =	vmul.f32 $1.442695020e+00, v0  }
0x2ae: {  	v32 =	vadd.f32 v42, v32;
	v53 =	vmul.f32 v53, v53;
	v57 =	vmul.f32 $-2.250000000e+00, v57;
	s1 =	sshll.u32 s1, $0x6;
	v62 =	vld.idx.msk [tilespmem:v24+s14+$0x0], $0xffff;
	v5 =	vpop (erf)  }
0x2af: {  	v52 =	vadd.f32 $-5.333333490e+00, v37;
	v54 =	vmul.f32 $1.442695020e+00, v54;
	s25 =	sadd.s32 s1, s19;
	v63 =	vld.idx.msk [tilespmem:v23+s14+$0x0], $0xffff;
	v6 =	vpop (erf);
	(erf) = vpow2.f32 v59  }
0x2b0: {  	v57 =	vmul.f32 $1.442695020e+00, v57;
	s29 =	sadd.s32 $0x30, s25;
	v59 =	vadd.f32 $-4.000000000e+00, v26;
	v6 =	vadd.f32 v6, v55  }
0x2b1: {  	v61 =	vmul.f32 $1.442695020e+00, v61;
	v0 =	vmul.f32 $-2.250000000e+00, v35;
	s21 =	sor.u32 $0x200, s29;
	v43 =	vadd.f32 v43, v56  }
0x2b2: {  	v44 =	vadd.f32 $-6.666666510e+00, v33;
	s24 =	sor.u32 $0x200, s25;
	(erf) = vpow2.f32 v57;
	[tilespmem:s21+$0xB000] =	vst v6;
	v6 =	vmul.f32 v59, v59  }
0x2b3: {  	s12 =	simm.s32 $0x7F70;
	v0 =	vmul.f32 $1.442695020e+00, v0;
	[tilespmem:s24+$0xB000] =	vst v43;
	(erf) = vpow2.f32 v61;
	v43 =	vadd.f32 v58, v62  }
0x2b4: {  	v56 =	vmul.f32 v44, v44;
	v55 =	vpop (erf);
	v1 =	vadd.f32 v1, v63;
	v61 =	vld.idx.msk [tilespmem:v25+s12+$0x0], $0xffff;
	v6 =	vmul.f32 $-2.250000000e+00, v6  }
0x2b5: {  	v50 =	vadd.f32 $-6.000000000e+00, v37;
	v57 =	vpop (erf);
	(erf) = vpow2.f32 v0;
	v0 =	vmul.f32 v52, v52;
	[tilespmem:s0+$0x180] =	vst v43  }
0x2b6: {  	v47 =	vadd.f32 $-6.000000000e+00, v33;
	v62 =	vld.idx.msk [tilespmem:v22+s12+$0x0], $0xffff;
	v63 =	vmul.f32 $-2.250000000e+00, v53;
	[tilespmem:s23+$0x180] =	vst v1;
	v1 =	vmul.f32 $1.442695020e+00, v6  }
0x2b7: {  	(erf) = vpow2.f32 v54;
	v43 =	vld.idx.msk [tilespmem:v24+s16+$0x0], $0xffff;
	v0 =	vmul.f32 $-2.250000000e+00, v0;
	v6 =	vadd.f32 v39, v31  }
0x2b8: {  	v51 =	vadd.f32 $-6.666666510e+00, v37;
	v53 =	vmul.f32 $1.442695020e+00, v63;
	v39 =	vld.idx.msk [tilespmem:v23+s16+$0x0], $0xffff;
	v54 =	vpop (erf);
	(erf) = vpow2.f32 v1  }
0x2b9: {  	v31 =	vmul.f32 v47, v47;
	[tilespmem:s22+$0x0] =	vst v6;
	v6 =	vadd.f32 $-4.666666510e+00, v26;
	v1 =	vadd.f32 v54, v61  }
0x2ba: {  	v48 =	vadd.f32 $-7.333333490e+00, v33;
	s21 =	sor.u32 $0x280, s29;
	v0 =	vmul.f32 $1.442695020e+00, v0;
	v61 =	vmul.f32 v50, v50  }
0x2bb: {  	v59 =	vadd.f32 v38, v62;
	v47 =	vpop (erf);
	(erf) = vpow2.f32 v53;
	[tilespmem:s21+$0xB000] =	vst v1;
	v1 =	vmul.f32 v6, v6  }
0x2bc: {  	s30 =	sadd.s32 $0x10, s25;
	s3 =	sor.u32 $0x280, s25;
	s23 =	simm.s32 $0x8120;
	v50 =	vpop (erf);
	(erf) = vpow2.f32 v0;
	v0 =	vadd.f32 v60, v43;
	v6 =	vmul.f32 $-2.250000000e+00, v31  }
0x2bd: {  	s26 =	sor.u32 $0x200, s30;
	v58 =	vmul.f32 v51, v51;
	[tilespmem:s3+$0xB000] =	vst v59;
	v5 =	vadd.f32 v5, v39;
	v62 =	vld.idx.msk [tilespmem:v25+s23+$0x0], $0xffff;
	v1 =	vmul.f32 $-2.250000000e+00, v1  }
0x2be: {  	v49 =	vadd.f32 $-7.333333490e+00, v37;
	v31 =	vmul.f32 $-2.250000000e+00, v61;
	[tilespmem:s26+$0xB000] =	vst v0;
	v0 =	vmul.f32 $1.442695020e+00, v6  }
0x2bf: {  	v45 =	vadd.f32 $-8.000000000e+00, v33;
	s15 =	sadd.s32 $0x20, s25;
	v59 =	vmul.f32 $-2.250000000e+00, v56;
	v63 =	vld.idx.msk [tilespmem:v22+s23+$0x0], $0xffff;
	v43 =	vpop (erf);
	v1 =	vmul.f32 $1.442695020e+00, v1  }
0x2c0: {  	v46 =	vadd.f32 $-8.000000000e+00, v37;
	s13 =	sor.u32 $0x200, s15;
	[tilespmem:s18+$0x0] =	vst v32;
	v44 =	vpop (erf);
	v6 =	vmul.f32 $1.442695020e+00, v31;
	(erf) = vpow2.f32 v0  }
0x2c1: {  	v36 =	vadd.f32 $-9.333333010e+00, v33;
	v31 =	vld.idx.msk [tilespmem:v24+s12+$0x0], $0xffff;
	[tilespmem:s13+$0xB000] =	vst v5;
	v0 =	vmul.f32 $-2.250000000e+00, v58;
	v5 =	vpop (erf);
	(erf) = vpow2.f32 v1  }
0x2c2: {  	v60 =	vld.idx.msk [tilespmem:v23+s12+$0x0], $0xffff;
	v1 =	vadd.f32 v5, v62;
	v5 =	vadd.f32 $-5.333333490e+00, v26;
	(erf) = vpow2.f32 v6  }
0x2c3: {  	v45 =	vmul.f32 v45, v45;
	v41 =	vadd.f32 $-8.666666980e+00, v33;
	s22 =	sor.u32 $0x300, s29;
	v61 =	vmul.f32 $1.442695020e+00, v59  }
0x2c4: {  	v0 =	vmul.f32 $1.442695020e+00, v0;
	v6 =	vadd.f32 v34, v63;
	v42 =	vpop (erf);
	[tilespmem:s22+$0xB000] =	vst v1;
	v1 =	vmul.f32 v5, v5  }
0x2c5: {  	v40 =	vadd.f32 $-8.666666980e+00, v37;
	s20 =	sor.u32 $0x300, s25;
	s26 =	simm.s32 $0x82D0;
	v62 =	vmul.f32 v48, v48;
	v39 =	vpop (erf);
	(erf) = vpow2.f32 v61  }
0x2c6: {  	p1 =	slt.u32 s28, $0x4C0;
	[tilespmem:s20+$0xB000] =	vst v6;
	v5 =	vadd.f32 v55, v31;
	v6 =	vmul.f32 v49, v49;
	v63 =	vld.idx.msk [tilespmem:v25+s26+$0x0], $0xffff;
	v1 =	vmul.f32 $-2.250000000e+00, v1  }
.Ltmp6:
0x2c7: {  	v51 =	vadd.f32 v57, v60;
	(erf) = vpow2.f32 v0;
	v0 =	vmul.f32 $-2.250000000e+00, v62;
	(pc) =	sbr.rel @p1 .LBB2_6-.Ltmp6, $4  }
0x2c8: {  	v46 =	vmul.f32 v46, v46;
	v35 =	vadd.f32 $-9.333333010e+00, v37;
	s9 =	sor.u32 $0x280, s15;
	v1 =	vmul.f32 $1.442695020e+00, v1  }
0x2c9: {  	s4 =	sadd.s32 $0x40, s4;
	v33 =	vadd.f32 $-1.000000000e+01, v33;
	s11 =	sor.u32 $0x280, s30;
	v34 =	vld.idx.msk [tilespmem:v22+s26+$0x0], $0xffff;
	[tilespmem:s9+$0xB000] =	vst v51;
	v6 =	vmul.f32 $-2.250000000e+00, v6;
	v0 =	vmul.f32 $1.442695020e+00, v0;
	v32 =	vpop (erf)  }
0x2ca: {  	s25 =	sor.u32 $0x380, s25;
	s1 =	sor.u32 $0x300, s15;
	s31 =	sor.u32 $0x380, s30;
	v37 =	vadd.f32 $-1.000000000e+01, v37;
	v52 =	vadd.f32 $-6.000000000e+00, v26;
	[tilespmem:s11+$0xB000] =	vst v5;
	v49 =	vld.idx.msk [tilespmem:v23+s23+$0x0], $0xffff;
	v5 =	vpop (erf);
	(erf) = vpow2.f32 v1  }
0x2cb: {  	s24 =	sor.u32 $0x300, s30;
	s30 =	sor.u32 $0x380, s15;
	s13 =	simm.s32 $0x8480;
	v31 =	vld.idx.msk [tilespmem:v24+s23+$0x0], $0xffff;
	v48 =	vmul.f32 $1.442695020e+00, v6;
	v51 =	vadd.f32 v5, v63;
	(erf) = vpow2.f32 v0;
	v38 =	vpop (erf)  }
0x2cc: {  	_ =	sdelay $0x3  }
0x2cd: {  	v0 =	vadd.f32 v47, v31  }
0x2ce: {  	v1 =	vadd.f32 v50, v49  }
0x2cf: {  	[tilespmem:s24+$0xB000] =	vst v0  }
0x2d0: {  	[tilespmem:s1+$0xB000] =	vst v1;
	v0 =	vld.idx.msk [tilespmem:v24+s26+$0x0], $0xffff  }
0x2d1: {  	v1 =	vld.idx.msk [tilespmem:v23+s26+$0x0], $0xffff;
	_ =	sdelay $0x1  }
0x2d2: {  	v5 =	vmul.f32 $-2.250000000e+00, v45;
	v30 =	vadd.f32 v30, v34  }
0x2d3: {  	v6 =	vmul.f32 v52, v52;
	v40 =	vmul.f32 v40, v40  }
0x2d4: {  	s0 =	sor.u32 $0x380, s29;
	v36 =	vmul.f32 v36, v36;
	v35 =	vmul.f32 v35, v35;
	[tilespmem:s25+$0xB000] =	vst v30;
	v0 =	vadd.f32 v43, v0  }
0x2d5: {  	(erf) = vpow2.f32 v48;
	[tilespmem:s0+$0xB000] =	vst v51;
	v31 =	vmul.f32 $-2.250000000e+00, v46;
	v47 =	vld.idx.msk [tilespmem:v22+s13+$0x0], $0xffff;
	v1 =	vadd.f32 v44, v1  }
0x2d6: {  	v5 =	vmul.f32 $1.442695020e+00, v5;
	v6 =	vmul.f32 $-2.250000000e+00, v6;
	v30 =	vld.idx.msk [tilespmem:v25+s13+$0x0], $0xffff  }
0x2d7: {  	v46 =	vmul.f32 v41, v41;
	v31 =	vmul.f32 $1.442695020e+00, v31  }
0x2d8: {  	(erf) = vpow2.f32 v5;
	v5 =	vmul.f32 $1.442695020e+00, v6;
	[tilespmem:s31+$0xB000] =	vst v0;
	v0 =	vpop (erf)  }
0x2d9: {  	v6 =	vmul.f32 $-2.250000000e+00, v46;
	[tilespmem:s30+$0xB000] =	vst v1;
	(erf) = vpow2.f32 v31;
	v31 =	vld.idx.msk [tilespmem:v24+s13+$0x0], $0xffff;
	v1 =	vpop (erf)  }
0x2da: {  	s16 =	sadd.s32 $0xD800, s10;
	v29 =	vadd.f32 v29, v47;
	v49 =	vld.idx.msk [tilespmem:v23+s13+$0x0], $0xffff;
	(erf) = vpow2.f32 v5;
	v5 =	vadd.f32 $-6.666666510e+00, v26;
	v50 =	vpop (erf)  }
0x2db: {  	s19 =	sor.u32 s6, s16;
	v48 =	vmul.f32 $-2.250000000e+00, v40;
	v36 =	vmul.f32 $-2.250000000e+00, v36;
	v30 =	vadd.f32 v50, v30  }
0x2dc: {  	s2 =	simm.s32 $0x8630;
	v6 =	vmul.f32 $1.442695020e+00, v6;
	[tilespmem:s19+$0x0] =	vst v29;
	v5 =	vmul.f32 v5, v5  }
0x2dd: {  	s18 =	sor.u32 s8, s16;
	v35 =	vmul.f32 $-2.250000000e+00, v35;
	v34 =	vmul.f32 $1.442695020e+00, v48;
	v53 =	vld.idx.msk [tilespmem:v22+s2+$0x0], $0xffff  }
0x2de: {  	(erf) = vpow2.f32 v6;
	[tilespmem:s18+$0x0] =	vst v30;
	v5 =	vmul.f32 $-2.250000000e+00, v5;
	v6 =	vadd.f32 v42, v31  }
0x2df: {  	v37 =	vmul.f32 v37, v37;
	s20 =	sor.u32 s7, s16;
	v51 =	vadd.f32 v39, v49;
	v31 =	vmul.f32 $1.442695020e+00, v36;
	v29 =	vld.idx.msk [tilespmem:v25+s2+$0x0], $0xffff;
	v30 =	vpop (erf)  }
0x2e0: {  	s0 =	sor.u32 s17, s16;
	(erf) = vpow2.f32 v34;
	v5 =	vmul.f32 $1.442695020e+00, v5;
	[tilespmem:s20+$0x0] =	vst v6;
	v52 =	vpop (erf)  }
0x2e1: {  	[tilespmem:s0+$0x0] =	vst v51;
	v6 =	vmul.f32 v33, v33;
	(erf) = vpow2.f32 v31;
	v31 =	vld.idx.msk [tilespmem:v24+s2+$0x0], $0xffff;
	v33 =	vpop (erf)  }
0x2e2: {  	v56 =	vadd.f32 $-7.333333490e+00, v21;
	v54 =	vmul.f32 $1.442695020e+00, v35;
	v28 =	vadd.f32 v28, v53;
	v55 =	vld.idx.msk [tilespmem:v23+s2+$0x0], $0xffff;
	v35 =	vpop (erf)  }
0x2e3: {  	s21 =	sadd.s32 $0xD880, s10;
	v6 =	vmul.f32 $-2.250000000e+00, v6;
	(erf) = vpow2.f32 v5;
	v5 =	vadd.f32 $-7.333333490e+00, v26;
	v57 =	vpop (erf)  }
0x2e4: {  	v58 =	vmul.f32 $-2.250000000e+00, v37;
	v59 =	vmul.f32 v56, v56;
	s24 =	sor.u32 s6, s21;
	v29 =	vadd.f32 v57, v29  }
0x2e5: {  	s22 =	sor.u32 s8, s21;
	[tilespmem:s24+$0x0] =	vst v28;
	v6 =	vmul.f32 $1.442695020e+00, v6;
	v5 =	vmul.f32 v5, v5  }
0x2e6: {  	s28 =	simm.s32 $0x87E0;
	v28 =	vmul.f32 $1.442695020e+00, v58;
	(erf) = vpow2.f32 v54;
	[tilespmem:s22+$0x0] =	vst v29;
	v29 =	vadd.f32 v32, v31  }
0x2e7: {  	s25 =	sor.u32 s7, s21;
	v61 =	vadd.f32 v38, v55;
	v37 =	vpop (erf);
	(erf) = vpow2.f32 v6;
	v6 =	vld.idx.msk [tilespmem:v22+s28+$0x0], $0xffff;
	v5 =	vmul.f32 $-2.250000000e+00, v5  }
0x2e8: {  	v60 =	vmul.f32 $-2.250000000e+00, v59;
	s0 =	sor.u32 s17, s21;
	v31 =	vld.idx.msk [tilespmem:v25+s28+$0x0], $0xffff;
	[tilespmem:s25+$0x0] =	vst v29  }
0x2e9: {  	[tilespmem:s0+$0x0] =	vst v61;
	v5 =	vmul.f32 $1.442695020e+00, v5;
	v62 =	vld.idx.msk [tilespmem:v24+s28+$0x0], $0xffff  }
0x2ea: {  	v32 =	vmul.f32 $1.442695020e+00, v60;
	v34 =	vld.idx.msk [tilespmem:v23+s28+$0x0], $0xffff;
	v29 =	vpop (erf);
	(erf) = vpow2.f32 v28  }
0x2eb: {  	v28 =	vpop (erf);
	(erf) = vpow2.f32 v5;
	v5 =	vadd.f32 $-8.000000000e+00, v26  }
0x2ec: {  	v41 =	vadd.f32 $-8.000000000e+00, v21;
	v63 =	vpop (erf);
	(erf) = vpow2.f32 v32  }
0x2ed: {  	s3 =	sadd.s32 $0xD900, s10;
	v31 =	vadd.f32 v31, v63;
	v5 =	vmul.f32 v5, v5  }
0x2ee: {  	s4 =	sor.u32 s8, s3;
	v42 =	vmul.f32 v41, v41;
	v6 =	vadd.f32 v6, v27;
	v0 =	vadd.f32 v62, v0  }
0x2ef: {  	s11 =	simm.s32 $0x8990;
	s5 =	sor.u32 s6, s3;
	v1 =	vadd.f32 v34, v1;
	[tilespmem:s4+$0x0] =	vst v31;
	v5 =	vmul.f32 $-2.250000000e+00, v5  }
0x2f0: {  	s9 =	sor.u32 s7, s3;
	v27 =	vmul.f32 $-2.250000000e+00, v42;
	[tilespmem:s5+$0x0] =	vst v6;
	v6 =	vld.idx.msk [tilespmem:v25+s11+$0x0], $0xffff  }
0x2f1: {  	s0 =	sor.u32 s17, s3;
	v43 =	vld.idx.msk [tilespmem:v22+s11+$0x0], $0xffff;
	[tilespmem:s9+$0x0] =	vst v0;
	v31 =	vpop (erf);
	v5 =	vmul.f32 $1.442695020e+00, v5  }
0x2f2: {  	v27 =	vmul.f32 $1.442695020e+00, v27;
	[tilespmem:s0+$0x0] =	vst v1;
	v44 =	vld.idx.msk [tilespmem:v24+s11+$0x0], $0xffff;
	v0 =	vpop (erf)  }
0x2f3: {  	v45 =	vld.idx.msk [tilespmem:v23+s11+$0x0], $0xffff;
	v1 =	vpop (erf);
	(erf) = vpow2.f32 v5;
	v5 =	vadd.f32 $-8.666666980e+00, v26  }
0x2f4: {  	v47 =	vadd.f32 $-8.666666980e+00, v21;
	v46 =	vpop (erf);
	(erf) = vpow2.f32 v27  }
0x2f5: {  	s12 =	sadd.s32 $0xD980, s10;
	v6 =	vadd.f32 v6, v46;
	v48 =	vpop (erf);
	v5 =	vmul.f32 v5, v5  }
0x2f6: {  	s14 =	sor.u32 s8, s12;
	v27 =	vmul.f32 v47, v47;
	v32 =	vadd.f32 v43, v48  }
0x2f7: {  	s15 =	sor.u32 s6, s12;
	s18 =	simm.s32 $0x8B40;
	[tilespmem:s14+$0x0] =	vst v6;
	v5 =	vmul.f32 $-2.250000000e+00, v5;
	v6 =	vadd.f32 v44, v30  }
0x2f8: {  	s16 =	sor.u32 s7, s12;
	v49 =	vadd.f32 v45, v52;
	v27 =	vmul.f32 $-2.250000000e+00, v27;
	[tilespmem:s15+$0x0] =	vst v32;
	v30 =	vld.idx.msk [tilespmem:v25+s18+$0x0], $0xffff  }
0x2f9: {  	s0 =	sor.u32 s17, s12;
	v50 =	vld.idx.msk [tilespmem:v22+s18+$0x0], $0xffff;
	v5 =	vmul.f32 $1.442695020e+00, v5;
	[tilespmem:s16+$0x0] =	vst v6  }
0x2fa: {  	v51 =	vadd.f32 $-9.333333010e+00, v26;
	[tilespmem:s0+$0x0] =	vst v49;
	v6 =	vmul.f32 $1.442695020e+00, v27;
	v52 =	vld.idx.msk [tilespmem:v24+s18+$0x0], $0xffff  }
0x2fb: {  	v53 =	vld.idx.msk [tilespmem:v23+s18+$0x0], $0xffff;
	(erf) = vpow2.f32 v5;
	v5 =	vadd.f32 $-1.000000000e+01, v26  }
0x2fc: {  	v54 =	vpop (erf);
	(erf) = vpow2.f32 v6;
	v6 =	vmul.f32 v51, v51  }
0x2fd: {  	s19 =	sadd.s32 $0xDA00, s10;
	v55 =	vadd.f32 $-9.333333010e+00, v21;
	v30 =	vadd.f32 v30, v54;
	v56 =	vpop (erf);
	v5 =	vmul.f32 v5, v5  }
0x2fe: {  	s20 =	sor.u32 s8, s19;
	v34 =	vadd.f32 v50, v56;
	v6 =	vmul.f32 $-2.250000000e+00, v6  }
0x2ff: {  	s24 =	simm.s32 $0x8CF0;
	s21 =	sor.u32 s6, s19;
	v27 =	vmul.f32 v55, v55;
	[tilespmem:s20+$0x0] =	vst v30;
	v5 =	vmul.f32 $-2.250000000e+00, v5;
	v30 =	vadd.f32 v52, v33  }
0x300: {  	s22 =	sor.u32 s7, s19;
	v26 =	vadd.f32 v53, v35;
	[tilespmem:s21+$0x0] =	vst v34;
	v57 =	vld.idx.msk [tilespmem:v25+s24+$0x0], $0xffff;
	v6 =	vmul.f32 $1.442695020e+00, v6  }
0x301: {  	s0 =	sor.u32 s17, s19;
	v27 =	vmul.f32 $-2.250000000e+00, v27;
	v58 =	vld.idx.msk [tilespmem:v22+s24+$0x0], $0xffff;
	v5 =	vmul.f32 $1.442695020e+00, v5;
	[tilespmem:s22+$0x0] =	vst v30  }
0x302: {  	[tilespmem:s0+$0x0] =	vst v26;
	(erf) = vpow2.f32 v6;
	v59 =	vld.idx.msk [tilespmem:v24+s24+$0x0], $0xffff  }
0x303: {  	v6 =	vmul.f32 $1.442695020e+00, v27;
	(erf) = vpow2.f32 v5;
	v5 =	vld.idx.msk [tilespmem:v23+s24+$0x0], $0xffff  }
0x304: {  	v21 =	vadd.f32 $-1.000000000e+01, v21  }
0x305: {  	v60 =	vpop (erf);
	(erf) = vpow2.f32 v6  }
0x306: {  	v21 =	vmul.f32 v21, v21;
	s25 =	sadd.s32 $0xDA80, s10;
	v6 =	vadd.f32 v57, v60;
	v61 =	vpop (erf)  }
0x307: {  	s28 =	sor.u32 s8, s25;
	v26 =	vadd.f32 v58, v61  }
0x308: {  	v21 =	vmul.f32 $-2.250000000e+00, v21;
	s2 =	sor.u32 s6, s25;
	s4 =	simm.s32 $0x8EA0;
	[tilespmem:s28+$0x0] =	vst v6;
	v6 =	vadd.f32 v59, v37;
	v5 =	vadd.f32 v5, v29  }
0x309: {  	s3 =	sor.u32 s7, s25;
	[tilespmem:s2+$0x0] =	vst v26;
	v62 =	vld.idx.msk [tilespmem:v25+s4+$0x0], $0xffff  }
0x30a: {  	s0 =	sor.u32 s17, s25;
	v63 =	vld.idx.msk [tilespmem:v22+s4+$0x0], $0xffff;
	[tilespmem:s3+$0x0] =	vst v6;
	v6 =	vmul.f32 $1.442695020e+00, v21  }
0x30b: {  	v21 =	vld.idx.msk [tilespmem:v24+s4+$0x0], $0xffff;
	[tilespmem:s0+$0x0] =	vst v5  }
0x30c: {  	v29 =	vld.idx.msk [tilespmem:v23+s4+$0x0], $0xffff;
	v5 =	vpop (erf)  }
0x30d: {  	(erf) = vpow2.f32 v6;
	v30 =	vpop (erf)  }
0x30e: {  	s5 =	sadd.s32 $0xDB00, s10;
	v5 =	vadd.f32 v62, v5;
	v6 =	vpop (erf)  }
0x30f: {  	s9 =	sor.u32 s8, s5;
	v6 =	vadd.f32 v63, v6  }
0x310: {  	s11 =	sor.u32 s6, s5;
	s14 =	simm.s32 $0x9050;
	[tilespmem:s9+$0x0] =	vst v5;
	v5 =	vadd.f32 v21, v28  }
0x311: {  	s12 =	sor.u32 s7, s5;
	v21 =	vadd.f32 v29, v31;
	[tilespmem:s11+$0x0] =	vst v6;
	v6 =	vld.idx.msk [tilespmem:v25+s14+$0x0], $0xffff  }
0x312: {  	s0 =	sor.u32 s17, s5;
	[tilespmem:s12+$0x0] =	vst v5;
	v5 =	vld.idx.msk [tilespmem:v22+s14+$0x0], $0xffff  }
0x313: {  	[tilespmem:s0+$0x0] =	vst v21;
	v21 =	vld.idx.msk [tilespmem:v24+s14+$0x0], $0xffff  }
0x314: {  	v22 =	vld.idx.msk [tilespmem:v23+s14+$0x0], $0xffff;
	_ =	sdelay $0x1  }
0x315: {  	s29 =	simm.s32 $0x7700;
	s15 =	sadd.s32 $0xDB80, s10;
	v23 =	vpop (erf);
	v6 =	vadd.f32 v6, v30  }
0x316: {  	s30 =	simm.s32 $0x7A60;
	s31 =	simm.s32 $0x7C10;
	s16 =	sor.u32 s8, s15;
	v5 =	vadd.f32 v5, v23  }
0x317: {  	s19 =	sor.u32 s6, s15;
	s25 =	simm.s32 $0x271000;
	s18 =	rddreg [dreg:$0x18];
	v0 =	vadd.f32 v21, v0;
	[tilespmem:s16+$0x0] =	vst v6  }
0x318: {  	s20 =	sor.u32 s7, s15;
	s22 =	rddreg [dreg:$0x1];
	s2 =	smul.u32 $0x2800, s18;
	v1 =	vadd.f32 v22, v1;
	[tilespmem:s19+$0x0] =	vst v5  }
0x319: {  	s24 =	simm.s32 $0x2800;
	s0 =	sor.u32 s17, s15;
	s4 =	rddreg [dreg:$0x12];
	[tilespmem:s20+$0x0] =	vst v0  }
0x31a: {  	s28 =	simm.s32 $0xB000;
	s3 =	simm.s32 $0x0;
	[tilespmem:s0+$0x0] =	vst v1;
	s2 =	sadd.s32 s4, s2  }
0x31b: {  	s15 =	simm.s32 $0x7580;
	s14 =	rddreg [dreg:$0xb];
	s21 =	sshrl.u32 s2, $0x3  }
0x31c: {  	v40 =	vmov v18;
	v39 =	vmov v17;
	s18 =	simm.s32 $0x7DC0;
	s5 =	rddreg [dreg:$0x15];
	s0 =	sadd.s32 s22, s21  }
0x31d: {  	v36 =	vmovc v14;
	v41 =	vmovc v19;
	v38 =	vmov v16;
	v42 =	vmov v20;
	v32 =	vmov v10;
	[hbm4b:s0+s24] =	stream.strided.scatter [tilespmem:s28], [sflag:$0x3], $0x5000, s25, s24, $0x38;
	[tilespmem:$0x15000] =	vst v63  }
0x31e: {  	v35 =	vmovc v13;
	v33 =	vmovc v11;
	v34 =	vmov v12;
	v37 =	vmov v15;
	v31 =	vmov v9;
	s16 =	simm.s32 $0x78B0;
	s20 =	simm.s32 $0x4E20;
	s24 =	rddreg [dreg:$0x16]  }
0x31f: {  	v30 =	vmovc v8;
	v5 =	vimm.s32 $0x9;
	v0 =	vlaneseq.u32;
	v1 =	vimm.s32 $0x6;
	v6 =	vmovc v7;
	v43 =	vld [tilespmem:$0x1FFF0];
	s22 =	simm.s32 $0x7F70;
	s21 =	simm.s32 $0x2710;
	s25 =	rddreg [dreg:$0x17]  }
.LBB2_8:
0x320: {  	p0 =	sge.u32 s24, s14  }
.Ltmp7:
0x321: {  	_ = 	snop;
	(pc) =	sbr.rel @p0 .LBB2_12-.Ltmp7, $1  }
0x322: {  	_ =	sdelay $0x3  }
0x323: {  	s0 =	sadd.s32 $0x2, s25  }
0x324: {  	s13 =	rddreg [dreg:$0x6];
	p0 =	sge.u32 s0, s14  }
0x325: {  	s0 =	sadd.s32 @!p0 s13, s0  }
0x326: {  	s0 =	smul.u32 @!p0 $0x500, s0  }
0x327: {  	s1 =	rddreg [dreg:$0x7]  }
0x328: {  	s0 =	sadd.s32 @!p0 s1, s0  }
0x329: {  	s1 =	rddreg [dreg:$0x5];
	s0 =	sshrl.u32 @!p0 s0, $0x3  }
0x32a: {  	s2 =	simm.s32 @!p0 $0x0;
	s4 =	simm.s32 @!p0 $0x9200;
	s1 =	sadd.s32 @!p0 s1, s0  }
0x32b: {  	[tilespmem:s4], [sflag:$0x1] =	stream.linear.gather @!p0 [hbm4b:s1+s2], $0x500, $0x38;
	[tilespmem:$0x15000] =	vst v63  }
0x32c: {  	s1 =	rddreg [dreg:$0x8]  }
0x32d: {  	s4 =	simm.s32 @!p0 $0x9C00;
	s1 =	sadd.s32 @!p0 s1, s0  }
0x32e: {  	[tilespmem:s4], [sflag:$0x1] =	stream.linear.gather @!p0 [hbm4b:s1+s2], $0x500, $0x38;
	[tilespmem:$0x15000] =	vst v63  }
0x32f: {  	s1 =	rddreg [dreg:$0x9]  }
0x330: {  	s9 =	simm.s32 $0x2;
	s0 =	sadd.s32 @!p0 s1, s0;
	s1 =	simm.s32 @!p0 $0xA600  }
0x331: {  	[tilespmem:s1], [sflag:$0x1] =	stream.linear.gather @!p0 [hbm4b:s0+s2], $0x500, $0x38;
	[tilespmem:$0x15000] =	vst v63  }
0x332: {  	_ =	swait.ge [sflag:s9], $0x500  }
0x333: {  	[sflag:s9] =	ssyncset.done $0x0  }
0x334: {  	[sflag:s9] =	ssyncadd.s32 $0xFFFFFB00  }
0x335: {  	_ =	swait.ge [sflag:s9], $0x500  }
0x336: {  	[sflag:s9] =	ssyncset.done $0x0  }
0x337: {  	[sflag:s9] =	ssyncadd.s32 $0xFFFFFB00  }
0x338: {  	_ =	swait.ge [sflag:s9], $0x500  }
0x339: {  	p0 =	seq.s32 s5, $0x0;
	[sflag:s9] =	ssyncset.done $0x0  }
0x33a: {  	s0 =	simm.s32 @!p0 $0x4;
	[sflag:s9] =	ssyncadd.s32 $0xFFFFFB00  }
0x33b: {  	_ =	swait.ge @!p0 [sflag:s0], $0x5000  }
0x33c: {  	[sflag:s0] =	ssyncset.done @!p0 $0x0  }
0x33d: {  	s10 =	simm.s32 $0x9700;
	[sflag:s0] =	ssyncadd.s32 @!p0 $0xFFFFB000  }
0x33e: {  	s5 =	simm.s32 $0xA100;
	v0 =	vld [tilespmem:s10+$0x0]  }
0x33f: {  	v1 =	vld [tilespmem:s5+$0x0];
	_ =	sdelay $0x6  }
0x340: {  	v5 =	vld.idx.msk [tilespmem:v0+s3+$0x0], $0xffff  }
0x341: {  	v6 =	vld.idx.msk [tilespmem:v1+s3+$0x0], $0xffff  }
0x342: {  	v21 =	vld.idx.msk [tilespmem:v0+s21+$0x0], $0xffff  }
0x343: {  	v22 =	vld.idx.msk [tilespmem:v1+s21+$0x0], $0xffff  }
0x344: {  	v0 =	vld.idx.msk [tilespmem:v0+s20+$0x0], $0xffff  }
0x345: {  	v1 =	vld.idx.msk [tilespmem:v1+s20+$0x0], $0xffff;
	_ =	sdelay $0x2  }
0x346: {  	v5 =	vsub.f32 v5, v6;
	v6 =	vsub.f32 v21, v22;
	_ =	sdelay $0x1  }
0x347: {  	v0 =	vsub.f32 v0, v1;
	v5 =	vmul.f32 v5, v5;
	v1 =	vmul.f32 v6, v6;
	_ =	sdelay $0x1  }
0x348: {  	v0 =	vmul.f32 v0, v0;
	v1 =	vadd.f32 v1, v5;
	_ =	sdelay $0x1  }
0x349: {  	v0 =	vadd.f32 v0, v1;
	_ =	sdelay $0x1  }
0x34a: {  	v0 =	vadd.f32 $9.999999960e-13, v0;
	_ =	sdelay $0x1  }
0x34b: {  	v1 =	vshra.s32 v0, $0x1;
	v5 =	vmul.f32 $5.000000000e-01, v0  }
0x34c: {  	v1 =	vsub.s32 $0x5F3759DF, v1  }
0x34d: {  	s17 =	simm.s32 $0x0;
	v6 =	vmul.f32 v1, v5  }
0x34e: {  	s4 =	sand.u32 $0x40, s17  }
0x34f: {  	s11 =	sand.u32 $0x780, s17;
	s6 =	sor.u32 $0x10, s4;
	v6 =	vmul.f32 v1, v6  }
0x350: {  	s12 =	sor.u32 s11, s6  }
0x351: {  	v23 =	vld [tilespmem:s12+$0x9700];
	v6 =	vsub.f32 $1.500000000e+00, v6  }
0x352: {  	v24 =	vld [tilespmem:s12+$0xA100]  }
0x353: {  	s7 =	sor.u32 $0x30, s4;
	v1 =	vmul.f32 v1, v6  }
0x354: {  	s9 =	sor.u32 s11, s7  }
0x355: {  	v22 =	vld [tilespmem:s9+$0xA100];
	v5 =	vmul.f32 v1, v5;
	_ =	sdelay $0x1  }
0x356: {  	v6 =	vld [tilespmem:s9+$0x9700];
	v5 =	vmul.f32 v5, v1;
	_ =	sdelay $0x1  }
0x357: {  	s8 =	sor.u32 $0x20, s4;
	v36 =	vld.idx.msk [tilespmem:v23+s3+$0x0], $0xffff;
	v5 =	vsub.f32 $1.500000000e+00, v5  }
0x358: {  	s0 =	sor.u32 s11, s8;
	v38 =	vld.idx.msk [tilespmem:v24+s3+$0x0], $0xffff  }
0x359: {  	v25 =	vld [tilespmem:s0+$0x9700];
	v1 =	vmul.f32 v5, v1  }
0x35a: {  	v40 =	vld.idx.msk [tilespmem:v23+s21+$0x0], $0xffff  }
0x35b: {  	v29 =	vld.idx.msk [tilespmem:v22+s21+$0x0], $0xffff;
	v21 =	vmul.f32 v1, v0  }
0x35c: {  	v5 =	vld [tilespmem:s0+$0xA100]  }
0x35d: {  	v36 =	vsub.f32 v36, v38;
	v26 =	vld.idx.msk [tilespmem:v6+s3+$0x0], $0xffff;
	v27 =	vadd.f32 $-6.666666510e+00, v21  }
0x35e: {  	v0 =	vld.idx.msk [tilespmem:v22+s3+$0x0], $0xffff;
	v28 =	vadd.f32 $-5.333333490e+00, v21;
	v30 =	vadd.f32 $-6.000000000e+00, v21  }
0x35f: {  	v36 =	vmul.f32 v36, v36;
	v1 =	vld.idx.msk [tilespmem:v6+s21+$0x0], $0xffff;
	v31 =	vadd.f32 $-4.000000000e+00, v21;
	v33 =	vadd.f32 $-4.666666510e+00, v21  }
0x360: {  	v6 =	vld.idx.msk [tilespmem:v6+s20+$0x0], $0xffff;
	v32 =	vmul.f32 v21, v21;
	v34 =	vadd.f32 $-3.333333250e+00, v21;
	v27 =	vmul.f32 v27, v27  }
0x361: {  	v22 =	vld.idx.msk [tilespmem:v22+s20+$0x0], $0xffff;
	v35 =	vadd.f32 $-2.666666750e+00, v21;
	v30 =	vmul.f32 v30, v30;
	v33 =	vmul.f32 v33, v33  }
0x362: {  	v41 =	vld.idx.msk [tilespmem:v25+s3+$0x0], $0xffff;
	v39 =	vadd.f32 $-1.333333370e+00, v21;
	v28 =	vmul.f32 v28, v28;
	v31 =	vmul.f32 v31, v31  }
0x363: {  	v42 =	vld.idx.msk [tilespmem:v25+s21+$0x0], $0xffff;
	v37 =	vadd.f32 $-2.000000000e+00, v21;
	v35 =	vmul.f32 v35, v35;
	v34 =	vmul.f32 v34, v34  }
0x364: {  	v23 =	vld.idx.msk [tilespmem:v23+s20+$0x0], $0xffff;
	v39 =	vmul.f32 v39, v39;
	v0 =	vsub.f32 v26, v0;
	v1 =	vsub.f32 v1, v29  }
0x365: {  	v37 =	vmul.f32 v37, v37;
	v32 =	vmul.f32 $-2.250000000e+00, v32;
	v26 =	vld.idx.msk [tilespmem:v24+s21+$0x0], $0xffff  }
0x366: {  	v6 =	vsub.f32 v6, v22;
	v22 =	vld.idx.msk [tilespmem:v5+s3+$0x0], $0xffff;
	v0 =	vmul.f32 v0, v0;
	v1 =	vmul.f32 v1, v1  }
0x367: {  	v25 =	vld.idx.msk [tilespmem:v25+s20+$0x0], $0xffff;
	v30 =	vmul.f32 $-2.250000000e+00, v30;
	v27 =	vmul.f32 $-2.250000000e+00, v27  }
0x368: {  	v28 =	vmul.f32 $-2.250000000e+00, v28;
	v0 =	vadd.f32 v1, v0;
	v1 =	vmul.f32 v6, v6;
	v6 =	vld.idx.msk [tilespmem:v5+s21+$0x0], $0xffff  }
0x369: {  	v29 =	vadd.f32 $-6.666666860e-01, v21;
	v31 =	vmul.f32 $-2.250000000e+00, v31;
	v33 =	vmul.f32 $-2.250000000e+00, v33;
	v5 =	vld.idx.msk [tilespmem:v5+s20+$0x0], $0xffff  }
0x36a: {  	v34 =	vmul.f32 $-2.250000000e+00, v34;
	v63 =	vmul.f32 $-2.250000000e+00, v39;
	v0 =	vadd.f32 v1, v0;
	v1 =	vld.idx.msk [tilespmem:v24+s20+$0x0], $0xffff  }
0x36b: {  	v37 =	vmul.f32 $-2.250000000e+00, v37;
	v26 =	vsub.f32 v40, v26;
	v22 =	vsub.f32 v41, v22  }
0x36c: {  	v32 =	vmul.f32 $1.442695020e+00, v32;
	v29 =	vmul.f32 v29, v29;
	v0 =	vadd.f32 $9.999999960e-13, v0  }
0x36d: {  	v26 =	vmul.f32 v26, v26;
	v22 =	vmul.f32 v22, v22;
	v6 =	vsub.f32 v42, v6  }
0x36e: {  	v5 =	vsub.f32 v25, v5;
	v43 =	vshra.s32 v0, $0x1;
	v44 =	vmul.f32 $5.000000000e-01, v0  }
0x36f: {  	v38 =	vsub.s32 $0x5F3759DF, v43;
	v1 =	vsub.f32 v23, v1;
	v6 =	vmul.f32 v6, v6  }
0x370: {  	v34 =	vmul.f32 $1.442695020e+00, v34;
	v23 =	vadd.f32 v26, v36;
	v45 =	vmul.f32 v38, v44  }
0x371: {  	v5 =	vmul.f32 v5, v5;
	v1 =	vmul.f32 v1, v1;
	v6 =	vadd.f32 v6, v22  }
0x372: {  	(erf) = vpow2.f32 v32;
	v25 =	vmul.f32 v38, v45  }
0x373: {  	v26 =	vmul.f32 $1.442695020e+00, v28;
	v1 =	vadd.f32 v1, v23;
	v5 =	vadd.f32 v5, v6  }
0x374: {  	v22 =	vmul.f32 $1.442695020e+00, v27;
	v27 =	vmul.f32 $1.442695020e+00, v31;
	v25 =	vsub.f32 $1.500000000e+00, v25  }
0x375: {  	v23 =	vmul.f32 $1.442695020e+00, v30;
	v1 =	vadd.f32 $9.999999960e-13, v1;
	v5 =	vadd.f32 $9.999999960e-13, v5  }
0x376: {  	v6 =	vmul.f32 $1.442695020e+00, v33;
	v25 =	vmul.f32 v38, v25  }
0x377: {  	v30 =	vshra.s32 v1, $0x1;
	v46 =	vshra.s32 v5, $0x1;
	v47 =	vmul.f32 $5.000000000e-01, v5  }
0x378: {  	v31 =	vmul.f32 $5.000000000e-01, v1;
	v28 =	vmul.f32 v25, v44;
	v33 =	vsub.s32 $0x5F3759DF, v46  }
0x379: {  	v29 =	vmul.f32 $-2.250000000e+00, v29;
	v30 =	vsub.s32 $0x5F3759DF, v30;
	v49 =	vmul.f32 v33, v47  }
0x37a: {  	v48 =	vmul.f32 v30, v31;
	v28 =	vmul.f32 v28, v25  }
0x37b: {  	(erf) = vpow2.f32 v22;
	v22 =	vmul.f32 v33, v49  }
0x37c: {  	v24 =	vmul.f32 $-2.250000000e+00, v35;
	v50 =	vmul.f32 v30, v48;
	v28 =	vsub.f32 $1.500000000e+00, v28  }
0x37d: {  	v29 =	vmul.f32 $1.442695020e+00, v29;
	(erf) = vpow2.f32 v23;
	v22 =	vsub.f32 $1.500000000e+00, v22  }
0x37e: {  	(erf) = vpow2.f32 v26;
	v23 =	vmul.f32 v28, v25;
	v25 =	vsub.f32 $1.500000000e+00, v50  }
0x37f: {  	(erf) = vpow2.f32 v6;
	v6 =	vmul.f32 v33, v22  }
0x380: {  	v26 =	vmul.f32 v23, v0;
	v0 =	vmul.f32 v30, v25  }
0x381: {  	v24 =	vmul.f32 $1.442695020e+00, v24;
	v25 =	vmul.f32 v6, v47  }
0x382: {  	v22 =	vmul.f32 v26, v26;
	v23 =	vmul.f32 v0, v31  }
0x383: {  	(erf) = vpow2.f32 v27;
	v25 =	vmul.f32 v25, v6  }
0x384: {  	v22 =	vmul.f32 $-2.250000000e+00, v22;
	v23 =	vmul.f32 v23, v0  }
0x385: {  	(erf) = vpow2.f32 v34;
	v28 =	vmul.f32 $1.442695020e+00, v37;
	v27 =	vsub.f32 $1.500000000e+00, v25  }
0x386: {  	(erf) = vpow2.f32 v24;
	v22 =	vmul.f32 $1.442695020e+00, v22;
	v23 =	vsub.f32 $1.500000000e+00, v23  }
0x387: {  	s2 =	simm.s32 $0xAB00;
	(erf) = vpow2.f32 v28;
	v61 =	vadd.f32 $-2.000000000e+00, v26;
	v6 =	vmul.f32 v27, v6  }
0x388: {  	(erf) = vpow2.f32 v22;
	v0 =	vmul.f32 v23, v0;
	v23 =	vadd.f32 $-6.666666860e-01, v26;
	v22 =	vld [tilespmem:s2+$0x0]  }
0x389: {  	v24 =	vmul.f32 $1.442695020e+00, v63;
	v41 =	vmul.f32 v61, v61;
	v25 =	vld [tilespmem:s9+$0xAB00]  }
0x38a: {  	v31 =	vmul.f32 v6, v5;
	v23 =	vmul.f32 v23, v23  }
0x38b: {  	(erf) = vpow2.f32 v24;
	v32 =	vmul.f32 v0, v1  }
0x38c: {  	v24 =	vadd.f32 $-6.666666860e-01, v31;
	v55 =	vadd.f32 $-1.333333370e+00, v31;
	v0 =	vpop (erf);
	v1 =	vmul.f32 $-2.250000000e+00, v23  }
0x38d: {  	v5 =	vmul.f32 v32, v32;
	v23 =	vmul.f32 v31, v31;
	v27 =	vpop (erf)  }
0x38e: {  	v6 =	vadd.f32 $-6.666666860e-01, v32;
	v54 =	vmul.f32 v24, v24;
	v59 =	vmul.f32 v55, v55;
	v28 =	vpop (erf)  }
0x38f: {  	(erf) = vpow2.f32 v29;
	v1 =	vmul.f32 $1.442695020e+00, v1;
	v29 =	vpop (erf)  }
0x390: {  	v5 =	vmul.f32 $-2.250000000e+00, v5;
	v6 =	vmul.f32 v6, v6;
	v30 =	vpop (erf);
	v52 =	vld.idx.msk [tilespmem:v22+s29+$0x0], $0xffff  }
0x391: {  	v51 =	vld.idx.msk [tilespmem:v25+s29+$0x0], $0xffff;
	v23 =	vmul.f32 $-2.250000000e+00, v23;
	v39 =	vmul.f32 $-2.250000000e+00, v54;
	v33 =	vpop (erf)  }
0x392: {  	(erf) = vpow2.f32 v1;
	v1 =	vmul.f32 $1.442695020e+00, v5;
	v5 =	vadd.f32 $-1.333333370e+00, v26;
	v34 =	vpop (erf)  }
0x393: {  	s19 =	simm.s32 $0x0;
	v47 =	vadd.f32 $-3.333333250e+00, v31;
	v24 =	vld [tilespmem:s12+$0xAB00];
	v53 =	vmul.f32 $1.442695020e+00, v23;
	v6 =	vmul.f32 $-2.250000000e+00, v6;
	v35 =	vpop (erf)  }
0x394: {  	s10 =	sand.u32 $0x3C00, s19;
	v58 =	vadd.f32 $-2.000000000e+00, v32;
	v23 =	vld [tilespmem:s0+$0xAB00];
	v57 =	vmul.f32 $1.442695020e+00, v39;
	v5 =	vmul.f32 v5, v5;
	v40 =	vpop (erf)  }
0x395: {  	s14 =	sor.u32 $0x10000, s10;
	(erf) = vpow2.f32 v1;
	v1 =	vadd.f32 $-1.333333370e+00, v32;
	v56 =	vpop (erf);
	v0 =	vadd.f32 v0, v52  }
0x396: {  	s15 =	sor.u32 s4, s14;
	v39 =	vmul.f32 v58, v58;
	(erf) = vpow2.f32 v53;
	v36 =	vadd.f32 v56, v51  }
0x397: {  	s11 =	sor.u32 s7, s14;
	v5 =	vmul.f32 $-2.250000000e+00, v5;
	v1 =	vmul.f32 v1, v1;
	[tilespmem:s15+$0x0] =	vst v0  }
0x398: {  	v58 =	vmul.f32 v47, v47;
	v6 =	vmul.f32 $1.442695020e+00, v6;
	[tilespmem:s11+$0x0] =	vst v36;
	v60 =	vld.idx.msk [tilespmem:v22+s16+$0x0], $0xffff  }
0x399: {  	v5 =	vmul.f32 $1.442695020e+00, v5;
	v1 =	vmul.f32 $-2.250000000e+00, v1;
	v0 =	vld.idx.msk [tilespmem:v25+s16+$0x0], $0xffff  }
0x39a: {  	v39 =	vmul.f32 $-2.250000000e+00, v39;
	(erf) = vpow2.f32 v6  }
0x39b: {  	v6 =	vadd.f32 $-2.000000000e+00, v31;
	v63 =	vld.idx.msk [tilespmem:v24+s29+$0x0], $0xffff;
	v62 =	vpop (erf);
	(erf) = vpow2.f32 v5;
	v1 =	vmul.f32 $1.442695020e+00, v1  }
0x39c: {  	v39 =	vmul.f32 $1.442695020e+00, v39;
	v45 =	vpop (erf);
	v5 =	vadd.f32 $-2.666666750e+00, v32;
	v44 =	vld.idx.msk [tilespmem:v23+s29+$0x0], $0xffff;
	(erf) = vpow2.f32 v57  }
0x39d: {  	v36 =	vmul.f32 $-2.250000000e+00, v59;
	v48 =	vpop (erf);
	(erf) = vpow2.f32 v1;
	v38 =	vadd.f32 v45, v60  }
0x39e: {  	v1 =	vmul.f32 v6, v6;
	v6 =	vmul.f32 $-2.250000000e+00, v41;
	v0 =	vadd.f32 v48, v0  }
0x39f: {  	v43 =	vadd.f32 $-2.666666750e+00, v31;
	v36 =	vmul.f32 $1.442695020e+00, v36;
	v5 =	vmul.f32 v5, v5;
	v48 =	vpop (erf);
	[tilespmem:s15+$0x80] =	vst v38  }
0x3a0: {  	v1 =	vmul.f32 $-2.250000000e+00, v1;
	v6 =	vmul.f32 $1.442695020e+00, v6;
	v49 =	vpop (erf);
	[tilespmem:s11+$0x80] =	vst v0;
	v0 =	vadd.f32 v48, v63  }
0x3a1: {  	s20 =	sor.u32 s6, s14;
	(erf) = vpow2.f32 v36;
	v5 =	vmul.f32 $-2.250000000e+00, v5;
	v36 =	vadd.f32 v49, v44;
	v52 =	vld.idx.msk [tilespmem:v22+s30+$0x0], $0xffff  }
0x3a2: {  	s1 =	sor.u32 s8, s14;
	v1 =	vmul.f32 $1.442695020e+00, v1;
	(erf) = vpow2.f32 v6;
	v6 =	vadd.f32 $-2.666666750e+00, v26;
	v50 =	vld.idx.msk [tilespmem:v25+s30+$0x0], $0xffff;
	[tilespmem:s20+$0x0] =	vst v0  }
0x3a3: {  	(erf) = vpow2.f32 v39;
	v0 =	vmul.f32 v43, v43;
	[tilespmem:s1+$0x0] =	vst v36;
	v53 =	vld.idx.msk [tilespmem:v24+s16+$0x0], $0xffff  }
0x3a4: {  	v46 =	vadd.f32 $-3.333333250e+00, v32;
	(erf) = vpow2.f32 v1;
	v1 =	vmul.f32 v6, v6;
	v55 =	vld.idx.msk [tilespmem:v23+s16+$0x0], $0xffff  }
0x3a5: {  	v5 =	vmul.f32 $1.442695020e+00, v5;
	v54 =	vpop (erf);
	v0 =	vmul.f32 $-2.250000000e+00, v0  }
0x3a6: {  	v57 =	vmul.f32 v46, v46;
	v56 =	vpop (erf);
	v1 =	vmul.f32 $-2.250000000e+00, v1;
	v37 =	vadd.f32 v62, v52  }
0x3a7: {  	(erf) = vpow2.f32 v5;
	v41 =	vadd.f32 v56, v50;
	v0 =	vmul.f32 $1.442695020e+00, v0  }
0x3a8: {  	v5 =	vmul.f32 $-2.250000000e+00, v57;
	v59 =	vpop (erf);
	v1 =	vmul.f32 $1.442695020e+00, v1;
	[tilespmem:s15+$0x100] =	vst v37;
	v36 =	vadd.f32 v54, v53  }
0x3a9: {  	v51 =	vadd.f32 $-4.000000000e+00, v32;
	[tilespmem:s11+$0x100] =	vst v41;
	v61 =	vadd.f32 v59, v55;
	(erf) = vpow2.f32 v0;
	v63 =	vld.idx.msk [tilespmem:v22+s31+$0x0], $0xffff  }
0x3aa: {  	v60 =	vld.idx.msk [tilespmem:v25+s31+$0x0], $0xffff;
	(erf) = vpow2.f32 v1;
	v1 =	vmul.f32 $1.442695020e+00, v5;
	v5 =	vadd.f32 $-3.333333250e+00, v26;
	[tilespmem:s20+$0x80] =	vst v36  }
0x3ab: {  	v46 =	vadd.f32 $-4.666666510e+00, v31;
	v39 =	vadd.f32 $-4.000000000e+00, v31;
	v53 =	vld.idx.msk [tilespmem:v24+s30+$0x0], $0xffff  }
0x3ac: {  	v45 =	vadd.f32 $-6.666666510e+00, v31;
	v62 =	vpop (erf);
	v0 =	vmul.f32 $-2.250000000e+00, v58;
	[tilespmem:s1+$0x80] =	vst v61;
	v5 =	vmul.f32 v5, v5  }
0x3ad: {  	v6 =	vadd.f32 $-4.666666510e+00, v32;
	v39 =	vmul.f32 v39, v39;
	v52 =	vpop (erf);
	v54 =	vmul.f32 v51, v51;
	v56 =	vld.idx.msk [tilespmem:v23+s30+$0x0], $0xffff  }
0x3ae: {  	v49 =	vadd.f32 $-7.333333490e+00, v32;
	v57 =	vpop (erf);
	v0 =	vmul.f32 $1.442695020e+00, v0;
	v5 =	vmul.f32 $-2.250000000e+00, v5  }
0x3af: {  	(erf) = vpow2.f32 v1;
	v40 =	vadd.f32 v40, v63;
	v1 =	vadd.f32 v57, v60  }
0x3b0: {  	v37 =	vmul.f32 $-2.250000000e+00, v54;
	v5 =	vmul.f32 $1.442695020e+00, v5;
	v41 =	vadd.f32 v62, v53  }
0x3b1: {  	v55 =	vadd.f32 $-5.333333490e+00, v31;
	v58 =	vpop (erf);
	[tilespmem:s11+$0x180] =	vst v1;
	v1 =	vmul.f32 v6, v6;
	v6 =	vmul.f32 $-2.250000000e+00, v39  }
0x3b2: {  	(erf) = vpow2.f32 v0;
	v37 =	vmul.f32 $1.442695020e+00, v37;
	v60 =	vpop (erf);
	[tilespmem:s15+$0x180] =	vst v40;
	v44 =	vadd.f32 v52, v56;
	v59 =	vld.idx.msk [tilespmem:v25+s18+$0x0], $0xffff  }
0x3b3: {  	p0 =	por $0x0, $0x0;
	v36 =	vadd.f32 $-5.333333490e+00, v32;
	s11 =	simm.s32 $0x1;
	v62 =	vld.idx.msk [tilespmem:v22+s18+$0x0], $0xffff;
	v40 =	vpop (erf);
	(erf) = vpow2.f32 v5;
	v6 =	vmul.f32 $1.442695020e+00, v6;
	[tilespmem:s20+$0x100] =	vst v41  }
0x3b4: {  	v61 =	vmul.f32 v46, v46;
	v46 =	vadd.f32 $-6.666666510e+00, v32;
	s11 =	simm.s32 @!p0 $0x0;
	(erf) = vpow2.f32 v37;
	[tilespmem:s1+$0x100] =	vst v44;
	v41 =	vpop (erf)  }
0x3b5: {  	v36 =	vmul.f32 v36, v36;
	v5 =	vadd.f32 $-4.000000000e+00, v26;
	s21 =	sshll.u32 s11, $0x6;
	v53 =	vpop (erf);
	(erf) = vpow2.f32 v6;
	v6 =	vld.idx.msk [tilespmem:v23+s31+$0x0], $0xffff  }
0x3b6: {  	v0 =	vadd.f32 $-6.000000000e+00, v32;
	v63 =	vmul.f32 $-2.250000000e+00, v61;
	v1 =	vmul.f32 $-2.250000000e+00, v1;
	v52 =	vld.idx.msk [tilespmem:v24+s31+$0x0], $0xffff;
	s0 =	sadd.s32 $0x0, s21  }
0x3b7: {  	v36 =	vmul.f32 $-2.250000000e+00, v36;
	v5 =	vmul.f32 v5, v5;
	s29 =	sadd.s32 $0x30, s0;
	v42 =	vadd.f32 v53, v59  }
0x3b8: {  	v0 =	vmul.f32 v0, v0;
	v1 =	vmul.f32 $1.442695020e+00, v1;
	s25 =	sor.u32 $0x200, s29;
	v35 =	vadd.f32 v35, v62  }
0x3b9: {  	v37 =	vmul.f32 $1.442695020e+00, v63;
	s3 =	sor.u32 $0x200, s0;
	v5 =	vmul.f32 $-2.250000000e+00, v5;
	[tilespmem:s25+$0x10000] =	vst v42  }
0x3ba: {  	(erf) = vpow2.f32 v1;
	v1 =	vmul.f32 v55, v55;
	[tilespmem:s3+$0x10000] =	vst v35;
	v55 =	vld.idx.msk [tilespmem:v25+s22+$0x0], $0xffff;
	v6 =	vadd.f32 v60, v6  }
0x3bb: {  	v57 =	vmul.f32 $1.442695020e+00, v36;
	v5 =	vmul.f32 $1.442695020e+00, v5;
	v56 =	vadd.f32 v58, v52;
	v58 =	vld.idx.msk [tilespmem:v22+s22+$0x0], $0xffff  }
0x3bc: {  	v54 =	vadd.f32 $-6.000000000e+00, v31;
	v0 =	vmul.f32 $-2.250000000e+00, v0;
	v39 =	vpop (erf);
	(erf) = vpow2.f32 v37;
	[tilespmem:s1+$0x180] =	vst v6  }
0x3bd: {  	v48 =	vpop (erf);
	v1 =	vmul.f32 $-2.250000000e+00, v1;
	(erf) = vpow2.f32 v5;
	v5 =	vadd.f32 $-4.666666510e+00, v26;
	[tilespmem:s20+$0x180] =	vst v56;
	v61 =	vld.idx.msk [tilespmem:v23+s18+$0x0], $0xffff  }
0x3be: {  	v36 =	vadd.f32 $-9.333333010e+00, v32;
	v0 =	vmul.f32 $1.442695020e+00, v0;
	v52 =	vmul.f32 v45, v45;
	v59 =	vld.idx.msk [tilespmem:v24+s18+$0x0], $0xffff;
	v6 =	vpop (erf)  }
0x3bf: {  	v1 =	vmul.f32 $1.442695020e+00, v1;
	v5 =	vmul.f32 v5, v5;
	v6 =	vadd.f32 v6, v55  }
0x3c0: {  	s12 =	sor.u32 $0x280, s29;
	v60 =	vmul.f32 v54, v54;
	v54 =	vmul.f32 $-2.250000000e+00, v52;
	v34 =	vadd.f32 v34, v58  }
0x3c1: {  	s15 =	sor.u32 $0x280, s0;
	v56 =	vadd.f32 $-5.333333490e+00, v26;
	v5 =	vmul.f32 $-2.250000000e+00, v5;
	(erf) = vpow2.f32 v57;
	[tilespmem:s12+$0x10000] =	vst v6  }
0x3c2: {  	s16 =	sadd.s32 $0x20, s0;
	v62 =	vmul.f32 $-2.250000000e+00, v60;
	(erf) = vpow2.f32 v1;
	v47 =	vpop (erf);
	[tilespmem:s15+$0x10000] =	vst v34;
	v63 =	vld.idx.msk [tilespmem:v25+s23+$0x0], $0xffff;
	v53 =	vadd.f32 v41, v61  }
0x3c3: {  	s14 =	sadd.s32 $0x10, s0;
	s18 =	sor.u32 $0x200, s16;
	v5 =	vmul.f32 $1.442695020e+00, v5;
	v50 =	vpop (erf);
	v40 =	vadd.f32 v40, v59;
	(erf) = vpow2.f32 v0;
	v0 =	vld.idx.msk [tilespmem:v22+s23+$0x0], $0xffff  }
0x3c4: {  	v51 =	vadd.f32 $-8.000000000e+00, v31;
	v38 =	vmul.f32 $1.442695020e+00, v62;
	v6 =	vmul.f32 v46, v46;
	s12 =	sor.u32 $0x200, s14;
	v43 =	vpop (erf);
	[tilespmem:s18+$0x10000] =	vst v53  }
0x3c5: {  	v37 =	vadd.f32 $-7.333333490e+00, v31;
	v42 =	vmul.f32 v56, v56;
	[tilespmem:s12+$0x10000] =	vst v40;
	v44 =	vpop (erf);
	(erf) = vpow2.f32 v5;
	v57 =	vld.idx.msk [tilespmem:v23+s22+$0x0], $0xffff  }
0x3c6: {  	v35 =	vadd.f32 $-9.333333010e+00, v31;
	v6 =	vmul.f32 $-2.250000000e+00, v6;
	v5 =	vld.idx.msk [tilespmem:v24+s22+$0x0], $0xffff;
	v55 =	vpop (erf);
	(erf) = vpow2.f32 v38  }
0x3c7: {  	v60 =	vmul.f32 v37, v37;
	v1 =	vadd.f32 $-8.000000000e+00, v32;
	v34 =	vadd.f32 v55, v63  }
0x3c8: {  	s20 =	sor.u32 $0x300, s29;
	v58 =	vmul.f32 $1.442695020e+00, v54;
	v6 =	vmul.f32 $1.442695020e+00, v6;
	v0 =	vadd.f32 v33, v0  }
0x3c9: {  	s21 =	sor.u32 $0x300, s0;
	v52 =	vadd.f32 $-6.000000000e+00, v26;
	v59 =	vmul.f32 v49, v49;
	v45 =	vmul.f32 v1, v1;
	[tilespmem:s20+$0x10000] =	vst v34  }
0x3ca: {  	v61 =	vmul.f32 $-2.250000000e+00, v42;
	(erf) = vpow2.f32 v6;
	[tilespmem:s21+$0x10000] =	vst v0;
	v6 =	vld.idx.msk [tilespmem:v25+s26+$0x0], $0xffff;
	v0 =	vadd.f32 v48, v57  }
0x3cb: {  	s24 =	sadd.s32 s13, s24;
	v41 =	vadd.f32 $-8.666666980e+00, v32;
	v62 =	vmul.f32 $-2.250000000e+00, v59;
	v42 =	vpop (erf);
	v5 =	vadd.f32 v39, v5  }
0x3cc: {  	v37 =	vadd.f32 $-1.000000000e+01, v31;
	v1 =	vmul.f32 $1.442695020e+00, v61;
	s22 =	sor.u32 $0x280, s14;
	v63 =	vmul.f32 $-2.250000000e+00, v60;
	v39 =	vpop (erf);
	[dreg:$0x19] =	wrdreg s24  }
0x3cd: {  	s28 =	simm.s32 $0x9740;
	s25 =	sor.u32 $0x280, s16;
	v33 =	vadd.f32 $-1.000000000e+01, v32;
	(erf) = vpow2.f32 v58;
	v32 =	vpop (erf);
	v34 =	vld.idx.msk [tilespmem:v22+s26+$0x0], $0xffff;
	[tilespmem:s22+$0x10000] =	vst v5;
	v5 =	vmul.f32 $1.442695020e+00, v62  }
0x3ce: {  	s31 =	sor.u32 $0x380, s14;
	s30 =	sor.u32 $0x380, s16;
	s1 =	sor.u32 $0x300, s16;
	v46 =	vmul.f32 v51, v51;
	v40 =	vadd.f32 $-8.666666980e+00, v31;
	(erf) = vpow2.f32 v1;
	v31 =	vld.idx.msk [tilespmem:v24+s23+$0x0], $0xffff;
	[tilespmem:s25+$0x10000] =	vst v0;
	v0 =	vpop (erf)  }
0x3cf: {  	s21 =	simm.s32 $0x2710;
	v48 =	vmul.f32 $1.442695020e+00, v63;
	s24 =	sor.u32 $0x300, s14;
	s25 =	sor.u32 $0x380, s0;
	v49 =	vld.idx.msk [tilespmem:v23+s23+$0x0], $0xffff;
	(erf) = vpow2.f32 v5;
	v51 =	vadd.f32 v0, v6;
	v38 =	vpop (erf)  }
.LBB2_10:
0x3d0: {  	_ =	sdelay $0x2  }
0x3d1: {  	v0 =	vld [tilespmem:s28+$0x0];
	s0 =	sor.u32 $0x380, s29;
	s5 =	sadd.s32 $0x40, s5;
	v5 =	vmul.f32 $-2.250000000e+00, v45;
	v53 =	vmul.f32 v52, v52;
	v1 =	vadd.f32 v30, v34  }
0x3d2: {  	s12 =	simm.s32 $0x8480;
	(erf) = vpow2.f32 v48;
	v6 =	vld [tilespmem:s5+$0x0];
	[tilespmem:s0+$0x10000] =	vst v51;
	v30 =	vmul.f32 $-2.250000000e+00, v46  }
0x3d3: {  	v54 =	vld.idx.msk [tilespmem:v25+s12+$0x0], $0xffff;
	v5 =	vmul.f32 $1.442695020e+00, v5;
	v34 =	vmul.f32 $-2.250000000e+00, v53;
	[tilespmem:s25+$0x10000] =	vst v1;
	v1 =	vadd.f32 v47, v31  }
0x3d4: {  	v31 =	vmul.f32 v41, v41;
	v41 =	vpop (erf);
	v30 =	vmul.f32 $1.442695020e+00, v30;
	v55 =	vld.idx.msk [tilespmem:v22+s12+$0x0], $0xffff  }
0x3d5: {  	v56 =	vadd.f32 v50, v49;
	v34 =	vmul.f32 $1.442695020e+00, v34;
	v45 =	vpop (erf);
	(erf) = vpow2.f32 v5;
	[tilespmem:s24+$0x10000] =	vst v1  }
0x3d6: {  	v57 =	vmul.f32 v36, v36;
	(erf) = vpow2.f32 v30;
	v5 =	vld.idx.msk [tilespmem:v24+s26+$0x0], $0xffff  }
0x3d7: {  	v61 =	vadd.f32 $-6.666666510e+00, v26;
	v35 =	vmul.f32 v35, v35;
	[tilespmem:s1+$0x10000] =	vst v56;
	v58 =	vpop (erf);
	(erf) = vpow2.f32 v34  }
0x3d8: {  	s22 =	simm.s32 $0x0;
	s9 =	sadd.s32 $0x12800, s10;
	v1 =	vmul.f32 v40, v40;
	v30 =	vmul.f32 $-2.250000000e+00, v31;
	v31 =	vld.idx.msk [tilespmem:v23+s26+$0x0], $0xffff;
	v60 =	vadd.f32 v58, v54  }
0x3d9: {  	s11 =	sor.u32 s7, s9;
	v51 =	vmul.f32 $-2.250000000e+00, v35;
	v46 =	vmul.f32 v61, v61;
	v59 =	vld.idx.msk [tilespmem:v0+s22+$0x0], $0xffff;
	v29 =	vadd.f32 v29, v55  }
0x3da: {  	s25 =	sor.u32 s6, s9;
	v63 =	vld.idx.msk [tilespmem:v0+s21+$0x0], $0xffff;
	s26 =	sor.u32 s8, s9;
	s9 =	sor.u32 s4, s9;
	v1 =	vmul.f32 $-2.250000000e+00, v1;
	v30 =	vmul.f32 $1.442695020e+00, v30;
	[tilespmem:s11+$0x0] =	vst v60  }
0x3db: {  	s3 =	simm.s32 $0x8630;
	v46 =	vmul.f32 $-2.250000000e+00, v46;
	v36 =	vpop (erf);
	v62 =	vld.idx.msk [tilespmem:v6+s22+$0x0], $0xffff;
	[tilespmem:s9+$0x0] =	vst v29;
	v5 =	vadd.f32 v43, v5;
	v29 =	vmul.f32 $-2.250000000e+00, v57  }
0x3dc: {  	v40 =	vpop (erf);
	v1 =	vmul.f32 $1.442695020e+00, v1;
	(erf) = vpow2.f32 v30;
	v30 =	vld.idx.msk [tilespmem:v25+s3+$0x0], $0xffff  }
0x3dd: {  	v54 =	vmul.f32 $1.442695020e+00, v46;
	v31 =	vadd.f32 v44, v31;
	[tilespmem:s31+$0x10000] =	vst v5;
	v5 =	vmul.f32 $1.442695020e+00, v29  }
0x3de: {  	(erf) = vpow2.f32 v1;
	v1 =	vld.idx.msk [tilespmem:v22+s3+$0x0], $0xffff;
	v29 =	vmul.f32 v33, v33;
	v35 =	vpop (erf)  }
0x3df: {  	s20 =	simm.s32 $0x4E20;
	v52 =	vld.idx.msk [tilespmem:v6+s21+$0x0], $0xffff;
	[tilespmem:s30+$0x10000] =	vst v31;
	v31 =	vmul.f32 $1.442695020e+00, v51;
	v34 =	vpop (erf);
	(erf) = vpow2.f32 v5  }
0x3e0: {  	v55 =	vsub.f32 v59, v62;
	v0 =	vld.idx.msk [tilespmem:v0+s20+$0x0], $0xffff;
	v57 =	vmul.f32 $-2.250000000e+00, v29;
	v58 =	vpop (erf);
	(erf) = vpow2.f32 v54  }
0x3e1: {  	s14 =	sadd.s32 $0x12880, s10;
	v37 =	vmul.f32 v37, v37;
	v59 =	vadd.f32 $-7.333333490e+00, v26;
	v53 =	vld.idx.msk [tilespmem:v24+s12+$0x0], $0xffff;
	v30 =	vadd.f32 v58, v30  }
0x3e2: {  	s13 =	sor.u32 s7, s14;
	v6 =	vld.idx.msk [tilespmem:v6+s20+$0x0], $0xffff;
	v5 =	vadd.f32 $-7.333333490e+00, v21;
	(erf) = vpow2.f32 v31;
	v60 =	vmul.f32 $1.442695020e+00, v57  }
0x3e3: {  	s15 =	sor.u32 s6, s14;
	v56 =	vld.idx.msk [tilespmem:v23+s12+$0x0], $0xffff;
	v1 =	vadd.f32 v28, v1;
	v31 =	vmul.f32 $-2.250000000e+00, v37;
	[tilespmem:s13+$0x0] =	vst v30;
	v30 =	vmul.f32 v59, v59  }
0x3e4: {  	s16 =	sor.u32 s8, s14;
	s12 =	sor.u32 s4, s14;
	s14 =	simm.s32 $0x87E0;
	v61 =	vsub.f32 v63, v52;
	v5 =	vmul.f32 v5, v5;
	v63 =	vmul.f32 v55, v55  }
0x3e5: {  	[tilespmem:s12+$0x0] =	vst v1;
	v31 =	vmul.f32 $1.442695020e+00, v31;
	v62 =	vld.idx.msk [tilespmem:v25+s14+$0x0], $0xffff;
	v50 =	vmul.f32 $-2.250000000e+00, v30  }
0x3e6: {  	v29 =	vpop (erf);
	v1 =	vadd.f32 v42, v53;
	(erf) = vpow2.f32 v60;
	v5 =	vmul.f32 $-2.250000000e+00, v5;
	v49 =	vld.idx.msk [tilespmem:v22+s14+$0x0], $0xffff  }
0x3e7: {  	v0 =	vsub.f32 v0, v6;
	v28 =	vpop (erf);
	(erf) = vpow2.f32 v31;
	v31 =	vmul.f32 $1.442695020e+00, v50  }
0x3e8: {  	v39 =	vadd.f32 v39, v56;
	[tilespmem:s25+$0x0] =	vst v1;
	v1 =	vmul.f32 v61, v61;
	v5 =	vmul.f32 $1.442695020e+00, v5;
	v30 =	vpop (erf)  }
0x3e9: {  	v54 =	vadd.f32 $-8.000000000e+00, v26;
	v0 =	vmul.f32 v0, v0;
	v6 =	vld.idx.msk [tilespmem:v24+s3+$0x0], $0xffff;
	v52 =	vpop (erf);
	(erf) = vpow2.f32 v31  }
0x3ea: {  	s18 =	sadd.s32 $0x12900, s10;
	[tilespmem:s26+$0x0] =	vst v39;
	v1 =	vadd.f32 v1, v63;
	v53 =	vadd.f32 v62, v52;
	(erf) = vpow2.f32 v5  }
0x3eb: {  	v51 =	vld.idx.msk [tilespmem:v23+s3+$0x0], $0xffff;
	s25 =	sor.u32 s7, s18;
	v5 =	vadd.f32 v49, v27;
	v27 =	vadd.f32 $-8.000000000e+00, v21  }
0x3ec: {  	s1 =	sor.u32 s4, s18;
	v0 =	vadd.f32 v0, v1;
	v1 =	vmul.f32 v54, v54;
	[tilespmem:s25+$0x0] =	vst v53  }
0x3ed: {  	s26 =	simm.s32 $0x8990;
	[tilespmem:s1+$0x0] =	vst v5;
	v5 =	vmul.f32 v27, v27  }
0x3ee: {  	v6 =	vadd.f32 v32, v6;
	v1 =	vmul.f32 $-2.250000000e+00, v1;
	v27 =	vld.idx.msk [tilespmem:v25+s26+$0x0], $0xffff  }
0x3ef: {  	v33 =	vpop (erf);
	v0 =	vadd.f32 $9.999999960e-13, v0;
	v55 =	vld.idx.msk [tilespmem:v22+s26+$0x0], $0xffff;
	v5 =	vmul.f32 $-2.250000000e+00, v5  }
0x3f0: {  	v37 =	vadd.f32 v38, v51;
	v31 =	vpop (erf);
	[tilespmem:s15+$0x0] =	vst v6;
	v1 =	vmul.f32 $1.442695020e+00, v1  }
0x3f1: {  	v6 =	vshra.s32 v0, $0x1;
	v32 =	vpop (erf);
	v57 =	vld.idx.msk [tilespmem:v24+s14+$0x0], $0xffff;
	v5 =	vmul.f32 $1.442695020e+00, v5  }
0x3f2: {  	[tilespmem:s16+$0x0] =	vst v37;
	v56 =	vmul.f32 $5.000000000e-01, v0;
	v6 =	vsub.s32 $0x5F3759DF, v6;
	v59 =	vpop (erf);
	(erf) = vpow2.f32 v1  }
0x3f3: {  	s13 =	sadd.s32 $0x12980, s10;
	v37 =	vld.idx.msk [tilespmem:v23+s14+$0x0], $0xffff;
	v1 =	vadd.f32 v27, v59;
	v27 =	vadd.f32 $-8.666666980e+00, v26;
	v60 =	vpop (erf);
	(erf) = vpow2.f32 v5  }
0x3f4: {  	v61 =	vadd.f32 $-8.666666980e+00, v21;
	s15 =	sor.u32 s7, s13;
	v58 =	vmul.f32 v6, v56;
	v5 =	vadd.f32 v55, v60  }
0x3f5: {  	s9 =	sor.u32 s4, s13;
	[tilespmem:s15+$0x0] =	vst v1;
	v1 =	vmul.f32 v27, v27  }
0x3f6: {  	s23 =	sor.u32 s6, s18;
	s24 =	sor.u32 s8, s18;
	s18 =	simm.s32 $0x8B40;
	v43 =	vmul.f32 v6, v58;
	v27 =	vadd.f32 v57, v41;
	[tilespmem:s9+$0x0] =	vst v5;
	v5 =	vmul.f32 v61, v61  }
0x3f7: {  	v62 =	vld.idx.msk [tilespmem:v25+s18+$0x0], $0xffff;
	v1 =	vmul.f32 $-2.250000000e+00, v1  }
0x3f8: {  	v37 =	vadd.f32 v37, v45;
	v63 =	vsub.f32 $1.500000000e+00, v43;
	v46 =	vld.idx.msk [tilespmem:v22+s18+$0x0], $0xffff;
	[tilespmem:s23+$0x0] =	vst v27;
	v5 =	vmul.f32 $-2.250000000e+00, v5  }
0x3f9: {  	v27 =	vld.idx.msk [tilespmem:v24+s26+$0x0], $0xffff;
	v1 =	vmul.f32 $1.442695020e+00, v1  }
0x3fa: {  	[tilespmem:s24+$0x0] =	vst v37;
	v6 =	vmul.f32 v6, v63;
	v5 =	vmul.f32 $1.442695020e+00, v5  }
0x3fb: {  	v37 =	vld.idx.msk [tilespmem:v23+s26+$0x0], $0xffff;
	v47 =	vpop (erf);
	(erf) = vpow2.f32 v1  }
0x3fc: {  	s16 =	sadd.s32 $0x12A00, s10;
	v38 =	vmul.f32 v6, v56;
	v1 =	vadd.f32 v62, v47;
	v49 =	vpop (erf);
	(erf) = vpow2.f32 v5  }
0x3fd: {  	s17 =	sadd.s32 $0x40, s17;
	s24 =	sor.u32 s7, s16;
	v50 =	vadd.f32 v46, v49  }
0x3fe: {  	v48 =	vadd.f32 $-9.333333010e+00, v26;
	s3 =	simm.s32 $0x8CF0;
	s9 =	sor.u32 s4, s16;
	s26 =	sand.u32 $0x40, s17;
	v5 =	vmul.f32 v38, v6;
	v27 =	vadd.f32 v27, v36;
	[tilespmem:s24+$0x0] =	vst v1  }
0x3ff: {  	s25 =	sand.u32 $0x780, s17;
	v53 =	vadd.f32 $-1.000000000e+01, v21;
	s14 =	sor.u32 s6, s13;
	s11 =	sor.u32 $0x10, s26;
	[tilespmem:s9+$0x0] =	vst v50;
	v51 =	vld.idx.msk [tilespmem:v25+s3+$0x0], $0xffff  }
0x400: {  	v37 =	vadd.f32 v37, v40;
	s15 =	sor.u32 s25, s11;
	v1 =	vmul.f32 v48, v48;
	v5 =	vsub.f32 $1.500000000e+00, v5;
	s9 =	sor.u32 $0x30, s26;
	[tilespmem:s14+$0x0] =	vst v27;
	v38 =	vld.idx.msk [tilespmem:v22+s3+$0x0], $0xffff  }
0x401: {  	s1 =	sor.u32 s8, s13;
	v39 =	vmul.f32 v53, v53;
	v26 =	vadd.f32 $-1.000000000e+01, v26;
	s12 =	sor.u32 $0x20, s26;
	s29 =	sor.u32 s25, s9;
	v27 =	vld [tilespmem:s15+$0x9700]  }
0x402: {  	[tilespmem:s1+$0x0] =	vst v37;
	v1 =	vmul.f32 $-2.250000000e+00, v1;
	v5 =	vmul.f32 v5, v6;
	s25 =	sor.u32 s25, s12;
	v6 =	vld [tilespmem:s29+$0x9700]  }
0x403: {  	v39 =	vmul.f32 $-2.250000000e+00, v39;
	v26 =	vmul.f32 v26, v26;
	v42 =	vld [tilespmem:s25+$0x9700]  }
0x404: {  	v52 =	vadd.f32 $-9.333333010e+00, v21;
	v1 =	vmul.f32 $1.442695020e+00, v1;
	v0 =	vmul.f32 v5, v0;
	v5 =	vld [tilespmem:s29+$0xA100];
	v21 =	vpop (erf)  }
0x405: {  	s0 =	sor.u32 s6, s16;
	v39 =	vmul.f32 $1.442695020e+00, v39;
	s23 =	sor.u32 s8, s16;
	s16 =	sadd.s32 $0x12A80, s10;
	v44 =	vld [tilespmem:s25+$0xA100];
	v36 =	vadd.f32 v51, v21;
	v54 =	vpop (erf)  }
0x406: {  	v26 =	vmul.f32 $-2.250000000e+00, v26;
	s30 =	sor.u32 s8, s16;
	s24 =	sor.u32 s7, s16;
	(erf) = vpow2.f32 v1;
	v1 =	vld [tilespmem:s15+$0xA100];
	v21 =	vmovc v0;
	v38 =	vadd.f32 v38, v54  }
0x407: {  	s13 =	sor.u32 s4, s16;
	s1 =	sor.u32 s6, s16;
	s16 =	simm.s32 $0x8EA0;
	v54 =	vadd.f32 $-6.666666860e-01, v21;
	[tilespmem:s24+$0x0] =	vst v36;
	v36 =	vld [tilespmem:s15+$0xAB00]  }
0x408: {  	v26 =	vmul.f32 $1.442695020e+00, v26;
	v37 =	vmul.f32 v52, v52;
	[tilespmem:s13+$0x0] =	vst v38;
	v38 =	vld.idx.msk [tilespmem:v25+s16+$0x0], $0xffff  }
0x409: {  	v55 =	vadd.f32 $-6.666666510e+00, v21;
	v56 =	vadd.f32 $-5.333333490e+00, v21;
	v52 =	vmul.f32 v54, v54;
	v54 =	vld.idx.msk [tilespmem:v27+s22+$0x0], $0xffff  }
0x40a: {  	v57 =	vadd.f32 $-6.000000000e+00, v21;
	v0 =	vmul.f32 v0, v21;
	v59 =	vadd.f32 $-4.666666510e+00, v21;
	v60 =	vld.idx.msk [tilespmem:v6+s22+$0x0], $0xffff  }
0x40b: {  	v58 =	vadd.f32 $-4.000000000e+00, v21;
	v47 =	vadd.f32 $-3.333333250e+00, v21;
	v41 =	vmul.f32 v55, v55;
	v53 =	vld.idx.msk [tilespmem:v6+s21+$0x0], $0xffff  }
0x40c: {  	v62 =	vadd.f32 $-1.333333370e+00, v21;
	v43 =	vmul.f32 v57, v57;
	v46 =	vmul.f32 v59, v59;
	v51 =	vld.idx.msk [tilespmem:v5+s22+$0x0], $0xffff  }
0x40d: {  	v61 =	vadd.f32 $-2.000000000e+00, v21;
	v40 =	vmul.f32 v56, v56;
	v45 =	vmul.f32 v58, v58;
	v55 =	vld.idx.msk [tilespmem:v5+s21+$0x0], $0xffff  }
0x40e: {  	v47 =	vmul.f32 v47, v47;
	v48 =	vmul.f32 v62, v62;
	v6 =	vld.idx.msk [tilespmem:v6+s20+$0x0], $0xffff  }
0x40f: {  	v50 =	vmul.f32 v61, v61;
	v0 =	vmul.f32 $-2.250000000e+00, v0;
	v5 =	vld.idx.msk [tilespmem:v5+s20+$0x0], $0xffff  }
0x410: {  	v63 =	vadd.f32 $-2.666666750e+00, v21;
	v61 =	vld.idx.msk [tilespmem:v44+s22+$0x0], $0xffff;
	v43 =	vmul.f32 $-2.250000000e+00, v43;
	v56 =	vpop (erf);
	(erf) = vpow2.f32 v26  }
0x411: {  	v41 =	vmul.f32 $-2.250000000e+00, v41;
	v57 =	vmul.f32 $-2.250000000e+00, v40;
	v40 =	vld.idx.msk [tilespmem:v27+s21+$0x0], $0xffff;
	v38 =	vadd.f32 v38, v56  }
0x412: {  	s14 =	sadd.s32 $0x12B00, s10;
	v26 =	vmul.f32 v63, v63;
	v63 =	vld.idx.msk [tilespmem:v1+s22+$0x0], $0xffff;
	v58 =	vsub.f32 v60, v51;
	v59 =	vsub.f32 v53, v55  }
0x413: {  	s31 =	sor.u32 s8, s14;
	s15 =	sor.u32 s7, s14;
	v45 =	vmul.f32 $-2.250000000e+00, v45;
	v46 =	vmul.f32 $-2.250000000e+00, v46;
	v51 =	vld.idx.msk [tilespmem:v1+s21+$0x0], $0xffff  }
0x414: {  	s24 =	sor.u32 s6, s14;
	s13 =	sor.u32 s4, s14;
	s14 =	simm.s32 $0x9050;
	v5 =	vsub.f32 v6, v5;
	[tilespmem:s15+$0x0] =	vst v38;
	v6 =	vmul.f32 v58, v58;
	v60 =	vmul.f32 v59, v59  }
0x415: {  	v47 =	vmul.f32 $-2.250000000e+00, v47;
	v0 =	vmul.f32 $1.442695020e+00, v0;
	v25 =	vld.idx.msk [tilespmem:v25+s14+$0x0], $0xffff  }
0x416: {  	v46 =	vmul.f32 $1.442695020e+00, v46;
	v53 =	vld.idx.msk [tilespmem:v42+s22+$0x0], $0xffff;
	v5 =	vmul.f32 v5, v5;
	v6 =	vadd.f32 v60, v6  }
0x417: {  	v27 =	vld.idx.msk [tilespmem:v27+s20+$0x0], $0xffff;
	v56 =	vmul.f32 $-2.250000000e+00, v37;
	v37 =	vmul.f32 $-2.250000000e+00, v52  }
0x418: {  	v1 =	vld.idx.msk [tilespmem:v1+s20+$0x0], $0xffff;
	v38 =	vmul.f32 $-2.250000000e+00, v48;
	v48 =	vmul.f32 $-2.250000000e+00, v50;
	v5 =	vadd.f32 v5, v6  }
0x419: {  	v58 =	vld.idx.msk [tilespmem:v42+s21+$0x0], $0xffff;
	v63 =	vsub.f32 v54, v63;
	v60 =	vmul.f32 $1.442695020e+00, v56;
	v6 =	vsub.f32 v40, v51;
	v62 =	vpop (erf)  }
0x41a: {  	s10 =	sadd.s32 $0x12B80, s10;
	v50 =	vmul.f32 $1.442695020e+00, v41;
	v59 =	vld.idx.msk [tilespmem:v44+s21+$0x0], $0xffff;
	v25 =	vadd.f32 v25, v62;
	v5 =	vadd.f32 $9.999999960e-13, v5  }
0x41b: {  	s15 =	sor.u32 s8, s10;
	s8 =	sor.u32 s7, s10;
	v41 =	vld.idx.msk [tilespmem:v42+s20+$0x0], $0xffff;
	v49 =	vsub.f32 v53, v61;
	(erf) = vpow2.f32 v60;
	v6 =	vmul.f32 v6, v6  }
0x41c: {  	v44 =	vld.idx.msk [tilespmem:v44+s20+$0x0], $0xffff;
	[tilespmem:s8+$0x0] =	vst v25;
	v25 =	vmul.f32 v63, v63;
	v61 =	vshra.s32 v5, $0x1;
	v52 =	vmul.f32 $5.000000000e-01, v5  }
0x41d: {  	v45 =	vmul.f32 $1.442695020e+00, v45;
	v47 =	vmul.f32 $1.442695020e+00, v47;
	v51 =	vsub.s32 $0x5F3759DF, v61  }
0x41e: {  	v1 =	vsub.f32 v27, v1;
	v63 =	vld.idx.msk [tilespmem:v24+s18+$0x0], $0xffff;
	v6 =	vadd.f32 v6, v25;
	v25 =	vmul.f32 v51, v52  }
0x41f: {  	v26 =	vmul.f32 $-2.250000000e+00, v26;
	v42 =	vmul.f32 $1.442695020e+00, v43;
	v43 =	vld [tilespmem:s25+$0xAB00];
	v62 =	vsub.f32 v58, v59  }
0x420: {  	v60 =	vld.idx.msk [tilespmem:v23+s18+$0x0], $0xffff;
	v1 =	vmul.f32 v1, v1;
	v25 =	vmul.f32 v51, v25  }
0x421: {  	v49 =	vmul.f32 v49, v49;
	v41 =	vsub.f32 v41, v44;
	v27 =	vmul.f32 v62, v62  }
0x422: {  	(erf) = vpow2.f32 v0;
	v1 =	vadd.f32 v1, v6;
	v25 =	vsub.f32 $1.500000000e+00, v25  }
0x423: {  	v61 =	vld.idx.msk [tilespmem:v22+s16+$0x0], $0xffff;
	v27 =	vadd.f32 v27, v49;
	v6 =	vmul.f32 v41, v41;
	v0 =	vadd.f32 v63, v35  }
0x424: {  	v44 =	vmul.f32 $1.442695020e+00, v26;
	s8 =	smov.u32 s12;
	s12 =	simm.s32 $0x7700;
	v1 =	vadd.f32 $9.999999960e-13, v1;
	v25 =	vmul.f32 v51, v25  }
0x425: {  	v40 =	vld.idx.msk [tilespmem:v36+s12+$0x0], $0xffff;
	v6 =	vadd.f32 v6, v27;
	v26 =	vpop (erf);
	(erf) = vpow2.f32 v39;
	[tilespmem:s0+$0x0] =	vst v0;
	v0 =	vadd.f32 v60, v34  }
0x426: {  	v62 =	vshra.s32 v1, $0x1;
	v63 =	vmul.f32 $5.000000000e-01, v1;
	v27 =	vmul.f32 v25, v52  }
0x427: {  	v54 =	vmul.f32 $1.442695020e+00, v57;
	v41 =	vld.idx.msk [tilespmem:v43+s12+$0x0], $0xffff;
	v6 =	vadd.f32 $9.999999960e-13, v6;
	v34 =	vsub.s32 $0x5F3759DF, v62  }
0x428: {  	v26 =	vadd.f32 v61, v26;
	[tilespmem:s23+$0x0] =	vst v0;
	v0 =	vmul.f32 v34, v63;
	v27 =	vmul.f32 v27, v25  }
0x429: {  	(erf) = vpow2.f32 v50;
	v56 =	vld.idx.msk [tilespmem:v24+s3+$0x0], $0xffff;
	v57 =	vshra.s32 v6, $0x1;
	v58 =	vmul.f32 $5.000000000e-01, v6  }
0x42a: {  	[tilespmem:s13+$0x0] =	vst v26;
	v59 =	vld.idx.msk [tilespmem:v23+s3+$0x0], $0xffff;
	v49 =	vsub.s32 $0x5F3759DF, v57;
	v0 =	vmul.f32 v34, v0;
	v26 =	vsub.f32 $1.500000000e+00, v27  }
0x42b: {  	(erf) = vpow2.f32 v42;
	v60 =	vmul.f32 v49, v58;
	v27 =	vld.idx.msk [tilespmem:v22+s14+$0x0], $0xffff  }
0x42c: {  	v48 =	vmul.f32 $1.442695020e+00, v48;
	v0 =	vsub.f32 $1.500000000e+00, v0;
	v25 =	vmul.f32 v26, v25  }
0x42d: {  	(erf) = vpow2.f32 v54;
	v42 =	vmul.f32 v49, v60  }
0x42e: {  	v61 =	vpop (erf);
	v29 =	vadd.f32 v56, v29;
	v0 =	vmul.f32 v34, v0;
	v26 =	vmul.f32 v25, v5  }
0x42f: {  	(erf) = vpow2.f32 v46;
	v28 =	vadd.f32 v59, v28;
	v5 =	vpop (erf);
	v25 =	vsub.f32 $1.500000000e+00, v42  }
0x430: {  	s2 =	sadd.s32 $0x40, s2;
	[tilespmem:s1+$0x0] =	vst v29;
	v35 =	vmul.f32 v0, v63;
	v5 =	vadd.f32 v27, v5;
	v29 =	vmul.f32 v26, v26  }
0x431: {  	s22 =	sor.u32 s6, s10;
	s10 =	sor.u32 s4, s10;
	v22 =	vld [tilespmem:s2+$0x0];
	[tilespmem:s30+$0x0] =	vst v28;
	(erf) = vpow2.f32 v45;
	v63 =	vmul.f32 v49, v25  }
0x432: {  	v51 =	vld.idx.msk [tilespmem:v23+s16+$0x0], $0xffff;
	[tilespmem:s10+$0x0] =	vst v5;
	v5 =	vmul.f32 v35, v0;
	v49 =	vmul.f32 $-2.250000000e+00, v29  }
0x433: {  	v27 =	vpop (erf);
	(erf) = vpow2.f32 v47;
	v25 =	vld [tilespmem:s29+$0xAB00];
	v50 =	vmul.f32 v63, v58  }
0x434: {  	v62 =	vld.idx.msk [tilespmem:v24+s16+$0x0], $0xffff;
	v28 =	vpop (erf);
	(erf) = vpow2.f32 v44;
	v5 =	vsub.f32 $1.500000000e+00, v5;
	v53 =	vmul.f32 $1.442695020e+00, v49  }
0x435: {  	(erf) = vpow2.f32 v48;
	v35 =	vmul.f32 v50, v63  }
0x436: {  	v56 =	vadd.f32 $-6.666666860e-01, v26;
	v29 =	vpop (erf);
	v0 =	vmul.f32 v5, v0;
	(erf) = vpow2.f32 v53  }
0x437: {  	v37 =	vmul.f32 $1.442695020e+00, v37;
	v38 =	vmul.f32 $1.442695020e+00, v38;
	v5 =	vsub.f32 $1.500000000e+00, v35  }
0x438: {  	v42 =	vadd.f32 v51, v33;
	v35 =	vmul.f32 v56, v56;
	v33 =	vmul.f32 v0, v1  }
0x439: {  	v55 =	vadd.f32 v62, v30;
	v30 =	vpop (erf);
	(erf) = vpow2.f32 v38;
	v5 =	vmul.f32 v5, v63  }
0x43a: {  	v54 =	vld.idx.msk [tilespmem:v22+s12+$0x0], $0xffff;
	v34 =	vpop (erf);
	(erf) = vpow2.f32 v37;
	v57 =	vadd.f32 $-6.666666860e-01, v33  }
0x43b: {  	v0 =	vld.idx.msk [tilespmem:v25+s12+$0x0], $0xffff;
	v37 =	vmul.f32 v5, v6;
	v5 =	vmul.f32 $-2.250000000e+00, v35  }
0x43c: {  	[tilespmem:s31+$0x0] =	vst v42;
	v38 =	vpop (erf);
	v58 =	vadd.f32 $-1.333333370e+00, v33;
	v6 =	vmul.f32 v33, v33;
	v62 =	vmul.f32 v57, v57  }
0x43d: {  	s19 =	sadd.s32 $0x200, s19;
	[tilespmem:s24+$0x0] =	vst v55;
	v42 =	vld.idx.msk [tilespmem:v23+s14+$0x0], $0xffff;
	v23 =	vmov v43;
	v43 =	vpop (erf);
	v60 =	vmul.f32 v37, v37;
	v5 =	vmul.f32 $1.442695020e+00, v5  }
0x43e: {  	s10 =	sand.u32 $0x3C00, s19;
	v39 =	vld.idx.msk [tilespmem:v24+s14+$0x0], $0xffff;
	v24 =	vmov v36;
	v35 =	vpop (erf);
	v36 =	vmul.f32 v58, v58;
	v6 =	vmul.f32 $-2.250000000e+00, v6  }
0x43f: {  	s4 =	smov.u32 s26;
	[dreg:$0x4] =	wrdreg s15;
	s15 =	sor.u32 $0x10000, s10;
	v1 =	vadd.f32 v61, v54;
	v44 =	vmul.f32 $-2.250000000e+00, v60;
	v59 =	vpop (erf);
	(erf) = vpow2.f32 v5  }
0x440: {  	s7 =	smov.u32 s9;
	s1 =	sor.u32 s4, s15;
	v5 =	vmul.f32 $1.442695020e+00, v6;
	v6 =	vadd.f32 $-1.333333370e+00, v26;
	v0 =	vadd.f32 v59, v0  }
0x441: {  	s16 =	sor.u32 s7, s15;
	[tilespmem:s1+$0x0] =	vst v1;
	v61 =	vadd.f32 $-6.666666860e-01, v37;
	v1 =	vmul.f32 $-2.250000000e+00, v62;
	v44 =	vmul.f32 $1.442695020e+00, v44  }
0x442: {  	s18 =	simm.s32 $0x78B0;
	v53 =	vadd.f32 $-5.333333490e+00, v33;
	v51 =	vpop (erf);
	(erf) = vpow2.f32 v5;
	[tilespmem:s16+$0x0] =	vst v0;
	v0 =	vmul.f32 v6, v6  }
0x443: {  	v45 =	vmul.f32 v61, v61;
	v61 =	vld.idx.msk [tilespmem:v22+s18+$0x0], $0xffff;
	v60 =	vpop (erf);
	(erf) = vpow2.f32 v44  }
0x444: {  	v53 =	vmul.f32 v53, v53;
	v63 =	vadd.f32 $-1.333333370e+00, v37;
	v6 =	vld.idx.msk [tilespmem:v25+s18+$0x0], $0xffff;
	v0 =	vmul.f32 $-2.250000000e+00, v0  }
0x445: {  	v1 =	vmul.f32 $1.442695020e+00, v1;
	v45 =	vmul.f32 $-2.250000000e+00, v45  }
0x446: {  	v47 =	vmul.f32 v63, v63;
	v0 =	vmul.f32 $1.442695020e+00, v0  }
0x447: {  	v48 =	vadd.f32 $-2.000000000e+00, v33;
	v45 =	vmul.f32 $1.442695020e+00, v45;
	(erf) = vpow2.f32 v1  }
0x448: {  	v63 =	vadd.f32 $-2.000000000e+00, v26;
	v1 =	vmul.f32 $-2.250000000e+00, v36;
	v62 =	vpop (erf);
	(erf) = vpow2.f32 v0  }
0x449: {  	v44 =	vadd.f32 v60, v61;
	v60 =	vmul.f32 $-2.250000000e+00, v47;
	v0 =	vadd.f32 v62, v6  }
0x44a: {  	v59 =	vmul.f32 $1.442695020e+00, v1;
	(erf) = vpow2.f32 v45  }
0x44b: {  	v49 =	vadd.f32 $-2.000000000e+00, v37;
	v61 =	vmul.f32 v48, v48;
	v6 =	vpop (erf);
	[tilespmem:s16+$0x80] =	vst v0;
	v0 =	vmul.f32 v63, v63  }
0x44c: {  	s6 =	smov.u32 s11;
	s20 =	simm.s32 $0x7A60;
	v62 =	vmul.f32 $1.442695020e+00, v60;
	(erf) = vpow2.f32 v59;
	v6 =	vadd.f32 v6, v40;
	v1 =	vpop (erf)  }
0x44d: {  	s0 =	sor.u32 s6, s15;
	[tilespmem:s1+$0x80] =	vst v44;
	v59 =	vmul.f32 v49, v49;
	v63 =	vld.idx.msk [tilespmem:v25+s20+$0x0], $0xffff;
	v1 =	vadd.f32 v1, v41;
	v0 =	vmul.f32 $-2.250000000e+00, v0  }
0x44e: {  	s23 =	sor.u32 s8, s15;
	v50 =	vadd.f32 $-2.666666750e+00, v33;
	(erf) = vpow2.f32 v62;
	[tilespmem:s0+$0x0] =	vst v6;
	v6 =	vmul.f32 $-2.250000000e+00, v61  }
0x44f: {  	v45 =	vld.idx.msk [tilespmem:v22+s20+$0x0], $0xffff;
	[tilespmem:s23+$0x0] =	vst v1;
	v1 =	vmul.f32 $-2.250000000e+00, v59;
	v0 =	vmul.f32 $1.442695020e+00, v0  }
0x450: {  	v55 =	vadd.f32 $-3.333333250e+00, v33;
	v60 =	vmul.f32 v50, v50;
	v61 =	vpop (erf);
	v40 =	vld.idx.msk [tilespmem:v24+s18+$0x0], $0xffff;
	v59 =	vmul.f32 $1.442695020e+00, v6  }
0x451: {  	v5 =	vadd.f32 $-2.666666750e+00, v37;
	v1 =	vmul.f32 $1.442695020e+00, v1;
	v62 =	vpop (erf);
	(erf) = vpow2.f32 v0  }
0x452: {  	v0 =	vadd.f32 v62, v63;
	v63 =	vadd.f32 $-2.666666750e+00, v26;
	(erf) = vpow2.f32 v59  }
0x453: {  	v56 =	vadd.f32 $-3.333333250e+00, v37;
	v5 =	vmul.f32 v5, v5;
	v6 =	vpop (erf);
	(erf) = vpow2.f32 v1  }
0x454: {  	v45 =	vadd.f32 v51, v45;
	v46 =	vld.idx.msk [tilespmem:v23+s18+$0x0], $0xffff;
	v1 =	vmul.f32 $-2.250000000e+00, v60;
	[tilespmem:s16+$0x100] =	vst v0;
	v0 =	vmul.f32 v63, v63  }
0x455: {  	s24 =	simm.s32 $0x7C10;
	v5 =	vmul.f32 $-2.250000000e+00, v5;
	v41 =	vmul.f32 v55, v55;
	v40 =	vadd.f32 v61, v40  }
0x456: {  	[tilespmem:s1+$0x100] =	vst v45;
	v55 =	vld.idx.msk [tilespmem:v25+s24+$0x0], $0xffff;
	v1 =	vmul.f32 $1.442695020e+00, v1;
	v0 =	vmul.f32 $-2.250000000e+00, v0  }
0x457: {  	v57 =	vadd.f32 $-4.000000000e+00, v33;
	v5 =	vmul.f32 $1.442695020e+00, v5;
	v59 =	vpop (erf);
	v60 =	vld.idx.msk [tilespmem:v22+s24+$0x0], $0xffff;
	[tilespmem:s0+$0x80] =	vst v40;
	v40 =	vmul.f32 v56, v56  }
0x458: {  	v58 =	vadd.f32 $-4.000000000e+00, v37;
	v56 =	vpop (erf);
	(erf) = vpow2.f32 v1;
	v0 =	vmul.f32 $1.442695020e+00, v0  }
0x459: {  	v6 =	vadd.f32 v6, v46;
	v1 =	vmul.f32 $-2.250000000e+00, v41;
	(erf) = vpow2.f32 v5  }
0x45a: {  	v54 =	vadd.f32 $-4.666666510e+00, v37;
	v63 =	vadd.f32 $-3.333333250e+00, v26;
	v61 =	vld.idx.msk [tilespmem:v24+s20+$0x0], $0xffff;
	v62 =	vpop (erf);
	(erf) = vpow2.f32 v0  }
0x45b: {  	[tilespmem:s23+$0x80] =	vst v6;
	v5 =	vmul.f32 $-2.250000000e+00, v40;
	v0 =	vmul.f32 $1.442695020e+00, v1;
	v1 =	vadd.f32 v62, v55  }
0x45c: {  	v53 =	vmul.f32 $-2.250000000e+00, v53;
	v54 =	vmul.f32 v54, v54;
	v6 =	vld.idx.msk [tilespmem:v23+s20+$0x0], $0xffff;
	v35 =	vadd.f32 v35, v60  }
0x45d: {  	v36 =	vadd.f32 $-4.666666510e+00, v33;
	v5 =	vmul.f32 $1.442695020e+00, v5;
	[tilespmem:s16+$0x180] =	vst v1;
	v1 =	vmul.f32 v63, v63  }
0x45e: {  	s18 =	simm.s32 $0x7DC0;
	v45 =	vadd.f32 $-8.000000000e+00, v33;
	[tilespmem:s1+$0x180] =	vst v35;
	v35 =	vmul.f32 v58, v58;
	v55 =	vpop (erf);
	v62 =	vmul.f32 v57, v57  }
0x45f: {  	v57 =	vpop (erf);
	(erf) = vpow2.f32 v0;
	v0 =	vadd.f32 v59, v61;
	v58 =	vld.idx.msk [tilespmem:v25+s18+$0x0], $0xffff;
	v1 =	vmul.f32 $-2.250000000e+00, v1  }
0x460: {  	p0 =	por !p0, !p0;
	v45 =	vmul.f32 v45, v45;
	s1 =	simm.s32 $0x1;
	(erf) = vpow2.f32 v5  }
0x461: {  	s1 =	simm.s32 @!p0 $0x0;
	v60 =	vadd.f32 v56, v6;
	v5 =	vld.idx.msk [tilespmem:v22+s18+$0x0], $0xffff;
	[tilespmem:s0+$0x100] =	vst v0;
	v0 =	vmul.f32 v36, v36;
	v6 =	vpop (erf);
	v1 =	vmul.f32 $1.442695020e+00, v1  }
0x462: {  	v31 =	vadd.f32 v39, v31;
	v35 =	vmul.f32 $-2.250000000e+00, v35;
	s1 =	sshll.u32 s1, $0x6;
	v40 =	vmul.f32 $-2.250000000e+00, v62;
	v62 =	vpop (erf)  }
0x463: {  	v52 =	vadd.f32 $-5.333333490e+00, v37;
	s14 =	sadd.s32 s1, s19;
	[tilespmem:s23+$0x100] =	vst v60;
	v56 =	vld.idx.msk [tilespmem:v24+s24+$0x0], $0xffff;
	v0 =	vmul.f32 $-2.250000000e+00, v0;
	v63 =	vpop (erf);
	(erf) = vpow2.f32 v1  }
0x464: {  	s29 =	sadd.s32 $0x30, s14;
	v59 =	vmul.f32 $1.442695020e+00, v40;
	v60 =	vld.idx.msk [tilespmem:v23+s24+$0x0], $0xffff;
	v1 =	vadd.f32 v63, v58;
	v58 =	vadd.f32 $-4.000000000e+00, v26  }
0x465: {  	v46 =	vadd.f32 $-8.000000000e+00, v37;
	v61 =	vmul.f32 $1.442695020e+00, v35;
	s12 =	sor.u32 $0x200, s29;
	v0 =	vmul.f32 $1.442695020e+00, v0  }
0x466: {  	v5 =	vadd.f32 v43, v5;
	(erf) = vpow2.f32 v59;
	[tilespmem:s12+$0x10000] =	vst v1;
	v1 =	vmul.f32 v58, v58  }
0x467: {  	s3 =	simm.s32 $0x7F70;
	v47 =	vadd.f32 $-6.000000000e+00, v33;
	s16 =	sor.u32 $0x200, s14;
	v63 =	vmul.f32 $-2.250000000e+00, v54;
	(erf) = vpow2.f32 v61  }
0x468: {  	v46 =	vmul.f32 v46, v46;
	[tilespmem:s16+$0x10000] =	vst v5;
	v5 =	vadd.f32 v55, v56;
	v54 =	vpop (erf);
	v55 =	vld.idx.msk [tilespmem:v25+s3+$0x0], $0xffff;
	v1 =	vmul.f32 $-2.250000000e+00, v1  }
0x469: {  	v57 =	vadd.f32 v57, v60;
	v43 =	vmul.f32 $1.442695020e+00, v63;
	v56 =	vpop (erf);
	(erf) = vpow2.f32 v0  }
0x46a: {  	v44 =	vadd.f32 $-6.666666510e+00, v33;
	v58 =	vld.idx.msk [tilespmem:v22+s3+$0x0], $0xffff;
	[tilespmem:s0+$0x180] =	vst v5;
	v0 =	vmul.f32 v52, v52;
	v1 =	vmul.f32 $1.442695020e+00, v1  }
0x46b: {  	v50 =	vadd.f32 $-6.000000000e+00, v37;
	v59 =	vmul.f32 v47, v47;
	[tilespmem:s23+$0x180] =	vst v57;
	v5 =	vld.idx.msk [tilespmem:v24+s18+$0x0], $0xffff;
	(erf) = vpow2.f32 v43  }
0x46c: {  	v51 =	vadd.f32 $-6.666666510e+00, v37;
	s20 =	sadd.s32 $0x20, s14;
	v60 =	vld.idx.msk [tilespmem:v23+s18+$0x0], $0xffff;
	v0 =	vmul.f32 $-2.250000000e+00, v0;
	v63 =	vpop (erf);
	(erf) = vpow2.f32 v1  }
0x46d: {  	s13 =	sor.u32 $0x200, s20;
	s9 =	sor.u32 $0x280, s20;
	v61 =	vmul.f32 $1.442695020e+00, v53;
	[tilespmem:s22+$0x0] =	vst v31;
	v31 =	vadd.f32 $-4.666666510e+00, v26;
	v1 =	vadd.f32 v63, v55  }
0x46e: {  	v32 =	vadd.f32 v42, v32;
	s1 =	sor.u32 $0x300, s20;
	s30 =	sor.u32 $0x380, s20;
	s20 =	sor.u32 $0x280, s29;
	v53 =	vmul.f32 v50, v50;
	v0 =	vmul.f32 $1.442695020e+00, v0  }
0x46f: {  	s18 =	rddreg [dreg:$0x4];
	v43 =	vadd.f32 v38, v58;
	v47 =	vpop (erf);
	(erf) = vpow2.f32 v61;
	[tilespmem:s20+$0x10000] =	vst v1;
	v1 =	vmul.f32 v31, v31  }
0x470: {  	s25 =	sadd.s32 $0x10, s14;
	s16 =	sor.u32 $0x280, s14;
	s23 =	simm.s32 $0x8120;
	[tilespmem:s18+$0x0] =	vst v32;
	v50 =	vpop (erf);
	(erf) = vpow2.f32 v0;
	v0 =	vadd.f32 v6, v5;
	v5 =	vmul.f32 $-2.250000000e+00, v59  }
0x471: {  	s26 =	sor.u32 $0x200, s25;
	v58 =	vmul.f32 v51, v51;
	v57 =	vadd.f32 v62, v60;
	[tilespmem:s16+$0x10000] =	vst v43;
	v31 =	vld.idx.msk [tilespmem:v25+s23+$0x0], $0xffff;
	v1 =	vmul.f32 $-2.250000000e+00, v1  }
0x472: {  	v6 =	vmul.f32 $-2.250000000e+00, v53;
	[tilespmem:s26+$0x10000] =	vst v0;
	v0 =	vmul.f32 $1.442695020e+00, v5  }
0x473: {  	v48 =	vadd.f32 $-7.333333490e+00, v33;
	v55 =	vmul.f32 v44, v44;
	v32 =	vld.idx.msk [tilespmem:v22+s23+$0x0], $0xffff;
	[tilespmem:s13+$0x10000] =	vst v57;
	v43 =	vpop (erf);
	v1 =	vmul.f32 $1.442695020e+00, v1  }
0x474: {  	v49 =	vadd.f32 $-7.333333490e+00, v37;
	v59 =	vld.idx.msk [tilespmem:v23+s3+$0x0], $0xffff;
	v5 =	vmul.f32 $1.442695020e+00, v6;
	v44 =	vpop (erf);
	(erf) = vpow2.f32 v0  }
0x475: {  	v41 =	vadd.f32 $-8.666666980e+00, v33;
	v38 =	vmul.f32 $-2.250000000e+00, v55;
	v6 =	vld.idx.msk [tilespmem:v24+s3+$0x0], $0xffff;
	v60 =	vpop (erf);
	(erf) = vpow2.f32 v1  }
0x476: {  	v1 =	vadd.f32 v60, v31;
	v31 =	vadd.f32 $-5.333333490e+00, v26;
	(erf) = vpow2.f32 v5  }
0x477: {  	s22 =	sor.u32 $0x300, s29;
	v61 =	vmul.f32 $1.442695020e+00, v38;
	v0 =	vmul.f32 $-2.250000000e+00, v58  }
0x478: {  	v62 =	vmul.f32 v48, v48;
	v5 =	vadd.f32 v34, v32;
	v42 =	vpop (erf);
	[tilespmem:s22+$0x10000] =	vst v1;
	v1 =	vmul.f32 v31, v31  }
0x479: {  	s12 =	sor.u32 $0x300, s14;
	s26 =	simm.s32 $0x82D0;
	v0 =	vmul.f32 $1.442695020e+00, v0;
	v51 =	vadd.f32 v56, v59;
	v39 =	vpop (erf);
	(erf) = vpow2.f32 v61  }
0x47a: {  	p1 =	slt.u32 s17, $0x4C0;
	[tilespmem:s12+$0x10000] =	vst v5;
	v5 =	vadd.f32 v54, v6;
	v6 =	vmul.f32 v49, v49;
	v63 =	vld.idx.msk [tilespmem:v25+s26+$0x0], $0xffff;
	v1 =	vmul.f32 $-2.250000000e+00, v1  }
.Ltmp8:
0x47b: {  	v36 =	vadd.f32 $-9.333333010e+00, v33;
	(erf) = vpow2.f32 v0;
	v0 =	vmul.f32 $-2.250000000e+00, v62;
	(pc) =	sbr.rel @p1 .LBB2_10-.Ltmp8, $4  }
0x47c: {  	v35 =	vadd.f32 $-9.333333010e+00, v37;
	v33 =	vadd.f32 $-1.000000000e+01, v33;
	[tilespmem:s9+$0x10000] =	vst v51;
	v1 =	vmul.f32 $1.442695020e+00, v1  }
0x47d: {  	v40 =	vadd.f32 $-8.666666980e+00, v37;
	s11 =	sor.u32 $0x280, s25;
	v49 =	vld.idx.msk [tilespmem:v23+s23+$0x0], $0xffff;
	v6 =	vmul.f32 $-2.250000000e+00, v6;
	v0 =	vmul.f32 $1.442695020e+00, v0;
	v32 =	vpop (erf)  }
0x47e: {  	s28 =	sadd.s32 $0x40, s28;
	v37 =	vadd.f32 $-1.000000000e+01, v37;
	v52 =	vadd.f32 $-6.000000000e+00, v26;
	v34 =	vld.idx.msk [tilespmem:v22+s26+$0x0], $0xffff;
	[tilespmem:s11+$0x10000] =	vst v5;
	v5 =	vpop (erf);
	(erf) = vpow2.f32 v1  }
0x47f: {  	s24 =	sor.u32 $0x300, s25;
	s31 =	sor.u32 $0x380, s25;
	s25 =	sor.u32 $0x380, s14;
	v31 =	vld.idx.msk [tilespmem:v24+s23+$0x0], $0xffff;
	v48 =	vmul.f32 $1.442695020e+00, v6;
	v51 =	vadd.f32 v5, v63;
	(erf) = vpow2.f32 v0;
	v38 =	vpop (erf)  }
0x480: {  	_ =	sdelay $0x3  }
0x481: {  	v0 =	vadd.f32 v47, v31  }
0x482: {  	v1 =	vadd.f32 v50, v49  }
0x483: {  	[tilespmem:s24+$0x10000] =	vst v0  }
0x484: {  	[tilespmem:s1+$0x10000] =	vst v1;
	v0 =	vld.idx.msk [tilespmem:v24+s26+$0x0], $0xffff  }
0x485: {  	v1 =	vld.idx.msk [tilespmem:v23+s26+$0x0], $0xffff;
	_ =	sdelay $0x1  }
0x486: {  	v5 =	vmul.f32 $-2.250000000e+00, v45;
	v30 =	vadd.f32 v30, v34  }
0x487: {  	v6 =	vmul.f32 v52, v52;
	v40 =	vmul.f32 v40, v40  }
0x488: {  	s0 =	sor.u32 $0x380, s29;
	s19 =	simm.s32 $0x8480;
	v36 =	vmul.f32 v36, v36;
	v35 =	vmul.f32 v35, v35;
	[tilespmem:s25+$0x10000] =	vst v30;
	v0 =	vadd.f32 v43, v0  }
0x489: {  	(erf) = vpow2.f32 v48;
	[tilespmem:s0+$0x10000] =	vst v51;
	v31 =	vmul.f32 $-2.250000000e+00, v46;
	v47 =	vld.idx.msk [tilespmem:v22+s19+$0x0], $0xffff;
	v1 =	vadd.f32 v44, v1  }
0x48a: {  	v5 =	vmul.f32 $1.442695020e+00, v5;
	v6 =	vmul.f32 $-2.250000000e+00, v6;
	v30 =	vld.idx.msk [tilespmem:v25+s19+$0x0], $0xffff  }
0x48b: {  	v46 =	vmul.f32 v41, v41;
	v31 =	vmul.f32 $1.442695020e+00, v31  }
0x48c: {  	(erf) = vpow2.f32 v5;
	v5 =	vmul.f32 $1.442695020e+00, v6;
	[tilespmem:s31+$0x10000] =	vst v0;
	v0 =	vpop (erf)  }
0x48d: {  	v6 =	vmul.f32 $-2.250000000e+00, v46;
	[tilespmem:s30+$0x10000] =	vst v1;
	(erf) = vpow2.f32 v31;
	v31 =	vld.idx.msk [tilespmem:v24+s19+$0x0], $0xffff;
	v1 =	vpop (erf)  }
0x48e: {  	s20 =	sadd.s32 $0x12800, s10;
	v29 =	vadd.f32 v29, v47;
	v49 =	vld.idx.msk [tilespmem:v23+s19+$0x0], $0xffff;
	(erf) = vpow2.f32 v5;
	v5 =	vadd.f32 $-6.666666510e+00, v26;
	v50 =	vpop (erf)  }
0x48f: {  	s22 =	sor.u32 s4, s20;
	v48 =	vmul.f32 $-2.250000000e+00, v40;
	v36 =	vmul.f32 $-2.250000000e+00, v36;
	v30 =	vadd.f32 v50, v30  }
0x490: {  	s2 =	simm.s32 $0x8630;
	v6 =	vmul.f32 $1.442695020e+00, v6;
	[tilespmem:s22+$0x0] =	vst v29;
	v5 =	vmul.f32 v5, v5  }
0x491: {  	s21 =	sor.u32 s7, s20;
	v35 =	vmul.f32 $-2.250000000e+00, v35;
	v34 =	vmul.f32 $1.442695020e+00, v48;
	v53 =	vld.idx.msk [tilespmem:v22+s2+$0x0], $0xffff  }
0x492: {  	(erf) = vpow2.f32 v6;
	[tilespmem:s21+$0x0] =	vst v30;
	v5 =	vmul.f32 $-2.250000000e+00, v5;
	v6 =	vadd.f32 v42, v31  }
0x493: {  	v37 =	vmul.f32 v37, v37;
	s24 =	sor.u32 s6, s20;
	v51 =	vadd.f32 v39, v49;
	v31 =	vmul.f32 $1.442695020e+00, v36;
	v29 =	vld.idx.msk [tilespmem:v25+s2+$0x0], $0xffff;
	v30 =	vpop (erf)  }
0x494: {  	s0 =	sor.u32 s8, s20;
	(erf) = vpow2.f32 v34;
	v5 =	vmul.f32 $1.442695020e+00, v5;
	[tilespmem:s24+$0x0] =	vst v6;
	v52 =	vpop (erf)  }
0x495: {  	[tilespmem:s0+$0x0] =	vst v51;
	v6 =	vmul.f32 v33, v33;
	(erf) = vpow2.f32 v31;
	v31 =	vld.idx.msk [tilespmem:v24+s2+$0x0], $0xffff;
	v33 =	vpop (erf)  }
0x496: {  	v56 =	vadd.f32 $-7.333333490e+00, v21;
	v54 =	vmul.f32 $1.442695020e+00, v35;
	v28 =	vadd.f32 v28, v53;
	v55 =	vld.idx.msk [tilespmem:v23+s2+$0x0], $0xffff;
	v35 =	vpop (erf)  }
0x497: {  	s25 =	sadd.s32 $0x12880, s10;
	v6 =	vmul.f32 $-2.250000000e+00, v6;
	(erf) = vpow2.f32 v5;
	v5 =	vadd.f32 $-7.333333490e+00, v26;
	v57 =	vpop (erf)  }
0x498: {  	v58 =	vmul.f32 $-2.250000000e+00, v37;
	v59 =	vmul.f32 v56, v56;
	s2 =	sor.u32 s4, s25;
	v29 =	vadd.f32 v57, v29  }
0x499: {  	s28 =	sor.u32 s7, s25;
	[tilespmem:s2+$0x0] =	vst v28;
	v6 =	vmul.f32 $1.442695020e+00, v6;
	v5 =	vmul.f32 v5, v5  }
0x49a: {  	s5 =	simm.s32 $0x87E0;
	v28 =	vmul.f32 $1.442695020e+00, v58;
	(erf) = vpow2.f32 v54;
	[tilespmem:s28+$0x0] =	vst v29;
	v29 =	vadd.f32 v32, v31  }
0x49b: {  	s3 =	sor.u32 s6, s25;
	v61 =	vadd.f32 v38, v55;
	v37 =	vpop (erf);
	(erf) = vpow2.f32 v6;
	v6 =	vld.idx.msk [tilespmem:v22+s5+$0x0], $0xffff;
	v5 =	vmul.f32 $-2.250000000e+00, v5  }
0x49c: {  	v60 =	vmul.f32 $-2.250000000e+00, v59;
	s0 =	sor.u32 s8, s25;
	v31 =	vld.idx.msk [tilespmem:v25+s5+$0x0], $0xffff;
	[tilespmem:s3+$0x0] =	vst v29  }
0x49d: {  	[tilespmem:s0+$0x0] =	vst v61;
	v5 =	vmul.f32 $1.442695020e+00, v5;
	v62 =	vld.idx.msk [tilespmem:v24+s5+$0x0], $0xffff  }
0x49e: {  	v34 =	vld.idx.msk [tilespmem:v23+s5+$0x0], $0xffff;
	v32 =	vmul.f32 $1.442695020e+00, v60;
	v29 =	vpop (erf);
	(erf) = vpow2.f32 v28  }
0x49f: {  	v28 =	vpop (erf);
	(erf) = vpow2.f32 v5;
	v5 =	vadd.f32 $-8.000000000e+00, v26  }
0x4a0: {  	v41 =	vadd.f32 $-8.000000000e+00, v21;
	v63 =	vpop (erf);
	(erf) = vpow2.f32 v32  }
0x4a1: {  	s9 =	sadd.s32 $0x12900, s10;
	v31 =	vadd.f32 v31, v63;
	v5 =	vmul.f32 v5, v5  }
0x4a2: {  	s11 =	sor.u32 s7, s9;
	v42 =	vmul.f32 v41, v41;
	v6 =	vadd.f32 v6, v27;
	v0 =	vadd.f32 v62, v0  }
0x4a3: {  	s14 =	simm.s32 $0x8990;
	s12 =	sor.u32 s4, s9;
	v1 =	vadd.f32 v34, v1;
	[tilespmem:s11+$0x0] =	vst v31;
	v5 =	vmul.f32 $-2.250000000e+00, v5  }
0x4a4: {  	s13 =	sor.u32 s6, s9;
	v27 =	vmul.f32 $-2.250000000e+00, v42;
	[tilespmem:s12+$0x0] =	vst v6;
	v6 =	vld.idx.msk [tilespmem:v25+s14+$0x0], $0xffff  }
0x4a5: {  	s0 =	sor.u32 s8, s9;
	v43 =	vld.idx.msk [tilespmem:v22+s14+$0x0], $0xffff;
	[tilespmem:s13+$0x0] =	vst v0;
	v31 =	vpop (erf);
	v5 =	vmul.f32 $1.442695020e+00, v5  }
0x4a6: {  	v27 =	vmul.f32 $1.442695020e+00, v27;
	[tilespmem:s0+$0x0] =	vst v1;
	v44 =	vld.idx.msk [tilespmem:v24+s14+$0x0], $0xffff;
	v0 =	vpop (erf)  }
0x4a7: {  	v45 =	vld.idx.msk [tilespmem:v23+s14+$0x0], $0xffff;
	v1 =	vpop (erf);
	(erf) = vpow2.f32 v5;
	v5 =	vadd.f32 $-8.666666980e+00, v26  }
0x4a8: {  	v47 =	vadd.f32 $-8.666666980e+00, v21;
	v46 =	vpop (erf);
	(erf) = vpow2.f32 v27  }
0x4a9: {  	s15 =	sadd.s32 $0x12980, s10;
	v6 =	vadd.f32 v6, v46;
	v48 =	vpop (erf);
	v5 =	vmul.f32 v5, v5  }
0x4aa: {  	s16 =	sor.u32 s7, s15;
	v27 =	vmul.f32 v47, v47;
	v32 =	vadd.f32 v43, v48  }
0x4ab: {  	s17 =	sor.u32 s4, s15;
	s19 =	simm.s32 $0x8B40;
	[tilespmem:s16+$0x0] =	vst v6;
	v5 =	vmul.f32 $-2.250000000e+00, v5;
	v6 =	vadd.f32 v44, v30  }
0x4ac: {  	s18 =	sor.u32 s6, s15;
	v49 =	vadd.f32 v45, v52;
	v27 =	vmul.f32 $-2.250000000e+00, v27;
	[tilespmem:s17+$0x0] =	vst v32;
	v30 =	vld.idx.msk [tilespmem:v25+s19+$0x0], $0xffff  }
0x4ad: {  	s0 =	sor.u32 s8, s15;
	v50 =	vld.idx.msk [tilespmem:v22+s19+$0x0], $0xffff;
	v5 =	vmul.f32 $1.442695020e+00, v5;
	[tilespmem:s18+$0x0] =	vst v6  }
0x4ae: {  	v51 =	vadd.f32 $-9.333333010e+00, v26;
	[tilespmem:s0+$0x0] =	vst v49;
	v6 =	vmul.f32 $1.442695020e+00, v27;
	v52 =	vld.idx.msk [tilespmem:v24+s19+$0x0], $0xffff  }
0x4af: {  	v53 =	vld.idx.msk [tilespmem:v23+s19+$0x0], $0xffff;
	(erf) = vpow2.f32 v5;
	v5 =	vadd.f32 $-1.000000000e+01, v26  }
0x4b0: {  	v54 =	vpop (erf);
	(erf) = vpow2.f32 v6;
	v6 =	vmul.f32 v51, v51  }
0x4b1: {  	s20 =	sadd.s32 $0x12A00, s10;
	v55 =	vadd.f32 $-9.333333010e+00, v21;
	v30 =	vadd.f32 v30, v54;
	v56 =	vpop (erf);
	v5 =	vmul.f32 v5, v5  }
0x4b2: {  	s21 =	sor.u32 s7, s20;
	v34 =	vadd.f32 v50, v56;
	v6 =	vmul.f32 $-2.250000000e+00, v6  }
0x4b3: {  	s22 =	sor.u32 s4, s20;
	s25 =	simm.s32 $0x8CF0;
	v27 =	vmul.f32 v55, v55;
	[tilespmem:s21+$0x0] =	vst v30;
	v5 =	vmul.f32 $-2.250000000e+00, v5;
	v30 =	vadd.f32 v52, v33  }
0x4b4: {  	s24 =	sor.u32 s6, s20;
	v26 =	vadd.f32 v53, v35;
	[tilespmem:s22+$0x0] =	vst v34;
	v57 =	vld.idx.msk [tilespmem:v25+s25+$0x0], $0xffff;
	v6 =	vmul.f32 $1.442695020e+00, v6  }
0x4b5: {  	s0 =	sor.u32 s8, s20;
	v27 =	vmul.f32 $-2.250000000e+00, v27;
	v58 =	vld.idx.msk [tilespmem:v22+s25+$0x0], $0xffff;
	v5 =	vmul.f32 $1.442695020e+00, v5;
	[tilespmem:s24+$0x0] =	vst v30  }
0x4b6: {  	[tilespmem:s0+$0x0] =	vst v26;
	(erf) = vpow2.f32 v6;
	v59 =	vld.idx.msk [tilespmem:v24+s25+$0x0], $0xffff  }
0x4b7: {  	v6 =	vmul.f32 $1.442695020e+00, v27;
	(erf) = vpow2.f32 v5;
	v5 =	vld.idx.msk [tilespmem:v23+s25+$0x0], $0xffff  }
0x4b8: {  	v21 =	vadd.f32 $-1.000000000e+01, v21  }
0x4b9: {  	v60 =	vpop (erf);
	(erf) = vpow2.f32 v6  }
0x4ba: {  	v21 =	vmul.f32 v21, v21;
	s28 =	sadd.s32 $0x12A80, s10;
	v6 =	vadd.f32 v57, v60;
	v61 =	vpop (erf)  }
0x4bb: {  	s2 =	sor.u32 s7, s28;
	v26 =	vadd.f32 v58, v61  }
0x4bc: {  	s9 =	simm.s32 $0x8EA0;
	v21 =	vmul.f32 $-2.250000000e+00, v21;
	s3 =	sor.u32 s4, s28;
	[tilespmem:s2+$0x0] =	vst v6;
	v6 =	vadd.f32 v59, v37;
	v5 =	vadd.f32 v5, v29  }
0x4bd: {  	s5 =	sor.u32 s6, s28;
	[tilespmem:s3+$0x0] =	vst v26;
	v62 =	vld.idx.msk [tilespmem:v25+s9+$0x0], $0xffff  }
0x4be: {  	s0 =	sor.u32 s8, s28;
	v63 =	vld.idx.msk [tilespmem:v22+s9+$0x0], $0xffff;
	[tilespmem:s5+$0x0] =	vst v6;
	v6 =	vmul.f32 $1.442695020e+00, v21  }
0x4bf: {  	v21 =	vld.idx.msk [tilespmem:v24+s9+$0x0], $0xffff;
	[tilespmem:s0+$0x0] =	vst v5  }
0x4c0: {  	v29 =	vld.idx.msk [tilespmem:v23+s9+$0x0], $0xffff;
	v5 =	vpop (erf)  }
0x4c1: {  	(erf) = vpow2.f32 v6;
	v30 =	vpop (erf)  }
0x4c2: {  	s11 =	sadd.s32 $0x12B00, s10;
	v5 =	vadd.f32 v62, v5;
	v6 =	vpop (erf)  }
0x4c3: {  	s12 =	sor.u32 s7, s11;
	v6 =	vadd.f32 v63, v6  }
0x4c4: {  	s15 =	simm.s32 $0x9050;
	s13 =	sor.u32 s4, s11;
	[tilespmem:s12+$0x0] =	vst v5;
	v5 =	vadd.f32 v21, v28  }
0x4c5: {  	s14 =	sor.u32 s6, s11;
	v21 =	vadd.f32 v29, v31;
	[tilespmem:s13+$0x0] =	vst v6;
	v6 =	vld.idx.msk [tilespmem:v25+s15+$0x0], $0xffff  }
0x4c6: {  	s0 =	sor.u32 s8, s11;
	[tilespmem:s14+$0x0] =	vst v5;
	v5 =	vld.idx.msk [tilespmem:v22+s15+$0x0], $0xffff  }
0x4c7: {  	[tilespmem:s0+$0x0] =	vst v21;
	v21 =	vld.idx.msk [tilespmem:v24+s15+$0x0], $0xffff  }
0x4c8: {  	v22 =	vld.idx.msk [tilespmem:v23+s15+$0x0], $0xffff  }
0x4c9: {  	s29 =	simm.s32 $0x7700;
	s16 =	sadd.s32 $0x12B80, s10  }
0x4ca: {  	s30 =	simm.s32 $0x7A60;
	s31 =	simm.s32 $0x7C10;
	s17 =	sor.u32 s7, s16;
	v23 =	vpop (erf);
	v6 =	vadd.f32 v6, v30  }
0x4cb: {  	s20 =	sor.u32 s6, s16;
	s19 =	sor.u32 s4, s16;
	s28 =	simm.s32 $0x271000;
	v5 =	vadd.f32 v5, v23  }
0x4cc: {  	s25 =	simm.s32 $0x2800;
	s3 =	simm.s32 $0x10000;
	s18 =	rddreg [dreg:$0x19];
	v0 =	vadd.f32 v21, v0;
	[tilespmem:s17+$0x0] =	vst v6  }
0x4cd: {  	s0 =	sor.u32 s8, s16;
	s16 =	rddreg [dreg:$0x1];
	s2 =	smul.u32 $0x2800, s18;
	v1 =	vadd.f32 v22, v1;
	[tilespmem:s19+$0x0] =	vst v5  }
0x4ce: {  	s13 =	simm.s32 $0x8480;
	s15 =	simm.s32 $0x7580;
	s21 =	rddreg [dreg:$0x12];
	[tilespmem:s20+$0x0] =	vst v0  }
.Ltmp9:
0x4cf: {  	s18 =	simm.s32 $0x7DC0;
	[tilespmem:s0+$0x0] =	vst v1;
	s2 =	sadd.s32 s21, s2;
	(pc) =	sbr.rel .LBB2_12-.Ltmp9, $4  }
0x4d0: {  	v40 =	vmov v18;
	v39 =	vmov v17;
	s20 =	simm.s32 $0x4E20;
	s14 =	rddreg [dreg:$0xb];
	s22 =	sshrl.u32 s2, $0x3  }
0x4d1: {  	v36 =	vmovc v14;
	v41 =	vmovc v19;
	v38 =	vmov v16;
	v42 =	vmov v20;
	v32 =	vmov v10;
	s21 =	simm.s32 $0x2710;
	s5 =	rddreg [dreg:$0x15];
	s24 =	sadd.s32 s16, s22  }
0x4d2: {  	v35 =	vmovc v13;
	v33 =	vmovc v11;
	v34 =	vmov v12;
	v37 =	vmov v15;
	v31 =	vmov v9;
	[hbm4b:s24+s25] =	stream.strided.scatter [tilespmem:s3], [sflag:$0x4], $0x5000, s28, s25, $0x38;
	[tilespmem:$0x15000] =	vst v63  }
0x4d3: {  	v30 =	vmovc v8;
	v5 =	vimm.s32 $0x9;
	v0 =	vlaneseq.u32;
	v1 =	vimm.s32 $0x6;
	v6 =	vmovc v7;
	v43 =	vld [tilespmem:$0x1FFF0];
	s16 =	simm.s32 $0x78B0;
	s22 =	simm.s32 $0x7F70;
	s3 =	simm.s32 $0x0  }
.LBB2_14:
0x4d4: {  	_ =	sfence.sel $0x180000  }
0x4d5: {  	[bflag:$0x0] =	sbarrier.arrive $0xFFFF  }
0x4d6: {  	_ =	strace $0x90000047  }
0x4d7: {  	s0 =	stileid.u32;
	[bflag:$0x2] =	sbarrier.arrive $0xFFFF  }
0x4d8: {  	p0 =	sne.s32 s0, $0x0;
	s0 =	rddreg [dreg:$0x2]  }
0x4d9: {  	s0 =	sadd.s32 @!p0 $0x100000, s0  }
0x4da: {  	[sflag:s0] =	ssyncadd.tile.s32 @!p0 $0x1;
	_ =	shalt  }
.Lfunc_end2:
_tile_overlayer_lowered:
.L_overlay_start_2:
0x4db: {  	(tag) =	ssettag $0x2  }
0x4dc: {  	s0 =	rddreg [dreg:$0x0];
	s2 =	stileid.u32  }
0x4dd: {  	s1 =	rddreg [dreg:$0x1];
	p0 =	sne.s32 s2, $0x0  }
0x4de: {  	s3 =	rddreg [dreg:$0x2];
	[bflag:$0x3] =	sbarrier.arrive $0xFFFF;
	s2 =	simm.s32 @!p0 $0x1C05  }
0x4df: {  	[timem:s3], [sflag:s2] =	dma.local @!p0 [hbm:s0], s1  }
0x4e0: {  	s0 =	simm.s32 @!p0 $0x5  }
0x4e1: {  	_ =	swait.ge @!p0 [sflag:s0], s1  }
0x4e2: {  	s1 =	ssub.s32 @!p0 $0x0, s1;
	[sflag:s0] =	ssyncset.done @!p0 $0x0  }
0x4e3: {  	[sflag:s0] =	ssyncadd.s32 @!p0 s1  }
0x4e4: {  	[bflag:$0x3] =	sbarrier.arrive $0xFFFF  }
0x4e5: {  	_ =	shalt  }

</sc_bundles>
